<compile_context>
chip_gen: v7x
topology: tpu7x:2x2x1
jax: 0.10.2.dev20260603
libtpu: 0.0.44.dev20260713+nightly
codegen_flags: <defaults>
</compile_context>

<pallas_src>
import functools

import jax
import jax.numpy as jnp
from jax import lax
from jax.experimental import pallas as pl
from jax.experimental.pallas import tpu as pltpu
from jax.experimental.pallas import tpu_sc as plsc

EMB = 256
HALF = 128
NODES = 10000
NP = 10240
EDGES = 160000
EP = 163840
CHUNK = 128
NCHUNK = 80
PHASE = 40
N_GRAPHS = 256
N_LAYERS = 5
N_ATOM_TYPES = 118
OUT_PAD = 128
ROWS_PER_TILE = NP // 16


EDGES_PER_TILE = EP // 16


def _sc_embed_body(tab, af3, srcp, bondp, xh, idx_out,
                   af_buf, rows, srcb, bondb, idxb, sem):
    c = lax.axis_index("c")
    s = lax.axis_index("s")
    pltpu.sync_copy(af3.at[s], af_buf)
    for j in range(5):
        pltpu.async_copy(tab.at[c].at[af_buf.at[j]], rows, sem).wait()
        pltpu.sync_copy(rows, xh.at[c, pl.ds(s * ROWS_PER_TILE + j * CHUNK, CHUNK)])

    @pl.when(c == 0)
    def _():
        base = s * EDGES_PER_TILE
        pltpu.sync_copy(srcp.at[pl.ds(base, EDGES_PER_TILE)], srcb)
        pltpu.sync_copy(bondp.at[pl.ds(base, EDGES_PER_TILE)], bondb)

        def it(i, carry):
            sv = srcb[pl.ds(i * 16, 16)]
            bv = bondb[pl.ds(i * 16, 16)]
            idxb[pl.ds(i * 16, 16)] = bv * NP + sv
            return carry

        lax.fori_loop(0, EDGES_PER_TILE // 16, it, 0)
        pltpu.sync_copy(idxb, idx_out.at[pl.ds(base, EDGES_PER_TILE)])


@functools.lru_cache(maxsize=None)
def _make_sc_embed():
    mesh = plsc.VectorSubcoreMesh(core_axis_name="c", subcore_axis_name="s")
    return pl.kernel(
        _sc_embed_body,
        out_type=(jax.ShapeDtypeStruct((2, NP, HALF), jnp.float32),
                  jax.ShapeDtypeStruct((EP,), jnp.int32)),
        mesh=mesh,
        scratch_types=[
            pltpu.VMEM((5, CHUNK), jnp.int32),
            pltpu.VMEM((CHUNK, HALF), jnp.float32),
            pltpu.VMEM((EDGES_PER_TILE,), jnp.int32),
            pltpu.VMEM((EDGES_PER_TILE,), jnp.int32),
            pltpu.VMEM((EDGES_PER_TILE,), jnp.int32),
            pltpu.SemaphoreType.DMA,
        ],
    )


def _sc_msg_body(Y, h, idx3, dst3, agg,
                 spmem, idxb, dstb, ra, rb, sema, semb, semsa, semsb):
    c = lax.axis_index("c")
    s = lax.axis_index("s")
    base = s * ROWS_PER_TILE
    pltpu.sync_copy(h.at[c, pl.ds(base, ROWS_PER_TILE)],
                    spmem.at[pl.ds(base, ROWS_PER_TILE)])
    plsc.subcore_barrier()

    Yc = Y.at[c]

    def fire(g, buf, sem):
        pltpu.async_copy(Yc.at[idxb.at[g]], buf, sem)

    def drain(buf, sem):
        pltpu.make_async_copy(Yc.at[pl.ds(0, CHUNK)], buf, sem).wait()

    def scat(g, buf, sem):
        pltpu.async_copy(buf, spmem.at[dstb.at[g]], sem, add=True)

    for p in range(2):
        pltpu.sync_copy(idx3.at[s, pl.ds(p * PHASE, PHASE)], idxb)
        pltpu.sync_copy(dst3.at[s, pl.ds(p * PHASE, PHASE)], dstb)
        fire(0, ra, sema)

        def gbody(g, carry):
            @pl.when(g % 2 == 0)
            def _():
                @pl.when(g > 0)
                def _():
                    drain(rb, semsb)

                @pl.when(g + 1 < PHASE)
                def _():
                    fire(g + 1, rb, semb)
                drain(ra, sema)
                scat(g, ra, semsa)

            @pl.when(g % 2 == 1)
            def _():
                drain(ra, semsa)

                @pl.when(g + 1 < PHASE)
                def _():
                    fire(g + 1, ra, sema)
                drain(rb, semb)
                scat(g, rb, semsb)

            return carry

        lax.fori_loop(0, PHASE, gbody, 0)
        drain(rb, semsb)

    plsc.subcore_barrier()
    pltpu.sync_copy(spmem.at[pl.ds(base, ROWS_PER_TILE)],
                    agg.at[c, pl.ds(base, ROWS_PER_TILE)])


@functools.lru_cache(maxsize=None)
def _make_sc_msg():
    mesh = plsc.VectorSubcoreMesh(core_axis_name="c", subcore_axis_name="s")
    return pl.kernel(
        _sc_msg_body,
        out_type=jax.ShapeDtypeStruct((2, NP, HALF), jnp.float32),
        mesh=mesh,
        scratch_types=[
            pltpu.VMEM_SHARED((NP, HALF), jnp.float32),
            pltpu.VMEM((PHASE, CHUNK), jnp.int32),
            pltpu.VMEM((PHASE, CHUNK), jnp.int32),
            pltpu.VMEM((CHUNK, HALF), jnp.float32),
            pltpu.VMEM((CHUNK, HALF), jnp.float32),
            pltpu.SemaphoreType.DMA,
            pltpu.SemaphoreType.DMA,
            pltpu.SemaphoreType.DMA,
            pltpu.SemaphoreType.DMA,
        ],
    )


def _prep_body(x_ref, e_ref, y_ref):
    xfull = jnp.concatenate([x_ref[0], x_ref[1]], axis=-1)
    y = jnp.maximum(xfull[None] + e_ref[...][:, None, :], 0.0)
    y_ref[0] = y[:, :, :HALF]
    y_ref[1] = y[:, :, HALF:]


def _update_body(agg_ref, w_ref, b_ref, e_ref, h_ref, y_ref):
    s = jnp.concatenate([agg_ref[0], agg_ref[1]], axis=-1)
    h = jnp.dot(s, w_ref[...], preferred_element_type=jnp.float32)
    h = jnp.maximum(h + b_ref[...], 0.0)
    h_ref[0] = h[:, :HALF]
    h_ref[1] = h[:, HALF:]
    y = jnp.maximum(h[None] + e_ref[...][:, None, :], 0.0)
    y_ref[0] = y[:, :, :HALF]
    y_ref[1] = y[:, :, HALF:]


def _final_body(agg_ref, w_ref, b_ref, gid_ref, mw_ref, mb_ref, out_ref, seg_ref):
    i = pl.program_id(0)

    @pl.when(i == 0)
    def _():
        seg_ref[...] = jnp.zeros_like(seg_ref)

    s = jnp.concatenate([agg_ref[0], agg_ref[1]], axis=-1)
    h = jnp.dot(s, w_ref[...], preferred_element_type=jnp.float32)
    h = jnp.maximum(h + b_ref[...], 0.0)
    gid = gid_ref[...]
    iota_l = lax.broadcasted_iota(jnp.int32, gid.shape, 1)
    oh = jnp.concatenate([(gid == iota_l).astype(jnp.float32),
                          (gid == iota_l + 128).astype(jnp.float32)],
                         axis=-1)
    seg_ref[...] += lax.dot_general(oh, h, (((0,), (0,)), ((), ())),
                                    preferred_element_type=jnp.float32)

    @pl.when(i == pl.num_programs(0) - 1)
    def _():
        logits = jnp.dot(seg_ref[...], mw_ref[...],
                         preferred_element_type=jnp.float32) + mb_ref[...]
        m = jnp.max(logits, axis=-1, keepdims=True)
        ex = jnp.exp(logits - m)
        out_ref[...] = ex / jnp.sum(ex, axis=-1, keepdims=True)


_RU = 1024
_RF = 1000


def _tc_prep(xh, e_table):
    return pl.pallas_call(
        _prep_body,
        grid=(NP // _RU,),
        in_specs=[pl.BlockSpec((2, _RU, HALF), lambda i: (0, i, 0)),
                  pl.BlockSpec((4, EMB), lambda i: (0, 0))],
        out_specs=pl.BlockSpec((2, 4, _RU, HALF), lambda i: (0, 0, i, 0)),
        out_shape=jax.ShapeDtypeStruct((2, 4, NP, HALF), jnp.float32),
    )(xh, e_table)


def _tc_update(agg, w, b, e_table):
    return pl.pallas_call(
        _update_body,
        grid=(NP // _RU,),
        in_specs=[pl.BlockSpec((2, _RU, HALF), lambda i: (0, i, 0)),
                  pl.BlockSpec((EMB, EMB), lambda i: (0, 0)),
                  pl.BlockSpec((1, EMB), lambda i: (0, 0)),
                  pl.BlockSpec((4, EMB), lambda i: (0, 0))],
        out_specs=[pl.BlockSpec((2, _RU, HALF), lambda i: (0, i, 0)),
                   pl.BlockSpec((2, 4, _RU, HALF), lambda i: (0, 0, i, 0))],
        out_shape=[jax.ShapeDtypeStruct((2, NP, HALF), jnp.float32),
                   jax.ShapeDtypeStruct((2, 4, NP, HALF), jnp.float32)],
    )(agg, w, b, e_table)


def _tc_final(agg, w, b, gidb, mw, mb):
    return pl.pallas_call(
        _final_body,
        grid=(NODES // _RF,),
        in_specs=[pl.BlockSpec((2, _RF, HALF), lambda i: (0, i, 0)),
                  pl.BlockSpec((EMB, EMB), lambda i: (0, 0)),
                  pl.BlockSpec((1, EMB), lambda i: (0, 0)),
                  pl.BlockSpec((_RF, HALF), lambda i: (i, 0)),
                  pl.BlockSpec((EMB, OUT_PAD), lambda i: (0, 0)),
                  pl.BlockSpec((1, OUT_PAD), lambda i: (0, 0))],
        out_specs=pl.BlockSpec((N_GRAPHS, OUT_PAD), lambda i: (0, 0)),
        out_shape=jax.ShapeDtypeStruct((N_GRAPHS, OUT_PAD), jnp.float32),
        scratch_shapes=[pltpu.VMEM((N_GRAPHS, EMB), jnp.float32)],
    )(agg, w, b, gidb, mw, mb)


def kernel(atom_feat, bond_feat, edge_index, graph_ids, atom_table, edge_table,
           gnn_W, gnn_b, mlp_W, mlp_b):
    src = edge_index[0].astype(jnp.int32)
    dst = edge_index[1].astype(jnp.int32)
    bond = bond_feat.astype(jnp.int32)
    epad = EP - EDGES
    srcp = jnp.concatenate([src, jnp.zeros((epad,), jnp.int32)])
    bondp = jnp.concatenate([bond, jnp.zeros((epad,), jnp.int32)])
    dstp = jnp.concatenate([dst, jnp.full((epad,), NP - 1, jnp.int32)])
    dst3 = dstp.reshape(16, NCHUNK, CHUNK)
    afp = jnp.concatenate([atom_feat.astype(jnp.int32),
                           jnp.zeros((NP - NODES,), jnp.int32)])
    af3 = afp.reshape(16, 5, CHUNK)
    tab2 = jnp.stack([atom_table[:, :HALF], atom_table[:, HALF:]])
    gidb = jnp.broadcast_to(graph_ids.astype(jnp.int32)[:, None],
                            (NODES, HALF))
    mw_pad = jnp.zeros((EMB, OUT_PAD), jnp.float32).at[:, :N_ATOM_TYPES].set(mlp_W)
    mb_pad = jnp.full((1, OUT_PAD), -1e30, jnp.float32).at[0, :N_ATOM_TYPES].set(mlp_b)

    xh, idx_flat = _make_sc_embed()(tab2, af3, srcp, bondp)
    idx3 = idx_flat.reshape(16, NCHUNK, CHUNK)

    y4 = _tc_prep(xh, edge_table)
    h = xh
    for l in range(N_LAYERS - 1):
        y = y4.reshape(2, 4 * NP, HALF)
        agg = _make_sc_msg()(y, h, idx3, dst3)
        h, y4 = _tc_update(agg, gnn_W[l], gnn_b[l].reshape(1, EMB), edge_table)
    y = y4.reshape(2, 4 * NP, HALF)
    agg = _make_sc_msg()(y, h, idx3, dst3)
    probs = _tc_final(agg, gnn_W[4], gnn_b[4].reshape(1, EMB), gidb,
                      mw_pad, mb_pad)
    return probs[:, :N_ATOM_TYPES]

# --- scband reference (transcript-rebuilt; emitter-appended) ---
"""Pipeline reference for scband-atom-embedding-32427003085361 (READ-ONLY COPY).

The authoritative reference and input builder live on the scoring server;
editing this copy changes nothing except your own understanding.
"""

import jax, jax.numpy as jnp
import numpy as np

EMB = 256
N_NODES = 10000
N_EDGES = 160000
N_GRAPHS = 256
N_LAYERS = 5
N_ATOM_TYPES = 118
N_BOND_TYPES = 4


def setup_inputs(seed: int = 0) -> dict:
    key = jax.random.key(seed)
    ks = jax.random.split(key, 10)
    atom_feat = jax.random.randint(ks[0], (N_NODES,), 0, N_ATOM_TYPES)
    bond_feat = jax.random.randint(ks[1], (N_EDGES,), 0, N_BOND_TYPES)
    edge_index = jax.random.randint(ks[2], (2, N_EDGES), 0, N_NODES)
    graph_ids = jnp.sort(jax.random.randint(ks[3], (N_NODES,), 0, N_GRAPHS))
    # learned parameters
    atom_table = jax.random.normal(ks[4], (N_ATOM_TYPES, EMB), dtype=jnp.float32) * (np.sqrt(6.0 / (N_ATOM_TYPES + EMB)))
    edge_table = jax.random.normal(ks[5], (N_BOND_TYPES, EMB), dtype=jnp.float32) * 0.1
    gnn_W = jax.random.normal(ks[6], (N_LAYERS, EMB, EMB), dtype=jnp.float32) * (1.0 / np.sqrt(EMB))
    gnn_b = jnp.zeros((N_LAYERS, EMB), dtype=jnp.float32)
    mlp_W = jax.random.normal(ks[7], (EMB, N_ATOM_TYPES), dtype=jnp.float32) * (1.0 / np.sqrt(EMB))
    mlp_b = jnp.zeros((N_ATOM_TYPES,), dtype=jnp.float32)
    return {
        "atom_feat": atom_feat,
        "bond_feat": bond_feat,
        "edge_index": edge_index,
        "graph_ids": graph_ids,
        "atom_table": atom_table,
        "edge_table": edge_table,
        "gnn_W": gnn_W,
        "gnn_b": gnn_b,
        "mlp_W": mlp_W,
        "mlp_b": mlp_b,
    }


def reference(atom_feat, bond_feat, edge_index, graph_ids, atom_table, edge_table, gnn_W, gnn_b, mlp_W, mlp_b):
    # embedding lookups
    x = jnp.take(atom_table, atom_feat, axis=0)          # [N, EMB]
    e = jnp.take(edge_table, bond_feat, axis=0)          # [E, EMB]
    src = edge_index[0]
    dst = edge_index[1]
    # 5 x GINEConv(apply_func=Linear(EMB, EMB)) with outer ReLU
    # GINE: out = Linear((1+eps)*x + sum_{j in N(i)} ReLU(x_j + e_ji)), eps=0
    for i in range(N_LAYERS):
        msg = jax.nn.relu(x[src] + e)                                    # [E, EMB]
        agg = jax.ops.segment_sum(msg, dst, num_segments=x.shape[0])     # [N, EMB]
        x = jax.nn.relu((x + agg) @ gnn_W[i] + gnn_b[i])                 # [N, EMB]
    # dgl.sum_nodes readout: sum node features per graph
    graph_feat = jax.ops.segment_sum(x, graph_ids, num_segments=N_GRAPHS)  # [G, EMB]
    # MLPBlock(EMB, 118, mlp_dims=[]) -> single Linear; then Softmax
    logits = graph_feat @ mlp_W + mlp_b                                   # [G, 118]
    return jax.nn.softmax(logits, axis=-1)

if __name__ == "__main__":
    import jax
    _d = setup_inputs()
    print(jax.jit(kernel)(*tuple(_d.values())))

</pallas_src>

<mosaic_0001>
#map = affine_map<(d0, d1) -> (0, 0, 0)>
module attributes {stable_mosaic.version = 14 : i64} {
  func.func @_sc_msg_body(%arg0: i32, %arg1: i32, %arg2: memref<2x40960x128xf32, #tpu.memory_space<hbm>>, %arg3: memref<2x10240x128xf32, #tpu.memory_space<hbm>>, %arg4: memref<16x80x128xi32, #tpu.memory_space<hbm>>, %arg5: memref<16x80x128xi32, #tpu.memory_space<hbm>>, %arg6: memref<2x10240x128xf32, #tpu.memory_space<hbm>>, %arg7: memref<10240x128xf32, #tpu.memory_space<vmem_shared>>, %arg8: memref<40x128xi32, #tpu.memory_space<vmem>>, %arg9: memref<40x128xi32, #tpu.memory_space<vmem>>, %arg10: memref<128x128xf32, #tpu.memory_space<vmem>>, %arg11: memref<128x128xf32, #tpu.memory_space<vmem>>, %arg12: memref<!tpu.dma_semaphore, #tpu.memory_space<semaphore_mem>>, %arg13: memref<!tpu.dma_semaphore, #tpu.memory_space<semaphore_mem>>, %arg14: memref<!tpu.dma_semaphore, #tpu.memory_space<semaphore_mem>>, %arg15: memref<!tpu.dma_semaphore, #tpu.memory_space<semaphore_mem>>) attributes {dimension_semantics = [#tpu.dimension_semantics<core_parallel>, #tpu.dimension_semantics<subcore_parallel>], iteration_bounds = array<i64: 2, 16>, scalar_prefetch = 0 : i64, scratch_operands = 9 : i64, tpu.core_type = #tpu.core_type<sc_vector_subcore>, window_params = [{transform_indices = #map}, {transform_indices = #map}, {transform_indices = #map}, {transform_indices = #map}, {transform_indices = #map}]} {
    %mul3A = arith.constant 640 : i32
    %mul3A_0 = arith.muli %arg1, %mul3A : i32
    "tpu.region"() ({
      %run_scoped3A = tpu.sem_alloc : memref<!tpu.dma_semaphore, #tpu.memory_space<semaphore_mem>>
      %dma_start3A_61 = arith.constant 0 : i32
      %dma_start3A_62 = tpu.memref_slice %arg7[%mul3A_0, %dma_start3A_61] : memref<10240x128xf32, #tpu.memory_space<vmem_shared>> -> memref<640x128xf32, #tpu.memory_space<vmem_shared>>
      %dma_start3A_63 = arith.constant 0 : i32
      %dma_start3A_64 = tpu.memref_slice %arg3[%arg0, %mul3A_0, %dma_start3A_63] : memref<2x10240x128xf32, #tpu.memory_space<hbm>> -> memref<1x640x128xf32, #tpu.memory_space<hbm>>
      %dma_start3A_65 = tpu.memref_squeeze %dma_start3A_64 : memref<1x640x128xf32, #tpu.memory_space<hbm>> -> memref<640x128xf32, #tpu.memory_space<hbm>>
      tpu.enqueue_dma source(%dma_start3A_65 : memref<640x128xf32, #tpu.memory_space<hbm>>) target(%dma_start3A_62 : memref<640x128xf32, #tpu.memory_space<vmem_shared>>) target_semaphore(%run_scoped3A : memref<!tpu.dma_semaphore, #tpu.memory_space<semaphore_mem>>)
      %dma_wait3A_66 = arith.constant 0 : i32
      %dma_wait3A_67 = tpu.memref_slice %arg7[%mul3A_0, %dma_wait3A_66] : memref<10240x128xf32, #tpu.memory_space<vmem_shared>> -> memref<640x128xf32, #tpu.memory_space<vmem_shared>>
      %dma_wait3A_68 = arith.constant 0 : i32
      %dma_wait3A_69 = tpu.memref_slice %arg3[%arg0, %mul3A_0, %dma_wait3A_68] : memref<2x10240x128xf32, #tpu.memory_space<hbm>> -> memref<1x640x128xf32, #tpu.memory_space<hbm>>
      %dma_wait3A_70 = tpu.memref_squeeze %dma_wait3A_69 : memref<1x640x128xf32, #tpu.memory_space<hbm>> -> memref<640x128xf32, #tpu.memory_space<hbm>>
      tpu.wait_dma2 semaphore(%run_scoped3A : memref<!tpu.dma_semaphore, #tpu.memory_space<semaphore_mem>>) src(%dma_wait3A_70 : memref<640x128xf32, #tpu.memory_space<hbm>>) dst(%dma_wait3A_67 : memref<640x128xf32, #tpu.memory_space<vmem_shared>>)
      tpu.yield
    }) : () -> ()
    %barrier3A = arith.constant 0 : index
    tpu.barrier barrier_id(%barrier3A)
    "tpu.region"() ({
      %run_scoped3A = tpu.sem_alloc : memref<!tpu.dma_semaphore, #tpu.memory_space<semaphore_mem>>
      %dma_start3A_61 = arith.constant 0 : i32
      %dma_start3A_62 = arith.constant 0 : i32
      %dma_start3A_63 = tpu.memref_slice %arg4[%arg1, %dma_start3A_61, %dma_start3A_62] : memref<16x80x128xi32, #tpu.memory_space<hbm>> -> memref<1x40x128xi32, #tpu.memory_space<hbm>>
      %dma_start3A_64 = tpu.memref_squeeze %dma_start3A_63 : memref<1x40x128xi32, #tpu.memory_space<hbm>> -> memref<40x128xi32, #tpu.memory_space<hbm>>
      %dma_start3A_65 = arith.constant 0 : i32
      %dma_start3A_66 = arith.constant 0 : i32
      %dma_start3A_67 = tpu.memref_slice %arg4[%arg1, %dma_start3A_65, %dma_start3A_66] : memref<16x80x128xi32, #tpu.memory_space<hbm>> -> memref<1x40x128xi32, #tpu.memory_space<hbm>>
      %dma_start3A_68 = tpu.memref_squeeze %dma_start3A_67 : memref<1x40x128xi32, #tpu.memory_space<hbm>> -> memref<40x128xi32, #tpu.memory_space<hbm>>
      tpu.enqueue_dma source(%dma_start3A_68 : memref<40x128xi32, #tpu.memory_space<hbm>>) target(%arg8 : memref<40x128xi32, #tpu.memory_space<vmem>>) target_semaphore(%run_scoped3A : memref<!tpu.dma_semaphore, #tpu.memory_space<semaphore_mem>>)
      %dma_wait3A_69 = arith.constant 0 : i32
      %dma_wait3A_70 = arith.constant 0 : i32
      %dma_wait3A_71 = tpu.memref_slice %arg4[%arg1, %dma_wait3A_69, %dma_wait3A_70] : memref<16x80x128xi32, #tpu.memory_space<hbm>> -> memref<1x40x128xi32, #tpu.memory_space<hbm>>
      %dma_wait3A_72 = tpu.memref_squeeze %dma_wait3A_71 : memref<1x40x128xi32, #tpu.memory_space<hbm>> -> memref<40x128xi32, #tpu.memory_space<hbm>>
      %dma_wait3A_73 = arith.constant 0 : i32
      %dma_wait3A_74 = arith.constant 0 : i32
      %dma_wait3A_75 = tpu.memref_slice %arg4[%arg1, %dma_wait3A_73, %dma_wait3A_74] : memref<16x80x128xi32, #tpu.memory_space<hbm>> -> memref<1x40x128xi32, #tpu.memory_space<hbm>>
      %dma_wait3A_76 = tpu.memref_squeeze %dma_wait3A_75 : memref<1x40x128xi32, #tpu.memory_space<hbm>> -> memref<40x128xi32, #tpu.memory_space<hbm>>
      tpu.wait_dma2 semaphore(%run_scoped3A : memref<!tpu.dma_semaphore, #tpu.memory_space<semaphore_mem>>) src(%dma_wait3A_76 : memref<40x128xi32, #tpu.memory_space<hbm>>) dst(%arg8 : memref<40x128xi32, #tpu.memory_space<vmem>>)
      tpu.yield
    }) : () -> ()
    "tpu.region"() ({
      %run_scoped3A = tpu.sem_alloc : memref<!tpu.dma_semaphore, #tpu.memory_space<semaphore_mem>>
      %dma_start3A_61 = arith.constant 0 : i32
      %dma_start3A_62 = arith.constant 0 : i32
      %dma_start3A_63 = tpu.memref_slice %arg5[%arg1, %dma_start3A_61, %dma_start3A_62] : memref<16x80x128xi32, #tpu.memory_space<hbm>> -> memref<1x40x128xi32, #tpu.memory_space<hbm>>
      %dma_start3A_64 = tpu.memref_squeeze %dma_start3A_63 : memref<1x40x128xi32, #tpu.memory_space<hbm>> -> memref<40x128xi32, #tpu.memory_space<hbm>>
      %dma_start3A_65 = arith.constant 0 : i32
      %dma_start3A_66 = arith.constant 0 : i32
      %dma_start3A_67 = tpu.memref_slice %arg5[%arg1, %dma_start3A_65, %dma_start3A_66] : memref<16x80x128xi32, #tpu.memory_space<hbm>> -> memref<1x40x128xi32, #tpu.memory_space<hbm>>
      %dma_start3A_68 = tpu.memref_squeeze %dma_start3A_67 : memref<1x40x128xi32, #tpu.memory_space<hbm>> -> memref<40x128xi32, #tpu.memory_space<hbm>>
      tpu.enqueue_dma source(%dma_start3A_68 : memref<40x128xi32, #tpu.memory_space<hbm>>) target(%arg9 : memref<40x128xi32, #tpu.memory_space<vmem>>) target_semaphore(%run_scoped3A : memref<!tpu.dma_semaphore, #tpu.memory_space<semaphore_mem>>)
      %dma_wait3A_69 = arith.constant 0 : i32
      %dma_wait3A_70 = arith.constant 0 : i32
      %dma_wait3A_71 = tpu.memref_slice %arg5[%arg1, %dma_wait3A_69, %dma_wait3A_70] : memref<16x80x128xi32, #tpu.memory_space<hbm>> -> memref<1x40x128xi32, #tpu.memory_space<hbm>>
      %dma_wait3A_72 = tpu.memref_squeeze %dma_wait3A_71 : memref<1x40x128xi32, #tpu.memory_space<hbm>> -> memref<40x128xi32, #tpu.memory_space<hbm>>
      %dma_wait3A_73 = arith.constant 0 : i32
      %dma_wait3A_74 = arith.constant 0 : i32
      %dma_wait3A_75 = tpu.memref_slice %arg5[%arg1, %dma_wait3A_73, %dma_wait3A_74] : memref<16x80x128xi32, #tpu.memory_space<hbm>> -> memref<1x40x128xi32, #tpu.memory_space<hbm>>
      %dma_wait3A_76 = tpu.memref_squeeze %dma_wait3A_75 : memref<1x40x128xi32, #tpu.memory_space<hbm>> -> memref<40x128xi32, #tpu.memory_space<hbm>>
      tpu.wait_dma2 semaphore(%run_scoped3A : memref<!tpu.dma_semaphore, #tpu.memory_space<semaphore_mem>>) src(%dma_wait3A_76 : memref<40x128xi32, #tpu.memory_space<hbm>>) dst(%arg9 : memref<40x128xi32, #tpu.memory_space<vmem>>)
      tpu.yield
    }) : () -> ()
    %dma_start3A = arith.constant 0 : i32
    %dma_start3A_1 = arith.constant 0 : i32
    %dma_start3A_2 = tpu.memref_slice %arg8[%dma_start3A, %dma_start3A_1] : memref<40x128xi32, #tpu.memory_space<vmem>> -> memref<1x128xi32, #tpu.memory_space<vmem>>
    %dma_start3A_3 = tpu.memref_squeeze %dma_start3A_2 : memref<1x128xi32, #tpu.memory_space<vmem>> -> memref<128xi32, #tpu.memory_space<vmem>>
    %dma_start3A_4 = arith.constant 0 : i32
    %dma_start3A_5 = arith.constant 0 : i32
    %dma_start3A_6 = tpu.memref_slice %arg2[%arg0, %dma_start3A_4, %dma_start3A_5] : memref<2x40960x128xf32, #tpu.memory_space<hbm>> -> memref<1x40960x128xf32, #tpu.memory_space<hbm>>
    %dma_start3A_7 = tpu.memref_squeeze %dma_start3A_6 : memref<1x40960x128xf32, #tpu.memory_space<hbm>> -> memref<40960x128xf32, #tpu.memory_space<hbm>>
    %dma_start3A_8 = arith.constant 0 : i32
    %dma_start3A_9 = arith.constant 0 : i32
    %dma_start3A_10 = tpu.memref_slice %dma_start3A_7[%dma_start3A_8, %dma_start3A_9] : memref<40960x128xf32, #tpu.memory_space<hbm>> -> memref<40960x128xf32, #tpu.memory_space<hbm>>
    tpu.enqueue_indirect_dma source(%dma_start3A_10 : memref<40960x128xf32, #tpu.memory_space<hbm>>) target(%arg10 : memref<128x128xf32, #tpu.memory_space<vmem>>) offsets(%dma_start3A_3 : memref<128xi32, #tpu.memory_space<vmem>>) semaphore(%arg12 : memref<!tpu.dma_semaphore, #tpu.memory_space<semaphore_mem>>)
    %scan3A = arith.constant 0 : i32
    %scan3A_11 = arith.constant 0 : i32
    %scan3A_12 = arith.constant 40 : i32
    %scan3A_13 = arith.addi %scan3A_11, %scan3A_12 : i32
    %scan3A_14 = arith.constant 1 : i32
    scf.for %scan3A_61 = %scan3A_11 to %scan3A_13 step %scan3A_14  : i32 {
      %jit3A = arith.constant 2 : i32
      %eq3A = arith.constant 0 : i32
      %eq3A_62 = arith.cmpi eq, %jit3A, %eq3A : i32
      %jit3A_63 = arith.constant 1 : i32
      %select_n3A = arith.select %eq3A_62, %jit3A_63, %jit3A : i32
      %rem3A = arith.remsi %scan3A_61, %select_n3A : i32
      %ne3A = arith.constant 0 : i32
      %ne3A_64 = arith.cmpi ne, %rem3A, %ne3A : i32
      %lt3A = arith.constant 0 : i32
      %lt3A_65 = arith.cmpi slt, %rem3A, %lt3A : i32
      %lt3A_66 = arith.constant 0 : i32
      %lt3A_67 = arith.cmpi slt, %select_n3A, %lt3A_66 : i32
      %ne3A_68 = arith.xori %lt3A_65, %lt3A_67 : i1
      %and3A = arith.andi %ne3A_68, %ne3A_64 : i1
      %add3A = arith.addi %rem3A, %select_n3A : i32
      %select_n3A_69 = arith.select %and3A, %add3A, %rem3A : i32
      %eq3A_70 = arith.constant 0 : i32
      %eq3A_71 = arith.cmpi eq, %select_n3A_69, %eq3A_70 : i32
      %convert_element_type3A = arith.extui %eq3A_71 : i1 to i32
      %cond3A = arith.constant 0 : i32
      %cond3A_72 = arith.cmpi ne, %convert_element_type3A, %cond3A : i32
      scf.if %cond3A_72 {
        %gt3A = arith.constant 0 : i32
        %gt3A_94 = arith.cmpi sgt, %scan3A_61, %gt3A : i32
        %convert_element_type3A_95 = arith.extui %gt3A_94 : i1 to i32
        %cond3A_96 = arith.constant 0 : i32
        %cond3A_97 = arith.cmpi ne, %convert_element_type3A_95, %cond3A_96 : i32
        scf.if %cond3A_97 {
          %dma_wait3A_125 = arith.constant 0 : i32
          %dma_wait3A_126 = arith.constant 0 : i32
          %dma_wait3A_127 = tpu.memref_slice %arg2[%arg0, %dma_wait3A_125, %dma_wait3A_126] : memref<2x40960x128xf32, #tpu.memory_space<hbm>> -> memref<1x40960x128xf32, #tpu.memory_space<hbm>>
          %dma_wait3A_128 = tpu.memref_squeeze %dma_wait3A_127 : memref<1x40960x128xf32, #tpu.memory_space<hbm>> -> memref<40960x128xf32, #tpu.memory_space<hbm>>
          %dma_wait3A_129 = arith.constant 0 : i32
          %dma_wait3A_130 = arith.constant 0 : i32
          %dma_wait3A_131 = tpu.memref_slice %dma_wait3A_128[%dma_wait3A_129, %dma_wait3A_130] : memref<40960x128xf32, #tpu.memory_space<hbm>> -> memref<128x128xf32, #tpu.memory_space<hbm>>
          %dma_wait3A_132 = arith.constant 0 : i32
          %dma_wait3A_133 = arith.constant 0 : i32
          %dma_wait3A_134 = tpu.memref_slice %arg2[%arg0, %dma_wait3A_132, %dma_wait3A_133] : memref<2x40960x128xf32, #tpu.memory_space<hbm>> -> memref<1x40960x128xf32, #tpu.memory_space<hbm>>
          %dma_wait3A_135 = tpu.memref_squeeze %dma_wait3A_134 : memref<1x40960x128xf32, #tpu.memory_space<hbm>> -> memref<40960x128xf32, #tpu.memory_space<hbm>>
          %dma_wait3A_136 = arith.constant 0 : i32
          %dma_wait3A_137 = arith.constant 0 : i32
          %dma_wait3A_138 = tpu.memref_slice %dma_wait3A_135[%dma_wait3A_136, %dma_wait3A_137] : memref<40960x128xf32, #tpu.memory_space<hbm>> -> memref<128x128xf32, #tpu.memory_space<hbm>>
          tpu.wait_dma2 semaphore(%arg15 : memref<!tpu.dma_semaphore, #tpu.memory_space<semaphore_mem>>) src(%dma_wait3A_138 : memref<128x128xf32, #tpu.memory_space<hbm>>) dst(%arg11 : memref<128x128xf32, #tpu.memory_space<vmem>>)
        } else {
        }
        %add3A_98 = arith.constant 1 : i32
        %add3A_99 = arith.addi %scan3A_61, %add3A_98 : i32
        %lt3A_100 = arith.constant 40 : i32
        %lt3A_101 = arith.cmpi slt, %add3A_99, %lt3A_100 : i32
        %convert_element_type3A_102 = arith.extui %lt3A_101 : i1 to i32
        %cond3A_103 = arith.constant 0 : i32
        %cond3A_104 = arith.cmpi ne, %convert_element_type3A_102, %cond3A_103 : i32
        scf.if %cond3A_104 {
          %add3A_125 = arith.constant 1 : i32
          %add3A_126 = arith.addi %scan3A_61, %add3A_125 : i32
          %dma_start3A_127 = arith.constant 0 : i32
          %dma_start3A_128 = tpu.memref_slice %arg8[%add3A_126, %dma_start3A_127] : memref<40x128xi32, #tpu.memory_space<vmem>> -> memref<1x128xi32, #tpu.memory_space<vmem>>
          %dma_start3A_129 = tpu.memref_squeeze %dma_start3A_128 : memref<1x128xi32, #tpu.memory_space<vmem>> -> memref<128xi32, #tpu.memory_space<vmem>>
          %dma_start3A_130 = arith.constant 0 : i32
          %dma_start3A_131 = arith.constant 0 : i32
          %dma_start3A_132 = tpu.memref_slice %arg2[%arg0, %dma_start3A_130, %dma_start3A_131] : memref<2x40960x128xf32, #tpu.memory_space<hbm>> -> memref<1x40960x128xf32, #tpu.memory_space<hbm>>
          %dma_start3A_133 = tpu.memref_squeeze %dma_start3A_132 : memref<1x40960x128xf32, #tpu.memory_space<hbm>> -> memref<40960x128xf32, #tpu.memory_space<hbm>>
          %dma_start3A_134 = arith.constant 0 : i32
          %dma_start3A_135 = arith.constant 0 : i32
          %dma_start3A_136 = tpu.memref_slice %dma_start3A_133[%dma_start3A_134, %dma_start3A_135] : memref<40960x128xf32, #tpu.memory_space<hbm>> -> memref<40960x128xf32, #tpu.memory_space<hbm>>
          tpu.enqueue_indirect_dma source(%dma_start3A_136 : memref<40960x128xf32, #tpu.memory_space<hbm>>) target(%arg11 : memref<128x128xf32, #tpu.memory_space<vmem>>) offsets(%dma_start3A_129 : memref<128xi32, #tpu.memory_space<vmem>>) semaphore(%arg13 : memref<!tpu.dma_semaphore, #tpu.memory_space<semaphore_mem>>)
        } else {
        }
        %dma_wait3A_105 = arith.constant 0 : i32
        %dma_wait3A_106 = arith.constant 0 : i32
        %dma_wait3A_107 = tpu.memref_slice %arg2[%arg0, %dma_wait3A_105, %dma_wait3A_106] : memref<2x40960x128xf32, #tpu.memory_space<hbm>> -> memref<1x40960x128xf32, #tpu.memory_space<hbm>>
        %dma_wait3A_108 = tpu.memref_squeeze %dma_wait3A_107 : memref<1x40960x128xf32, #tpu.memory_space<hbm>> -> memref<40960x128xf32, #tpu.memory_space<hbm>>
        %dma_wait3A_109 = arith.constant 0 : i32
        %dma_wait3A_110 = arith.constant 0 : i32
        %dma_wait3A_111 = tpu.memref_slice %dma_wait3A_108[%dma_wait3A_109, %dma_wait3A_110] : memref<40960x128xf32, #tpu.memory_space<hbm>> -> memref<128x128xf32, #tpu.memory_space<hbm>>
        %dma_wait3A_112 = arith.constant 0 : i32
        %dma_wait3A_113 = arith.constant 0 : i32
        %dma_wait3A_114 = tpu.memref_slice %arg2[%arg0, %dma_wait3A_112, %dma_wait3A_113] : memref<2x40960x128xf32, #tpu.memory_space<hbm>> -> memref<1x40960x128xf32, #tpu.memory_space<hbm>>
        %dma_wait3A_115 = tpu.memref_squeeze %dma_wait3A_114 : memref<1x40960x128xf32, #tpu.memory_space<hbm>> -> memref<40960x128xf32, #tpu.memory_space<hbm>>
        %dma_wait3A_116 = arith.constant 0 : i32
        %dma_wait3A_117 = arith.constant 0 : i32
        %dma_wait3A_118 = tpu.memref_slice %dma_wait3A_115[%dma_wait3A_116, %dma_wait3A_117] : memref<40960x128xf32, #tpu.memory_space<hbm>> -> memref<128x128xf32, #tpu.memory_space<hbm>>
        tpu.wait_dma2 semaphore(%arg12 : memref<!tpu.dma_semaphore, #tpu.memory_space<semaphore_mem>>) src(%dma_wait3A_118 : memref<128x128xf32, #tpu.memory_space<hbm>>) dst(%arg10 : memref<128x128xf32, #tpu.memory_space<vmem>>)
        %dma_start3A_119 = arith.constant 0 : i32
        %dma_start3A_120 = tpu.memref_slice %arg9[%scan3A_61, %dma_start3A_119] : memref<40x128xi32, #tpu.memory_space<vmem>> -> memref<1x128xi32, #tpu.memory_space<vmem>>
        %dma_start3A_121 = tpu.memref_squeeze %dma_start3A_120 : memref<1x128xi32, #tpu.memory_space<vmem>> -> memref<128xi32, #tpu.memory_space<vmem>>
        %dma_start3A_122 = arith.constant 0 : i32
        %dma_start3A_123 = arith.constant 0 : i32
        %dma_start3A_124 = tpu.memref_slice %arg7[%dma_start3A_122, %dma_start3A_123] : memref<10240x128xf32, #tpu.memory_space<vmem_shared>> -> memref<10240x128xf32, #tpu.memory_space<vmem_shared>>
        tpu.enqueue_indirect_dma source(%arg10 : memref<128x128xf32, #tpu.memory_space<vmem>>) target(%dma_start3A_124 : memref<10240x128xf32, #tpu.memory_space<vmem_shared>>) offsets(%dma_start3A_121 : memref<128xi32, #tpu.memory_space<vmem>>) semaphore(%arg14 : memref<!tpu.dma_semaphore, #tpu.memory_space<semaphore_mem>>) {add = true}
      } else {
      }
      %jit3A_73 = arith.constant 2 : i32
      %eq3A_74 = arith.constant 0 : i32
      %eq3A_75 = arith.cmpi eq, %jit3A_73, %eq3A_74 : i32
      %jit3A_76 = arith.constant 1 : i32
      %select_n3A_77 = arith.select %eq3A_75, %jit3A_76, %jit3A_73 : i32
      %rem3A_78 = arith.remsi %scan3A_61, %select_n3A_77 : i32
      %ne3A_79 = arith.constant 0 : i32
      %ne3A_80 = arith.cmpi ne, %rem3A_78, %ne3A_79 : i32
      %lt3A_81 = arith.constant 0 : i32
      %lt3A_82 = arith.cmpi slt, %rem3A_78, %lt3A_81 : i32
      %lt3A_83 = arith.constant 0 : i32
      %lt3A_84 = arith.cmpi slt, %select_n3A_77, %lt3A_83 : i32
      %ne3A_85 = arith.xori %lt3A_82, %lt3A_84 : i1
      %and3A_86 = arith.andi %ne3A_85, %ne3A_80 : i1
      %add3A_87 = arith.addi %rem3A_78, %select_n3A_77 : i32
      %select_n3A_88 = arith.select %and3A_86, %add3A_87, %rem3A_78 : i32
      %eq3A_89 = arith.constant 1 : i32
      %eq3A_90 = arith.cmpi eq, %select_n3A_88, %eq3A_89 : i32
      %convert_element_type3A_91 = arith.extui %eq3A_90 : i1 to i32
      %cond3A_92 = arith.constant 0 : i32
      %cond3A_93 = arith.cmpi ne, %convert_element_type3A_91, %cond3A_92 : i32
      scf.if %cond3A_93 {
        %dma_wait3A_94 = arith.constant 0 : i32
        %dma_wait3A_95 = arith.constant 0 : i32
        %dma_wait3A_96 = tpu.memref_slice %arg2[%arg0, %dma_wait3A_94, %dma_wait3A_95] : memref<2x40960x128xf32, #tpu.memory_space<hbm>> -> memref<1x40960x128xf32, #tpu.memory_space<hbm>>
        %dma_wait3A_97 = tpu.memref_squeeze %dma_wait3A_96 : memref<1x40960x128xf32, #tpu.memory_space<hbm>> -> memref<40960x128xf32, #tpu.memory_space<hbm>>
        %dma_wait3A_98 = arith.constant 0 : i32
        %dma_wait3A_99 = arith.constant 0 : i32
        %dma_wait3A_100 = tpu.memref_slice %dma_wait3A_97[%dma_wait3A_98, %dma_wait3A_99] : memref<40960x128xf32, #tpu.memory_space<hbm>> -> memref<128x128xf32, #tpu.memory_space<hbm>>
        %dma_wait3A_101 = arith.constant 0 : i32
        %dma_wait3A_102 = arith.constant 0 : i32
        %dma_wait3A_103 = tpu.memref_slice %arg2[%arg0, %dma_wait3A_101, %dma_wait3A_102] : memref<2x40960x128xf32, #tpu.memory_space<hbm>> -> memref<1x40960x128xf32, #tpu.memory_space<hbm>>
        %dma_wait3A_104 = tpu.memref_squeeze %dma_wait3A_103 : memref<1x40960x128xf32, #tpu.memory_space<hbm>> -> memref<40960x128xf32, #tpu.memory_space<hbm>>
        %dma_wait3A_105 = arith.constant 0 : i32
        %dma_wait3A_106 = arith.constant 0 : i32
        %dma_wait3A_107 = tpu.memref_slice %dma_wait3A_104[%dma_wait3A_105, %dma_wait3A_106] : memref<40960x128xf32, #tpu.memory_space<hbm>> -> memref<128x128xf32, #tpu.memory_space<hbm>>
        tpu.wait_dma2 semaphore(%arg14 : memref<!tpu.dma_semaphore, #tpu.memory_space<semaphore_mem>>) src(%dma_wait3A_107 : memref<128x128xf32, #tpu.memory_space<hbm>>) dst(%arg10 : memref<128x128xf32, #tpu.memory_space<vmem>>)
        %add3A_108 = arith.constant 1 : i32
        %add3A_109 = arith.addi %scan3A_61, %add3A_108 : i32
        %lt3A_110 = arith.constant 40 : i32
        %lt3A_111 = arith.cmpi slt, %add3A_109, %lt3A_110 : i32
        %convert_element_type3A_112 = arith.extui %lt3A_111 : i1 to i32
        %cond3A_113 = arith.constant 0 : i32
        %cond3A_114 = arith.cmpi ne, %convert_element_type3A_112, %cond3A_113 : i32
        scf.if %cond3A_114 {
          %add3A_135 = arith.constant 1 : i32
          %add3A_136 = arith.addi %scan3A_61, %add3A_135 : i32
          %dma_start3A_137 = arith.constant 0 : i32
          %dma_start3A_138 = tpu.memref_slice %arg8[%add3A_136, %dma_start3A_137] : memref<40x128xi32, #tpu.memory_space<vmem>> -> memref<1x128xi32, #tpu.memory_space<vmem>>
          %dma_start3A_139 = tpu.memref_squeeze %dma_start3A_138 : memref<1x128xi32, #tpu.memory_space<vmem>> -> memref<128xi32, #tpu.memory_space<vmem>>
          %dma_start3A_140 = arith.constant 0 : i32
          %dma_start3A_141 = arith.constant 0 : i32
          %dma_start3A_142 = tpu.memref_slice %arg2[%arg0, %dma_start3A_140, %dma_start3A_141] : memref<2x40960x128xf32, #tpu.memory_space<hbm>> -> memref<1x40960x128xf32, #tpu.memory_space<hbm>>
          %dma_start3A_143 = tpu.memref_squeeze %dma_start3A_142 : memref<1x40960x128xf32, #tpu.memory_space<hbm>> -> memref<40960x128xf32, #tpu.memory_space<hbm>>
          %dma_start3A_144 = arith.constant 0 : i32
          %dma_start3A_145 = arith.constant 0 : i32
          %dma_start3A_146 = tpu.memref_slice %dma_start3A_143[%dma_start3A_144, %dma_start3A_145] : memref<40960x128xf32, #tpu.memory_space<hbm>> -> memref<40960x128xf32, #tpu.memory_space<hbm>>
          tpu.enqueue_indirect_dma source(%dma_start3A_146 : memref<40960x128xf32, #tpu.memory_space<hbm>>) target(%arg10 : memref<128x128xf32, #tpu.memory_space<vmem>>) offsets(%dma_start3A_139 : memref<128xi32, #tpu.memory_space<vmem>>) semaphore(%arg12 : memref<!tpu.dma_semaphore, #tpu.memory_space<semaphore_mem>>)
        } else {
        }
        %dma_wait3A_115 = arith.constant 0 : i32
        %dma_wait3A_116 = arith.constant 0 : i32
        %dma_wait3A_117 = tpu.memref_slice %arg2[%arg0, %dma_wait3A_115, %dma_wait3A_116] : memref<2x40960x128xf32, #tpu.memory_space<hbm>> -> memref<1x40960x128xf32, #tpu.memory_space<hbm>>
        %dma_wait3A_118 = tpu.memref_squeeze %dma_wait3A_117 : memref<1x40960x128xf32, #tpu.memory_space<hbm>> -> memref<40960x128xf32, #tpu.memory_space<hbm>>
        %dma_wait3A_119 = arith.constant 0 : i32
        %dma_wait3A_120 = arith.constant 0 : i32
        %dma_wait3A_121 = tpu.memref_slice %dma_wait3A_118[%dma_wait3A_119, %dma_wait3A_120] : memref<40960x128xf32, #tpu.memory_space<hbm>> -> memref<128x128xf32, #tpu.memory_space<hbm>>
        %dma_wait3A_122 = arith.constant 0 : i32
        %dma_wait3A_123 = arith.constant 0 : i32
        %dma_wait3A_124 = tpu.memref_slice %arg2[%arg0, %dma_wait3A_122, %dma_wait3A_123] : memref<2x40960x128xf32, #tpu.memory_space<hbm>> -> memref<1x40960x128xf32, #tpu.memory_space<hbm>>
        %dma_wait3A_125 = tpu.memref_squeeze %dma_wait3A_124 : memref<1x40960x128xf32, #tpu.memory_space<hbm>> -> memref<40960x128xf32, #tpu.memory_space<hbm>>
        %dma_wait3A_126 = arith.constant 0 : i32
        %dma_wait3A_127 = arith.constant 0 : i32
        %dma_wait3A_128 = tpu.memref_slice %dma_wait3A_125[%dma_wait3A_126, %dma_wait3A_127] : memref<40960x128xf32, #tpu.memory_space<hbm>> -> memref<128x128xf32, #tpu.memory_space<hbm>>
        tpu.wait_dma2 semaphore(%arg13 : memref<!tpu.dma_semaphore, #tpu.memory_space<semaphore_mem>>) src(%dma_wait3A_128 : memref<128x128xf32, #tpu.memory_space<hbm>>) dst(%arg11 : memref<128x128xf32, #tpu.memory_space<vmem>>)
        %dma_start3A_129 = arith.constant 0 : i32
        %dma_start3A_130 = tpu.memref_slice %arg9[%scan3A_61, %dma_start3A_129] : memref<40x128xi32, #tpu.memory_space<vmem>> -> memref<1x128xi32, #tpu.memory_space<vmem>>
        %dma_start3A_131 = tpu.memref_squeeze %dma_start3A_130 : memref<1x128xi32, #tpu.memory_space<vmem>> -> memref<128xi32, #tpu.memory_space<vmem>>
        %dma_start3A_132 = arith.constant 0 : i32
        %dma_start3A_133 = arith.constant 0 : i32
        %dma_start3A_134 = tpu.memref_slice %arg7[%dma_start3A_132, %dma_start3A_133] : memref<10240x128xf32, #tpu.memory_space<vmem_shared>> -> memref<10240x128xf32, #tpu.memory_space<vmem_shared>>
        tpu.enqueue_indirect_dma source(%arg11 : memref<128x128xf32, #tpu.memory_space<vmem>>) target(%dma_start3A_134 : memref<10240x128xf32, #tpu.memory_space<vmem_shared>>) offsets(%dma_start3A_131 : memref<128xi32, #tpu.memory_space<vmem>>) semaphore(%arg15 : memref<!tpu.dma_semaphore, #tpu.memory_space<semaphore_mem>>) {add = true}
      } else {
      }
    }
    %scan3A_15 = arith.constant 40 : i32
    %dma_wait3A = arith.constant 0 : i32
    %dma_wait3A_16 = arith.constant 0 : i32
    %dma_wait3A_17 = tpu.memref_slice %arg2[%arg0, %dma_wait3A, %dma_wait3A_16] : memref<2x40960x128xf32, #tpu.memory_space<hbm>> -> memref<1x40960x128xf32, #tpu.memory_space<hbm>>
    %dma_wait3A_18 = tpu.memref_squeeze %dma_wait3A_17 : memref<1x40960x128xf32, #tpu.memory_space<hbm>> -> memref<40960x128xf32, #tpu.memory_space<hbm>>
    %dma_wait3A_19 = arith.constant 0 : i32
    %dma_wait3A_20 = arith.constant 0 : i32
    %dma_wait3A_21 = tpu.memref_slice %dma_wait3A_18[%dma_wait3A_19, %dma_wait3A_20] : memref<40960x128xf32, #tpu.memory_space<hbm>> -> memref<128x128xf32, #tpu.memory_space<hbm>>
    %dma_wait3A_22 = arith.constant 0 : i32
    %dma_wait3A_23 = arith.constant 0 : i32
    %dma_wait3A_24 = tpu.memref_slice %arg2[%arg0, %dma_wait3A_22, %dma_wait3A_23] : memref<2x40960x128xf32, #tpu.memory_space<hbm>> -> memref<1x40960x128xf32, #tpu.memory_space<hbm>>
    %dma_wait3A_25 = tpu.memref_squeeze %dma_wait3A_24 : memref<1x40960x128xf32, #tpu.memory_space<hbm>> -> memref<40960x128xf32, #tpu.memory_space<hbm>>
    %dma_wait3A_26 = arith.constant 0 : i32
    %dma_wait3A_27 = arith.constant 0 : i32
    %dma_wait3A_28 = tpu.memref_slice %dma_wait3A_25[%dma_wait3A_26, %dma_wait3A_27] : memref<40960x128xf32, #tpu.memory_space<hbm>> -> memref<128x128xf32, #tpu.memory_space<hbm>>
    tpu.wait_dma2 semaphore(%arg15 : memref<!tpu.dma_semaphore, #tpu.memory_space<semaphore_mem>>) src(%dma_wait3A_28 : memref<128x128xf32, #tpu.memory_space<hbm>>) dst(%arg11 : memref<128x128xf32, #tpu.memory_space<vmem>>)
    "tpu.region"() ({
      %run_scoped3A = tpu.sem_alloc : memref<!tpu.dma_semaphore, #tpu.memory_space<semaphore_mem>>
      %dma_start3A_61 = arith.constant 40 : i32
      %dma_start3A_62 = arith.constant 0 : i32
      %dma_start3A_63 = tpu.memref_slice %arg4[%arg1, %dma_start3A_61, %dma_start3A_62] : memref<16x80x128xi32, #tpu.memory_space<hbm>> -> memref<1x40x128xi32, #tpu.memory_space<hbm>>
      %dma_start3A_64 = tpu.memref_squeeze %dma_start3A_63 : memref<1x40x128xi32, #tpu.memory_space<hbm>> -> memref<40x128xi32, #tpu.memory_space<hbm>>
      %dma_start3A_65 = arith.constant 40 : i32
      %dma_start3A_66 = arith.constant 0 : i32
      %dma_start3A_67 = tpu.memref_slice %arg4[%arg1, %dma_start3A_65, %dma_start3A_66] : memref<16x80x128xi32, #tpu.memory_space<hbm>> -> memref<1x40x128xi32, #tpu.memory_space<hbm>>
      %dma_start3A_68 = tpu.memref_squeeze %dma_start3A_67 : memref<1x40x128xi32, #tpu.memory_space<hbm>> -> memref<40x128xi32, #tpu.memory_space<hbm>>
      tpu.enqueue_dma source(%dma_start3A_68 : memref<40x128xi32, #tpu.memory_space<hbm>>) target(%arg8 : memref<40x128xi32, #tpu.memory_space<vmem>>) target_semaphore(%run_scoped3A : memref<!tpu.dma_semaphore, #tpu.memory_space<semaphore_mem>>)
      %dma_wait3A_69 = arith.constant 40 : i32
      %dma_wait3A_70 = arith.constant 0 : i32
      %dma_wait3A_71 = tpu.memref_slice %arg4[%arg1, %dma_wait3A_69, %dma_wait3A_70] : memref<16x80x128xi32, #tpu.memory_space<hbm>> -> memref<1x40x128xi32, #tpu.memory_space<hbm>>
      %dma_wait3A_72 = tpu.memref_squeeze %dma_wait3A_71 : memref<1x40x128xi32, #tpu.memory_space<hbm>> -> memref<40x128xi32, #tpu.memory_space<hbm>>
      %dma_wait3A_73 = arith.constant 40 : i32
      %dma_wait3A_74 = arith.constant 0 : i32
      %dma_wait3A_75 = tpu.memref_slice %arg4[%arg1, %dma_wait3A_73, %dma_wait3A_74] : memref<16x80x128xi32, #tpu.memory_space<hbm>> -> memref<1x40x128xi32, #tpu.memory_space<hbm>>
      %dma_wait3A_76 = tpu.memref_squeeze %dma_wait3A_75 : memref<1x40x128xi32, #tpu.memory_space<hbm>> -> memref<40x128xi32, #tpu.memory_space<hbm>>
      tpu.wait_dma2 semaphore(%run_scoped3A : memref<!tpu.dma_semaphore, #tpu.memory_space<semaphore_mem>>) src(%dma_wait3A_76 : memref<40x128xi32, #tpu.memory_space<hbm>>) dst(%arg8 : memref<40x128xi32, #tpu.memory_space<vmem>>)
      tpu.yield
    }) : () -> ()
    "tpu.region"() ({
      %run_scoped3A = tpu.sem_alloc : memref<!tpu.dma_semaphore, #tpu.memory_space<semaphore_mem>>
      %dma_start3A_61 = arith.constant 40 : i32
      %dma_start3A_62 = arith.constant 0 : i32
      %dma_start3A_63 = tpu.memref_slice %arg5[%arg1, %dma_start3A_61, %dma_start3A_62] : memref<16x80x128xi32, #tpu.memory_space<hbm>> -> memref<1x40x128xi32, #tpu.memory_space<hbm>>
      %dma_start3A_64 = tpu.memref_squeeze %dma_start3A_63 : memref<1x40x128xi32, #tpu.memory_space<hbm>> -> memref<40x128xi32, #tpu.memory_space<hbm>>
      %dma_start3A_65 = arith.constant 40 : i32
      %dma_start3A_66 = arith.constant 0 : i32
      %dma_start3A_67 = tpu.memref_slice %arg5[%arg1, %dma_start3A_65, %dma_start3A_66] : memref<16x80x128xi32, #tpu.memory_space<hbm>> -> memref<1x40x128xi32, #tpu.memory_space<hbm>>
      %dma_start3A_68 = tpu.memref_squeeze %dma_start3A_67 : memref<1x40x128xi32, #tpu.memory_space<hbm>> -> memref<40x128xi32, #tpu.memory_space<hbm>>
      tpu.enqueue_dma source(%dma_start3A_68 : memref<40x128xi32, #tpu.memory_space<hbm>>) target(%arg9 : memref<40x128xi32, #tpu.memory_space<vmem>>) target_semaphore(%run_scoped3A : memref<!tpu.dma_semaphore, #tpu.memory_space<semaphore_mem>>)
      %dma_wait3A_69 = arith.constant 40 : i32
      %dma_wait3A_70 = arith.constant 0 : i32
      %dma_wait3A_71 = tpu.memref_slice %arg5[%arg1, %dma_wait3A_69, %dma_wait3A_70] : memref<16x80x128xi32, #tpu.memory_space<hbm>> -> memref<1x40x128xi32, #tpu.memory_space<hbm>>
      %dma_wait3A_72 = tpu.memref_squeeze %dma_wait3A_71 : memref<1x40x128xi32, #tpu.memory_space<hbm>> -> memref<40x128xi32, #tpu.memory_space<hbm>>
      %dma_wait3A_73 = arith.constant 40 : i32
      %dma_wait3A_74 = arith.constant 0 : i32
      %dma_wait3A_75 = tpu.memref_slice %arg5[%arg1, %dma_wait3A_73, %dma_wait3A_74] : memref<16x80x128xi32, #tpu.memory_space<hbm>> -> memref<1x40x128xi32, #tpu.memory_space<hbm>>
      %dma_wait3A_76 = tpu.memref_squeeze %dma_wait3A_75 : memref<1x40x128xi32, #tpu.memory_space<hbm>> -> memref<40x128xi32, #tpu.memory_space<hbm>>
      tpu.wait_dma2 semaphore(%run_scoped3A : memref<!tpu.dma_semaphore, #tpu.memory_space<semaphore_mem>>) src(%dma_wait3A_76 : memref<40x128xi32, #tpu.memory_space<hbm>>) dst(%arg9 : memref<40x128xi32, #tpu.memory_space<vmem>>)
      tpu.yield
    }) : () -> ()
    %dma_start3A_29 = arith.constant 0 : i32
    %dma_start3A_30 = arith.constant 0 : i32
    %dma_start3A_31 = tpu.memref_slice %arg8[%dma_start3A_29, %dma_start3A_30] : memref<40x128xi32, #tpu.memory_space<vmem>> -> memref<1x128xi32, #tpu.memory_space<vmem>>
    %dma_start3A_32 = tpu.memref_squeeze %dma_start3A_31 : memref<1x128xi32, #tpu.memory_space<vmem>> -> memref<128xi32, #tpu.memory_space<vmem>>
    %dma_start3A_33 = arith.constant 0 : i32
    %dma_start3A_34 = arith.constant 0 : i32
    %dma_start3A_35 = tpu.memref_slice %arg2[%arg0, %dma_start3A_33, %dma_start3A_34] : memref<2x40960x128xf32, #tpu.memory_space<hbm>> -> memref<1x40960x128xf32, #tpu.memory_space<hbm>>
    %dma_start3A_36 = tpu.memref_squeeze %dma_start3A_35 : memref<1x40960x128xf32, #tpu.memory_space<hbm>> -> memref<40960x128xf32, #tpu.memory_space<hbm>>
    %dma_start3A_37 = arith.constant 0 : i32
    %dma_start3A_38 = arith.constant 0 : i32
    %dma_start3A_39 = tpu.memref_slice %dma_start3A_36[%dma_start3A_37, %dma_start3A_38] : memref<40960x128xf32, #tpu.memory_space<hbm>> -> memref<40960x128xf32, #tpu.memory_space<hbm>>
    tpu.enqueue_indirect_dma source(%dma_start3A_39 : memref<40960x128xf32, #tpu.memory_space<hbm>>) target(%arg10 : memref<128x128xf32, #tpu.memory_space<vmem>>) offsets(%dma_start3A_32 : memref<128xi32, #tpu.memory_space<vmem>>) semaphore(%arg12 : memref<!tpu.dma_semaphore, #tpu.memory_space<semaphore_mem>>)
    %scan3A_40 = arith.constant 0 : i32
    %scan3A_41 = arith.constant 0 : i32
    %scan3A_42 = arith.constant 40 : i32
    %scan3A_43 = arith.addi %scan3A_41, %scan3A_42 : i32
    %scan3A_44 = arith.constant 1 : i32
    scf.for %scan3A_61 = %scan3A_41 to %scan3A_43 step %scan3A_44  : i32 {
      %jit3A = arith.constant 2 : i32
      %eq3A = arith.constant 0 : i32
      %eq3A_62 = arith.cmpi eq, %jit3A, %eq3A : i32
      %jit3A_63 = arith.constant 1 : i32
      %select_n3A = arith.select %eq3A_62, %jit3A_63, %jit3A : i32
      %rem3A = arith.remsi %scan3A_61, %select_n3A : i32
      %ne3A = arith.constant 0 : i32
      %ne3A_64 = arith.cmpi ne, %rem3A, %ne3A : i32
      %lt3A = arith.constant 0 : i32
      %lt3A_65 = arith.cmpi slt, %rem3A, %lt3A : i32
      %lt3A_66 = arith.constant 0 : i32
      %lt3A_67 = arith.cmpi slt, %select_n3A, %lt3A_66 : i32
      %ne3A_68 = arith.xori %lt3A_65, %lt3A_67 : i1
      %and3A = arith.andi %ne3A_68, %ne3A_64 : i1
      %add3A = arith.addi %rem3A, %select_n3A : i32
      %select_n3A_69 = arith.select %and3A, %add3A, %rem3A : i32
      %eq3A_70 = arith.constant 0 : i32
      %eq3A_71 = arith.cmpi eq, %select_n3A_69, %eq3A_70 : i32
      %convert_element_type3A = arith.extui %eq3A_71 : i1 to i32
      %cond3A = arith.constant 0 : i32
      %cond3A_72 = arith.cmpi ne, %convert_element_type3A, %cond3A : i32
      scf.if %cond3A_72 {
        %gt3A = arith.constant 0 : i32
        %gt3A_94 = arith.cmpi sgt, %scan3A_61, %gt3A : i32
        %convert_element_type3A_95 = arith.extui %gt3A_94 : i1 to i32
        %cond3A_96 = arith.constant 0 : i32
        %cond3A_97 = arith.cmpi ne, %convert_element_type3A_95, %cond3A_96 : i32
        scf.if %cond3A_97 {
          %dma_wait3A_125 = arith.constant 0 : i32
          %dma_wait3A_126 = arith.constant 0 : i32
          %dma_wait3A_127 = tpu.memref_slice %arg2[%arg0, %dma_wait3A_125, %dma_wait3A_126] : memref<2x40960x128xf32, #tpu.memory_space<hbm>> -> memref<1x40960x128xf32, #tpu.memory_space<hbm>>
          %dma_wait3A_128 = tpu.memref_squeeze %dma_wait3A_127 : memref<1x40960x128xf32, #tpu.memory_space<hbm>> -> memref<40960x128xf32, #tpu.memory_space<hbm>>
          %dma_wait3A_129 = arith.constant 0 : i32
          %dma_wait3A_130 = arith.constant 0 : i32
          %dma_wait3A_131 = tpu.memref_slice %dma_wait3A_128[%dma_wait3A_129, %dma_wait3A_130] : memref<40960x128xf32, #tpu.memory_space<hbm>> -> memref<128x128xf32, #tpu.memory_space<hbm>>
          %dma_wait3A_132 = arith.constant 0 : i32
          %dma_wait3A_133 = arith.constant 0 : i32
          %dma_wait3A_134 = tpu.memref_slice %arg2[%arg0, %dma_wait3A_132, %dma_wait3A_133] : memref<2x40960x128xf32, #tpu.memory_space<hbm>> -> memref<1x40960x128xf32, #tpu.memory_space<hbm>>
          %dma_wait3A_135 = tpu.memref_squeeze %dma_wait3A_134 : memref<1x40960x128xf32, #tpu.memory_space<hbm>> -> memref<40960x128xf32, #tpu.memory_space<hbm>>
          %dma_wait3A_136 = arith.constant 0 : i32
          %dma_wait3A_137 = arith.constant 0 : i32
          %dma_wait3A_138 = tpu.memref_slice %dma_wait3A_135[%dma_wait3A_136, %dma_wait3A_137] : memref<40960x128xf32, #tpu.memory_space<hbm>> -> memref<128x128xf32, #tpu.memory_space<hbm>>
          tpu.wait_dma2 semaphore(%arg15 : memref<!tpu.dma_semaphore, #tpu.memory_space<semaphore_mem>>) src(%dma_wait3A_138 : memref<128x128xf32, #tpu.memory_space<hbm>>) dst(%arg11 : memref<128x128xf32, #tpu.memory_space<vmem>>)
        } else {
        }
        %add3A_98 = arith.constant 1 : i32
        %add3A_99 = arith.addi %scan3A_61, %add3A_98 : i32
        %lt3A_100 = arith.constant 40 : i32
        %lt3A_101 = arith.cmpi slt, %add3A_99, %lt3A_100 : i32
        %convert_element_type3A_102 = arith.extui %lt3A_101 : i1 to i32
        %cond3A_103 = arith.constant 0 : i32
        %cond3A_104 = arith.cmpi ne, %convert_element_type3A_102, %cond3A_103 : i32
        scf.if %cond3A_104 {
          %add3A_125 = arith.constant 1 : i32
          %add3A_126 = arith.addi %scan3A_61, %add3A_125 : i32
          %dma_start3A_127 = arith.constant 0 : i32
          %dma_start3A_128 = tpu.memref_slice %arg8[%add3A_126, %dma_start3A_127] : memref<40x128xi32, #tpu.memory_space<vmem>> -> memref<1x128xi32, #tpu.memory_space<vmem>>
          %dma_start3A_129 = tpu.memref_squeeze %dma_start3A_128 : memref<1x128xi32, #tpu.memory_space<vmem>> -> memref<128xi32, #tpu.memory_space<vmem>>
          %dma_start3A_130 = arith.constant 0 : i32
          %dma_start3A_131 = arith.constant 0 : i32
          %dma_start3A_132 = tpu.memref_slice %arg2[%arg0, %dma_start3A_130, %dma_start3A_131] : memref<2x40960x128xf32, #tpu.memory_space<hbm>> -> memref<1x40960x128xf32, #tpu.memory_space<hbm>>
          %dma_start3A_133 = tpu.memref_squeeze %dma_start3A_132 : memref<1x40960x128xf32, #tpu.memory_space<hbm>> -> memref<40960x128xf32, #tpu.memory_space<hbm>>
          %dma_start3A_134 = arith.constant 0 : i32
          %dma_start3A_135 = arith.constant 0 : i32
          %dma_start3A_136 = tpu.memref_slice %dma_start3A_133[%dma_start3A_134, %dma_start3A_135] : memref<40960x128xf32, #tpu.memory_space<hbm>> -> memref<40960x128xf32, #tpu.memory_space<hbm>>
          tpu.enqueue_indirect_dma source(%dma_start3A_136 : memref<40960x128xf32, #tpu.memory_space<hbm>>) target(%arg11 : memref<128x128xf32, #tpu.memory_space<vmem>>) offsets(%dma_start3A_129 : memref<128xi32, #tpu.memory_space<vmem>>) semaphore(%arg13 : memref<!tpu.dma_semaphore, #tpu.memory_space<semaphore_mem>>)
        } else {
        }
        %dma_wait3A_105 = arith.constant 0 : i32
        %dma_wait3A_106 = arith.constant 0 : i32
        %dma_wait3A_107 = tpu.memref_slice %arg2[%arg0, %dma_wait3A_105, %dma_wait3A_106] : memref<2x40960x128xf32, #tpu.memory_space<hbm>> -> memref<1x40960x128xf32, #tpu.memory_space<hbm>>
        %dma_wait3A_108 = tpu.memref_squeeze %dma_wait3A_107 : memref<1x40960x128xf32, #tpu.memory_space<hbm>> -> memref<40960x128xf32, #tpu.memory_space<hbm>>
        %dma_wait3A_109 = arith.constant 0 : i32
        %dma_wait3A_110 = arith.constant 0 : i32
        %dma_wait3A_111 = tpu.memref_slice %dma_wait3A_108[%dma_wait3A_109, %dma_wait3A_110] : memref<40960x128xf32, #tpu.memory_space<hbm>> -> memref<128x128xf32, #tpu.memory_space<hbm>>
        %dma_wait3A_112 = arith.constant 0 : i32
        %dma_wait3A_113 = arith.constant 0 : i32
        %dma_wait3A_114 = tpu.memref_slice %arg2[%arg0, %dma_wait3A_112, %dma_wait3A_113] : memref<2x40960x128xf32, #tpu.memory_space<hbm>> -> memref<1x40960x128xf32, #tpu.memory_space<hbm>>
        %dma_wait3A_115 = tpu.memref_squeeze %dma_wait3A_114 : memref<1x40960x128xf32, #tpu.memory_space<hbm>> -> memref<40960x128xf32, #tpu.memory_space<hbm>>
        %dma_wait3A_116 = arith.constant 0 : i32
        %dma_wait3A_117 = arith.constant 0 : i32
        %dma_wait3A_118 = tpu.memref_slice %dma_wait3A_115[%dma_wait3A_116, %dma_wait3A_117] : memref<40960x128xf32, #tpu.memory_space<hbm>> -> memref<128x128xf32, #tpu.memory_space<hbm>>
        tpu.wait_dma2 semaphore(%arg12 : memref<!tpu.dma_semaphore, #tpu.memory_space<semaphore_mem>>) src(%dma_wait3A_118 : memref<128x128xf32, #tpu.memory_space<hbm>>) dst(%arg10 : memref<128x128xf32, #tpu.memory_space<vmem>>)
        %dma_start3A_119 = arith.constant 0 : i32
        %dma_start3A_120 = tpu.memref_slice %arg9[%scan3A_61, %dma_start3A_119] : memref<40x128xi32, #tpu.memory_space<vmem>> -> memref<1x128xi32, #tpu.memory_space<vmem>>
        %dma_start3A_121 = tpu.memref_squeeze %dma_start3A_120 : memref<1x128xi32, #tpu.memory_space<vmem>> -> memref<128xi32, #tpu.memory_space<vmem>>
        %dma_start3A_122 = arith.constant 0 : i32
        %dma_start3A_123 = arith.constant 0 : i32
        %dma_start3A_124 = tpu.memref_slice %arg7[%dma_start3A_122, %dma_start3A_123] : memref<10240x128xf32, #tpu.memory_space<vmem_shared>> -> memref<10240x128xf32, #tpu.memory_space<vmem_shared>>
        tpu.enqueue_indirect_dma source(%arg10 : memref<128x128xf32, #tpu.memory_space<vmem>>) target(%dma_start3A_124 : memref<10240x128xf32, #tpu.memory_space<vmem_shared>>) offsets(%dma_start3A_121 : memref<128xi32, #tpu.memory_space<vmem>>) semaphore(%arg14 : memref<!tpu.dma_semaphore, #tpu.memory_space<semaphore_mem>>) {add = true}
      } else {
      }
      %jit3A_73 = arith.constant 2 : i32
      %eq3A_74 = arith.constant 0 : i32
      %eq3A_75 = arith.cmpi eq, %jit3A_73, %eq3A_74 : i32
      %jit3A_76 = arith.constant 1 : i32
      %select_n3A_77 = arith.select %eq3A_75, %jit3A_76, %jit3A_73 : i32
      %rem3A_78 = arith.remsi %scan3A_61, %select_n3A_77 : i32
      %ne3A_79 = arith.constant 0 : i32
      %ne3A_80 = arith.cmpi ne, %rem3A_78, %ne3A_79 : i32
      %lt3A_81 = arith.constant 0 : i32
      %lt3A_82 = arith.cmpi slt, %rem3A_78, %lt3A_81 : i32
      %lt3A_83 = arith.constant 0 : i32
      %lt3A_84 = arith.cmpi slt, %select_n3A_77, %lt3A_83 : i32
      %ne3A_85 = arith.xori %lt3A_82, %lt3A_84 : i1
      %and3A_86 = arith.andi %ne3A_85, %ne3A_80 : i1
      %add3A_87 = arith.addi %rem3A_78, %select_n3A_77 : i32
      %select_n3A_88 = arith.select %and3A_86, %add3A_87, %rem3A_78 : i32
      %eq3A_89 = arith.constant 1 : i32
      %eq3A_90 = arith.cmpi eq, %select_n3A_88, %eq3A_89 : i32
      %convert_element_type3A_91 = arith.extui %eq3A_90 : i1 to i32
      %cond3A_92 = arith.constant 0 : i32
      %cond3A_93 = arith.cmpi ne, %convert_element_type3A_91, %cond3A_92 : i32
      scf.if %cond3A_93 {
        %dma_wait3A_94 = arith.constant 0 : i32
        %dma_wait3A_95 = arith.constant 0 : i32
        %dma_wait3A_96 = tpu.memref_slice %arg2[%arg0, %dma_wait3A_94, %dma_wait3A_95] : memref<2x40960x128xf32, #tpu.memory_space<hbm>> -> memref<1x40960x128xf32, #tpu.memory_space<hbm>>
        %dma_wait3A_97 = tpu.memref_squeeze %dma_wait3A_96 : memref<1x40960x128xf32, #tpu.memory_space<hbm>> -> memref<40960x128xf32, #tpu.memory_space<hbm>>
        %dma_wait3A_98 = arith.constant 0 : i32
        %dma_wait3A_99 = arith.constant 0 : i32
        %dma_wait3A_100 = tpu.memref_slice %dma_wait3A_97[%dma_wait3A_98, %dma_wait3A_99] : memref<40960x128xf32, #tpu.memory_space<hbm>> -> memref<128x128xf32, #tpu.memory_space<hbm>>
        %dma_wait3A_101 = arith.constant 0 : i32
        %dma_wait3A_102 = arith.constant 0 : i32
        %dma_wait3A_103 = tpu.memref_slice %arg2[%arg0, %dma_wait3A_101, %dma_wait3A_102] : memref<2x40960x128xf32, #tpu.memory_space<hbm>> -> memref<1x40960x128xf32, #tpu.memory_space<hbm>>
        %dma_wait3A_104 = tpu.memref_squeeze %dma_wait3A_103 : memref<1x40960x128xf32, #tpu.memory_space<hbm>> -> memref<40960x128xf32, #tpu.memory_space<hbm>>
        %dma_wait3A_105 = arith.constant 0 : i32
        %dma_wait3A_106 = arith.constant 0 : i32
        %dma_wait3A_107 = tpu.memref_slice %dma_wait3A_104[%dma_wait3A_105, %dma_wait3A_106] : memref<40960x128xf32, #tpu.memory_space<hbm>> -> memref<128x128xf32, #tpu.memory_space<hbm>>
        tpu.wait_dma2 semaphore(%arg14 : memref<!tpu.dma_semaphore, #tpu.memory_space<semaphore_mem>>) src(%dma_wait3A_107 : memref<128x128xf32, #tpu.memory_space<hbm>>) dst(%arg10 : memref<128x128xf32, #tpu.memory_space<vmem>>)
        %add3A_108 = arith.constant 1 : i32
        %add3A_109 = arith.addi %scan3A_61, %add3A_108 : i32
        %lt3A_110 = arith.constant 40 : i32
        %lt3A_111 = arith.cmpi slt, %add3A_109, %lt3A_110 : i32
        %convert_element_type3A_112 = arith.extui %lt3A_111 : i1 to i32
        %cond3A_113 = arith.constant 0 : i32
        %cond3A_114 = arith.cmpi ne, %convert_element_type3A_112, %cond3A_113 : i32
        scf.if %cond3A_114 {
          %add3A_135 = arith.constant 1 : i32
          %add3A_136 = arith.addi %scan3A_61, %add3A_135 : i32
          %dma_start3A_137 = arith.constant 0 : i32
          %dma_start3A_138 = tpu.memref_slice %arg8[%add3A_136, %dma_start3A_137] : memref<40x128xi32, #tpu.memory_space<vmem>> -> memref<1x128xi32, #tpu.memory_space<vmem>>
          %dma_start3A_139 = tpu.memref_squeeze %dma_start3A_138 : memref<1x128xi32, #tpu.memory_space<vmem>> -> memref<128xi32, #tpu.memory_space<vmem>>
          %dma_start3A_140 = arith.constant 0 : i32
          %dma_start3A_141 = arith.constant 0 : i32
          %dma_start3A_142 = tpu.memref_slice %arg2[%arg0, %dma_start3A_140, %dma_start3A_141] : memref<2x40960x128xf32, #tpu.memory_space<hbm>> -> memref<1x40960x128xf32, #tpu.memory_space<hbm>>
          %dma_start3A_143 = tpu.memref_squeeze %dma_start3A_142 : memref<1x40960x128xf32, #tpu.memory_space<hbm>> -> memref<40960x128xf32, #tpu.memory_space<hbm>>
          %dma_start3A_144 = arith.constant 0 : i32
          %dma_start3A_145 = arith.constant 0 : i32
          %dma_start3A_146 = tpu.memref_slice %dma_start3A_143[%dma_start3A_144, %dma_start3A_145] : memref<40960x128xf32, #tpu.memory_space<hbm>> -> memref<40960x128xf32, #tpu.memory_space<hbm>>
          tpu.enqueue_indirect_dma source(%dma_start3A_146 : memref<40960x128xf32, #tpu.memory_space<hbm>>) target(%arg10 : memref<128x128xf32, #tpu.memory_space<vmem>>) offsets(%dma_start3A_139 : memref<128xi32, #tpu.memory_space<vmem>>) semaphore(%arg12 : memref<!tpu.dma_semaphore, #tpu.memory_space<semaphore_mem>>)
        } else {
        }
        %dma_wait3A_115 = arith.constant 0 : i32
        %dma_wait3A_116 = arith.constant 0 : i32
        %dma_wait3A_117 = tpu.memref_slice %arg2[%arg0, %dma_wait3A_115, %dma_wait3A_116] : memref<2x40960x128xf32, #tpu.memory_space<hbm>> -> memref<1x40960x128xf32, #tpu.memory_space<hbm>>
        %dma_wait3A_118 = tpu.memref_squeeze %dma_wait3A_117 : memref<1x40960x128xf32, #tpu.memory_space<hbm>> -> memref<40960x128xf32, #tpu.memory_space<hbm>>
        %dma_wait3A_119 = arith.constant 0 : i32
        %dma_wait3A_120 = arith.constant 0 : i32
        %dma_wait3A_121 = tpu.memref_slice %dma_wait3A_118[%dma_wait3A_119, %dma_wait3A_120] : memref<40960x128xf32, #tpu.memory_space<hbm>> -> memref<128x128xf32, #tpu.memory_space<hbm>>
        %dma_wait3A_122 = arith.constant 0 : i32
        %dma_wait3A_123 = arith.constant 0 : i32
        %dma_wait3A_124 = tpu.memref_slice %arg2[%arg0, %dma_wait3A_122, %dma_wait3A_123] : memref<2x40960x128xf32, #tpu.memory_space<hbm>> -> memref<1x40960x128xf32, #tpu.memory_space<hbm>>
        %dma_wait3A_125 = tpu.memref_squeeze %dma_wait3A_124 : memref<1x40960x128xf32, #tpu.memory_space<hbm>> -> memref<40960x128xf32, #tpu.memory_space<hbm>>
        %dma_wait3A_126 = arith.constant 0 : i32
        %dma_wait3A_127 = arith.constant 0 : i32
        %dma_wait3A_128 = tpu.memref_slice %dma_wait3A_125[%dma_wait3A_126, %dma_wait3A_127] : memref<40960x128xf32, #tpu.memory_space<hbm>> -> memref<128x128xf32, #tpu.memory_space<hbm>>
        tpu.wait_dma2 semaphore(%arg13 : memref<!tpu.dma_semaphore, #tpu.memory_space<semaphore_mem>>) src(%dma_wait3A_128 : memref<128x128xf32, #tpu.memory_space<hbm>>) dst(%arg11 : memref<128x128xf32, #tpu.memory_space<vmem>>)
        %dma_start3A_129 = arith.constant 0 : i32
        %dma_start3A_130 = tpu.memref_slice %arg9[%scan3A_61, %dma_start3A_129] : memref<40x128xi32, #tpu.memory_space<vmem>> -> memref<1x128xi32, #tpu.memory_space<vmem>>
        %dma_start3A_131 = tpu.memref_squeeze %dma_start3A_130 : memref<1x128xi32, #tpu.memory_space<vmem>> -> memref<128xi32, #tpu.memory_space<vmem>>
        %dma_start3A_132 = arith.constant 0 : i32
        %dma_start3A_133 = arith.constant 0 : i32
        %dma_start3A_134 = tpu.memref_slice %arg7[%dma_start3A_132, %dma_start3A_133] : memref<10240x128xf32, #tpu.memory_space<vmem_shared>> -> memref<10240x128xf32, #tpu.memory_space<vmem_shared>>
        tpu.enqueue_indirect_dma source(%arg11 : memref<128x128xf32, #tpu.memory_space<vmem>>) target(%dma_start3A_134 : memref<10240x128xf32, #tpu.memory_space<vmem_shared>>) offsets(%dma_start3A_131 : memref<128xi32, #tpu.memory_space<vmem>>) semaphore(%arg15 : memref<!tpu.dma_semaphore, #tpu.memory_space<semaphore_mem>>) {add = true}
      } else {
      }
    }
    %scan3A_45 = arith.constant 40 : i32
    %dma_wait3A_46 = arith.constant 0 : i32
    %dma_wait3A_47 = arith.constant 0 : i32
    %dma_wait3A_48 = tpu.memref_slice %arg2[%arg0, %dma_wait3A_46, %dma_wait3A_47] : memref<2x40960x128xf32, #tpu.memory_space<hbm>> -> memref<1x40960x128xf32, #tpu.memory_space<hbm>>
    %dma_wait3A_49 = tpu.memref_squeeze %dma_wait3A_48 : memref<1x40960x128xf32, #tpu.memory_space<hbm>> -> memref<40960x128xf32, #tpu.memory_space<hbm>>
    %dma_wait3A_50 = arith.constant 0 : i32
    %dma_wait3A_51 = arith.constant 0 : i32
    %dma_wait3A_52 = tpu.memref_slice %dma_wait3A_49[%dma_wait3A_50, %dma_wait3A_51] : memref<40960x128xf32, #tpu.memory_space<hbm>> -> memref<128x128xf32, #tpu.memory_space<hbm>>
    %dma_wait3A_53 = arith.constant 0 : i32
    %dma_wait3A_54 = arith.constant 0 : i32
    %dma_wait3A_55 = tpu.memref_slice %arg2[%arg0, %dma_wait3A_53, %dma_wait3A_54] : memref<2x40960x128xf32, #tpu.memory_space<hbm>> -> memref<1x40960x128xf32, #tpu.memory_space<hbm>>
    %dma_wait3A_56 = tpu.memref_squeeze %dma_wait3A_55 : memref<1x40960x128xf32, #tpu.memory_space<hbm>> -> memref<40960x128xf32, #tpu.memory_space<hbm>>
    %dma_wait3A_57 = arith.constant 0 : i32
    %dma_wait3A_58 = arith.constant 0 : i32
    %dma_wait3A_59 = tpu.memref_slice %dma_wait3A_56[%dma_wait3A_57, %dma_wait3A_58] : memref<40960x128xf32, #tpu.memory_space<hbm>> -> memref<128x128xf32, #tpu.memory_space<hbm>>
    tpu.wait_dma2 semaphore(%arg15 : memref<!tpu.dma_semaphore, #tpu.memory_space<semaphore_mem>>) src(%dma_wait3A_59 : memref<128x128xf32, #tpu.memory_space<hbm>>) dst(%arg11 : memref<128x128xf32, #tpu.memory_space<vmem>>)
    %barrier3A_60 = arith.constant 0 : index
    tpu.barrier barrier_id(%barrier3A_60)
    "tpu.region"() ({
      %run_scoped3A = tpu.sem_alloc : memref<!tpu.dma_semaphore, #tpu.memory_space<semaphore_mem>>
      %dma_start3A_61 = arith.constant 0 : i32
      %dma_start3A_62 = tpu.memref_slice %arg6[%arg0, %mul3A_0, %dma_start3A_61] : memref<2x10240x128xf32, #tpu.memory_space<hbm>> -> memref<1x640x128xf32, #tpu.memory_space<hbm>>
      %dma_start3A_63 = tpu.memref_squeeze %dma_start3A_62 : memref<1x640x128xf32, #tpu.memory_space<hbm>> -> memref<640x128xf32, #tpu.memory_space<hbm>>
      %dma_start3A_64 = arith.constant 0 : i32
      %dma_start3A_65 = tpu.memref_slice %arg7[%mul3A_0, %dma_start3A_64] : memref<10240x128xf32, #tpu.memory_space<vmem_shared>> -> memref<640x128xf32, #tpu.memory_space<vmem_shared>>
      tpu.enqueue_dma source(%dma_start3A_65 : memref<640x128xf32, #tpu.memory_space<vmem_shared>>) target(%dma_start3A_63 : memref<640x128xf32, #tpu.memory_space<hbm>>) target_semaphore(%run_scoped3A : memref<!tpu.dma_semaphore, #tpu.memory_space<semaphore_mem>>)
      %dma_wait3A_66 = arith.constant 0 : i32
      %dma_wait3A_67 = tpu.memref_slice %arg6[%arg0, %mul3A_0, %dma_wait3A_66] : memref<2x10240x128xf32, #tpu.memory_space<hbm>> -> memref<1x640x128xf32, #tpu.memory_space<hbm>>
      %dma_wait3A_68 = tpu.memref_squeeze %dma_wait3A_67 : memref<1x640x128xf32, #tpu.memory_space<hbm>> -> memref<640x128xf32, #tpu.memory_space<hbm>>
      %dma_wait3A_69 = arith.constant 0 : i32
      %dma_wait3A_70 = tpu.memref_slice %arg7[%mul3A_0, %dma_wait3A_69] : memref<10240x128xf32, #tpu.memory_space<vmem_shared>> -> memref<640x128xf32, #tpu.memory_space<vmem_shared>>
      tpu.wait_dma2 semaphore(%run_scoped3A : memref<!tpu.dma_semaphore, #tpu.memory_space<semaphore_mem>>) src(%dma_wait3A_70 : memref<640x128xf32, #tpu.memory_space<vmem_shared>>) dst(%dma_wait3A_68 : memref<640x128xf32, #tpu.memory_space<hbm>>)
      tpu.yield
    }) : () -> ()
    return
  }
}

#map = affine_map<(d0, d1) -> (0, 0, 0)>
#map1 = affine_map<(d0, d1) -> (0)>
module attributes {stable_mosaic.version = 14 : i64} {
  func.func @_sc_embed_body(%arg0: i32, %arg1: i32, %arg2: memref<2x118x128xf32, #tpu.memory_space<hbm>>, %arg3: memref<16x5x128xi32, #tpu.memory_space<hbm>>, %arg4: memref<163840xi32, #tpu.memory_space<hbm>>, %arg5: memref<163840xi32, #tpu.memory_space<hbm>>, %arg6: memref<2x10240x128xf32, #tpu.memory_space<hbm>>, %arg7: memref<163840xi32, #tpu.memory_space<hbm>>, %arg8: memref<5x128xi32, #tpu.memory_space<vmem>>, %arg9: memref<128x128xf32, #tpu.memory_space<vmem>>, %arg10: memref<10240xi32, #tpu.memory_space<vmem>>, %arg11: memref<10240xi32, #tpu.memory_space<vmem>>, %arg12: memref<10240xi32, #tpu.memory_space<vmem>>, %arg13: memref<!tpu.dma_semaphore, #tpu.memory_space<semaphore_mem>>) attributes {dimension_semantics = [#tpu.dimension_semantics<core_parallel>, #tpu.dimension_semantics<subcore_parallel>], iteration_bounds = array<i64: 2, 16>, scalar_prefetch = 0 : i64, scratch_operands = 6 : i64, tpu.core_type = #tpu.core_type<sc_vector_subcore>, window_params = [{transform_indices = #map}, {transform_indices = #map}, {transform_indices = #map1}, {transform_indices = #map1}, {transform_indices = #map}, {transform_indices = #map1}]} {
    "tpu.region"() ({
      %run_scoped3A = tpu.sem_alloc : memref<!tpu.dma_semaphore, #tpu.memory_space<semaphore_mem>>
      %dma_start3A_128 = arith.constant 0 : i32
      %dma_start3A_129 = arith.constant 0 : i32
      %dma_start3A_130 = tpu.memref_slice %arg3[%arg1, %dma_start3A_128, %dma_start3A_129] : memref<16x5x128xi32, #tpu.memory_space<hbm>> -> memref<1x5x128xi32, #tpu.memory_space<hbm>>
      %dma_start3A_131 = tpu.memref_squeeze %dma_start3A_130 : memref<1x5x128xi32, #tpu.memory_space<hbm>> -> memref<5x128xi32, #tpu.memory_space<hbm>>
      %dma_start3A_132 = arith.constant 0 : i32
      %dma_start3A_133 = arith.constant 0 : i32
      %dma_start3A_134 = tpu.memref_slice %arg3[%arg1, %dma_start3A_132, %dma_start3A_133] : memref<16x5x128xi32, #tpu.memory_space<hbm>> -> memref<1x5x128xi32, #tpu.memory_space<hbm>>
      %dma_start3A_135 = tpu.memref_squeeze %dma_start3A_134 : memref<1x5x128xi32, #tpu.memory_space<hbm>> -> memref<5x128xi32, #tpu.memory_space<hbm>>
      tpu.enqueue_dma source(%dma_start3A_135 : memref<5x128xi32, #tpu.memory_space<hbm>>) target(%arg8 : memref<5x128xi32, #tpu.memory_space<vmem>>) target_semaphore(%run_scoped3A : memref<!tpu.dma_semaphore, #tpu.memory_space<semaphore_mem>>)
      %dma_wait3A_136 = arith.constant 0 : i32
      %dma_wait3A_137 = arith.constant 0 : i32
      %dma_wait3A_138 = tpu.memref_slice %arg3[%arg1, %dma_wait3A_136, %dma_wait3A_137] : memref<16x5x128xi32, #tpu.memory_space<hbm>> -> memref<1x5x128xi32, #tpu.memory_space<hbm>>
      %dma_wait3A_139 = tpu.memref_squeeze %dma_wait3A_138 : memref<1x5x128xi32, #tpu.memory_space<hbm>> -> memref<5x128xi32, #tpu.memory_space<hbm>>
      %dma_wait3A_140 = arith.constant 0 : i32
      %dma_wait3A_141 = arith.constant 0 : i32
      %dma_wait3A_142 = tpu.memref_slice %arg3[%arg1, %dma_wait3A_140, %dma_wait3A_141] : memref<16x5x128xi32, #tpu.memory_space<hbm>> -> memref<1x5x128xi32, #tpu.memory_space<hbm>>
      %dma_wait3A_143 = tpu.memref_squeeze %dma_wait3A_142 : memref<1x5x128xi32, #tpu.memory_space<hbm>> -> memref<5x128xi32, #tpu.memory_space<hbm>>
      tpu.wait_dma2 semaphore(%run_scoped3A : memref<!tpu.dma_semaphore, #tpu.memory_space<semaphore_mem>>) src(%dma_wait3A_143 : memref<5x128xi32, #tpu.memory_space<hbm>>) dst(%arg8 : memref<5x128xi32, #tpu.memory_space<vmem>>)
      tpu.yield
    }) : () -> ()
    %dma_start3A = arith.constant 0 : i32
    %dma_start3A_0 = arith.constant 0 : i32
    %dma_start3A_1 = tpu.memref_slice %arg8[%dma_start3A, %dma_start3A_0] : memref<5x128xi32, #tpu.memory_space<vmem>> -> memref<1x128xi32, #tpu.memory_space<vmem>>
    %dma_start3A_2 = tpu.memref_squeeze %dma_start3A_1 : memref<1x128xi32, #tpu.memory_space<vmem>> -> memref<128xi32, #tpu.memory_space<vmem>>
    %dma_start3A_3 = arith.constant 0 : i32
    %dma_start3A_4 = arith.constant 0 : i32
    %dma_start3A_5 = tpu.memref_slice %arg2[%arg0, %dma_start3A_3, %dma_start3A_4] : memref<2x118x128xf32, #tpu.memory_space<hbm>> -> memref<1x118x128xf32, #tpu.memory_space<hbm>>
    %dma_start3A_6 = tpu.memref_squeeze %dma_start3A_5 : memref<1x118x128xf32, #tpu.memory_space<hbm>> -> memref<118x128xf32, #tpu.memory_space<hbm>>
    %dma_start3A_7 = arith.constant 0 : i32
    %dma_start3A_8 = arith.constant 0 : i32
    %dma_start3A_9 = tpu.memref_slice %dma_start3A_6[%dma_start3A_7, %dma_start3A_8] : memref<118x128xf32, #tpu.memory_space<hbm>> -> memref<118x128xf32, #tpu.memory_space<hbm>>
    tpu.enqueue_indirect_dma source(%dma_start3A_9 : memref<118x128xf32, #tpu.memory_space<hbm>>) target(%arg9 : memref<128x128xf32, #tpu.memory_space<vmem>>) offsets(%dma_start3A_2 : memref<128xi32, #tpu.memory_space<vmem>>) semaphore(%arg13 : memref<!tpu.dma_semaphore, #tpu.memory_space<semaphore_mem>>)
    %dma_wait3A = arith.constant 0 : i32
    %dma_wait3A_10 = arith.constant 0 : i32
    %dma_wait3A_11 = tpu.memref_slice %arg8[%dma_wait3A, %dma_wait3A_10] : memref<5x128xi32, #tpu.memory_space<vmem>> -> memref<1x128xi32, #tpu.memory_space<vmem>>
    %dma_wait3A_12 = tpu.memref_squeeze %dma_wait3A_11 : memref<1x128xi32, #tpu.memory_space<vmem>> -> memref<128xi32, #tpu.memory_space<vmem>>
    %dma_wait3A_13 = arith.constant 0 : i32
    %dma_wait3A_14 = arith.constant 0 : i32
    %dma_wait3A_15 = tpu.memref_slice %arg2[%arg0, %dma_wait3A_13, %dma_wait3A_14] : memref<2x118x128xf32, #tpu.memory_space<hbm>> -> memref<1x118x128xf32, #tpu.memory_space<hbm>>
    %dma_wait3A_16 = tpu.memref_squeeze %dma_wait3A_15 : memref<1x118x128xf32, #tpu.memory_space<hbm>> -> memref<118x128xf32, #tpu.memory_space<hbm>>
    %dma_wait3A_17 = arith.constant 0 : i32
    %dma_wait3A_18 = arith.constant 0 : i32
    %dma_wait3A_19 = tpu.memref_slice %dma_wait3A_16[%dma_wait3A_17, %dma_wait3A_18] : memref<118x128xf32, #tpu.memory_space<hbm>> -> memref<118x128xf32, #tpu.memory_space<hbm>>
    tpu.wait_indirect_dma semaphore(%arg13 : memref<!tpu.dma_semaphore, #tpu.memory_space<semaphore_mem>>) src(%dma_wait3A_19 : memref<118x128xf32, #tpu.memory_space<hbm>>) dst(%arg9 : memref<128x128xf32, #tpu.memory_space<vmem>>)
    %mul3A = arith.constant 640 : i32
    %mul3A_20 = arith.muli %arg1, %mul3A : i32
    %add3A = arith.constant 0 : i32
    %add3A_21 = arith.addi %mul3A_20, %add3A : i32
    "tpu.region"() ({
      %run_scoped3A = tpu.sem_alloc : memref<!tpu.dma_semaphore, #tpu.memory_space<semaphore_mem>>
      %dma_start3A_128 = arith.constant 0 : i32
      %dma_start3A_129 = tpu.memref_slice %arg6[%arg0, %add3A_21, %dma_start3A_128] : memref<2x10240x128xf32, #tpu.memory_space<hbm>> -> memref<1x128x128xf32, #tpu.memory_space<hbm>>
      %dma_start3A_130 = tpu.memref_squeeze %dma_start3A_129 : memref<1x128x128xf32, #tpu.memory_space<hbm>> -> memref<128x128xf32, #tpu.memory_space<hbm>>
      %dma_start3A_131 = arith.constant 0 : i32
      %dma_start3A_132 = tpu.memref_slice %arg6[%arg0, %add3A_21, %dma_start3A_131] : memref<2x10240x128xf32, #tpu.memory_space<hbm>> -> memref<1x128x128xf32, #tpu.memory_space<hbm>>
      %dma_start3A_133 = tpu.memref_squeeze %dma_start3A_132 : memref<1x128x128xf32, #tpu.memory_space<hbm>> -> memref<128x128xf32, #tpu.memory_space<hbm>>
      tpu.enqueue_dma source(%arg9 : memref<128x128xf32, #tpu.memory_space<vmem>>) target(%dma_start3A_133 : memref<128x128xf32, #tpu.memory_space<hbm>>) target_semaphore(%run_scoped3A : memref<!tpu.dma_semaphore, #tpu.memory_space<semaphore_mem>>)
      %dma_wait3A_134 = arith.constant 0 : i32
      %dma_wait3A_135 = tpu.memref_slice %arg6[%arg0, %add3A_21, %dma_wait3A_134] : memref<2x10240x128xf32, #tpu.memory_space<hbm>> -> memref<1x128x128xf32, #tpu.memory_space<hbm>>
      %dma_wait3A_136 = tpu.memref_squeeze %dma_wait3A_135 : memref<1x128x128xf32, #tpu.memory_space<hbm>> -> memref<128x128xf32, #tpu.memory_space<hbm>>
      %dma_wait3A_137 = arith.constant 0 : i32
      %dma_wait3A_138 = tpu.memref_slice %arg6[%arg0, %add3A_21, %dma_wait3A_137] : memref<2x10240x128xf32, #tpu.memory_space<hbm>> -> memref<1x128x128xf32, #tpu.memory_space<hbm>>
      %dma_wait3A_139 = tpu.memref_squeeze %dma_wait3A_138 : memref<1x128x128xf32, #tpu.memory_space<hbm>> -> memref<128x128xf32, #tpu.memory_space<hbm>>
      tpu.wait_dma2 semaphore(%run_scoped3A : memref<!tpu.dma_semaphore, #tpu.memory_space<semaphore_mem>>) src(%arg9 : memref<128x128xf32, #tpu.memory_space<vmem>>) dst(%dma_wait3A_139 : memref<128x128xf32, #tpu.memory_space<hbm>>)
      tpu.yield
    }) : () -> ()
    %dma_start3A_22 = arith.constant 1 : i32
    %dma_start3A_23 = arith.constant 0 : i32
    %dma_start3A_24 = tpu.memref_slice %arg8[%dma_start3A_22, %dma_start3A_23] : memref<5x128xi32, #tpu.memory_space<vmem>> -> memref<1x128xi32, #tpu.memory_space<vmem>>
    %dma_start3A_25 = tpu.memref_squeeze %dma_start3A_24 : memref<1x128xi32, #tpu.memory_space<vmem>> -> memref<128xi32, #tpu.memory_space<vmem>>
    %dma_start3A_26 = arith.constant 0 : i32
    %dma_start3A_27 = arith.constant 0 : i32
    %dma_start3A_28 = tpu.memref_slice %arg2[%arg0, %dma_start3A_26, %dma_start3A_27] : memref<2x118x128xf32, #tpu.memory_space<hbm>> -> memref<1x118x128xf32, #tpu.memory_space<hbm>>
    %dma_start3A_29 = tpu.memref_squeeze %dma_start3A_28 : memref<1x118x128xf32, #tpu.memory_space<hbm>> -> memref<118x128xf32, #tpu.memory_space<hbm>>
    %dma_start3A_30 = arith.constant 0 : i32
    %dma_start3A_31 = arith.constant 0 : i32
    %dma_start3A_32 = tpu.memref_slice %dma_start3A_29[%dma_start3A_30, %dma_start3A_31] : memref<118x128xf32, #tpu.memory_space<hbm>> -> memref<118x128xf32, #tpu.memory_space<hbm>>
    tpu.enqueue_indirect_dma source(%dma_start3A_32 : memref<118x128xf32, #tpu.memory_space<hbm>>) target(%arg9 : memref<128x128xf32, #tpu.memory_space<vmem>>) offsets(%dma_start3A_25 : memref<128xi32, #tpu.memory_space<vmem>>) semaphore(%arg13 : memref<!tpu.dma_semaphore, #tpu.memory_space<semaphore_mem>>)
    %dma_wait3A_33 = arith.constant 1 : i32
    %dma_wait3A_34 = arith.constant 0 : i32
    %dma_wait3A_35 = tpu.memref_slice %arg8[%dma_wait3A_33, %dma_wait3A_34] : memref<5x128xi32, #tpu.memory_space<vmem>> -> memref<1x128xi32, #tpu.memory_space<vmem>>
    %dma_wait3A_36 = tpu.memref_squeeze %dma_wait3A_35 : memref<1x128xi32, #tpu.memory_space<vmem>> -> memref<128xi32, #tpu.memory_space<vmem>>
    %dma_wait3A_37 = arith.constant 0 : i32
    %dma_wait3A_38 = arith.constant 0 : i32
    %dma_wait3A_39 = tpu.memref_slice %arg2[%arg0, %dma_wait3A_37, %dma_wait3A_38] : memref<2x118x128xf32, #tpu.memory_space<hbm>> -> memref<1x118x128xf32, #tpu.memory_space<hbm>>
    %dma_wait3A_40 = tpu.memref_squeeze %dma_wait3A_39 : memref<1x118x128xf32, #tpu.memory_space<hbm>> -> memref<118x128xf32, #tpu.memory_space<hbm>>
    %dma_wait3A_41 = arith.constant 0 : i32
    %dma_wait3A_42 = arith.constant 0 : i32
    %dma_wait3A_43 = tpu.memref_slice %dma_wait3A_40[%dma_wait3A_41, %dma_wait3A_42] : memref<118x128xf32, #tpu.memory_space<hbm>> -> memref<118x128xf32, #tpu.memory_space<hbm>>
    tpu.wait_indirect_dma semaphore(%arg13 : memref<!tpu.dma_semaphore, #tpu.memory_space<semaphore_mem>>) src(%dma_wait3A_43 : memref<118x128xf32, #tpu.memory_space<hbm>>) dst(%arg9 : memref<128x128xf32, #tpu.memory_space<vmem>>)
    %mul3A_44 = arith.constant 640 : i32
    %mul3A_45 = arith.muli %arg1, %mul3A_44 : i32
    %add3A_46 = arith.constant 128 : i32
    %add3A_47 = arith.addi %mul3A_45, %add3A_46 : i32
    "tpu.region"() ({
      %run_scoped3A = tpu.sem_alloc : memref<!tpu.dma_semaphore, #tpu.memory_space<semaphore_mem>>
      %dma_start3A_128 = arith.constant 0 : i32
      %dma_start3A_129 = tpu.memref_slice %arg6[%arg0, %add3A_47, %dma_start3A_128] : memref<2x10240x128xf32, #tpu.memory_space<hbm>> -> memref<1x128x128xf32, #tpu.memory_space<hbm>>
      %dma_start3A_130 = tpu.memref_squeeze %dma_start3A_129 : memref<1x128x128xf32, #tpu.memory_space<hbm>> -> memref<128x128xf32, #tpu.memory_space<hbm>>
      %dma_start3A_131 = arith.constant 0 : i32
      %dma_start3A_132 = tpu.memref_slice %arg6[%arg0, %add3A_47, %dma_start3A_131] : memref<2x10240x128xf32, #tpu.memory_space<hbm>> -> memref<1x128x128xf32, #tpu.memory_space<hbm>>
      %dma_start3A_133 = tpu.memref_squeeze %dma_start3A_132 : memref<1x128x128xf32, #tpu.memory_space<hbm>> -> memref<128x128xf32, #tpu.memory_space<hbm>>
      tpu.enqueue_dma source(%arg9 : memref<128x128xf32, #tpu.memory_space<vmem>>) target(%dma_start3A_133 : memref<128x128xf32, #tpu.memory_space<hbm>>) target_semaphore(%run_scoped3A : memref<!tpu.dma_semaphore, #tpu.memory_space<semaphore_mem>>)
      %dma_wait3A_134 = arith.constant 0 : i32
      %dma_wait3A_135 = tpu.memref_slice %arg6[%arg0, %add3A_47, %dma_wait3A_134] : memref<2x10240x128xf32, #tpu.memory_space<hbm>> -> memref<1x128x128xf32, #tpu.memory_space<hbm>>
      %dma_wait3A_136 = tpu.memref_squeeze %dma_wait3A_135 : memref<1x128x128xf32, #tpu.memory_space<hbm>> -> memref<128x128xf32, #tpu.memory_space<hbm>>
      %dma_wait3A_137 = arith.constant 0 : i32
      %dma_wait3A_138 = tpu.memref_slice %arg6[%arg0, %add3A_47, %dma_wait3A_137] : memref<2x10240x128xf32, #tpu.memory_space<hbm>> -> memref<1x128x128xf32, #tpu.memory_space<hbm>>
      %dma_wait3A_139 = tpu.memref_squeeze %dma_wait3A_138 : memref<1x128x128xf32, #tpu.memory_space<hbm>> -> memref<128x128xf32, #tpu.memory_space<hbm>>
      tpu.wait_dma2 semaphore(%run_scoped3A : memref<!tpu.dma_semaphore, #tpu.memory_space<semaphore_mem>>) src(%arg9 : memref<128x128xf32, #tpu.memory_space<vmem>>) dst(%dma_wait3A_139 : memref<128x128xf32, #tpu.memory_space<hbm>>)
      tpu.yield
    }) : () -> ()
    %dma_start3A_48 = arith.constant 2 : i32
    %dma_start3A_49 = arith.constant 0 : i32
    %dma_start3A_50 = tpu.memref_slice %arg8[%dma_start3A_48, %dma_start3A_49] : memref<5x128xi32, #tpu.memory_space<vmem>> -> memref<1x128xi32, #tpu.memory_space<vmem>>
    %dma_start3A_51 = tpu.memref_squeeze %dma_start3A_50 : memref<1x128xi32, #tpu.memory_space<vmem>> -> memref<128xi32, #tpu.memory_space<vmem>>
    %dma_start3A_52 = arith.constant 0 : i32
    %dma_start3A_53 = arith.constant 0 : i32
    %dma_start3A_54 = tpu.memref_slice %arg2[%arg0, %dma_start3A_52, %dma_start3A_53] : memref<2x118x128xf32, #tpu.memory_space<hbm>> -> memref<1x118x128xf32, #tpu.memory_space<hbm>>
    %dma_start3A_55 = tpu.memref_squeeze %dma_start3A_54 : memref<1x118x128xf32, #tpu.memory_space<hbm>> -> memref<118x128xf32, #tpu.memory_space<hbm>>
    %dma_start3A_56 = arith.constant 0 : i32
    %dma_start3A_57 = arith.constant 0 : i32
    %dma_start3A_58 = tpu.memref_slice %dma_start3A_55[%dma_start3A_56, %dma_start3A_57] : memref<118x128xf32, #tpu.memory_space<hbm>> -> memref<118x128xf32, #tpu.memory_space<hbm>>
    tpu.enqueue_indirect_dma source(%dma_start3A_58 : memref<118x128xf32, #tpu.memory_space<hbm>>) target(%arg9 : memref<128x128xf32, #tpu.memory_space<vmem>>) offsets(%dma_start3A_51 : memref<128xi32, #tpu.memory_space<vmem>>) semaphore(%arg13 : memref<!tpu.dma_semaphore, #tpu.memory_space<semaphore_mem>>)
    %dma_wait3A_59 = arith.constant 2 : i32
    %dma_wait3A_60 = arith.constant 0 : i32
    %dma_wait3A_61 = tpu.memref_slice %arg8[%dma_wait3A_59, %dma_wait3A_60] : memref<5x128xi32, #tpu.memory_space<vmem>> -> memref<1x128xi32, #tpu.memory_space<vmem>>
    %dma_wait3A_62 = tpu.memref_squeeze %dma_wait3A_61 : memref<1x128xi32, #tpu.memory_space<vmem>> -> memref<128xi32, #tpu.memory_space<vmem>>
    %dma_wait3A_63 = arith.constant 0 : i32
    %dma_wait3A_64 = arith.constant 0 : i32
    %dma_wait3A_65 = tpu.memref_slice %arg2[%arg0, %dma_wait3A_63, %dma_wait3A_64] : memref<2x118x128xf32, #tpu.memory_space<hbm>> -> memref<1x118x128xf32, #tpu.memory_space<hbm>>
    %dma_wait3A_66 = tpu.memref_squeeze %dma_wait3A_65 : memref<1x118x128xf32, #tpu.memory_space<hbm>> -> memref<118x128xf32, #tpu.memory_space<hbm>>
    %dma_wait3A_67 = arith.constant 0 : i32
    %dma_wait3A_68 = arith.constant 0 : i32
    %dma_wait3A_69 = tpu.memref_slice %dma_wait3A_66[%dma_wait3A_67, %dma_wait3A_68] : memref<118x128xf32, #tpu.memory_space<hbm>> -> memref<118x128xf32, #tpu.memory_space<hbm>>
    tpu.wait_indirect_dma semaphore(%arg13 : memref<!tpu.dma_semaphore, #tpu.memory_space<semaphore_mem>>) src(%dma_wait3A_69 : memref<118x128xf32, #tpu.memory_space<hbm>>) dst(%arg9 : memref<128x128xf32, #tpu.memory_space<vmem>>)
    %mul3A_70 = arith.constant 640 : i32
    %mul3A_71 = arith.muli %arg1, %mul3A_70 : i32
    %add3A_72 = arith.constant 256 : i32
    %add3A_73 = arith.addi %mul3A_71, %add3A_72 : i32
    "tpu.region"() ({
      %run_scoped3A = tpu.sem_alloc : memref<!tpu.dma_semaphore, #tpu.memory_space<semaphore_mem>>
      %dma_start3A_128 = arith.constant 0 : i32
      %dma_start3A_129 = tpu.memref_slice %arg6[%arg0, %add3A_73, %dma_start3A_128] : memref<2x10240x128xf32, #tpu.memory_space<hbm>> -> memref<1x128x128xf32, #tpu.memory_space<hbm>>
      %dma_start3A_130 = tpu.memref_squeeze %dma_start3A_129 : memref<1x128x128xf32, #tpu.memory_space<hbm>> -> memref<128x128xf32, #tpu.memory_space<hbm>>
      %dma_start3A_131 = arith.constant 0 : i32
      %dma_start3A_132 = tpu.memref_slice %arg6[%arg0, %add3A_73, %dma_start3A_131] : memref<2x10240x128xf32, #tpu.memory_space<hbm>> -> memref<1x128x128xf32, #tpu.memory_space<hbm>>
      %dma_start3A_133 = tpu.memref_squeeze %dma_start3A_132 : memref<1x128x128xf32, #tpu.memory_space<hbm>> -> memref<128x128xf32, #tpu.memory_space<hbm>>
      tpu.enqueue_dma source(%arg9 : memref<128x128xf32, #tpu.memory_space<vmem>>) target(%dma_start3A_133 : memref<128x128xf32, #tpu.memory_space<hbm>>) target_semaphore(%run_scoped3A : memref<!tpu.dma_semaphore, #tpu.memory_space<semaphore_mem>>)
      %dma_wait3A_134 = arith.constant 0 : i32
      %dma_wait3A_135 = tpu.memref_slice %arg6[%arg0, %add3A_73, %dma_wait3A_134] : memref<2x10240x128xf32, #tpu.memory_space<hbm>> -> memref<1x128x128xf32, #tpu.memory_space<hbm>>
      %dma_wait3A_136 = tpu.memref_squeeze %dma_wait3A_135 : memref<1x128x128xf32, #tpu.memory_space<hbm>> -> memref<128x128xf32, #tpu.memory_space<hbm>>
      %dma_wait3A_137 = arith.constant 0 : i32
      %dma_wait3A_138 = tpu.memref_slice %arg6[%arg0, %add3A_73, %dma_wait3A_137] : memref<2x10240x128xf32, #tpu.memory_space<hbm>> -> memref<1x128x128xf32, #tpu.memory_space<hbm>>
      %dma_wait3A_139 = tpu.memref_squeeze %dma_wait3A_138 : memref<1x128x128xf32, #tpu.memory_space<hbm>> -> memref<128x128xf32, #tpu.memory_space<hbm>>
      tpu.wait_dma2 semaphore(%run_scoped3A : memref<!tpu.dma_semaphore, #tpu.memory_space<semaphore_mem>>) src(%arg9 : memref<128x128xf32, #tpu.memory_space<vmem>>) dst(%dma_wait3A_139 : memref<128x128xf32, #tpu.memory_space<hbm>>)
      tpu.yield
    }) : () -> ()
    %dma_start3A_74 = arith.constant 3 : i32
    %dma_start3A_75 = arith.constant 0 : i32
    %dma_start3A_76 = tpu.memref_slice %arg8[%dma_start3A_74, %dma_start3A_75] : memref<5x128xi32, #tpu.memory_space<vmem>> -> memref<1x128xi32, #tpu.memory_space<vmem>>
    %dma_start3A_77 = tpu.memref_squeeze %dma_start3A_76 : memref<1x128xi32, #tpu.memory_space<vmem>> -> memref<128xi32, #tpu.memory_space<vmem>>
    %dma_start3A_78 = arith.constant 0 : i32
    %dma_start3A_79 = arith.constant 0 : i32
    %dma_start3A_80 = tpu.memref_slice %arg2[%arg0, %dma_start3A_78, %dma_start3A_79] : memref<2x118x128xf32, #tpu.memory_space<hbm>> -> memref<1x118x128xf32, #tpu.memory_space<hbm>>
    %dma_start3A_81 = tpu.memref_squeeze %dma_start3A_80 : memref<1x118x128xf32, #tpu.memory_space<hbm>> -> memref<118x128xf32, #tpu.memory_space<hbm>>
    %dma_start3A_82 = arith.constant 0 : i32
    %dma_start3A_83 = arith.constant 0 : i32
    %dma_start3A_84 = tpu.memref_slice %dma_start3A_81[%dma_start3A_82, %dma_start3A_83] : memref<118x128xf32, #tpu.memory_space<hbm>> -> memref<118x128xf32, #tpu.memory_space<hbm>>
    tpu.enqueue_indirect_dma source(%dma_start3A_84 : memref<118x128xf32, #tpu.memory_space<hbm>>) target(%arg9 : memref<128x128xf32, #tpu.memory_space<vmem>>) offsets(%dma_start3A_77 : memref<128xi32, #tpu.memory_space<vmem>>) semaphore(%arg13 : memref<!tpu.dma_semaphore, #tpu.memory_space<semaphore_mem>>)
    %dma_wait3A_85 = arith.constant 3 : i32
    %dma_wait3A_86 = arith.constant 0 : i32
    %dma_wait3A_87 = tpu.memref_slice %arg8[%dma_wait3A_85, %dma_wait3A_86] : memref<5x128xi32, #tpu.memory_space<vmem>> -> memref<1x128xi32, #tpu.memory_space<vmem>>
    %dma_wait3A_88 = tpu.memref_squeeze %dma_wait3A_87 : memref<1x128xi32, #tpu.memory_space<vmem>> -> memref<128xi32, #tpu.memory_space<vmem>>
    %dma_wait3A_89 = arith.constant 0 : i32
    %dma_wait3A_90 = arith.constant 0 : i32
    %dma_wait3A_91 = tpu.memref_slice %arg2[%arg0, %dma_wait3A_89, %dma_wait3A_90] : memref<2x118x128xf32, #tpu.memory_space<hbm>> -> memref<1x118x128xf32, #tpu.memory_space<hbm>>
    %dma_wait3A_92 = tpu.memref_squeeze %dma_wait3A_91 : memref<1x118x128xf32, #tpu.memory_space<hbm>> -> memref<118x128xf32, #tpu.memory_space<hbm>>
    %dma_wait3A_93 = arith.constant 0 : i32
    %dma_wait3A_94 = arith.constant 0 : i32
    %dma_wait3A_95 = tpu.memref_slice %dma_wait3A_92[%dma_wait3A_93, %dma_wait3A_94] : memref<118x128xf32, #tpu.memory_space<hbm>> -> memref<118x128xf32, #tpu.memory_space<hbm>>
    tpu.wait_indirect_dma semaphore(%arg13 : memref<!tpu.dma_semaphore, #tpu.memory_space<semaphore_mem>>) src(%dma_wait3A_95 : memref<118x128xf32, #tpu.memory_space<hbm>>) dst(%arg9 : memref<128x128xf32, #tpu.memory_space<vmem>>)
    %mul3A_96 = arith.constant 640 : i32
    %mul3A_97 = arith.muli %arg1, %mul3A_96 : i32
    %add3A_98 = arith.constant 384 : i32
    %add3A_99 = arith.addi %mul3A_97, %add3A_98 : i32
    "tpu.region"() ({
      %run_scoped3A = tpu.sem_alloc : memref<!tpu.dma_semaphore, #tpu.memory_space<semaphore_mem>>
      %dma_start3A_128 = arith.constant 0 : i32
      %dma_start3A_129 = tpu.memref_slice %arg6[%arg0, %add3A_99, %dma_start3A_128] : memref<2x10240x128xf32, #tpu.memory_space<hbm>> -> memref<1x128x128xf32, #tpu.memory_space<hbm>>
      %dma_start3A_130 = tpu.memref_squeeze %dma_start3A_129 : memref<1x128x128xf32, #tpu.memory_space<hbm>> -> memref<128x128xf32, #tpu.memory_space<hbm>>
      %dma_start3A_131 = arith.constant 0 : i32
      %dma_start3A_132 = tpu.memref_slice %arg6[%arg0, %add3A_99, %dma_start3A_131] : memref<2x10240x128xf32, #tpu.memory_space<hbm>> -> memref<1x128x128xf32, #tpu.memory_space<hbm>>
      %dma_start3A_133 = tpu.memref_squeeze %dma_start3A_132 : memref<1x128x128xf32, #tpu.memory_space<hbm>> -> memref<128x128xf32, #tpu.memory_space<hbm>>
      tpu.enqueue_dma source(%arg9 : memref<128x128xf32, #tpu.memory_space<vmem>>) target(%dma_start3A_133 : memref<128x128xf32, #tpu.memory_space<hbm>>) target_semaphore(%run_scoped3A : memref<!tpu.dma_semaphore, #tpu.memory_space<semaphore_mem>>)
      %dma_wait3A_134 = arith.constant 0 : i32
      %dma_wait3A_135 = tpu.memref_slice %arg6[%arg0, %add3A_99, %dma_wait3A_134] : memref<2x10240x128xf32, #tpu.memory_space<hbm>> -> memref<1x128x128xf32, #tpu.memory_space<hbm>>
      %dma_wait3A_136 = tpu.memref_squeeze %dma_wait3A_135 : memref<1x128x128xf32, #tpu.memory_space<hbm>> -> memref<128x128xf32, #tpu.memory_space<hbm>>
      %dma_wait3A_137 = arith.constant 0 : i32
      %dma_wait3A_138 = tpu.memref_slice %arg6[%arg0, %add3A_99, %dma_wait3A_137] : memref<2x10240x128xf32, #tpu.memory_space<hbm>> -> memref<1x128x128xf32, #tpu.memory_space<hbm>>
      %dma_wait3A_139 = tpu.memref_squeeze %dma_wait3A_138 : memref<1x128x128xf32, #tpu.memory_space<hbm>> -> memref<128x128xf32, #tpu.memory_space<hbm>>
      tpu.wait_dma2 semaphore(%run_scoped3A : memref<!tpu.dma_semaphore, #tpu.memory_space<semaphore_mem>>) src(%arg9 : memref<128x128xf32, #tpu.memory_space<vmem>>) dst(%dma_wait3A_139 : memref<128x128xf32, #tpu.memory_space<hbm>>)
      tpu.yield
    }) : () -> ()
    %dma_start3A_100 = arith.constant 4 : i32
    %dma_start3A_101 = arith.constant 0 : i32
    %dma_start3A_102 = tpu.memref_slice %arg8[%dma_start3A_100, %dma_start3A_101] : memref<5x128xi32, #tpu.memory_space<vmem>> -> memref<1x128xi32, #tpu.memory_space<vmem>>
    %dma_start3A_103 = tpu.memref_squeeze %dma_start3A_102 : memref<1x128xi32, #tpu.memory_space<vmem>> -> memref<128xi32, #tpu.memory_space<vmem>>
    %dma_start3A_104 = arith.constant 0 : i32
    %dma_start3A_105 = arith.constant 0 : i32
    %dma_start3A_106 = tpu.memref_slice %arg2[%arg0, %dma_start3A_104, %dma_start3A_105] : memref<2x118x128xf32, #tpu.memory_space<hbm>> -> memref<1x118x128xf32, #tpu.memory_space<hbm>>
    %dma_start3A_107 = tpu.memref_squeeze %dma_start3A_106 : memref<1x118x128xf32, #tpu.memory_space<hbm>> -> memref<118x128xf32, #tpu.memory_space<hbm>>
    %dma_start3A_108 = arith.constant 0 : i32
    %dma_start3A_109 = arith.constant 0 : i32
    %dma_start3A_110 = tpu.memref_slice %dma_start3A_107[%dma_start3A_108, %dma_start3A_109] : memref<118x128xf32, #tpu.memory_space<hbm>> -> memref<118x128xf32, #tpu.memory_space<hbm>>
    tpu.enqueue_indirect_dma source(%dma_start3A_110 : memref<118x128xf32, #tpu.memory_space<hbm>>) target(%arg9 : memref<128x128xf32, #tpu.memory_space<vmem>>) offsets(%dma_start3A_103 : memref<128xi32, #tpu.memory_space<vmem>>) semaphore(%arg13 : memref<!tpu.dma_semaphore, #tpu.memory_space<semaphore_mem>>)
    %dma_wait3A_111 = arith.constant 4 : i32
    %dma_wait3A_112 = arith.constant 0 : i32
    %dma_wait3A_113 = tpu.memref_slice %arg8[%dma_wait3A_111, %dma_wait3A_112] : memref<5x128xi32, #tpu.memory_space<vmem>> -> memref<1x128xi32, #tpu.memory_space<vmem>>
    %dma_wait3A_114 = tpu.memref_squeeze %dma_wait3A_113 : memref<1x128xi32, #tpu.memory_space<vmem>> -> memref<128xi32, #tpu.memory_space<vmem>>
    %dma_wait3A_115 = arith.constant 0 : i32
    %dma_wait3A_116 = arith.constant 0 : i32
    %dma_wait3A_117 = tpu.memref_slice %arg2[%arg0, %dma_wait3A_115, %dma_wait3A_116] : memref<2x118x128xf32, #tpu.memory_space<hbm>> -> memref<1x118x128xf32, #tpu.memory_space<hbm>>
    %dma_wait3A_118 = tpu.memref_squeeze %dma_wait3A_117 : memref<1x118x128xf32, #tpu.memory_space<hbm>> -> memref<118x128xf32, #tpu.memory_space<hbm>>
    %dma_wait3A_119 = arith.constant 0 : i32
    %dma_wait3A_120 = arith.constant 0 : i32
    %dma_wait3A_121 = tpu.memref_slice %dma_wait3A_118[%dma_wait3A_119, %dma_wait3A_120] : memref<118x128xf32, #tpu.memory_space<hbm>> -> memref<118x128xf32, #tpu.memory_space<hbm>>
    tpu.wait_indirect_dma semaphore(%arg13 : memref<!tpu.dma_semaphore, #tpu.memory_space<semaphore_mem>>) src(%dma_wait3A_121 : memref<118x128xf32, #tpu.memory_space<hbm>>) dst(%arg9 : memref<128x128xf32, #tpu.memory_space<vmem>>)
    %mul3A_122 = arith.constant 640 : i32
    %mul3A_123 = arith.muli %arg1, %mul3A_122 : i32
    %add3A_124 = arith.constant 512 : i32
    %add3A_125 = arith.addi %mul3A_123, %add3A_124 : i32
    "tpu.region"() ({
      %run_scoped3A = tpu.sem_alloc : memref<!tpu.dma_semaphore, #tpu.memory_space<semaphore_mem>>
      %dma_start3A_128 = arith.constant 0 : i32
      %dma_start3A_129 = tpu.memref_slice %arg6[%arg0, %add3A_125, %dma_start3A_128] : memref<2x10240x128xf32, #tpu.memory_space<hbm>> -> memref<1x128x128xf32, #tpu.memory_space<hbm>>
      %dma_start3A_130 = tpu.memref_squeeze %dma_start3A_129 : memref<1x128x128xf32, #tpu.memory_space<hbm>> -> memref<128x128xf32, #tpu.memory_space<hbm>>
      %dma_start3A_131 = arith.constant 0 : i32
      %dma_start3A_132 = tpu.memref_slice %arg6[%arg0, %add3A_125, %dma_start3A_131] : memref<2x10240x128xf32, #tpu.memory_space<hbm>> -> memref<1x128x128xf32, #tpu.memory_space<hbm>>
      %dma_start3A_133 = tpu.memref_squeeze %dma_start3A_132 : memref<1x128x128xf32, #tpu.memory_space<hbm>> -> memref<128x128xf32, #tpu.memory_space<hbm>>
      tpu.enqueue_dma source(%arg9 : memref<128x128xf32, #tpu.memory_space<vmem>>) target(%dma_start3A_133 : memref<128x128xf32, #tpu.memory_space<hbm>>) target_semaphore(%run_scoped3A : memref<!tpu.dma_semaphore, #tpu.memory_space<semaphore_mem>>)
      %dma_wait3A_134 = arith.constant 0 : i32
      %dma_wait3A_135 = tpu.memref_slice %arg6[%arg0, %add3A_125, %dma_wait3A_134] : memref<2x10240x128xf32, #tpu.memory_space<hbm>> -> memref<1x128x128xf32, #tpu.memory_space<hbm>>
      %dma_wait3A_136 = tpu.memref_squeeze %dma_wait3A_135 : memref<1x128x128xf32, #tpu.memory_space<hbm>> -> memref<128x128xf32, #tpu.memory_space<hbm>>
      %dma_wait3A_137 = arith.constant 0 : i32
      %dma_wait3A_138 = tpu.memref_slice %arg6[%arg0, %add3A_125, %dma_wait3A_137] : memref<2x10240x128xf32, #tpu.memory_space<hbm>> -> memref<1x128x128xf32, #tpu.memory_space<hbm>>
      %dma_wait3A_139 = tpu.memref_squeeze %dma_wait3A_138 : memref<1x128x128xf32, #tpu.memory_space<hbm>> -> memref<128x128xf32, #tpu.memory_space<hbm>>
      tpu.wait_dma2 semaphore(%run_scoped3A : memref<!tpu.dma_semaphore, #tpu.memory_space<semaphore_mem>>) src(%arg9 : memref<128x128xf32, #tpu.memory_space<vmem>>) dst(%dma_wait3A_139 : memref<128x128xf32, #tpu.memory_space<hbm>>)
      tpu.yield
    }) : () -> ()
    %eq3A = arith.constant 0 : i32
    %eq3A_126 = arith.cmpi eq, %arg0, %eq3A : i32
    %convert_element_type3A = arith.extui %eq3A_126 : i1 to i32
    %cond3A = arith.constant 0 : i32
    %cond3A_127 = arith.cmpi ne, %convert_element_type3A, %cond3A : i32
    scf.if %cond3A_127 {
      %mul3A_128 = arith.constant 10240 : i32
      %mul3A_129 = arith.muli %arg1, %mul3A_128 : i32
      "tpu.region"() ({
        %run_scoped3A = tpu.sem_alloc : memref<!tpu.dma_semaphore, #tpu.memory_space<semaphore_mem>>
        %dma_start3A_135 = tpu.memref_slice %arg4[%mul3A_129] : memref<163840xi32, #tpu.memory_space<hbm>> -> memref<10240xi32, #tpu.memory_space<hbm>>
        %dma_start3A_136 = tpu.memref_slice %arg4[%mul3A_129] : memref<163840xi32, #tpu.memory_space<hbm>> -> memref<10240xi32, #tpu.memory_space<hbm>>
        tpu.enqueue_dma source(%dma_start3A_136 : memref<10240xi32, #tpu.memory_space<hbm>>) target(%arg10 : memref<10240xi32, #tpu.memory_space<vmem>>) target_semaphore(%run_scoped3A : memref<!tpu.dma_semaphore, #tpu.memory_space<semaphore_mem>>)
        %dma_wait3A_137 = tpu.memref_slice %arg4[%mul3A_129] : memref<163840xi32, #tpu.memory_space<hbm>> -> memref<10240xi32, #tpu.memory_space<hbm>>
        %dma_wait3A_138 = tpu.memref_slice %arg4[%mul3A_129] : memref<163840xi32, #tpu.memory_space<hbm>> -> memref<10240xi32, #tpu.memory_space<hbm>>
        tpu.wait_dma2 semaphore(%run_scoped3A : memref<!tpu.dma_semaphore, #tpu.memory_space<semaphore_mem>>) src(%dma_wait3A_138 : memref<10240xi32, #tpu.memory_space<hbm>>) dst(%arg10 : memref<10240xi32, #tpu.memory_space<vmem>>)
        tpu.yield
      }) : () -> ()
      "tpu.region"() ({
        %run_scoped3A = tpu.sem_alloc : memref<!tpu.dma_semaphore, #tpu.memory_space<semaphore_mem>>
        %dma_start3A_135 = tpu.memref_slice %arg5[%mul3A_129] : memref<163840xi32, #tpu.memory_space<hbm>> -> memref<10240xi32, #tpu.memory_space<hbm>>
        %dma_start3A_136 = tpu.memref_slice %arg5[%mul3A_129] : memref<163840xi32, #tpu.memory_space<hbm>> -> memref<10240xi32, #tpu.memory_space<hbm>>
        tpu.enqueue_dma source(%dma_start3A_136 : memref<10240xi32, #tpu.memory_space<hbm>>) target(%arg11 : memref<10240xi32, #tpu.memory_space<vmem>>) target_semaphore(%run_scoped3A : memref<!tpu.dma_semaphore, #tpu.memory_space<semaphore_mem>>)
        %dma_wait3A_137 = tpu.memref_slice %arg5[%mul3A_129] : memref<163840xi32, #tpu.memory_space<hbm>> -> memref<10240xi32, #tpu.memory_space<hbm>>
        %dma_wait3A_138 = tpu.memref_slice %arg5[%mul3A_129] : memref<163840xi32, #tpu.memory_space<hbm>> -> memref<10240xi32, #tpu.memory_space<hbm>>
        tpu.wait_dma2 semaphore(%run_scoped3A : memref<!tpu.dma_semaphore, #tpu.memory_space<semaphore_mem>>) src(%dma_wait3A_138 : memref<10240xi32, #tpu.memory_space<hbm>>) dst(%arg11 : memref<10240xi32, #tpu.memory_space<vmem>>)
        tpu.yield
      }) : () -> ()
      %scan3A = arith.constant 0 : i32
      %scan3A_130 = arith.constant 0 : i32
      %scan3A_131 = arith.constant 640 : i32
      %scan3A_132 = arith.addi %scan3A_130, %scan3A_131 : i32
      %scan3A_133 = arith.constant 1 : i32
      scf.for %scan3A_135 = %scan3A_130 to %scan3A_132 step %scan3A_133  : i32 {
        %mul3A_136 = arith.constant 16 : i32
        %mul3A_137 = arith.muli %scan3A_135, %mul3A_136 : i32
        %get3A = arith.index_cast %mul3A_137 : i32 to index
        %get3A_138 = tpu.vector_load %arg10[%get3A] {strides = array<i32>} : memref<10240xi32, #tpu.memory_space<vmem>>, vector<16xi32>,
        %get3A_139 = vector.shape_cast %get3A_138 : vector<16xi32> to vector<16xi32>
        %mul3A_140 = arith.constant 16 : i32
        %mul3A_141 = arith.muli %scan3A_135, %mul3A_140 : i32
        %get3A_142 = arith.index_cast %mul3A_141 : i32 to index
        %get3A_143 = tpu.vector_load %arg11[%get3A_142] {strides = array<i32>} : memref<10240xi32, #tpu.memory_space<vmem>>, vector<16xi32>,
        %get3A_144 = vector.shape_cast %get3A_143 : vector<16xi32> to vector<16xi32>
        %mul3A_145 = arith.constant 10240 : i32
        %mul3A_146 = vector.broadcast %mul3A_145 : i32 to vector<16xi32>
        %mul3A_147 = arith.muli %get3A_144, %mul3A_146 : vector<16xi32>
        %add3A_148 = arith.addi %mul3A_147, %get3A_139 : vector<16xi32>
        %mul3A_149 = arith.constant 16 : i32
        %mul3A_150 = arith.muli %scan3A_135, %mul3A_149 : i32
        %swap3A = arith.index_cast %mul3A_150 : i32 to index
        %swap3A_151 = tpu.vector_load %arg12[%swap3A] {strides = array<i32>} : memref<10240xi32, #tpu.memory_space<vmem>>, vector<16xi32>,
        %swap3A_152 = vector.shape_cast %swap3A_151 : vector<16xi32> to vector<16xi32>
        %swap3A_153 = vector.shape_cast %add3A_148 : vector<16xi32> to vector<16xi32>
        tpu.vector_store %arg12[%swap3A], %swap3A_153 {strides = array<i32>} : memref<10240xi32, #tpu.memory_space<vmem>>, vector<16xi32>,
      }
      %scan3A_134 = arith.constant 640 : i32
      "tpu.region"() ({
        %run_scoped3A = tpu.sem_alloc : memref<!tpu.dma_semaphore, #tpu.memory_space<semaphore_mem>>
        %dma_start3A_135 = tpu.memref_slice %arg7[%mul3A_129] : memref<163840xi32, #tpu.memory_space<hbm>> -> memref<10240xi32, #tpu.memory_space<hbm>>
        %dma_start3A_136 = tpu.memref_slice %arg7[%mul3A_129] : memref<163840xi32, #tpu.memory_space<hbm>> -> memref<10240xi32, #tpu.memory_space<hbm>>
        tpu.enqueue_dma source(%arg12 : memref<10240xi32, #tpu.memory_space<vmem>>) target(%dma_start3A_136 : memref<10240xi32, #tpu.memory_space<hbm>>) target_semaphore(%run_scoped3A : memref<!tpu.dma_semaphore, #tpu.memory_space<semaphore_mem>>)
        %dma_wait3A_137 = tpu.memref_slice %arg7[%mul3A_129] : memref<163840xi32, #tpu.memory_space<hbm>> -> memref<10240xi32, #tpu.memory_space<hbm>>
        %dma_wait3A_138 = tpu.memref_slice %arg7[%mul3A_129] : memref<163840xi32, #tpu.memory_space<hbm>> -> memref<10240xi32, #tpu.memory_space<hbm>>
        tpu.wait_dma2 semaphore(%run_scoped3A : memref<!tpu.dma_semaphore, #tpu.memory_space<semaphore_mem>>) src(%arg12 : memref<10240xi32, #tpu.memory_space<vmem>>) dst(%dma_wait3A_138 : memref<10240xi32, #tpu.memory_space<hbm>>)
        tpu.yield
      }) : () -> ()
    } else {
    }
    return
  }
}

#map = affine_map<(d0, d1) -> (0, 0, 0)>
module attributes {stable_mosaic.version = 14 : i64} {
  func.func @_sc_msg_body(%arg0: i32, %arg1: i32, %arg2: memref<2x40960x128xf32, #tpu.memory_space<hbm>>, %arg3: memref<2x10240x128xf32, #tpu.memory_space<hbm>>, %arg4: memref<16x80x128xi32, #tpu.memory_space<hbm>>, %arg5: memref<16x80x128xi32, #tpu.memory_space<hbm>>, %arg6: memref<2x10240x128xf32, #tpu.memory_space<hbm>>, %arg7: memref<10240x128xf32, #tpu.memory_space<vmem_shared>>, %arg8: memref<40x128xi32, #tpu.memory_space<vmem>>, %arg9: memref<40x128xi32, #tpu.memory_space<vmem>>, %arg10: memref<128x128xf32, #tpu.memory_space<vmem>>, %arg11: memref<128x128xf32, #tpu.memory_space<vmem>>, %arg12: memref<!tpu.dma_semaphore, #tpu.memory_space<semaphore_mem>>, %arg13: memref<!tpu.dma_semaphore, #tpu.memory_space<semaphore_mem>>, %arg14: memref<!tpu.dma_semaphore, #tpu.memory_space<semaphore_mem>>, %arg15: memref<!tpu.dma_semaphore, #tpu.memory_space<semaphore_mem>>) attributes {dimension_semantics = [#tpu.dimension_semantics<core_parallel>, #tpu.dimension_semantics<subcore_parallel>], iteration_bounds = array<i64: 2, 16>, scalar_prefetch = 0 : i64, scratch_operands = 9 : i64, tpu.core_type = #tpu.core_type<sc_vector_subcore>, window_params = [{transform_indices = #map}, {transform_indices = #map}, {transform_indices = #map}, {transform_indices = #map}, {transform_indices = #map}]} {
    %mul3A = arith.constant 640 : i32
    %mul3A_0 = arith.muli %arg1, %mul3A : i32
    "tpu.region"() ({
      %run_scoped3A = tpu.sem_alloc : memref<!tpu.dma_semaphore, #tpu.memory_space<semaphore_mem>>
      %dma_start3A_61 = arith.constant 0 : i32
      %dma_start3A_62 = tpu.memref_slice %arg7[%mul3A_0, %dma_start3A_61] : memref<10240x128xf32, #tpu.memory_space<vmem_shared>> -> memref<640x128xf32, #tpu.memory_space<vmem_shared>>
      %dma_start3A_63 = arith.constant 0 : i32
      %dma_start3A_64 = tpu.memref_slice %arg3[%arg0, %mul3A_0, %dma_start3A_63] : memref<2x10240x128xf32, #tpu.memory_space<hbm>> -> memref<1x640x128xf32, #tpu.memory_space<hbm>>
      %dma_start3A_65 = tpu.memref_squeeze %dma_start3A_64 : memref<1x640x128xf32, #tpu.memory_space<hbm>> -> memref<640x128xf32, #tpu.memory_space<hbm>>
      tpu.enqueue_dma source(%dma_start3A_65 : memref<640x128xf32, #tpu.memory_space<hbm>>) target(%dma_start3A_62 : memref<640x128xf32, #tpu.memory_space<vmem_shared>>) target_semaphore(%run_scoped3A : memref<!tpu.dma_semaphore, #tpu.memory_space<semaphore_mem>>)
      %dma_wait3A_66 = arith.constant 0 : i32
      %dma_wait3A_67 = tpu.memref_slice %arg7[%mul3A_0, %dma_wait3A_66] : memref<10240x128xf32, #tpu.memory_space<vmem_shared>> -> memref<640x128xf32, #tpu.memory_space<vmem_shared>>
      %dma_wait3A_68 = arith.constant 0 : i32
      %dma_wait3A_69 = tpu.memref_slice %arg3[%arg0, %mul3A_0, %dma_wait3A_68] : memref<2x10240x128xf32, #tpu.memory_space<hbm>> -> memref<1x640x128xf32, #tpu.memory_space<hbm>>
      %dma_wait3A_70 = tpu.memref_squeeze %dma_wait3A_69 : memref<1x640x128xf32, #tpu.memory_space<hbm>> -> memref<640x128xf32, #tpu.memory_space<hbm>>
      tpu.wait_dma2 semaphore(%run_scoped3A : memref<!tpu.dma_semaphore, #tpu.memory_space<semaphore_mem>>) src(%dma_wait3A_70 : memref<640x128xf32, #tpu.memory_space<hbm>>) dst(%dma_wait3A_67 : memref<640x128xf32, #tpu.memory_space<vmem_shared>>)
      tpu.yield
    }) : () -> ()
    %barrier3A = arith.constant 0 : index
    tpu.barrier barrier_id(%barrier3A)
    "tpu.region"() ({
      %run_scoped3A = tpu.sem_alloc : memref<!tpu.dma_semaphore, #tpu.memory_space<semaphore_mem>>
      %dma_start3A_61 = arith.constant 0 : i32
      %dma_start3A_62 = arith.constant 0 : i32
      %dma_start3A_63 = tpu.memref_slice %arg4[%arg1, %dma_start3A_61, %dma_start3A_62] : memref<16x80x128xi32, #tpu.memory_space<hbm>> -> memref<1x40x128xi32, #tpu.memory_space<hbm>>
      %dma_start3A_64 = tpu.memref_squeeze %dma_start3A_63 : memref<1x40x128xi32, #tpu.memory_space<hbm>> -> memref<40x128xi32, #tpu.memory_space<hbm>>
      %dma_start3A_65 = arith.constant 0 : i32
      %dma_start3A_66 = arith.constant 0 : i32
      %dma_start3A_67 = tpu.memref_slice %arg4[%arg1, %dma_start3A_65, %dma_start3A_66] : memref<16x80x128xi32, #tpu.memory_space<hbm>> -> memref<1x40x128xi32, #tpu.memory_space<hbm>>
      %dma_start3A_68 = tpu.memref_squeeze %dma_start3A_67 : memref<1x40x128xi32, #tpu.memory_space<hbm>> -> memref<40x128xi32, #tpu.memory_space<hbm>>
      tpu.enqueue_dma source(%dma_start3A_68 : memref<40x128xi32, #tpu.memory_space<hbm>>) target(%arg8 : memref<40x128xi32, #tpu.memory_space<vmem>>) target_semaphore(%run_scoped3A : memref<!tpu.dma_semaphore, #tpu.memory_space<semaphore_mem>>)
      %dma_wait3A_69 = arith.constant 0 : i32
      %dma_wait3A_70 = arith.constant 0 : i32
      %dma_wait3A_71 = tpu.memref_slice %arg4[%arg1, %dma_wait3A_69, %dma_wait3A_70] : memref<16x80x128xi32, #tpu.memory_space<hbm>> -> memref<1x40x128xi32, #tpu.memory_space<hbm>>
      %dma_wait3A_72 = tpu.memref_squeeze %dma_wait3A_71 : memref<1x40x128xi32, #tpu.memory_space<hbm>> -> memref<40x128xi32, #tpu.memory_space<hbm>>
      %dma_wait3A_73 = arith.constant 0 : i32
      %dma_wait3A_74 = arith.constant 0 : i32
      %dma_wait3A_75 = tpu.memref_slice %arg4[%arg1, %dma_wait3A_73, %dma_wait3A_74] : memref<16x80x128xi32, #tpu.memory_space<hbm>> -> memref<1x40x128xi32, #tpu.memory_space<hbm>>
      %dma_wait3A_76 = tpu.memref_squeeze %dma_wait3A_75 : memref<1x40x128xi32, #tpu.memory_space<hbm>> -> memref<40x128xi32, #tpu.memory_space<hbm>>
      tpu.wait_dma2 semaphore(%run_scoped3A : memref<!tpu.dma_semaphore, #tpu.memory_space<semaphore_mem>>) src(%dma_wait3A_76 : memref<40x128xi32, #tpu.memory_space<hbm>>) dst(%arg8 : memref<40x128xi32, #tpu.memory_space<vmem>>)
      tpu.yield
    }) : () -> ()
    "tpu.region"() ({
      %run_scoped3A = tpu.sem_alloc : memref<!tpu.dma_semaphore, #tpu.memory_space<semaphore_mem>>
      %dma_start3A_61 = arith.constant 0 : i32
      %dma_start3A_62 = arith.constant 0 : i32
      %dma_start3A_63 = tpu.memref_slice %arg5[%arg1, %dma_start3A_61, %dma_start3A_62] : memref<16x80x128xi32, #tpu.memory_space<hbm>> -> memref<1x40x128xi32, #tpu.memory_space<hbm>>
      %dma_start3A_64 = tpu.memref_squeeze %dma_start3A_63 : memref<1x40x128xi32, #tpu.memory_space<hbm>> -> memref<40x128xi32, #tpu.memory_space<hbm>>
      %dma_start3A_65 = arith.constant 0 : i32
      %dma_start3A_66 = arith.constant 0 : i32
      %dma_start3A_67 = tpu.memref_slice %arg5[%arg1, %dma_start3A_65, %dma_start3A_66] : memref<16x80x128xi32, #tpu.memory_space<hbm>> -> memref<1x40x128xi32, #tpu.memory_space<hbm>>
      %dma_start3A_68 = tpu.memref_squeeze %dma_start3A_67 : memref<1x40x128xi32, #tpu.memory_space<hbm>> -> memref<40x128xi32, #tpu.memory_space<hbm>>
      tpu.enqueue_dma source(%dma_start3A_68 : memref<40x128xi32, #tpu.memory_space<hbm>>) target(%arg9 : memref<40x128xi32, #tpu.memory_space<vmem>>) target_semaphore(%run_scoped3A : memref<!tpu.dma_semaphore, #tpu.memory_space<semaphore_mem>>)
      %dma_wait3A_69 = arith.constant 0 : i32
      %dma_wait3A_70 = arith.constant 0 : i32
      %dma_wait3A_71 = tpu.memref_slice %arg5[%arg1, %dma_wait3A_69, %dma_wait3A_70] : memref<16x80x128xi32, #tpu.memory_space<hbm>> -> memref<1x40x128xi32, #tpu.memory_space<hbm>>
      %dma_wait3A_72 = tpu.memref_squeeze %dma_wait3A_71 : memref<1x40x128xi32, #tpu.memory_space<hbm>> -> memref<40x128xi32, #tpu.memory_space<hbm>>
      %dma_wait3A_73 = arith.constant 0 : i32
      %dma_wait3A_74 = arith.constant 0 : i32
      %dma_wait3A_75 = tpu.memref_slice %arg5[%arg1, %dma_wait3A_73, %dma_wait3A_74] : memref<16x80x128xi32, #tpu.memory_space<hbm>> -> memref<1x40x128xi32, #tpu.memory_space<hbm>>
      %dma_wait3A_76 = tpu.memref_squeeze %dma_wait3A_75 : memref<1x40x128xi32, #tpu.memory_space<hbm>> -> memref<40x128xi32, #tpu.memory_space<hbm>>
      tpu.wait_dma2 semaphore(%run_scoped3A : memref<!tpu.dma_semaphore, #tpu.memory_space<semaphore_mem>>) src(%dma_wait3A_76 : memref<40x128xi32, #tpu.memory_space<hbm>>) dst(%arg9 : memref<40x128xi32, #tpu.memory_space<vmem>>)
      tpu.yield
    }) : () -> ()
    %dma_start3A = arith.constant 0 : i32
    %dma_start3A_1 = arith.constant 0 : i32
    %dma_start3A_2 = tpu.memref_slice %arg8[%dma_start3A, %dma_start3A_1] : memref<40x128xi32, #tpu.memory_space<vmem>> -> memref<1x128xi32, #tpu.memory_space<vmem>>
    %dma_start3A_3 = tpu.memref_squeeze %dma_start3A_2 : memref<1x128xi32, #tpu.memory_space<vmem>> -> memref<128xi32, #tpu.memory_space<vmem>>
    %dma_start3A_4 = arith.constant 0 : i32
    %dma_start3A_5 = arith.constant 0 : i32
    %dma_start3A_6 = tpu.memref_slice %arg2[%arg0, %dma_start3A_4, %dma_start3A_5] : memref<2x40960x128xf32, #tpu.memory_space<hbm>> -> memref<1x40960x128xf32, #tpu.memory_space<hbm>>
    %dma_start3A_7 = tpu.memref_squeeze %dma_start3A_6 : memref<1x40960x128xf32, #tpu.memory_space<hbm>> -> memref<40960x128xf32, #tpu.memory_space<hbm>>
    %dma_start3A_8 = arith.constant 0 : i32
    %dma_start3A_9 = arith.constant 0 : i32
    %dma_start3A_10 = tpu.memref_slice %dma_start3A_7[%dma_start3A_8, %dma_start3A_9] : memref<40960x128xf32, #tpu.memory_space<hbm>> -> memref<40960x128xf32, #tpu.memory_space<hbm>>
    tpu.enqueue_indirect_dma source(%dma_start3A_10 : memref<40960x128xf32, #tpu.memory_space<hbm>>) target(%arg10 : memref<128x128xf32, #tpu.memory_space<vmem>>) offsets(%dma_start3A_3 : memref<128xi32, #tpu.memory_space<vmem>>) semaphore(%arg12 : memref<!tpu.dma_semaphore, #tpu.memory_space<semaphore_mem>>)
    %scan3A = arith.constant 0 : i32
    %scan3A_11 = arith.constant 0 : i32
    %scan3A_12 = arith.constant 40 : i32
    %scan3A_13 = arith.addi %scan3A_11, %scan3A_12 : i32
    %scan3A_14 = arith.constant 1 : i32
    scf.for %scan3A_61 = %scan3A_11 to %scan3A_13 step %scan3A_14  : i32 {
      %jit3A = arith.constant 2 : i32
      %eq3A = arith.constant 0 : i32
      %eq3A_62 = arith.cmpi eq, %jit3A, %eq3A : i32
      %jit3A_63 = arith.constant 1 : i32
      %select_n3A = arith.select %eq3A_62, %jit3A_63, %jit3A : i32
      %rem3A = arith.remsi %scan3A_61, %select_n3A : i32
      %ne3A = arith.constant 0 : i32
      %ne3A_64 = arith.cmpi ne, %rem3A, %ne3A : i32
      %lt3A = arith.constant 0 : i32
      %lt3A_65 = arith.cmpi slt, %rem3A, %lt3A : i32
      %lt3A_66 = arith.constant 0 : i32
      %lt3A_67 = arith.cmpi slt, %select_n3A, %lt3A_66 : i32
      %ne3A_68 = arith.xori %lt3A_65, %lt3A_67 : i1
      %and3A = arith.andi %ne3A_68, %ne3A_64 : i1
      %add3A = arith.addi %rem3A, %select_n3A : i32
      %select_n3A_69 = arith.select %and3A, %add3A, %rem3A : i32
      %eq3A_70 = arith.constant 0 : i32
      %eq3A_71 = arith.cmpi eq, %select_n3A_69, %eq3A_70 : i32
      %convert_element_type3A = arith.extui %eq3A_71 : i1 to i32
      %cond3A = arith.constant 0 : i32
      %cond3A_72 = arith.cmpi ne, %convert_element_type3A, %cond3A : i32
      scf.if %cond3A_72 {
        %gt3A = arith.constant 0 : i32
        %gt3A_94 = arith.cmpi sgt, %scan3A_61, %gt3A : i32
        %convert_element_type3A_95 = arith.extui %gt3A_94 : i1 to i32
        %cond3A_96 = arith.constant 0 : i32
        %cond3A_97 = arith.cmpi ne, %convert_element_type3A_95, %cond3A_96 : i32
        scf.if %cond3A_97 {
          %dma_wait3A_125 = arith.constant 0 : i32
          %dma_wait3A_126 = arith.constant 0 : i32
          %dma_wait3A_127 = tpu.memref_slice %arg2[%arg0, %dma_wait3A_125, %dma_wait3A_126] : memref<2x40960x128xf32, #tpu.memory_space<hbm>> -> memref<1x40960x128xf32, #tpu.memory_space<hbm>>
          %dma_wait3A_128 = tpu.memref_squeeze %dma_wait3A_127 : memref<1x40960x128xf32, #tpu.memory_space<hbm>> -> memref<40960x128xf32, #tpu.memory_space<hbm>>
          %dma_wait3A_129 = arith.constant 0 : i32
          %dma_wait3A_130 = arith.constant 0 : i32
          %dma_wait3A_131 = tpu.memref_slice %dma_wait3A_128[%dma_wait3A_129, %dma_wait3A_130] : memref<40960x128xf32, #tpu.memory_space<hbm>> -> memref<128x128xf32, #tpu.memory_space<hbm>>
          %dma_wait3A_132 = arith.constant 0 : i32
          %dma_wait3A_133 = arith.constant 0 : i32
          %dma_wait3A_134 = tpu.memref_slice %arg2[%arg0, %dma_wait3A_132, %dma_wait3A_133] : memref<2x40960x128xf32, #tpu.memory_space<hbm>> -> memref<1x40960x128xf32, #tpu.memory_space<hbm>>
          %dma_wait3A_135 = tpu.memref_squeeze %dma_wait3A_134 : memref<1x40960x128xf32, #tpu.memory_space<hbm>> -> memref<40960x128xf32, #tpu.memory_space<hbm>>
          %dma_wait3A_136 = arith.constant 0 : i32
          %dma_wait3A_137 = arith.constant 0 : i32
          %dma_wait3A_138 = tpu.memref_slice %dma_wait3A_135[%dma_wait3A_136, %dma_wait3A_137] : memref<40960x128xf32, #tpu.memory_space<hbm>> -> memref<128x128xf32, #tpu.memory_space<hbm>>
          tpu.wait_dma2 semaphore(%arg15 : memref<!tpu.dma_semaphore, #tpu.memory_space<semaphore_mem>>) src(%dma_wait3A_138 : memref<128x128xf32, #tpu.memory_space<hbm>>) dst(%arg11 : memref<128x128xf32, #tpu.memory_space<vmem>>)
        } else {
        }
        %add3A_98 = arith.constant 1 : i32
        %add3A_99 = arith.addi %scan3A_61, %add3A_98 : i32
        %lt3A_100 = arith.constant 40 : i32
        %lt3A_101 = arith.cmpi slt, %add3A_99, %lt3A_100 : i32
        %convert_element_type3A_102 = arith.extui %lt3A_101 : i1 to i32
        %cond3A_103 = arith.constant 0 : i32
        %cond3A_104 = arith.cmpi ne, %convert_element_type3A_102, %cond3A_103 : i32
        scf.if %cond3A_104 {
          %add3A_125 = arith.constant 1 : i32
          %add3A_126 = arith.addi %scan3A_61, %add3A_125 : i32
          %dma_start3A_127 = arith.constant 0 : i32
          %dma_start3A_128 = tpu.memref_slice %arg8[%add3A_126, %dma_start3A_127] : memref<40x128xi32, #tpu.memory_space<vmem>> -> memref<1x128xi32, #tpu.memory_space<vmem>>
          %dma_start3A_129 = tpu.memref_squeeze %dma_start3A_128 : memref<1x128xi32, #tpu.memory_space<vmem>> -> memref<128xi32, #tpu.memory_space<vmem>>
          %dma_start3A_130 = arith.constant 0 : i32
          %dma_start3A_131 = arith.constant 0 : i32
          %dma_start3A_132 = tpu.memref_slice %arg2[%arg0, %dma_start3A_130, %dma_start3A_131] : memref<2x40960x128xf32, #tpu.memory_space<hbm>> -> memref<1x40960x128xf32, #tpu.memory_space<hbm>>
          %dma_start3A_133 = tpu.memref_squeeze %dma_start3A_132 : memref<1x40960x128xf32, #tpu.memory_space<hbm>> -> memref<40960x128xf32, #tpu.memory_space<hbm>>
          %dma_start3A_134 = arith.constant 0 : i32
          %dma_start3A_135 = arith.constant 0 : i32
          %dma_start3A_136 = tpu.memref_slice %dma_start3A_133[%dma_start3A_134, %dma_start3A_135] : memref<40960x128xf32, #tpu.memory_space<hbm>> -> memref<40960x128xf32, #tpu.memory_space<hbm>>
          tpu.enqueue_indirect_dma source(%dma_start3A_136 : memref<40960x128xf32, #tpu.memory_space<hbm>>) target(%arg11 : memref<128x128xf32, #tpu.memory_space<vmem>>) offsets(%dma_start3A_129 : memref<128xi32, #tpu.memory_space<vmem>>) semaphore(%arg13 : memref<!tpu.dma_semaphore, #tpu.memory_space<semaphore_mem>>)
        } else {
        }
        %dma_wait3A_105 = arith.constant 0 : i32
        %dma_wait3A_106 = arith.constant 0 : i32
        %dma_wait3A_107 = tpu.memref_slice %arg2[%arg0, %dma_wait3A_105, %dma_wait3A_106] : memref<2x40960x128xf32, #tpu.memory_space<hbm>> -> memref<1x40960x128xf32, #tpu.memory_space<hbm>>
        %dma_wait3A_108 = tpu.memref_squeeze %dma_wait3A_107 : memref<1x40960x128xf32, #tpu.memory_space<hbm>> -> memref<40960x128xf32, #tpu.memory_space<hbm>>
        %dma_wait3A_109 = arith.constant 0 : i32
        %dma_wait3A_110 = arith.constant 0 : i32
        %dma_wait3A_111 = tpu.memref_slice %dma_wait3A_108[%dma_wait3A_109, %dma_wait3A_110] : memref<40960x128xf32, #tpu.memory_space<hbm>> -> memref<128x128xf32, #tpu.memory_space<hbm>>
        %dma_wait3A_112 = arith.constant 0 : i32
        %dma_wait3A_113 = arith.constant 0 : i32
        %dma_wait3A_114 = tpu.memref_slice %arg2[%arg0, %dma_wait3A_112, %dma_wait3A_113] : memref<2x40960x128xf32, #tpu.memory_space<hbm>> -> memref<1x40960x128xf32, #tpu.memory_space<hbm>>
        %dma_wait3A_115 = tpu.memref_squeeze %dma_wait3A_114 : memref<1x40960x128xf32, #tpu.memory_space<hbm>> -> memref<40960x128xf32, #tpu.memory_space<hbm>>
        %dma_wait3A_116 = arith.constant 0 : i32
        %dma_wait3A_117 = arith.constant 0 : i32
        %dma_wait3A_118 = tpu.memref_slice %dma_wait3A_115[%dma_wait3A_116, %dma_wait3A_117] : memref<40960x128xf32, #tpu.memory_space<hbm>> -> memref<128x128xf32, #tpu.memory_space<hbm>>
        tpu.wait_dma2 semaphore(%arg12 : memref<!tpu.dma_semaphore, #tpu.memory_space<semaphore_mem>>) src(%dma_wait3A_118 : memref<128x128xf32, #tpu.memory_space<hbm>>) dst(%arg10 : memref<128x128xf32, #tpu.memory_space<vmem>>)
        %dma_start3A_119 = arith.constant 0 : i32
        %dma_start3A_120 = tpu.memref_slice %arg9[%scan3A_61, %dma_start3A_119] : memref<40x128xi32, #tpu.memory_space<vmem>> -> memref<1x128xi32, #tpu.memory_space<vmem>>
        %dma_start3A_121 = tpu.memref_squeeze %dma_start3A_120 : memref<1x128xi32, #tpu.memory_space<vmem>> -> memref<128xi32, #tpu.memory_space<vmem>>
        %dma_start3A_122 = arith.constant 0 : i32
        %dma_start3A_123 = arith.constant 0 : i32
        %dma_start3A_124 = tpu.memref_slice %arg7[%dma_start3A_122, %dma_start3A_123] : memref<10240x128xf32, #tpu.memory_space<vmem_shared>> -> memref<10240x128xf32, #tpu.memory_space<vmem_shared>>
        tpu.enqueue_indirect_dma source(%arg10 : memref<128x128xf32, #tpu.memory_space<vmem>>) target(%dma_start3A_124 : memref<10240x128xf32, #tpu.memory_space<vmem_shared>>) offsets(%dma_start3A_121 : memref<128xi32, #tpu.memory_space<vmem>>) semaphore(%arg14 : memref<!tpu.dma_semaphore, #tpu.memory_space<semaphore_mem>>) {add = true}
      } else {
      }
      %jit3A_73 = arith.constant 2 : i32
      %eq3A_74 = arith.constant 0 : i32
      %eq3A_75 = arith.cmpi eq, %jit3A_73, %eq3A_74 : i32
      %jit3A_76 = arith.constant 1 : i32
      %select_n3A_77 = arith.select %eq3A_75, %jit3A_76, %jit3A_73 : i32
      %rem3A_78 = arith.remsi %scan3A_61, %select_n3A_77 : i32
      %ne3A_79 = arith.constant 0 : i32
      %ne3A_80 = arith.cmpi ne, %rem3A_78, %ne3A_79 : i32
      %lt3A_81 = arith.constant 0 : i32
      %lt3A_82 = arith.cmpi slt, %rem3A_78, %lt3A_81 : i32
      %lt3A_83 = arith.constant 0 : i32
      %lt3A_84 = arith.cmpi slt, %select_n3A_77, %lt3A_83 : i32
      %ne3A_85 = arith.xori %lt3A_82, %lt3A_84 : i1
      %and3A_86 = arith.andi %ne3A_85, %ne3A_80 : i1
      %add3A_87 = arith.addi %rem3A_78, %select_n3A_77 : i32
      %select_n3A_88 = arith.select %and3A_86, %add3A_87, %rem3A_78 : i32
      %eq3A_89 = arith.constant 1 : i32
      %eq3A_90 = arith.cmpi eq, %select_n3A_88, %eq3A_89 : i32
      %convert_element_type3A_91 = arith.extui %eq3A_90 : i1 to i32
      %cond3A_92 = arith.constant 0 : i32
      %cond3A_93 = arith.cmpi ne, %convert_element_type3A_91, %cond3A_92 : i32
      scf.if %cond3A_93 {
        %dma_wait3A_94 = arith.constant 0 : i32
        %dma_wait3A_95 = arith.constant 0 : i32
        %dma_wait3A_96 = tpu.memref_slice %arg2[%arg0, %dma_wait3A_94, %dma_wait3A_95] : memref<2x40960x128xf32, #tpu.memory_space<hbm>> -> memref<1x40960x128xf32, #tpu.memory_space<hbm>>
        %dma_wait3A_97 = tpu.memref_squeeze %dma_wait3A_96 : memref<1x40960x128xf32, #tpu.memory_space<hbm>> -> memref<40960x128xf32, #tpu.memory_space<hbm>>
        %dma_wait3A_98 = arith.constant 0 : i32
        %dma_wait3A_99 = arith.constant 0 : i32
        %dma_wait3A_100 = tpu.memref_slice %dma_wait3A_97[%dma_wait3A_98, %dma_wait3A_99] : memref<40960x128xf32, #tpu.memory_space<hbm>> -> memref<128x128xf32, #tpu.memory_space<hbm>>
        %dma_wait3A_101 = arith.constant 0 : i32
        %dma_wait3A_102 = arith.constant 0 : i32
        %dma_wait3A_103 = tpu.memref_slice %arg2[%arg0, %dma_wait3A_101, %dma_wait3A_102] : memref<2x40960x128xf32, #tpu.memory_space<hbm>> -> memref<1x40960x128xf32, #tpu.memory_space<hbm>>
        %dma_wait3A_104 = tpu.memref_squeeze %dma_wait3A_103 : memref<1x40960x128xf32, #tpu.memory_space<hbm>> -> memref<40960x128xf32, #tpu.memory_space<hbm>>
        %dma_wait3A_105 = arith.constant 0 : i32
        %dma_wait3A_106 = arith.constant 0 : i32
        %dma_wait3A_107 = tpu.memref_slice %dma_wait3A_104[%dma_wait3A_105, %dma_wait3A_106] : memref<40960x128xf32, #tpu.memory_space<hbm>> -> memref<128x128xf32, #tpu.memory_space<hbm>>
        tpu.wait_dma2 semaphore(%arg14 : memref<!tpu.dma_semaphore, #tpu.memory_space<semaphore_mem>>) src(%dma_wait3A_107 : memref<128x128xf32, #tpu.memory_space<hbm>>) dst(%arg10 : memref<128x128xf32, #tpu.memory_space<vmem>>)
        %add3A_108 = arith.constant 1 : i32
        %add3A_109 = arith.addi %scan3A_61, %add3A_108 : i32
        %lt3A_110 = arith.constant 40 : i32
        %lt3A_111 = arith.cmpi slt, %add3A_109, %lt3A_110 : i32
        %convert_element_type3A_112 = arith.extui %lt3A_111 : i1 to i32
        %cond3A_113 = arith.constant 0 : i32
        %cond3A_114 = arith.cmpi ne, %convert_element_type3A_112, %cond3A_113 : i32
        scf.if %cond3A_114 {
          %add3A_135 = arith.constant 1 : i32
          %add3A_136 = arith.addi %scan3A_61, %add3A_135 : i32
          %dma_start3A_137 = arith.constant 0 : i32
          %dma_start3A_138 = tpu.memref_slice %arg8[%add3A_136, %dma_start3A_137] : memref<40x128xi32, #tpu.memory_space<vmem>> -> memref<1x128xi32, #tpu.memory_space<vmem>>
          %dma_start3A_139 = tpu.memref_squeeze %dma_start3A_138 : memref<1x128xi32, #tpu.memory_space<vmem>> -> memref<128xi32, #tpu.memory_space<vmem>>
          %dma_start3A_140 = arith.constant 0 : i32
          %dma_start3A_141 = arith.constant 0 : i32
          %dma_start3A_142 = tpu.memref_slice %arg2[%arg0, %dma_start3A_140, %dma_start3A_141] : memref<2x40960x128xf32, #tpu.memory_space<hbm>> -> memref<1x40960x128xf32, #tpu.memory_space<hbm>>
          %dma_start3A_143 = tpu.memref_squeeze %dma_start3A_142 : memref<1x40960x128xf32, #tpu.memory_space<hbm>> -> memref<40960x128xf32, #tpu.memory_space<hbm>>
          %dma_start3A_144 = arith.constant 0 : i32
          %dma_start3A_145 = arith.constant 0 : i32
          %dma_start3A_146 = tpu.memref_slice %dma_start3A_143[%dma_start3A_144, %dma_start3A_145] : memref<40960x128xf32, #tpu.memory_space<hbm>> -> memref<40960x128xf32, #tpu.memory_space<hbm>>
          tpu.enqueue_indirect_dma source(%dma_start3A_146 : memref<40960x128xf32, #tpu.memory_space<hbm>>) target(%arg10 : memref<128x128xf32, #tpu.memory_space<vmem>>) offsets(%dma_start3A_139 : memref<128xi32, #tpu.memory_space<vmem>>) semaphore(%arg12 : memref<!tpu.dma_semaphore, #tpu.memory_space<semaphore_mem>>)
        } else {
        }
        %dma_wait3A_115 = arith.constant 0 : i32
        %dma_wait3A_116 = arith.constant 0 : i32
        %dma_wait3A_117 = tpu.memref_slice %arg2[%arg0, %dma_wait3A_115, %dma_wait3A_116] : memref<2x40960x128xf32, #tpu.memory_space<hbm>> -> memref<1x40960x128xf32, #tpu.memory_space<hbm>>
        %dma_wait3A_118 = tpu.memref_squeeze %dma_wait3A_117 : memref<1x40960x128xf32, #tpu.memory_space<hbm>> -> memref<40960x128xf32, #tpu.memory_space<hbm>>
        %dma_wait3A_119 = arith.constant 0 : i32
        %dma_wait3A_120 = arith.constant 0 : i32
        %dma_wait3A_121 = tpu.memref_slice %dma_wait3A_118[%dma_wait3A_119, %dma_wait3A_120] : memref<40960x128xf32, #tpu.memory_space<hbm>> -> memref<128x128xf32, #tpu.memory_space<hbm>>
        %dma_wait3A_122 = arith.constant 0 : i32
        %dma_wait3A_123 = arith.constant 0 : i32
        %dma_wait3A_124 = tpu.memref_slice %arg2[%arg0, %dma_wait3A_122, %dma_wait3A_123] : memref<2x40960x128xf32, #tpu.memory_space<hbm>> -> memref<1x40960x128xf32, #tpu.memory_space<hbm>>
        %dma_wait3A_125 = tpu.memref_squeeze %dma_wait3A_124 : memref<1x40960x128xf32, #tpu.memory_space<hbm>> -> memref<40960x128xf32, #tpu.memory_space<hbm>>
        %dma_wait3A_126 = arith.constant 0 : i32
        %dma_wait3A_127 = arith.constant 0 : i32
        %dma_wait3A_128 = tpu.memref_slice %dma_wait3A_125[%dma_wait3A_126, %dma_wait3A_127] : memref<40960x128xf32, #tpu.memory_space<hbm>> -> memref<128x128xf32, #tpu.memory_space<hbm>>
        tpu.wait_dma2 semaphore(%arg13 : memref<!tpu.dma_semaphore, #tpu.memory_space<semaphore_mem>>) src(%dma_wait3A_128 : memref<128x128xf32, #tpu.memory_space<hbm>>) dst(%arg11 : memref<128x128xf32, #tpu.memory_space<vmem>>)
        %dma_start3A_129 = arith.constant 0 : i32
        %dma_start3A_130 = tpu.memref_slice %arg9[%scan3A_61, %dma_start3A_129] : memref<40x128xi32, #tpu.memory_space<vmem>> -> memref<1x128xi32, #tpu.memory_space<vmem>>
        %dma_start3A_131 = tpu.memref_squeeze %dma_start3A_130 : memref<1x128xi32, #tpu.memory_space<vmem>> -> memref<128xi32, #tpu.memory_space<vmem>>
        %dma_start3A_132 = arith.constant 0 : i32
        %dma_start3A_133 = arith.constant 0 : i32
        %dma_start3A_134 = tpu.memref_slice %arg7[%dma_start3A_132, %dma_start3A_133] : memref<10240x128xf32, #tpu.memory_space<vmem_shared>> -> memref<10240x128xf32, #tpu.memory_space<vmem_shared>>
        tpu.enqueue_indirect_dma source(%arg11 : memref<128x128xf32, #tpu.memory_space<vmem>>) target(%dma_start3A_134 : memref<10240x128xf32, #tpu.memory_space<vmem_shared>>) offsets(%dma_start3A_131 : memref<128xi32, #tpu.memory_space<vmem>>) semaphore(%arg15 : memref<!tpu.dma_semaphore, #tpu.memory_space<semaphore_mem>>) {add = true}
      } else {
      }
    }
    %scan3A_15 = arith.constant 40 : i32
    %dma_wait3A = arith.constant 0 : i32
    %dma_wait3A_16 = arith.constant 0 : i32
    %dma_wait3A_17 = tpu.memref_slice %arg2[%arg0, %dma_wait3A, %dma_wait3A_16] : memref<2x40960x128xf32, #tpu.memory_space<hbm>> -> memref<1x40960x128xf32, #tpu.memory_space<hbm>>
    %dma_wait3A_18 = tpu.memref_squeeze %dma_wait3A_17 : memref<1x40960x128xf32, #tpu.memory_space<hbm>> -> memref<40960x128xf32, #tpu.memory_space<hbm>>
    %dma_wait3A_19 = arith.constant 0 : i32
    %dma_wait3A_20 = arith.constant 0 : i32
    %dma_wait3A_21 = tpu.memref_slice %dma_wait3A_18[%dma_wait3A_19, %dma_wait3A_20] : memref<40960x128xf32, #tpu.memory_space<hbm>> -> memref<128x128xf32, #tpu.memory_space<hbm>>
    %dma_wait3A_22 = arith.constant 0 : i32
    %dma_wait3A_23 = arith.constant 0 : i32
    %dma_wait3A_24 = tpu.memref_slice %arg2[%arg0, %dma_wait3A_22, %dma_wait3A_23] : memref<2x40960x128xf32, #tpu.memory_space<hbm>> -> memref<1x40960x128xf32, #tpu.memory_space<hbm>>
    %dma_wait3A_25 = tpu.memref_squeeze %dma_wait3A_24 : memref<1x40960x128xf32, #tpu.memory_space<hbm>> -> memref<40960x128xf32, #tpu.memory_space<hbm>>
    %dma_wait3A_26 = arith.constant 0 : i32
    %dma_wait3A_27 = arith.constant 0 : i32
    %dma_wait3A_28 = tpu.memref_slice %dma_wait3A_25[%dma_wait3A_26, %dma_wait3A_27] : memref<40960x128xf32, #tpu.memory_space<hbm>> -> memref<128x128xf32, #tpu.memory_space<hbm>>
    tpu.wait_dma2 semaphore(%arg15 : memref<!tpu.dma_semaphore, #tpu.memory_space<semaphore_mem>>) src(%dma_wait3A_28 : memref<128x128xf32, #tpu.memory_space<hbm>>) dst(%arg11 : memref<128x128xf32, #tpu.memory_space<vmem>>)
    "tpu.region"() ({
      %run_scoped3A = tpu.sem_alloc : memref<!tpu.dma_semaphore, #tpu.memory_space<semaphore_mem>>
      %dma_start3A_61 = arith.constant 40 : i32
      %dma_start3A_62 = arith.constant 0 : i32
      %dma_start3A_63 = tpu.memref_slice %arg4[%arg1, %dma_start3A_61, %dma_start3A_62] : memref<16x80x128xi32, #tpu.memory_space<hbm>> -> memref<1x40x128xi32, #tpu.memory_space<hbm>>
      %dma_start3A_64 = tpu.memref_squeeze %dma_start3A_63 : memref<1x40x128xi32, #tpu.memory_space<hbm>> -> memref<40x128xi32, #tpu.memory_space<hbm>>
      %dma_start3A_65 = arith.constant 40 : i32
      %dma_start3A_66 = arith.constant 0 : i32
      %dma_start3A_67 = tpu.memref_slice %arg4[%arg1, %dma_start3A_65, %dma_start3A_66] : memref<16x80x128xi32, #tpu.memory_space<hbm>> -> memref<1x40x128xi32, #tpu.memory_space<hbm>>
      %dma_start3A_68 = tpu.memref_squeeze %dma_start3A_67 : memref<1x40x128xi32, #tpu.memory_space<hbm>> -> memref<40x128xi32, #tpu.memory_space<hbm>>
      tpu.enqueue_dma source(%dma_start3A_68 : memref<40x128xi32, #tpu.memory_space<hbm>>) target(%arg8 : memref<40x128xi32, #tpu.memory_space<vmem>>) target_semaphore(%run_scoped3A : memref<!tpu.dma_semaphore, #tpu.memory_space<semaphore_mem>>)
      %dma_wait3A_69 = arith.constant 40 : i32
      %dma_wait3A_70 = arith.constant 0 : i32
      %dma_wait3A_71 = tpu.memref_slice %arg4[%arg1, %dma_wait3A_69, %dma_wait3A_70] : memref<16x80x128xi32, #tpu.memory_space<hbm>> -> memref<1x40x128xi32, #tpu.memory_space<hbm>>
      %dma_wait3A_72 = tpu.memref_squeeze %dma_wait3A_71 : memref<1x40x128xi32, #tpu.memory_space<hbm>> -> memref<40x128xi32, #tpu.memory_space<hbm>>
      %dma_wait3A_73 = arith.constant 40 : i32
      %dma_wait3A_74 = arith.constant 0 : i32
      %dma_wait3A_75 = tpu.memref_slice %arg4[%arg1, %dma_wait3A_73, %dma_wait3A_74] : memref<16x80x128xi32, #tpu.memory_space<hbm>> -> memref<1x40x128xi32, #tpu.memory_space<hbm>>
      %dma_wait3A_76 = tpu.memref_squeeze %dma_wait3A_75 : memref<1x40x128xi32, #tpu.memory_space<hbm>> -> memref<40x128xi32, #tpu.memory_space<hbm>>
      tpu.wait_dma2 semaphore(%run_scoped3A : memref<!tpu.dma_semaphore, #tpu.memory_space<semaphore_mem>>) src(%dma_wait3A_76 : memref<40x128xi32, #tpu.memory_space<hbm>>) dst(%arg8 : memref<40x128xi32, #tpu.memory_space<vmem>>)
      tpu.yield
    }) : () -> ()
    "tpu.region"() ({
      %run_scoped3A = tpu.sem_alloc : memref<!tpu.dma_semaphore, #tpu.memory_space<semaphore_mem>>
      %dma_start3A_61 = arith.constant 40 : i32
      %dma_start3A_62 = arith.constant 0 : i32
      %dma_start3A_63 = tpu.memref_slice %arg5[%arg1, %dma_start3A_61, %dma_start3A_62] : memref<16x80x128xi32, #tpu.memory_space<hbm>> -> memref<1x40x128xi32, #tpu.memory_space<hbm>>
      %dma_start3A_64 = tpu.memref_squeeze %dma_start3A_63 : memref<1x40x128xi32, #tpu.memory_space<hbm>> -> memref<40x128xi32, #tpu.memory_space<hbm>>
      %dma_start3A_65 = arith.constant 40 : i32
      %dma_start3A_66 = arith.constant 0 : i32
      %dma_start3A_67 = tpu.memref_slice %arg5[%arg1, %dma_start3A_65, %dma_start3A_66] : memref<16x80x128xi32, #tpu.memory_space<hbm>> -> memref<1x40x128xi32, #tpu.memory_space<hbm>>
      %dma_start3A_68 = tpu.memref_squeeze %dma_start3A_67 : memref<1x40x128xi32, #tpu.memory_space<hbm>> -> memref<40x128xi32, #tpu.memory_space<hbm>>
      tpu.enqueue_dma source(%dma_start3A_68 : memref<40x128xi32, #tpu.memory_space<hbm>>) target(%arg9 : memref<40x128xi32, #tpu.memory_space<vmem>>) target_semaphore(%run_scoped3A : memref<!tpu.dma_semaphore, #tpu.memory_space<semaphore_mem>>)
      %dma_wait3A_69 = arith.constant 40 : i32
      %dma_wait3A_70 = arith.constant 0 : i32
      %dma_wait3A_71 = tpu.memref_slice %arg5[%arg1, %dma_wait3A_69, %dma_wait3A_70] : memref<16x80x128xi32, #tpu.memory_space<hbm>> -> memref<1x40x128xi32, #tpu.memory_space<hbm>>
      %dma_wait3A_72 = tpu.memref_squeeze %dma_wait3A_71 : memref<1x40x128xi32, #tpu.memory_space<hbm>> -> memref<40x128xi32, #tpu.memory_space<hbm>>
      %dma_wait3A_73 = arith.constant 40 : i32
      %dma_wait3A_74 = arith.constant 0 : i32
      %dma_wait3A_75 = tpu.memref_slice %arg5[%arg1, %dma_wait3A_73, %dma_wait3A_74] : memref<16x80x128xi32, #tpu.memory_space<hbm>> -> memref<1x40x128xi32, #tpu.memory_space<hbm>>
      %dma_wait3A_76 = tpu.memref_squeeze %dma_wait3A_75 : memref<1x40x128xi32, #tpu.memory_space<hbm>> -> memref<40x128xi32, #tpu.memory_space<hbm>>
      tpu.wait_dma2 semaphore(%run_scoped3A : memref<!tpu.dma_semaphore, #tpu.memory_space<semaphore_mem>>) src(%dma_wait3A_76 : memref<40x128xi32, #tpu.memory_space<hbm>>) dst(%arg9 : memref<40x128xi32, #tpu.memory_space<vmem>>)
      tpu.yield
    }) : () -> ()
    %dma_start3A_29 = arith.constant 0 : i32
    %dma_start3A_30 = arith.constant 0 : i32
    %dma_start3A_31 = tpu.memref_slice %arg8[%dma_start3A_29, %dma_start3A_30] : memref<40x128xi32, #tpu.memory_space<vmem>> -> memref<1x128xi32, #tpu.memory_space<vmem>>
    %dma_start3A_32 = tpu.memref_squeeze %dma_start3A_31 : memref<1x128xi32, #tpu.memory_space<vmem>> -> memref<128xi32, #tpu.memory_space<vmem>>
    %dma_start3A_33 = arith.constant 0 : i32
    %dma_start3A_34 = arith.constant 0 : i32
    %dma_start3A_35 = tpu.memref_slice %arg2[%arg0, %dma_start3A_33, %dma_start3A_34] : memref<2x40960x128xf32, #tpu.memory_space<hbm>> -> memref<1x40960x128xf32, #tpu.memory_space<hbm>>
    %dma_start3A_36 = tpu.memref_squeeze %dma_start3A_35 : memref<1x40960x128xf32, #tpu.memory_space<hbm>> -> memref<40960x128xf32, #tpu.memory_space<hbm>>
    %dma_start3A_37 = arith.constant 0 : i32
    %dma_start3A_38 = arith.constant 0 : i32
    %dma_start3A_39 = tpu.memref_slice %dma_start3A_36[%dma_start3A_37, %dma_start3A_38] : memref<40960x128xf32, #tpu.memory_space<hbm>> -> memref<40960x128xf32, #tpu.memory_space<hbm>>
    tpu.enqueue_indirect_dma source(%dma_start3A_39 : memref<40960x128xf32, #tpu.memory_space<hbm>>) target(%arg10 : memref<128x128xf32, #tpu.memory_space<vmem>>) offsets(%dma_start3A_32 : memref<128xi32, #tpu.memory_space<vmem>>) semaphore(%arg12 : memref<!tpu.dma_semaphore, #tpu.memory_space<semaphore_mem>>)
    %scan3A_40 = arith.constant 0 : i32
    %scan3A_41 = arith.constant 0 : i32
    %scan3A_42 = arith.constant 40 : i32
    %scan3A_43 = arith.addi %scan3A_41, %scan3A_42 : i32
    %scan3A_44 = arith.constant 1 : i32
    scf.for %scan3A_61 = %scan3A_41 to %scan3A_43 step %scan3A_44  : i32 {
      %jit3A = arith.constant 2 : i32
      %eq3A = arith.constant 0 : i32
      %eq3A_62 = arith.cmpi eq, %jit3A, %eq3A : i32
      %jit3A_63 = arith.constant 1 : i32
      %select_n3A = arith.select %eq3A_62, %jit3A_63, %jit3A : i32
      %rem3A = arith.remsi %scan3A_61, %select_n3A : i32
      %ne3A = arith.constant 0 : i32
      %ne3A_64 = arith.cmpi ne, %rem3A, %ne3A : i32
      %lt3A = arith.constant 0 : i32
      %lt3A_65 = arith.cmpi slt, %rem3A, %lt3A : i32
      %lt3A_66 = arith.constant 0 : i32
      %lt3A_67 = arith.cmpi slt, %select_n3A, %lt3A_66 : i32
      %ne3A_68 = arith.xori %lt3A_65, %lt3A_67 : i1
      %and3A = arith.andi %ne3A_68, %ne3A_64 : i1
      %add3A = arith.addi %rem3A, %select_n3A : i32
      %select_n3A_69 = arith.select %and3A, %add3A, %rem3A : i32
      %eq3A_70 = arith.constant 0 : i32
      %eq3A_71 = arith.cmpi eq, %select_n3A_69, %eq3A_70 : i32
      %convert_element_type3A = arith.extui %eq3A_71 : i1 to i32
      %cond3A = arith.constant 0 : i32
      %cond3A_72 = arith.cmpi ne, %convert_element_type3A, %cond3A : i32
      scf.if %cond3A_72 {
        %gt3A = arith.constant 0 : i32
        %gt3A_94 = arith.cmpi sgt, %scan3A_61, %gt3A : i32
        %convert_element_type3A_95 = arith.extui %gt3A_94 : i1 to i32
        %cond3A_96 = arith.constant 0 : i32
        %cond3A_97 = arith.cmpi ne, %convert_element_type3A_95, %cond3A_96 : i32
        scf.if %cond3A_97 {
          %dma_wait3A_125 = arith.constant 0 : i32
          %dma_wait3A_126 = arith.constant 0 : i32
          %dma_wait3A_127 = tpu.memref_slice %arg2[%arg0, %dma_wait3A_125, %dma_wait3A_126] : memref<2x40960x128xf32, #tpu.memory_space<hbm>> -> memref<1x40960x128xf32, #tpu.memory_space<hbm>>
          %dma_wait3A_128 = tpu.memref_squeeze %dma_wait3A_127 : memref<1x40960x128xf32, #tpu.memory_space<hbm>> -> memref<40960x128xf32, #tpu.memory_space<hbm>>
          %dma_wait3A_129 = arith.constant 0 : i32
          %dma_wait3A_130 = arith.constant 0 : i32
          %dma_wait3A_131 = tpu.memref_slice %dma_wait3A_128[%dma_wait3A_129, %dma_wait3A_130] : memref<40960x128xf32, #tpu.memory_space<hbm>> -> memref<128x128xf32, #tpu.memory_space<hbm>>
          %dma_wait3A_132 = arith.constant 0 : i32
          %dma_wait3A_133 = arith.constant 0 : i32
          %dma_wait3A_134 = tpu.memref_slice %arg2[%arg0, %dma_wait3A_132, %dma_wait3A_133] : memref<2x40960x128xf32, #tpu.memory_space<hbm>> -> memref<1x40960x128xf32, #tpu.memory_space<hbm>>
          %dma_wait3A_135 = tpu.memref_squeeze %dma_wait3A_134 : memref<1x40960x128xf32, #tpu.memory_space<hbm>> -> memref<40960x128xf32, #tpu.memory_space<hbm>>
          %dma_wait3A_136 = arith.constant 0 : i32
          %dma_wait3A_137 = arith.constant 0 : i32
          %dma_wait3A_138 = tpu.memref_slice %dma_wait3A_135[%dma_wait3A_136, %dma_wait3A_137] : memref<40960x128xf32, #tpu.memory_space<hbm>> -> memref<128x128xf32, #tpu.memory_space<hbm>>
          tpu.wait_dma2 semaphore(%arg15 : memref<!tpu.dma_semaphore, #tpu.memory_space<semaphore_mem>>) src(%dma_wait3A_138 : memref<128x128xf32, #tpu.memory_space<hbm>>) dst(%arg11 : memref<128x128xf32, #tpu.memory_space<vmem>>)
        } else {
        }
        %add3A_98 = arith.constant 1 : i32
        %add3A_99 = arith.addi %scan3A_61, %add3A_98 : i32
        %lt3A_100 = arith.constant 40 : i32
        %lt3A_101 = arith.cmpi slt, %add3A_99, %lt3A_100 : i32
        %convert_element_type3A_102 = arith.extui %lt3A_101 : i1 to i32
        %cond3A_103 = arith.constant 0 : i32
        %cond3A_104 = arith.cmpi ne, %convert_element_type3A_102, %cond3A_103 : i32
        scf.if %cond3A_104 {
          %add3A_125 = arith.constant 1 : i32
          %add3A_126 = arith.addi %scan3A_61, %add3A_125 : i32
          %dma_start3A_127 = arith.constant 0 : i32
          %dma_start3A_128 = tpu.memref_slice %arg8[%add3A_126, %dma_start3A_127] : memref<40x128xi32, #tpu.memory_space<vmem>> -> memref<1x128xi32, #tpu.memory_space<vmem>>
          %dma_start3A_129 = tpu.memref_squeeze %dma_start3A_128 : memref<1x128xi32, #tpu.memory_space<vmem>> -> memref<128xi32, #tpu.memory_space<vmem>>
          %dma_start3A_130 = arith.constant 0 : i32
          %dma_start3A_131 = arith.constant 0 : i32
          %dma_start3A_132 = tpu.memref_slice %arg2[%arg0, %dma_start3A_130, %dma_start3A_131] : memref<2x40960x128xf32, #tpu.memory_space<hbm>> -> memref<1x40960x128xf32, #tpu.memory_space<hbm>>
          %dma_start3A_133 = tpu.memref_squeeze %dma_start3A_132 : memref<1x40960x128xf32, #tpu.memory_space<hbm>> -> memref<40960x128xf32, #tpu.memory_space<hbm>>
          %dma_start3A_134 = arith.constant 0 : i32
          %dma_start3A_135 = arith.constant 0 : i32
          %dma_start3A_136 = tpu.memref_slice %dma_start3A_133[%dma_start3A_134, %dma_start3A_135] : memref<40960x128xf32, #tpu.memory_space<hbm>> -> memref<40960x128xf32, #tpu.memory_space<hbm>>
          tpu.enqueue_indirect_dma source(%dma_start3A_136 : memref<40960x128xf32, #tpu.memory_space<hbm>>) target(%arg11 : memref<128x128xf32, #tpu.memory_space<vmem>>) offsets(%dma_start3A_129 : memref<128xi32, #tpu.memory_space<vmem>>) semaphore(%arg13 : memref<!tpu.dma_semaphore, #tpu.memory_space<semaphore_mem>>)
        } else {
        }
        %dma_wait3A_105 = arith.constant 0 : i32
        %dma_wait3A_106 = arith.constant 0 : i32
        %dma_wait3A_107 = tpu.memref_slice %arg2[%arg0, %dma_wait3A_105, %dma_wait3A_106] : memref<2x40960x128xf32, #tpu.memory_space<hbm>> -> memref<1x40960x128xf32, #tpu.memory_space<hbm>>
        %dma_wait3A_108 = tpu.memref_squeeze %dma_wait3A_107 : memref<1x40960x128xf32, #tpu.memory_space<hbm>> -> memref<40960x128xf32, #tpu.memory_space<hbm>>
        %dma_wait3A_109 = arith.constant 0 : i32
        %dma_wait3A_110 = arith.constant 0 : i32
        %dma_wait3A_111 = tpu.memref_slice %dma_wait3A_108[%dma_wait3A_109, %dma_wait3A_110] : memref<40960x128xf32, #tpu.memory_space<hbm>> -> memref<128x128xf32, #tpu.memory_space<hbm>>
        %dma_wait3A_112 = arith.constant 0 : i32
        %dma_wait3A_113 = arith.constant 0 : i32
        %dma_wait3A_114 = tpu.memref_slice %arg2[%arg0, %dma_wait3A_112, %dma_wait3A_113] : memref<2x40960x128xf32, #tpu.memory_space<hbm>> -> memref<1x40960x128xf32, #tpu.memory_space<hbm>>
        %dma_wait3A_115 = tpu.memref_squeeze %dma_wait3A_114 : memref<1x40960x128xf32, #tpu.memory_space<hbm>> -> memref<40960x128xf32, #tpu.memory_space<hbm>>
        %dma_wait3A_116 = arith.constant 0 : i32
        %dma_wait3A_117 = arith.constant 0 : i32
        %dma_wait3A_118 = tpu.memref_slice %dma_wait3A_115[%dma_wait3A_116, %dma_wait3A_117] : memref<40960x128xf32, #tpu.memory_space<hbm>> -> memref<128x128xf32, #tpu.memory_space<hbm>>
        tpu.wait_dma2 semaphore(%arg12 : memref<!tpu.dma_semaphore, #tpu.memory_space<semaphore_mem>>) src(%dma_wait3A_118 : memref<128x128xf32, #tpu.memory_space<hbm>>) dst(%arg10 : memref<128x128xf32, #tpu.memory_space<vmem>>)
        %dma_start3A_119 = arith.constant 0 : i32
        %dma_start3A_120 = tpu.memref_slice %arg9[%scan3A_61, %dma_start3A_119] : memref<40x128xi32, #tpu.memory_space<vmem>> -> memref<1x128xi32, #tpu.memory_space<vmem>>
        %dma_start3A_121 = tpu.memref_squeeze %dma_start3A_120 : memref<1x128xi32, #tpu.memory_space<vmem>> -> memref<128xi32, #tpu.memory_space<vmem>>
        %dma_start3A_122 = arith.constant 0 : i32
        %dma_start3A_123 = arith.constant 0 : i32
        %dma_start3A_124 = tpu.memref_slice %arg7[%dma_start3A_122, %dma_start3A_123] : memref<10240x128xf32, #tpu.memory_space<vmem_shared>> -> memref<10240x128xf32, #tpu.memory_space<vmem_shared>>
        tpu.enqueue_indirect_dma source(%arg10 : memref<128x128xf32, #tpu.memory_space<vmem>>) target(%dma_start3A_124 : memref<10240x128xf32, #tpu.memory_space<vmem_shared>>) offsets(%dma_start3A_121 : memref<128xi32, #tpu.memory_space<vmem>>) semaphore(%arg14 : memref<!tpu.dma_semaphore, #tpu.memory_space<semaphore_mem>>) {add = true}
      } else {
      }
      %jit3A_73 = arith.constant 2 : i32
      %eq3A_74 = arith.constant 0 : i32
      %eq3A_75 = arith.cmpi eq, %jit3A_73, %eq3A_74 : i32
      %jit3A_76 = arith.constant 1 : i32
      %select_n3A_77 = arith.select %eq3A_75, %jit3A_76, %jit3A_73 : i32
      %rem3A_78 = arith.remsi %scan3A_61, %select_n3A_77 : i32
      %ne3A_79 = arith.constant 0 : i32
      %ne3A_80 = arith.cmpi ne, %rem3A_78, %ne3A_79 : i32
      %lt3A_81 = arith.constant 0 : i32
      %lt3A_82 = arith.cmpi slt, %rem3A_78, %lt3A_81 : i32
      %lt3A_83 = arith.constant 0 : i32
      %lt3A_84 = arith.cmpi slt, %select_n3A_77, %lt3A_83 : i32
      %ne3A_85 = arith.xori %lt3A_82, %lt3A_84 : i1
      %and3A_86 = arith.andi %ne3A_85, %ne3A_80 : i1
      %add3A_87 = arith.addi %rem3A_78, %select_n3A_77 : i32
      %select_n3A_88 = arith.select %and3A_86, %add3A_87, %rem3A_78 : i32
      %eq3A_89 = arith.constant 1 : i32
      %eq3A_90 = arith.cmpi eq, %select_n3A_88, %eq3A_89 : i32
      %convert_element_type3A_91 = arith.extui %eq3A_90 : i1 to i32
      %cond3A_92 = arith.constant 0 : i32
      %cond3A_93 = arith.cmpi ne, %convert_element_type3A_91, %cond3A_92 : i32
      scf.if %cond3A_93 {
        %dma_wait3A_94 = arith.constant 0 : i32
        %dma_wait3A_95 = arith.constant 0 : i32
        %dma_wait3A_96 = tpu.memref_slice %arg2[%arg0, %dma_wait3A_94, %dma_wait3A_95] : memref<2x40960x128xf32, #tpu.memory_space<hbm>> -> memref<1x40960x128xf32, #tpu.memory_space<hbm>>
        %dma_wait3A_97 = tpu.memref_squeeze %dma_wait3A_96 : memref<1x40960x128xf32, #tpu.memory_space<hbm>> -> memref<40960x128xf32, #tpu.memory_space<hbm>>
        %dma_wait3A_98 = arith.constant 0 : i32
        %dma_wait3A_99 = arith.constant 0 : i32
        %dma_wait3A_100 = tpu.memref_slice %dma_wait3A_97[%dma_wait3A_98, %dma_wait3A_99] : memref<40960x128xf32, #tpu.memory_space<hbm>> -> memref<128x128xf32, #tpu.memory_space<hbm>>
        %dma_wait3A_101 = arith.constant 0 : i32
        %dma_wait3A_102 = arith.constant 0 : i32
        %dma_wait3A_103 = tpu.memref_slice %arg2[%arg0, %dma_wait3A_101, %dma_wait3A_102] : memref<2x40960x128xf32, #tpu.memory_space<hbm>> -> memref<1x40960x128xf32, #tpu.memory_space<hbm>>
        %dma_wait3A_104 = tpu.memref_squeeze %dma_wait3A_103 : memref<1x40960x128xf32, #tpu.memory_space<hbm>> -> memref<40960x128xf32, #tpu.memory_space<hbm>>
        %dma_wait3A_105 = arith.constant 0 : i32
        %dma_wait3A_106 = arith.constant 0 : i32
        %dma_wait3A_107 = tpu.memref_slice %dma_wait3A_104[%dma_wait3A_105, %dma_wait3A_106] : memref<40960x128xf32, #tpu.memory_space<hbm>> -> memref<128x128xf32, #tpu.memory_space<hbm>>
        tpu.wait_dma2 semaphore(%arg14 : memref<!tpu.dma_semaphore, #tpu.memory_space<semaphore_mem>>) src(%dma_wait3A_107 : memref<128x128xf32, #tpu.memory_space<hbm>>) dst(%arg10 : memref<128x128xf32, #tpu.memory_space<vmem>>)
        %add3A_108 = arith.constant 1 : i32
        %add3A_109 = arith.addi %scan3A_61, %add3A_108 : i32
        %lt3A_110 = arith.constant 40 : i32
        %lt3A_111 = arith.cmpi slt, %add3A_109, %lt3A_110 : i32
        %convert_element_type3A_112 = arith.extui %lt3A_111 : i1 to i32
        %cond3A_113 = arith.constant 0 : i32
        %cond3A_114 = arith.cmpi ne, %convert_element_type3A_112, %cond3A_113 : i32
        scf.if %cond3A_114 {
          %add3A_135 = arith.constant 1 : i32
          %add3A_136 = arith.addi %scan3A_61, %add3A_135 : i32
          %dma_start3A_137 = arith.constant 0 : i32
          %dma_start3A_138 = tpu.memref_slice %arg8[%add3A_136, %dma_start3A_137] : memref<40x128xi32, #tpu.memory_space<vmem>> -> memref<1x128xi32, #tpu.memory_space<vmem>>
          %dma_start3A_139 = tpu.memref_squeeze %dma_start3A_138 : memref<1x128xi32, #tpu.memory_space<vmem>> -> memref<128xi32, #tpu.memory_space<vmem>>
          %dma_start3A_140 = arith.constant 0 : i32
          %dma_start3A_141 = arith.constant 0 : i32
          %dma_start3A_142 = tpu.memref_slice %arg2[%arg0, %dma_start3A_140, %dma_start3A_141] : memref<2x40960x128xf32, #tpu.memory_space<hbm>> -> memref<1x40960x128xf32, #tpu.memory_space<hbm>>
          %dma_start3A_143 = tpu.memref_squeeze %dma_start3A_142 : memref<1x40960x128xf32, #tpu.memory_space<hbm>> -> memref<40960x128xf32, #tpu.memory_space<hbm>>
          %dma_start3A_144 = arith.constant 0 : i32
          %dma_start3A_145 = arith.constant 0 : i32
          %dma_start3A_146 = tpu.memref_slice %dma_start3A_143[%dma_start3A_144, %dma_start3A_145] : memref<40960x128xf32, #tpu.memory_space<hbm>> -> memref<40960x128xf32, #tpu.memory_space<hbm>>
          tpu.enqueue_indirect_dma source(%dma_start3A_146 : memref<40960x128xf32, #tpu.memory_space<hbm>>) target(%arg10 : memref<128x128xf32, #tpu.memory_space<vmem>>) offsets(%dma_start3A_139 : memref<128xi32, #tpu.memory_space<vmem>>) semaphore(%arg12 : memref<!tpu.dma_semaphore, #tpu.memory_space<semaphore_mem>>)
        } else {
        }
        %dma_wait3A_115 = arith.constant 0 : i32
        %dma_wait3A_116 = arith.constant 0 : i32
        %dma_wait3A_117 = tpu.memref_slice %arg2[%arg0, %dma_wait3A_115, %dma_wait3A_116] : memref<2x40960x128xf32, #tpu.memory_space<hbm>> -> memref<1x40960x128xf32, #tpu.memory_space<hbm>>
        %dma_wait3A_118 = tpu.memref_squeeze %dma_wait3A_117 : memref<1x40960x128xf32, #tpu.memory_space<hbm>> -> memref<40960x128xf32, #tpu.memory_space<hbm>>
        %dma_wait3A_119 = arith.constant 0 : i32
        %dma_wait3A_120 = arith.constant 0 : i32
        %dma_wait3A_121 = tpu.memref_slice %dma_wait3A_118[%dma_wait3A_119, %dma_wait3A_120] : memref<40960x128xf32, #tpu.memory_space<hbm>> -> memref<128x128xf32, #tpu.memory_space<hbm>>
        %dma_wait3A_122 = arith.constant 0 : i32
        %dma_wait3A_123 = arith.constant 0 : i32
        %dma_wait3A_124 = tpu.memref_slice %arg2[%arg0, %dma_wait3A_122, %dma_wait3A_123] : memref<2x40960x128xf32, #tpu.memory_space<hbm>> -> memref<1x40960x128xf32, #tpu.memory_space<hbm>>
        %dma_wait3A_125 = tpu.memref_squeeze %dma_wait3A_124 : memref<1x40960x128xf32, #tpu.memory_space<hbm>> -> memref<40960x128xf32, #tpu.memory_space<hbm>>
        %dma_wait3A_126 = arith.constant 0 : i32
        %dma_wait3A_127 = arith.constant 0 : i32
        %dma_wait3A_128 = tpu.memref_slice %dma_wait3A_125[%dma_wait3A_126, %dma_wait3A_127] : memref<40960x128xf32, #tpu.memory_space<hbm>> -> memref<128x128xf32, #tpu.memory_space<hbm>>
        tpu.wait_dma2 semaphore(%arg13 : memref<!tpu.dma_semaphore, #tpu.memory_space<semaphore_mem>>) src(%dma_wait3A_128 : memref<128x128xf32, #tpu.memory_space<hbm>>) dst(%arg11 : memref<128x128xf32, #tpu.memory_space<vmem>>)
        %dma_start3A_129 = arith.constant 0 : i32
        %dma_start3A_130 = tpu.memref_slice %arg9[%scan3A_61, %dma_start3A_129] : memref<40x128xi32, #tpu.memory_space<vmem>> -> memref<1x128xi32, #tpu.memory_space<vmem>>
        %dma_start3A_131 = tpu.memref_squeeze %dma_start3A_130 : memref<1x128xi32, #tpu.memory_space<vmem>> -> memref<128xi32, #tpu.memory_space<vmem>>
        %dma_start3A_132 = arith.constant 0 : i32
        %dma_start3A_133 = arith.constant 0 : i32
        %dma_start3A_134 = tpu.memref_slice %arg7[%dma_start3A_132, %dma_start3A_133] : memref<10240x128xf32, #tpu.memory_space<vmem_shared>> -> memref<10240x128xf32, #tpu.memory_space<vmem_shared>>
        tpu.enqueue_indirect_dma source(%arg11 : memref<128x128xf32, #tpu.memory_space<vmem>>) target(%dma_start3A_134 : memref<10240x128xf32, #tpu.memory_space<vmem_shared>>) offsets(%dma_start3A_131 : memref<128xi32, #tpu.memory_space<vmem>>) semaphore(%arg15 : memref<!tpu.dma_semaphore, #tpu.memory_space<semaphore_mem>>) {add = true}
      } else {
      }
    }
    %scan3A_45 = arith.constant 40 : i32
    %dma_wait3A_46 = arith.constant 0 : i32
    %dma_wait3A_47 = arith.constant 0 : i32
    %dma_wait3A_48 = tpu.memref_slice %arg2[%arg0, %dma_wait3A_46, %dma_wait3A_47] : memref<2x40960x128xf32, #tpu.memory_space<hbm>> -> memref<1x40960x128xf32, #tpu.memory_space<hbm>>
    %dma_wait3A_49 = tpu.memref_squeeze %dma_wait3A_48 : memref<1x40960x128xf32, #tpu.memory_space<hbm>> -> memref<40960x128xf32, #tpu.memory_space<hbm>>
    %dma_wait3A_50 = arith.constant 0 : i32
    %dma_wait3A_51 = arith.constant 0 : i32
    %dma_wait3A_52 = tpu.memref_slice %dma_wait3A_49[%dma_wait3A_50, %dma_wait3A_51] : memref<40960x128xf32, #tpu.memory_space<hbm>> -> memref<128x128xf32, #tpu.memory_space<hbm>>
    %dma_wait3A_53 = arith.constant 0 : i32
    %dma_wait3A_54 = arith.constant 0 : i32
    %dma_wait3A_55 = tpu.memref_slice %arg2[%arg0, %dma_wait3A_53, %dma_wait3A_54] : memref<2x40960x128xf32, #tpu.memory_space<hbm>> -> memref<1x40960x128xf32, #tpu.memory_space<hbm>>
    %dma_wait3A_56 = tpu.memref_squeeze %dma_wait3A_55 : memref<1x40960x128xf32, #tpu.memory_space<hbm>> -> memref<40960x128xf32, #tpu.memory_space<hbm>>
    %dma_wait3A_57 = arith.constant 0 : i32
    %dma_wait3A_58 = arith.constant 0 : i32
    %dma_wait3A_59 = tpu.memref_slice %dma_wait3A_56[%dma_wait3A_57, %dma_wait3A_58] : memref<40960x128xf32, #tpu.memory_space<hbm>> -> memref<128x128xf32, #tpu.memory_space<hbm>>
    tpu.wait_dma2 semaphore(%arg15 : memref<!tpu.dma_semaphore, #tpu.memory_space<semaphore_mem>>) src(%dma_wait3A_59 : memref<128x128xf32, #tpu.memory_space<hbm>>) dst(%arg11 : memref<128x128xf32, #tpu.memory_space<vmem>>)
    %barrier3A_60 = arith.constant 0 : index
    tpu.barrier barrier_id(%barrier3A_60)
    "tpu.region"() ({
      %run_scoped3A = tpu.sem_alloc : memref<!tpu.dma_semaphore, #tpu.memory_space<semaphore_mem>>
      %dma_start3A_61 = arith.constant 0 : i32
      %dma_start3A_62 = tpu.memref_slice %arg6[%arg0, %mul3A_0, %dma_start3A_61] : memref<2x10240x128xf32, #tpu.memory_space<hbm>> -> memref<1x640x128xf32, #tpu.memory_space<hbm>>
      %dma_start3A_63 = tpu.memref_squeeze %dma_start3A_62 : memref<1x640x128xf32, #tpu.memory_space<hbm>> -> memref<640x128xf32, #tpu.memory_space<hbm>>
      %dma_start3A_64 = arith.constant 0 : i32
      %dma_start3A_65 = tpu.memref_slice %arg7[%mul3A_0, %dma_start3A_64] : memref<10240x128xf32, #tpu.memory_space<vmem_shared>> -> memref<640x128xf32, #tpu.memory_space<vmem_shared>>
      tpu.enqueue_dma source(%dma_start3A_65 : memref<640x128xf32, #tpu.memory_space<vmem_shared>>) target(%dma_start3A_63 : memref<640x128xf32, #tpu.memory_space<hbm>>) target_semaphore(%run_scoped3A : memref<!tpu.dma_semaphore, #tpu.memory_space<semaphore_mem>>)
      %dma_wait3A_66 = arith.constant 0 : i32
      %dma_wait3A_67 = tpu.memref_slice %arg6[%arg0, %mul3A_0, %dma_wait3A_66] : memref<2x10240x128xf32, #tpu.memory_space<hbm>> -> memref<1x640x128xf32, #tpu.memory_space<hbm>>
      %dma_wait3A_68 = tpu.memref_squeeze %dma_wait3A_67 : memref<1x640x128xf32, #tpu.memory_space<hbm>> -> memref<640x128xf32, #tpu.memory_space<hbm>>
      %dma_wait3A_69 = arith.constant 0 : i32
      %dma_wait3A_70 = tpu.memref_slice %arg7[%mul3A_0, %dma_wait3A_69] : memref<10240x128xf32, #tpu.memory_space<vmem_shared>> -> memref<640x128xf32, #tpu.memory_space<vmem_shared>>
      tpu.wait_dma2 semaphore(%run_scoped3A : memref<!tpu.dma_semaphore, #tpu.memory_space<semaphore_mem>>) src(%dma_wait3A_70 : memref<640x128xf32, #tpu.memory_space<vmem_shared>>) dst(%dma_wait3A_68 : memref<640x128xf32, #tpu.memory_space<hbm>>)
      tpu.yield
    }) : () -> ()
    return
  }
}

#map = affine_map<(d0, d1) -> (0, 0, 0)>
module attributes {stable_mosaic.version = 14 : i64} {
  func.func @_sc_msg_body(%arg0: i32, %arg1: i32, %arg2: memref<2x40960x128xf32, #tpu.memory_space<hbm>>, %arg3: memref<2x10240x128xf32, #tpu.memory_space<hbm>>, %arg4: memref<16x80x128xi32, #tpu.memory_space<hbm>>, %arg5: memref<16x80x128xi32, #tpu.memory_space<hbm>>, %arg6: memref<2x10240x128xf32, #tpu.memory_space<hbm>>, %arg7: memref<10240x128xf32, #tpu.memory_space<vmem_shared>>, %arg8: memref<40x128xi32, #tpu.memory_space<vmem>>, %arg9: memref<40x128xi32, #tpu.memory_space<vmem>>, %arg10: memref<128x128xf32, #tpu.memory_space<vmem>>, %arg11: memref<128x128xf32, #tpu.memory_space<vmem>>, %arg12: memref<!tpu.dma_semaphore, #tpu.memory_space<semaphore_mem>>, %arg13: memref<!tpu.dma_semaphore, #tpu.memory_space<semaphore_mem>>, %arg14: memref<!tpu.dma_semaphore, #tpu.memory_space<semaphore_mem>>, %arg15: memref<!tpu.dma_semaphore, #tpu.memory_space<semaphore_mem>>) attributes {dimension_semantics = [#tpu.dimension_semantics<core_parallel>, #tpu.dimension_semantics<subcore_parallel>], iteration_bounds = array<i64: 2, 16>, scalar_prefetch = 0 : i64, scratch_operands = 9 : i64, tpu.core_type = #tpu.core_type<sc_vector_subcore>, window_params = [{transform_indices = #map}, {transform_indices = #map}, {transform_indices = #map}, {transform_indices = #map}, {transform_indices = #map}]} {
    %mul3A = arith.constant 640 : i32
    %mul3A_0 = arith.muli %arg1, %mul3A : i32
    "tpu.region"() ({
      %run_scoped3A = tpu.sem_alloc : memref<!tpu.dma_semaphore, #tpu.memory_space<semaphore_mem>>
      %dma_start3A_61 = arith.constant 0 : i32
      %dma_start3A_62 = tpu.memref_slice %arg7[%mul3A_0, %dma_start3A_61] : memref<10240x128xf32, #tpu.memory_space<vmem_shared>> -> memref<640x128xf32, #tpu.memory_space<vmem_shared>>
      %dma_start3A_63 = arith.constant 0 : i32
      %dma_start3A_64 = tpu.memref_slice %arg3[%arg0, %mul3A_0, %dma_start3A_63] : memref<2x10240x128xf32, #tpu.memory_space<hbm>> -> memref<1x640x128xf32, #tpu.memory_space<hbm>>
      %dma_start3A_65 = tpu.memref_squeeze %dma_start3A_64 : memref<1x640x128xf32, #tpu.memory_space<hbm>> -> memref<640x128xf32, #tpu.memory_space<hbm>>
      tpu.enqueue_dma source(%dma_start3A_65 : memref<640x128xf32, #tpu.memory_space<hbm>>) target(%dma_start3A_62 : memref<640x128xf32, #tpu.memory_space<vmem_shared>>) target_semaphore(%run_scoped3A : memref<!tpu.dma_semaphore, #tpu.memory_space<semaphore_mem>>)
      %dma_wait3A_66 = arith.constant 0 : i32
      %dma_wait3A_67 = tpu.memref_slice %arg7[%mul3A_0, %dma_wait3A_66] : memref<10240x128xf32, #tpu.memory_space<vmem_shared>> -> memref<640x128xf32, #tpu.memory_space<vmem_shared>>
      %dma_wait3A_68 = arith.constant 0 : i32
      %dma_wait3A_69 = tpu.memref_slice %arg3[%arg0, %mul3A_0, %dma_wait3A_68] : memref<2x10240x128xf32, #tpu.memory_space<hbm>> -> memref<1x640x128xf32, #tpu.memory_space<hbm>>
      %dma_wait3A_70 = tpu.memref_squeeze %dma_wait3A_69 : memref<1x640x128xf32, #tpu.memory_space<hbm>> -> memref<640x128xf32, #tpu.memory_space<hbm>>
      tpu.wait_dma2 semaphore(%run_scoped3A : memref<!tpu.dma_semaphore, #tpu.memory_space<semaphore_mem>>) src(%dma_wait3A_70 : memref<640x128xf32, #tpu.memory_space<hbm>>) dst(%dma_wait3A_67 : memref<640x128xf32, #tpu.memory_space<vmem_shared>>)
      tpu.yield
    }) : () -> ()
    %barrier3A = arith.constant 0 : index
    tpu.barrier barrier_id(%barrier3A)
    "tpu.region"() ({
      %run_scoped3A = tpu.sem_alloc : memref<!tpu.dma_semaphore, #tpu.memory_space<semaphore_mem>>
      %dma_start3A_61 = arith.constant 0 : i32
      %dma_start3A_62 = arith.constant 0 : i32
      %dma_start3A_63 = tpu.memref_slice %arg4[%arg1, %dma_start3A_61, %dma_start3A_62] : memref<16x80x128xi32, #tpu.memory_space<hbm>> -> memref<1x40x128xi32, #tpu.memory_space<hbm>>
      %dma_start3A_64 = tpu.memref_squeeze %dma_start3A_63 : memref<1x40x128xi32, #tpu.memory_space<hbm>> -> memref<40x128xi32, #tpu.memory_space<hbm>>
      %dma_start3A_65 = arith.constant 0 : i32
      %dma_start3A_66 = arith.constant 0 : i32
      %dma_start3A_67 = tpu.memref_slice %arg4[%arg1, %dma_start3A_65, %dma_start3A_66] : memref<16x80x128xi32, #tpu.memory_space<hbm>> -> memref<1x40x128xi32, #tpu.memory_space<hbm>>
      %dma_start3A_68 = tpu.memref_squeeze %dma_start3A_67 : memref<1x40x128xi32, #tpu.memory_space<hbm>> -> memref<40x128xi32, #tpu.memory_space<hbm>>
      tpu.enqueue_dma source(%dma_start3A_68 : memref<40x128xi32, #tpu.memory_space<hbm>>) target(%arg8 : memref<40x128xi32, #tpu.memory_space<vmem>>) target_semaphore(%run_scoped3A : memref<!tpu.dma_semaphore, #tpu.memory_space<semaphore_mem>>)
      %dma_wait3A_69 = arith.constant 0 : i32
      %dma_wait3A_70 = arith.constant 0 : i32
      %dma_wait3A_71 = tpu.memref_slice %arg4[%arg1, %dma_wait3A_69, %dma_wait3A_70] : memref<16x80x128xi32, #tpu.memory_space<hbm>> -> memref<1x40x128xi32, #tpu.memory_space<hbm>>
      %dma_wait3A_72 = tpu.memref_squeeze %dma_wait3A_71 : memref<1x40x128xi32, #tpu.memory_space<hbm>> -> memref<40x128xi32, #tpu.memory_space<hbm>>
      %dma_wait3A_73 = arith.constant 0 : i32
      %dma_wait3A_74 = arith.constant 0 : i32
      %dma_wait3A_75 = tpu.memref_slice %arg4[%arg1, %dma_wait3A_73, %dma_wait3A_74] : memref<16x80x128xi32, #tpu.memory_space<hbm>> -> memref<1x40x128xi32, #tpu.memory_space<hbm>>
      %dma_wait3A_76 = tpu.memref_squeeze %dma_wait3A_75 : memref<1x40x128xi32, #tpu.memory_space<hbm>> -> memref<40x128xi32, #tpu.memory_space<hbm>>
      tpu.wait_dma2 semaphore(%run_scoped3A : memref<!tpu.dma_semaphore, #tpu.memory_space<semaphore_mem>>) src(%dma_wait3A_76 : memref<40x128xi32, #tpu.memory_space<hbm>>) dst(%arg8 : memref<40x128xi32, #tpu.memory_space<vmem>>)
      tpu.yield
    }) : () -> ()
    "tpu.region"() ({
      %run_scoped3A = tpu.sem_alloc : memref<!tpu.dma_semaphore, #tpu.memory_space<semaphore_mem>>
      %dma_start3A_61 = arith.constant 0 : i32
      %dma_start3A_62 = arith.constant 0 : i32
      %dma_start3A_63 = tpu.memref_slice %arg5[%arg1, %dma_start3A_61, %dma_start3A_62] : memref<16x80x128xi32, #tpu.memory_space<hbm>> -> memref<1x40x128xi32, #tpu.memory_space<hbm>>
      %dma_start3A_64 = tpu.memref_squeeze %dma_start3A_63 : memref<1x40x128xi32, #tpu.memory_space<hbm>> -> memref<40x128xi32, #tpu.memory_space<hbm>>
      %dma_start3A_65 = arith.constant 0 : i32
      %dma_start3A_66 = arith.constant 0 : i32
      %dma_start3A_67 = tpu.memref_slice %arg5[%arg1, %dma_start3A_65, %dma_start3A_66] : memref<16x80x128xi32, #tpu.memory_space<hbm>> -> memref<1x40x128xi32, #tpu.memory_space<hbm>>
      %dma_start3A_68 = tpu.memref_squeeze %dma_start3A_67 : memref<1x40x128xi32, #tpu.memory_space<hbm>> -> memref<40x128xi32, #tpu.memory_space<hbm>>
      tpu.enqueue_dma source(%dma_start3A_68 : memref<40x128xi32, #tpu.memory_space<hbm>>) target(%arg9 : memref<40x128xi32, #tpu.memory_space<vmem>>) target_semaphore(%run_scoped3A : memref<!tpu.dma_semaphore, #tpu.memory_space<semaphore_mem>>)
      %dma_wait3A_69 = arith.constant 0 : i32
      %dma_wait3A_70 = arith.constant 0 : i32
      %dma_wait3A_71 = tpu.memref_slice %arg5[%arg1, %dma_wait3A_69, %dma_wait3A_70] : memref<16x80x128xi32, #tpu.memory_space<hbm>> -> memref<1x40x128xi32, #tpu.memory_space<hbm>>
      %dma_wait3A_72 = tpu.memref_squeeze %dma_wait3A_71 : memref<1x40x128xi32, #tpu.memory_space<hbm>> -> memref<40x128xi32, #tpu.memory_space<hbm>>
      %dma_wait3A_73 = arith.constant 0 : i32
      %dma_wait3A_74 = arith.constant 0 : i32
      %dma_wait3A_75 = tpu.memref_slice %arg5[%arg1, %dma_wait3A_73, %dma_wait3A_74] : memref<16x80x128xi32, #tpu.memory_space<hbm>> -> memref<1x40x128xi32, #tpu.memory_space<hbm>>
      %dma_wait3A_76 = tpu.memref_squeeze %dma_wait3A_75 : memref<1x40x128xi32, #tpu.memory_space<hbm>> -> memref<40x128xi32, #tpu.memory_space<hbm>>
      tpu.wait_dma2 semaphore(%run_scoped3A : memref<!tpu.dma_semaphore, #tpu.memory_space<semaphore_mem>>) src(%dma_wait3A_76 : memref<40x128xi32, #tpu.memory_space<hbm>>) dst(%arg9 : memref<40x128xi32, #tpu.memory_space<vmem>>)
      tpu.yield
    }) : () -> ()
    %dma_start3A = arith.constant 0 : i32
    %dma_start3A_1 = arith.constant 0 : i32
    %dma_start3A_2 = tpu.memref_slice %arg8[%dma_start3A, %dma_start3A_1] : memref<40x128xi32, #tpu.memory_space<vmem>> -> memref<1x128xi32, #tpu.memory_space<vmem>>
    %dma_start3A_3 = tpu.memref_squeeze %dma_start3A_2 : memref<1x128xi32, #tpu.memory_space<vmem>> -> memref<128xi32, #tpu.memory_space<vmem>>
    %dma_start3A_4 = arith.constant 0 : i32
    %dma_start3A_5 = arith.constant 0 : i32
    %dma_start3A_6 = tpu.memref_slice %arg2[%arg0, %dma_start3A_4, %dma_start3A_5] : memref<2x40960x128xf32, #tpu.memory_space<hbm>> -> memref<1x40960x128xf32, #tpu.memory_space<hbm>>
    %dma_start3A_7 = tpu.memref_squeeze %dma_start3A_6 : memref<1x40960x128xf32, #tpu.memory_space<hbm>> -> memref<40960x128xf32, #tpu.memory_space<hbm>>
    %dma_start3A_8 = arith.constant 0 : i32
    %dma_start3A_9 = arith.constant 0 : i32
    %dma_start3A_10 = tpu.memref_slice %dma_start3A_7[%dma_start3A_8, %dma_start3A_9] : memref<40960x128xf32, #tpu.memory_space<hbm>> -> memref<40960x128xf32, #tpu.memory_space<hbm>>
    tpu.enqueue_indirect_dma source(%dma_start3A_10 : memref<40960x128xf32, #tpu.memory_space<hbm>>) target(%arg10 : memref<128x128xf32, #tpu.memory_space<vmem>>) offsets(%dma_start3A_3 : memref<128xi32, #tpu.memory_space<vmem>>) semaphore(%arg12 : memref<!tpu.dma_semaphore, #tpu.memory_space<semaphore_mem>>)
    %scan3A = arith.constant 0 : i32
    %scan3A_11 = arith.constant 0 : i32
    %scan3A_12 = arith.constant 40 : i32
    %scan3A_13 = arith.addi %scan3A_11, %scan3A_12 : i32
    %scan3A_14 = arith.constant 1 : i32
    scf.for %scan3A_61 = %scan3A_11 to %scan3A_13 step %scan3A_14  : i32 {
      %jit3A = arith.constant 2 : i32
      %eq3A = arith.constant 0 : i32
      %eq3A_62 = arith.cmpi eq, %jit3A, %eq3A : i32
      %jit3A_63 = arith.constant 1 : i32
      %select_n3A = arith.select %eq3A_62, %jit3A_63, %jit3A : i32
      %rem3A = arith.remsi %scan3A_61, %select_n3A : i32
      %ne3A = arith.constant 0 : i32
      %ne3A_64 = arith.cmpi ne, %rem3A, %ne3A : i32
      %lt3A = arith.constant 0 : i32
      %lt3A_65 = arith.cmpi slt, %rem3A, %lt3A : i32
      %lt3A_66 = arith.constant 0 : i32
      %lt3A_67 = arith.cmpi slt, %select_n3A, %lt3A_66 : i32
      %ne3A_68 = arith.xori %lt3A_65, %lt3A_67 : i1
      %and3A = arith.andi %ne3A_68, %ne3A_64 : i1
      %add3A = arith.addi %rem3A, %select_n3A : i32
      %select_n3A_69 = arith.select %and3A, %add3A, %rem3A : i32
      %eq3A_70 = arith.constant 0 : i32
      %eq3A_71 = arith.cmpi eq, %select_n3A_69, %eq3A_70 : i32
      %convert_element_type3A = arith.extui %eq3A_71 : i1 to i32
      %cond3A = arith.constant 0 : i32
      %cond3A_72 = arith.cmpi ne, %convert_element_type3A, %cond3A : i32
      scf.if %cond3A_72 {
        %gt3A = arith.constant 0 : i32
        %gt3A_94 = arith.cmpi sgt, %scan3A_61, %gt3A : i32
        %convert_element_type3A_95 = arith.extui %gt3A_94 : i1 to i32
        %cond3A_96 = arith.constant 0 : i32
        %cond3A_97 = arith.cmpi ne, %convert_element_type3A_95, %cond3A_96 : i32
        scf.if %cond3A_97 {
          %dma_wait3A_125 = arith.constant 0 : i32
          %dma_wait3A_126 = arith.constant 0 : i32
          %dma_wait3A_127 = tpu.memref_slice %arg2[%arg0, %dma_wait3A_125, %dma_wait3A_126] : memref<2x40960x128xf32, #tpu.memory_space<hbm>> -> memref<1x40960x128xf32, #tpu.memory_space<hbm>>
          %dma_wait3A_128 = tpu.memref_squeeze %dma_wait3A_127 : memref<1x40960x128xf32, #tpu.memory_space<hbm>> -> memref<40960x128xf32, #tpu.memory_space<hbm>>
          %dma_wait3A_129 = arith.constant 0 : i32
          %dma_wait3A_130 = arith.constant 0 : i32
          %dma_wait3A_131 = tpu.memref_slice %dma_wait3A_128[%dma_wait3A_129, %dma_wait3A_130] : memref<40960x128xf32, #tpu.memory_space<hbm>> -> memref<128x128xf32, #tpu.memory_space<hbm>>
          %dma_wait3A_132 = arith.constant 0 : i32
          %dma_wait3A_133 = arith.constant 0 : i32
          %dma_wait3A_134 = tpu.memref_slice %arg2[%arg0, %dma_wait3A_132, %dma_wait3A_133] : memref<2x40960x128xf32, #tpu.memory_space<hbm>> -> memref<1x40960x128xf32, #tpu.memory_space<hbm>>
          %dma_wait3A_135 = tpu.memref_squeeze %dma_wait3A_134 : memref<1x40960x128xf32, #tpu.memory_space<hbm>> -> memref<40960x128xf32, #tpu.memory_space<hbm>>
          %dma_wait3A_136 = arith.constant 0 : i32
          %dma_wait3A_137 = arith.constant 0 : i32
          %dma_wait3A_138 = tpu.memref_slice %dma_wait3A_135[%dma_wait3A_136, %dma_wait3A_137] : memref<40960x128xf32, #tpu.memory_space<hbm>> -> memref<128x128xf32, #tpu.memory_space<hbm>>
          tpu.wait_dma2 semaphore(%arg15 : memref<!tpu.dma_semaphore, #tpu.memory_space<semaphore_mem>>) src(%dma_wait3A_138 : memref<128x128xf32, #tpu.memory_space<hbm>>) dst(%arg11 : memref<128x128xf32, #tpu.memory_space<vmem>>)
        } else {
        }
        %add3A_98 = arith.constant 1 : i32
        %add3A_99 = arith.addi %scan3A_61, %add3A_98 : i32
        %lt3A_100 = arith.constant 40 : i32
        %lt3A_101 = arith.cmpi slt, %add3A_99, %lt3A_100 : i32
        %convert_element_type3A_102 = arith.extui %lt3A_101 : i1 to i32
        %cond3A_103 = arith.constant 0 : i32
        %cond3A_104 = arith.cmpi ne, %convert_element_type3A_102, %cond3A_103 : i32
        scf.if %cond3A_104 {
          %add3A_125 = arith.constant 1 : i32
          %add3A_126 = arith.addi %scan3A_61, %add3A_125 : i32
          %dma_start3A_127 = arith.constant 0 : i32
          %dma_start3A_128 = tpu.memref_slice %arg8[%add3A_126, %dma_start3A_127] : memref<40x128xi32, #tpu.memory_space<vmem>> -> memref<1x128xi32, #tpu.memory_space<vmem>>
          %dma_start3A_129 = tpu.memref_squeeze %dma_start3A_128 : memref<1x128xi32, #tpu.memory_space<vmem>> -> memref<128xi32, #tpu.memory_space<vmem>>
          %dma_start3A_130 = arith.constant 0 : i32
          %dma_start3A_131 = arith.constant 0 : i32
          %dma_start3A_132 = tpu.memref_slice %arg2[%arg0, %dma_start3A_130, %dma_start3A_131] : memref<2x40960x128xf32, #tpu.memory_space<hbm>> -> memref<1x40960x128xf32, #tpu.memory_space<hbm>>
          %dma_start3A_133 = tpu.memref_squeeze %dma_start3A_132 : memref<1x40960x128xf32, #tpu.memory_space<hbm>> -> memref<40960x128xf32, #tpu.memory_space<hbm>>
          %dma_start3A_134 = arith.constant 0 : i32
          %dma_start3A_135 = arith.constant 0 : i32
          %dma_start3A_136 = tpu.memref_slice %dma_start3A_133[%dma_start3A_134, %dma_start3A_135] : memref<40960x128xf32, #tpu.memory_space<hbm>> -> memref<40960x128xf32, #tpu.memory_space<hbm>>
          tpu.enqueue_indirect_dma source(%dma_start3A_136 : memref<40960x128xf32, #tpu.memory_space<hbm>>) target(%arg11 : memref<128x128xf32, #tpu.memory_space<vmem>>) offsets(%dma_start3A_129 : memref<128xi32, #tpu.memory_space<vmem>>) semaphore(%arg13 : memref<!tpu.dma_semaphore, #tpu.memory_space<semaphore_mem>>)
        } else {
        }
        %dma_wait3A_105 = arith.constant 0 : i32
        %dma_wait3A_106 = arith.constant 0 : i32
        %dma_wait3A_107 = tpu.memref_slice %arg2[%arg0, %dma_wait3A_105, %dma_wait3A_106] : memref<2x40960x128xf32, #tpu.memory_space<hbm>> -> memref<1x40960x128xf32, #tpu.memory_space<hbm>>
        %dma_wait3A_108 = tpu.memref_squeeze %dma_wait3A_107 : memref<1x40960x128xf32, #tpu.memory_space<hbm>> -> memref<40960x128xf32, #tpu.memory_space<hbm>>
        %dma_wait3A_109 = arith.constant 0 : i32
        %dma_wait3A_110 = arith.constant 0 : i32
        %dma_wait3A_111 = tpu.memref_slice %dma_wait3A_108[%dma_wait3A_109, %dma_wait3A_110] : memref<40960x128xf32, #tpu.memory_space<hbm>> -> memref<128x128xf32, #tpu.memory_space<hbm>>
        %dma_wait3A_112 = arith.constant 0 : i32
        %dma_wait3A_113 = arith.constant 0 : i32
        %dma_wait3A_114 = tpu.memref_slice %arg2[%arg0, %dma_wait3A_112, %dma_wait3A_113] : memref<2x40960x128xf32, #tpu.memory_space<hbm>> -> memref<1x40960x128xf32, #tpu.memory_space<hbm>>
        %dma_wait3A_115 = tpu.memref_squeeze %dma_wait3A_114 : memref<1x40960x128xf32, #tpu.memory_space<hbm>> -> memref<40960x128xf32, #tpu.memory_space<hbm>>
        %dma_wait3A_116 = arith.constant 0 : i32
        %dma_wait3A_117 = arith.constant 0 : i32
        %dma_wait3A_118 = tpu.memref_slice %dma_wait3A_115[%dma_wait3A_116, %dma_wait3A_117] : memref<40960x128xf32, #tpu.memory_space<hbm>> -> memref<128x128xf32, #tpu.memory_space<hbm>>
        tpu.wait_dma2 semaphore(%arg12 : memref<!tpu.dma_semaphore, #tpu.memory_space<semaphore_mem>>) src(%dma_wait3A_118 : memref<128x128xf32, #tpu.memory_space<hbm>>) dst(%arg10 : memref<128x128xf32, #tpu.memory_space<vmem>>)
        %dma_start3A_119 = arith.constant 0 : i32
        %dma_start3A_120 = tpu.memref_slice %arg9[%scan3A_61, %dma_start3A_119] : memref<40x128xi32, #tpu.memory_space<vmem>> -> memref<1x128xi32, #tpu.memory_space<vmem>>
        %dma_start3A_121 = tpu.memref_squeeze %dma_start3A_120 : memref<1x128xi32, #tpu.memory_space<vmem>> -> memref<128xi32, #tpu.memory_space<vmem>>
        %dma_start3A_122 = arith.constant 0 : i32
        %dma_start3A_123 = arith.constant 0 : i32
        %dma_start3A_124 = tpu.memref_slice %arg7[%dma_start3A_122, %dma_start3A_123] : memref<10240x128xf32, #tpu.memory_space<vmem_shared>> -> memref<10240x128xf32, #tpu.memory_space<vmem_shared>>
        tpu.enqueue_indirect_dma source(%arg10 : memref<128x128xf32, #tpu.memory_space<vmem>>) target(%dma_start3A_124 : memref<10240x128xf32, #tpu.memory_space<vmem_shared>>) offsets(%dma_start3A_121 : memref<128xi32, #tpu.memory_space<vmem>>) semaphore(%arg14 : memref<!tpu.dma_semaphore, #tpu.memory_space<semaphore_mem>>) {add = true}
      } else {
      }
      %jit3A_73 = arith.constant 2 : i32
      %eq3A_74 = arith.constant 0 : i32
      %eq3A_75 = arith.cmpi eq, %jit3A_73, %eq3A_74 : i32
      %jit3A_76 = arith.constant 1 : i32
      %select_n3A_77 = arith.select %eq3A_75, %jit3A_76, %jit3A_73 : i32
      %rem3A_78 = arith.remsi %scan3A_61, %select_n3A_77 : i32
      %ne3A_79 = arith.constant 0 : i32
      %ne3A_80 = arith.cmpi ne, %rem3A_78, %ne3A_79 : i32
      %lt3A_81 = arith.constant 0 : i32
      %lt3A_82 = arith.cmpi slt, %rem3A_78, %lt3A_81 : i32
      %lt3A_83 = arith.constant 0 : i32
      %lt3A_84 = arith.cmpi slt, %select_n3A_77, %lt3A_83 : i32
      %ne3A_85 = arith.xori %lt3A_82, %lt3A_84 : i1
      %and3A_86 = arith.andi %ne3A_85, %ne3A_80 : i1
      %add3A_87 = arith.addi %rem3A_78, %select_n3A_77 : i32
      %select_n3A_88 = arith.select %and3A_86, %add3A_87, %rem3A_78 : i32
      %eq3A_89 = arith.constant 1 : i32
      %eq3A_90 = arith.cmpi eq, %select_n3A_88, %eq3A_89 : i32
      %convert_element_type3A_91 = arith.extui %eq3A_90 : i1 to i32
      %cond3A_92 = arith.constant 0 : i32
      %cond3A_93 = arith.cmpi ne, %convert_element_type3A_91, %cond3A_92 : i32
      scf.if %cond3A_93 {
        %dma_wait3A_94 = arith.constant 0 : i32
        %dma_wait3A_95 = arith.constant 0 : i32
        %dma_wait3A_96 = tpu.memref_slice %arg2[%arg0, %dma_wait3A_94, %dma_wait3A_95] : memref<2x40960x128xf32, #tpu.memory_space<hbm>> -> memref<1x40960x128xf32, #tpu.memory_space<hbm>>
        %dma_wait3A_97 = tpu.memref_squeeze %dma_wait3A_96 : memref<1x40960x128xf32, #tpu.memory_space<hbm>> -> memref<40960x128xf32, #tpu.memory_space<hbm>>
        %dma_wait3A_98 = arith.constant 0 : i32
        %dma_wait3A_99 = arith.constant 0 : i32
        %dma_wait3A_100 = tpu.memref_slice %dma_wait3A_97[%dma_wait3A_98, %dma_wait3A_99] : memref<40960x128xf32, #tpu.memory_space<hbm>> -> memref<128x128xf32, #tpu.memory_space<hbm>>
        %dma_wait3A_101 = arith.constant 0 : i32
        %dma_wait3A_102 = arith.constant 0 : i32
        %dma_wait3A_103 = tpu.memref_slice %arg2[%arg0, %dma_wait3A_101, %dma_wait3A_102] : memref<2x40960x128xf32, #tpu.memory_space<hbm>> -> memref<1x40960x128xf32, #tpu.memory_space<hbm>>
        %dma_wait3A_104 = tpu.memref_squeeze %dma_wait3A_103 : memref<1x40960x128xf32, #tpu.memory_space<hbm>> -> memref<40960x128xf32, #tpu.memory_space<hbm>>
        %dma_wait3A_105 = arith.constant 0 : i32
        %dma_wait3A_106 = arith.constant 0 : i32
        %dma_wait3A_107 = tpu.memref_slice %dma_wait3A_104[%dma_wait3A_105, %dma_wait3A_106] : memref<40960x128xf32, #tpu.memory_space<hbm>> -> memref<128x128xf32, #tpu.memory_space<hbm>>
        tpu.wait_dma2 semaphore(%arg14 : memref<!tpu.dma_semaphore, #tpu.memory_space<semaphore_mem>>) src(%dma_wait3A_107 : memref<128x128xf32, #tpu.memory_space<hbm>>) dst(%arg10 : memref<128x128xf32, #tpu.memory_space<vmem>>)
        %add3A_108 = arith.constant 1 : i32
        %add3A_109 = arith.addi %scan3A_61, %add3A_108 : i32
        %lt3A_110 = arith.constant 40 : i32
        %lt3A_111 = arith.cmpi slt, %add3A_109, %lt3A_110 : i32
        %convert_element_type3A_112 = arith.extui %lt3A_111 : i1 to i32
        %cond3A_113 = arith.constant 0 : i32
        %cond3A_114 = arith.cmpi ne, %convert_element_type3A_112, %cond3A_113 : i32
        scf.if %cond3A_114 {
          %add3A_135 = arith.constant 1 : i32
          %add3A_136 = arith.addi %scan3A_61, %add3A_135 : i32
          %dma_start3A_137 = arith.constant 0 : i32
          %dma_start3A_138 = tpu.memref_slice %arg8[%add3A_136, %dma_start3A_137] : memref<40x128xi32, #tpu.memory_space<vmem>> -> memref<1x128xi32, #tpu.memory_space<vmem>>
          %dma_start3A_139 = tpu.memref_squeeze %dma_start3A_138 : memref<1x128xi32, #tpu.memory_space<vmem>> -> memref<128xi32, #tpu.memory_space<vmem>>
          %dma_start3A_140 = arith.constant 0 : i32
          %dma_start3A_141 = arith.constant 0 : i32
          %dma_start3A_142 = tpu.memref_slice %arg2[%arg0, %dma_start3A_140, %dma_start3A_141] : memref<2x40960x128xf32, #tpu.memory_space<hbm>> -> memref<1x40960x128xf32, #tpu.memory_space<hbm>>
          %dma_start3A_143 = tpu.memref_squeeze %dma_start3A_142 : memref<1x40960x128xf32, #tpu.memory_space<hbm>> -> memref<40960x128xf32, #tpu.memory_space<hbm>>
          %dma_start3A_144 = arith.constant 0 : i32
          %dma_start3A_145 = arith.constant 0 : i32
          %dma_start3A_146 = tpu.memref_slice %dma_start3A_143[%dma_start3A_144, %dma_start3A_145] : memref<40960x128xf32, #tpu.memory_space<hbm>> -> memref<40960x128xf32, #tpu.memory_space<hbm>>
          tpu.enqueue_indirect_dma source(%dma_start3A_146 : memref<40960x128xf32, #tpu.memory_space<hbm>>) target(%arg10 : memref<128x128xf32, #tpu.memory_space<vmem>>) offsets(%dma_start3A_139 : memref<128xi32, #tpu.memory_space<vmem>>) semaphore(%arg12 : memref<!tpu.dma_semaphore, #tpu.memory_space<semaphore_mem>>)
        } else {
        }
        %dma_wait3A_115 = arith.constant 0 : i32
        %dma_wait3A_116 = arith.constant 0 : i32
        %dma_wait3A_117 = tpu.memref_slice %arg2[%arg0, %dma_wait3A_115, %dma_wait3A_116] : memref<2x40960x128xf32, #tpu.memory_space<hbm>> -> memref<1x40960x128xf32, #tpu.memory_space<hbm>>
        %dma_wait3A_118 = tpu.memref_squeeze %dma_wait3A_117 : memref<1x40960x128xf32, #tpu.memory_space<hbm>> -> memref<40960x128xf32, #tpu.memory_space<hbm>>
        %dma_wait3A_119 = arith.constant 0 : i32
        %dma_wait3A_120 = arith.constant 0 : i32
        %dma_wait3A_121 = tpu.memref_slice %dma_wait3A_118[%dma_wait3A_119, %dma_wait3A_120] : memref<40960x128xf32, #tpu.memory_space<hbm>> -> memref<128x128xf32, #tpu.memory_space<hbm>>
        %dma_wait3A_122 = arith.constant 0 : i32
        %dma_wait3A_123 = arith.constant 0 : i32
        %dma_wait3A_124 = tpu.memref_slice %arg2[%arg0, %dma_wait3A_122, %dma_wait3A_123] : memref<2x40960x128xf32, #tpu.memory_space<hbm>> -> memref<1x40960x128xf32, #tpu.memory_space<hbm>>
        %dma_wait3A_125 = tpu.memref_squeeze %dma_wait3A_124 : memref<1x40960x128xf32, #tpu.memory_space<hbm>> -> memref<40960x128xf32, #tpu.memory_space<hbm>>
        %dma_wait3A_126 = arith.constant 0 : i32
        %dma_wait3A_127 = arith.constant 0 : i32
        %dma_wait3A_128 = tpu.memref_slice %dma_wait3A_125[%dma_wait3A_126, %dma_wait3A_127] : memref<40960x128xf32, #tpu.memory_space<hbm>> -> memref<128x128xf32, #tpu.memory_space<hbm>>
        tpu.wait_dma2 semaphore(%arg13 : memref<!tpu.dma_semaphore, #tpu.memory_space<semaphore_mem>>) src(%dma_wait3A_128 : memref<128x128xf32, #tpu.memory_space<hbm>>) dst(%arg11 : memref<128x128xf32, #tpu.memory_space<vmem>>)
        %dma_start3A_129 = arith.constant 0 : i32
        %dma_start3A_130 = tpu.memref_slice %arg9[%scan3A_61, %dma_start3A_129] : memref<40x128xi32, #tpu.memory_space<vmem>> -> memref<1x128xi32, #tpu.memory_space<vmem>>
        %dma_start3A_131 = tpu.memref_squeeze %dma_start3A_130 : memref<1x128xi32, #tpu.memory_space<vmem>> -> memref<128xi32, #tpu.memory_space<vmem>>
        %dma_start3A_132 = arith.constant 0 : i32
        %dma_start3A_133 = arith.constant 0 : i32
        %dma_start3A_134 = tpu.memref_slice %arg7[%dma_start3A_132, %dma_start3A_133] : memref<10240x128xf32, #tpu.memory_space<vmem_shared>> -> memref<10240x128xf32, #tpu.memory_space<vmem_shared>>
        tpu.enqueue_indirect_dma source(%arg11 : memref<128x128xf32, #tpu.memory_space<vmem>>) target(%dma_start3A_134 : memref<10240x128xf32, #tpu.memory_space<vmem_shared>>) offsets(%dma_start3A_131 : memref<128xi32, #tpu.memory_space<vmem>>) semaphore(%arg15 : memref<!tpu.dma_semaphore, #tpu.memory_space<semaphore_mem>>) {add = true}
      } else {
      }
    }
    %scan3A_15 = arith.constant 40 : i32
    %dma_wait3A = arith.constant 0 : i32
    %dma_wait3A_16 = arith.constant 0 : i32
    %dma_wait3A_17 = tpu.memref_slice %arg2[%arg0, %dma_wait3A, %dma_wait3A_16] : memref<2x40960x128xf32, #tpu.memory_space<hbm>> -> memref<1x40960x128xf32, #tpu.memory_space<hbm>>
    %dma_wait3A_18 = tpu.memref_squeeze %dma_wait3A_17 : memref<1x40960x128xf32, #tpu.memory_space<hbm>> -> memref<40960x128xf32, #tpu.memory_space<hbm>>
    %dma_wait3A_19 = arith.constant 0 : i32
    %dma_wait3A_20 = arith.constant 0 : i32
    %dma_wait3A_21 = tpu.memref_slice %dma_wait3A_18[%dma_wait3A_19, %dma_wait3A_20] : memref<40960x128xf32, #tpu.memory_space<hbm>> -> memref<128x128xf32, #tpu.memory_space<hbm>>
    %dma_wait3A_22 = arith.constant 0 : i32
    %dma_wait3A_23 = arith.constant 0 : i32
    %dma_wait3A_24 = tpu.memref_slice %arg2[%arg0, %dma_wait3A_22, %dma_wait3A_23] : memref<2x40960x128xf32, #tpu.memory_space<hbm>> -> memref<1x40960x128xf32, #tpu.memory_space<hbm>>
    %dma_wait3A_25 = tpu.memref_squeeze %dma_wait3A_24 : memref<1x40960x128xf32, #tpu.memory_space<hbm>> -> memref<40960x128xf32, #tpu.memory_space<hbm>>
    %dma_wait3A_26 = arith.constant 0 : i32
    %dma_wait3A_27 = arith.constant 0 : i32
    %dma_wait3A_28 = tpu.memref_slice %dma_wait3A_25[%dma_wait3A_26, %dma_wait3A_27] : memref<40960x128xf32, #tpu.memory_space<hbm>> -> memref<128x128xf32, #tpu.memory_space<hbm>>
    tpu.wait_dma2 semaphore(%arg15 : memref<!tpu.dma_semaphore, #tpu.memory_space<semaphore_mem>>) src(%dma_wait3A_28 : memref<128x128xf32, #tpu.memory_space<hbm>>) dst(%arg11 : memref<128x128xf32, #tpu.memory_space<vmem>>)
    "tpu.region"() ({
      %run_scoped3A = tpu.sem_alloc : memref<!tpu.dma_semaphore, #tpu.memory_space<semaphore_mem>>
      %dma_start3A_61 = arith.constant 40 : i32
      %dma_start3A_62 = arith.constant 0 : i32
      %dma_start3A_63 = tpu.memref_slice %arg4[%arg1, %dma_start3A_61, %dma_start3A_62] : memref<16x80x128xi32, #tpu.memory_space<hbm>> -> memref<1x40x128xi32, #tpu.memory_space<hbm>>
      %dma_start3A_64 = tpu.memref_squeeze %dma_start3A_63 : memref<1x40x128xi32, #tpu.memory_space<hbm>> -> memref<40x128xi32, #tpu.memory_space<hbm>>
      %dma_start3A_65 = arith.constant 40 : i32
      %dma_start3A_66 = arith.constant 0 : i32
      %dma_start3A_67 = tpu.memref_slice %arg4[%arg1, %dma_start3A_65, %dma_start3A_66] : memref<16x80x128xi32, #tpu.memory_space<hbm>> -> memref<1x40x128xi32, #tpu.memory_space<hbm>>
      %dma_start3A_68 = tpu.memref_squeeze %dma_start3A_67 : memref<1x40x128xi32, #tpu.memory_space<hbm>> -> memref<40x128xi32, #tpu.memory_space<hbm>>
      tpu.enqueue_dma source(%dma_start3A_68 : memref<40x128xi32, #tpu.memory_space<hbm>>) target(%arg8 : memref<40x128xi32, #tpu.memory_space<vmem>>) target_semaphore(%run_scoped3A : memref<!tpu.dma_semaphore, #tpu.memory_space<semaphore_mem>>)
      %dma_wait3A_69 = arith.constant 40 : i32
      %dma_wait3A_70 = arith.constant 0 : i32
      %dma_wait3A_71 = tpu.memref_slice %arg4[%arg1, %dma_wait3A_69, %dma_wait3A_70] : memref<16x80x128xi32, #tpu.memory_space<hbm>> -> memref<1x40x128xi32, #tpu.memory_space<hbm>>
      %dma_wait3A_72 = tpu.memref_squeeze %dma_wait3A_71 : memref<1x40x128xi32, #tpu.memory_space<hbm>> -> memref<40x128xi32, #tpu.memory_space<hbm>>
      %dma_wait3A_73 = arith.constant 40 : i32
      %dma_wait3A_74 = arith.constant 0 : i32
      %dma_wait3A_75 = tpu.memref_slice %arg4[%arg1, %dma_wait3A_73, %dma_wait3A_74] : memref<16x80x128xi32, #tpu.memory_space<hbm>> -> memref<1x40x128xi32, #tpu.memory_space<hbm>>
      %dma_wait3A_76 = tpu.memref_squeeze %dma_wait3A_75 : memref<1x40x128xi32, #tpu.memory_space<hbm>> -> memref<40x128xi32, #tpu.memory_space<hbm>>
      tpu.wait_dma2 semaphore(%run_scoped3A : memref<!tpu.dma_semaphore, #tpu.memory_space<semaphore_mem>>) src(%dma_wait3A_76 : memref<40x128xi32, #tpu.memory_space<hbm>>) dst(%arg8 : memref<40x128xi32, #tpu.memory_space<vmem>>)
      tpu.yield
    }) : () -> ()
    "tpu.region"() ({
      %run_scoped3A = tpu.sem_alloc : memref<!tpu.dma_semaphore, #tpu.memory_space<semaphore_mem>>
      %dma_start3A_61 = arith.constant 40 : i32
      %dma_start3A_62 = arith.constant 0 : i32
      %dma_start3A_63 = tpu.memref_slice %arg5[%arg1, %dma_start3A_61, %dma_start3A_62] : memref<16x80x128xi32, #tpu.memory_space<hbm>> -> memref<1x40x128xi32, #tpu.memory_space<hbm>>
      %dma_start3A_64 = tpu.memref_squeeze %dma_start3A_63 : memref<1x40x128xi32, #tpu.memory_space<hbm>> -> memref<40x128xi32, #tpu.memory_space<hbm>>
      %dma_start3A_65 = arith.constant 40 : i32
      %dma_start3A_66 = arith.constant 0 : i32
      %dma_start3A_67 = tpu.memref_slice %arg5[%arg1, %dma_start3A_65, %dma_start3A_66] : memref<16x80x128xi32, #tpu.memory_space<hbm>> -> memref<1x40x128xi32, #tpu.memory_space<hbm>>
      %dma_start3A_68 = tpu.memref_squeeze %dma_start3A_67 : memref<1x40x128xi32, #tpu.memory_space<hbm>> -> memref<40x128xi32, #tpu.memory_space<hbm>>
      tpu.enqueue_dma source(%dma_start3A_68 : memref<40x128xi32, #tpu.memory_space<hbm>>) target(%arg9 : memref<40x128xi32, #tpu.memory_space<vmem>>) target_semaphore(%run_scoped3A : memref<!tpu.dma_semaphore, #tpu.memory_space<semaphore_mem>>)
      %dma_wait3A_69 = arith.constant 40 : i32
      %dma_wait3A_70 = arith.constant 0 : i32
      %dma_wait3A_71 = tpu.memref_slice %arg5[%arg1, %dma_wait3A_69, %dma_wait3A_70] : memref<16x80x128xi32, #tpu.memory_space<hbm>> -> memref<1x40x128xi32, #tpu.memory_space<hbm>>
      %dma_wait3A_72 = tpu.memref_squeeze %dma_wait3A_71 : memref<1x40x128xi32, #tpu.memory_space<hbm>> -> memref<40x128xi32, #tpu.memory_space<hbm>>
      %dma_wait3A_73 = arith.constant 40 : i32
      %dma_wait3A_74 = arith.constant 0 : i32
      %dma_wait3A_75 = tpu.memref_slice %arg5[%arg1, %dma_wait3A_73, %dma_wait3A_74] : memref<16x80x128xi32, #tpu.memory_space<hbm>> -> memref<1x40x128xi32, #tpu.memory_space<hbm>>
      %dma_wait3A_76 = tpu.memref_squeeze %dma_wait3A_75 : memref<1x40x128xi32, #tpu.memory_space<hbm>> -> memref<40x128xi32, #tpu.memory_space<hbm>>
      tpu.wait_dma2 semaphore(%run_scoped3A : memref<!tpu.dma_semaphore, #tpu.memory_space<semaphore_mem>>) src(%dma_wait3A_76 : memref<40x128xi32, #tpu.memory_space<hbm>>) dst(%arg9 : memref<40x128xi32, #tpu.memory_space<vmem>>)
      tpu.yield
    }) : () -> ()
    %dma_start3A_29 = arith.constant 0 : i32
    %dma_start3A_30 = arith.constant 0 : i32
    %dma_start3A_31 = tpu.memref_slice %arg8[%dma_start3A_29, %dma_start3A_30] : memref<40x128xi32, #tpu.memory_space<vmem>> -> memref<1x128xi32, #tpu.memory_space<vmem>>
    %dma_start3A_32 = tpu.memref_squeeze %dma_start3A_31 : memref<1x128xi32, #tpu.memory_space<vmem>> -> memref<128xi32, #tpu.memory_space<vmem>>
    %dma_start3A_33 = arith.constant 0 : i32
    %dma_start3A_34 = arith.constant 0 : i32
    %dma_start3A_35 = tpu.memref_slice %arg2[%arg0, %dma_start3A_33, %dma_start3A_34] : memref<2x40960x128xf32, #tpu.memory_space<hbm>> -> memref<1x40960x128xf32, #tpu.memory_space<hbm>>
    %dma_start3A_36 = tpu.memref_squeeze %dma_start3A_35 : memref<1x40960x128xf32, #tpu.memory_space<hbm>> -> memref<40960x128xf32, #tpu.memory_space<hbm>>
    %dma_start3A_37 = arith.constant 0 : i32
    %dma_start3A_38 = arith.constant 0 : i32
    %dma_start3A_39 = tpu.memref_slice %dma_start3A_36[%dma_start3A_37, %dma_start3A_38] : memref<40960x128xf32, #tpu.memory_space<hbm>> -> memref<40960x128xf32, #tpu.memory_space<hbm>>
    tpu.enqueue_indirect_dma source(%dma_start3A_39 : memref<40960x128xf32, #tpu.memory_space<hbm>>) target(%arg10 : memref<128x128xf32, #tpu.memory_space<vmem>>) offsets(%dma_start3A_32 : memref<128xi32, #tpu.memory_space<vmem>>) semaphore(%arg12 : memref<!tpu.dma_semaphore, #tpu.memory_space<semaphore_mem>>)
    %scan3A_40 = arith.constant 0 : i32
    %scan3A_41 = arith.constant 0 : i32
    %scan3A_42 = arith.constant 40 : i32
    %scan3A_43 = arith.addi %scan3A_41, %scan3A_42 : i32
    %scan3A_44 = arith.constant 1 : i32
    scf.for %scan3A_61 = %scan3A_41 to %scan3A_43 step %scan3A_44  : i32 {
      %jit3A = arith.constant 2 : i32
      %eq3A = arith.constant 0 : i32
      %eq3A_62 = arith.cmpi eq, %jit3A, %eq3A : i32
      %jit3A_63 = arith.constant 1 : i32
      %select_n3A = arith.select %eq3A_62, %jit3A_63, %jit3A : i32
      %rem3A = arith.remsi %scan3A_61, %select_n3A : i32
      %ne3A = arith.constant 0 : i32
      %ne3A_64 = arith.cmpi ne, %rem3A, %ne3A : i32
      %lt3A = arith.constant 0 : i32
      %lt3A_65 = arith.cmpi slt, %rem3A, %lt3A : i32
      %lt3A_66 = arith.constant 0 : i32
      %lt3A_67 = arith.cmpi slt, %select_n3A, %lt3A_66 : i32
      %ne3A_68 = arith.xori %lt3A_65, %lt3A_67 : i1
      %and3A = arith.andi %ne3A_68, %ne3A_64 : i1
      %add3A = arith.addi %rem3A, %select_n3A : i32
      %select_n3A_69 = arith.select %and3A, %add3A, %rem3A : i32
      %eq3A_70 = arith.constant 0 : i32
      %eq3A_71 = arith.cmpi eq, %select_n3A_69, %eq3A_70 : i32
      %convert_element_type3A = arith.extui %eq3A_71 : i1 to i32
      %cond3A = arith.constant 0 : i32
      %cond3A_72 = arith.cmpi ne, %convert_element_type3A, %cond3A : i32
      scf.if %cond3A_72 {
        %gt3A = arith.constant 0 : i32
        %gt3A_94 = arith.cmpi sgt, %scan3A_61, %gt3A : i32
        %convert_element_type3A_95 = arith.extui %gt3A_94 : i1 to i32
        %cond3A_96 = arith.constant 0 : i32
        %cond3A_97 = arith.cmpi ne, %convert_element_type3A_95, %cond3A_96 : i32
        scf.if %cond3A_97 {
          %dma_wait3A_125 = arith.constant 0 : i32
          %dma_wait3A_126 = arith.constant 0 : i32
          %dma_wait3A_127 = tpu.memref_slice %arg2[%arg0, %dma_wait3A_125, %dma_wait3A_126] : memref<2x40960x128xf32, #tpu.memory_space<hbm>> -> memref<1x40960x128xf32, #tpu.memory_space<hbm>>
          %dma_wait3A_128 = tpu.memref_squeeze %dma_wait3A_127 : memref<1x40960x128xf32, #tpu.memory_space<hbm>> -> memref<40960x128xf32, #tpu.memory_space<hbm>>
          %dma_wait3A_129 = arith.constant 0 : i32
          %dma_wait3A_130 = arith.constant 0 : i32
          %dma_wait3A_131 = tpu.memref_slice %dma_wait3A_128[%dma_wait3A_129, %dma_wait3A_130] : memref<40960x128xf32, #tpu.memory_space<hbm>> -> memref<128x128xf32, #tpu.memory_space<hbm>>
          %dma_wait3A_132 = arith.constant 0 : i32
          %dma_wait3A_133 = arith.constant 0 : i32
          %dma_wait3A_134 = tpu.memref_slice %arg2[%arg0, %dma_wait3A_132, %dma_wait3A_133] : memref<2x40960x128xf32, #tpu.memory_space<hbm>> -> memref<1x40960x128xf32, #tpu.memory_space<hbm>>
          %dma_wait3A_135 = tpu.memref_squeeze %dma_wait3A_134 : memref<1x40960x128xf32, #tpu.memory_space<hbm>> -> memref<40960x128xf32, #tpu.memory_space<hbm>>
          %dma_wait3A_136 = arith.constant 0 : i32
          %dma_wait3A_137 = arith.constant 0 : i32
          %dma_wait3A_138 = tpu.memref_slice %dma_wait3A_135[%dma_wait3A_136, %dma_wait3A_137] : memref<40960x128xf32, #tpu.memory_space<hbm>> -> memref<128x128xf32, #tpu.memory_space<hbm>>
          tpu.wait_dma2 semaphore(%arg15 : memref<!tpu.dma_semaphore, #tpu.memory_space<semaphore_mem>>) src(%dma_wait3A_138 : memref<128x128xf32, #tpu.memory_space<hbm>>) dst(%arg11 : memref<128x128xf32, #tpu.memory_space<vmem>>)
        } else {
        }
        %add3A_98 = arith.constant 1 : i32
        %add3A_99 = arith.addi %scan3A_61, %add3A_98 : i32
        %lt3A_100 = arith.constant 40 : i32
        %lt3A_101 = arith.cmpi slt, %add3A_99, %lt3A_100 : i32
        %convert_element_type3A_102 = arith.extui %lt3A_101 : i1 to i32
        %cond3A_103 = arith.constant 0 : i32
        %cond3A_104 = arith.cmpi ne, %convert_element_type3A_102, %cond3A_103 : i32
        scf.if %cond3A_104 {
          %add3A_125 = arith.constant 1 : i32
          %add3A_126 = arith.addi %scan3A_61, %add3A_125 : i32
          %dma_start3A_127 = arith.constant 0 : i32
          %dma_start3A_128 = tpu.memref_slice %arg8[%add3A_126, %dma_start3A_127] : memref<40x128xi32, #tpu.memory_space<vmem>> -> memref<1x128xi32, #tpu.memory_space<vmem>>
          %dma_start3A_129 = tpu.memref_squeeze %dma_start3A_128 : memref<1x128xi32, #tpu.memory_space<vmem>> -> memref<128xi32, #tpu.memory_space<vmem>>
          %dma_start3A_130 = arith.constant 0 : i32
          %dma_start3A_131 = arith.constant 0 : i32
          %dma_start3A_132 = tpu.memref_slice %arg2[%arg0, %dma_start3A_130, %dma_start3A_131] : memref<2x40960x128xf32, #tpu.memory_space<hbm>> -> memref<1x40960x128xf32, #tpu.memory_space<hbm>>
          %dma_start3A_133 = tpu.memref_squeeze %dma_start3A_132 : memref<1x40960x128xf32, #tpu.memory_space<hbm>> -> memref<40960x128xf32, #tpu.memory_space<hbm>>
          %dma_start3A_134 = arith.constant 0 : i32
          %dma_start3A_135 = arith.constant 0 : i32
          %dma_start3A_136 = tpu.memref_slice %dma_start3A_133[%dma_start3A_134, %dma_start3A_135] : memref<40960x128xf32, #tpu.memory_space<hbm>> -> memref<40960x128xf32, #tpu.memory_space<hbm>>
          tpu.enqueue_indirect_dma source(%dma_start3A_136 : memref<40960x128xf32, #tpu.memory_space<hbm>>) target(%arg11 : memref<128x128xf32, #tpu.memory_space<vmem>>) offsets(%dma_start3A_129 : memref<128xi32, #tpu.memory_space<vmem>>) semaphore(%arg13 : memref<!tpu.dma_semaphore, #tpu.memory_space<semaphore_mem>>)
        } else {
        }
        %dma_wait3A_105 = arith.constant 0 : i32
        %dma_wait3A_106 = arith.constant 0 : i32
        %dma_wait3A_107 = tpu.memref_slice %arg2[%arg0, %dma_wait3A_105, %dma_wait3A_106] : memref<2x40960x128xf32, #tpu.memory_space<hbm>> -> memref<1x40960x128xf32, #tpu.memory_space<hbm>>
        %dma_wait3A_108 = tpu.memref_squeeze %dma_wait3A_107 : memref<1x40960x128xf32, #tpu.memory_space<hbm>> -> memref<40960x128xf32, #tpu.memory_space<hbm>>
        %dma_wait3A_109 = arith.constant 0 : i32
        %dma_wait3A_110 = arith.constant 0 : i32
        %dma_wait3A_111 = tpu.memref_slice %dma_wait3A_108[%dma_wait3A_109, %dma_wait3A_110] : memref<40960x128xf32, #tpu.memory_space<hbm>> -> memref<128x128xf32, #tpu.memory_space<hbm>>
        %dma_wait3A_112 = arith.constant 0 : i32
        %dma_wait3A_113 = arith.constant 0 : i32
        %dma_wait3A_114 = tpu.memref_slice %arg2[%arg0, %dma_wait3A_112, %dma_wait3A_113] : memref<2x40960x128xf32, #tpu.memory_space<hbm>> -> memref<1x40960x128xf32, #tpu.memory_space<hbm>>
        %dma_wait3A_115 = tpu.memref_squeeze %dma_wait3A_114 : memref<1x40960x128xf32, #tpu.memory_space<hbm>> -> memref<40960x128xf32, #tpu.memory_space<hbm>>
        %dma_wait3A_116 = arith.constant 0 : i32
        %dma_wait3A_117 = arith.constant 0 : i32
        %dma_wait3A_118 = tpu.memref_slice %dma_wait3A_115[%dma_wait3A_116, %dma_wait3A_117] : memref<40960x128xf32, #tpu.memory_space<hbm>> -> memref<128x128xf32, #tpu.memory_space<hbm>>
        tpu.wait_dma2 semaphore(%arg12 : memref<!tpu.dma_semaphore, #tpu.memory_space<semaphore_mem>>) src(%dma_wait3A_118 : memref<128x128xf32, #tpu.memory_space<hbm>>) dst(%arg10 : memref<128x128xf32, #tpu.memory_space<vmem>>)
        %dma_start3A_119 = arith.constant 0 : i32
        %dma_start3A_120 = tpu.memref_slice %arg9[%scan3A_61, %dma_start3A_119] : memref<40x128xi32, #tpu.memory_space<vmem>> -> memref<1x128xi32, #tpu.memory_space<vmem>>
        %dma_start3A_121 = tpu.memref_squeeze %dma_start3A_120 : memref<1x128xi32, #tpu.memory_space<vmem>> -> memref<128xi32, #tpu.memory_space<vmem>>
        %dma_start3A_122 = arith.constant 0 : i32
        %dma_start3A_123 = arith.constant 0 : i32
        %dma_start3A_124 = tpu.memref_slice %arg7[%dma_start3A_122, %dma_start3A_123] : memref<10240x128xf32, #tpu.memory_space<vmem_shared>> -> memref<10240x128xf32, #tpu.memory_space<vmem_shared>>
        tpu.enqueue_indirect_dma source(%arg10 : memref<128x128xf32, #tpu.memory_space<vmem>>) target(%dma_start3A_124 : memref<10240x128xf32, #tpu.memory_space<vmem_shared>>) offsets(%dma_start3A_121 : memref<128xi32, #tpu.memory_space<vmem>>) semaphore(%arg14 : memref<!tpu.dma_semaphore, #tpu.memory_space<semaphore_mem>>) {add = true}
      } else {
      }
      %jit3A_73 = arith.constant 2 : i32
      %eq3A_74 = arith.constant 0 : i32
      %eq3A_75 = arith.cmpi eq, %jit3A_73, %eq3A_74 : i32
      %jit3A_76 = arith.constant 1 : i32
      %select_n3A_77 = arith.select %eq3A_75, %jit3A_76, %jit3A_73 : i32
      %rem3A_78 = arith.remsi %scan3A_61, %select_n3A_77 : i32
      %ne3A_79 = arith.constant 0 : i32
      %ne3A_80 = arith.cmpi ne, %rem3A_78, %ne3A_79 : i32
      %lt3A_81 = arith.constant 0 : i32
      %lt3A_82 = arith.cmpi slt, %rem3A_78, %lt3A_81 : i32
      %lt3A_83 = arith.constant 0 : i32
      %lt3A_84 = arith.cmpi slt, %select_n3A_77, %lt3A_83 : i32
      %ne3A_85 = arith.xori %lt3A_82, %lt3A_84 : i1
      %and3A_86 = arith.andi %ne3A_85, %ne3A_80 : i1
      %add3A_87 = arith.addi %rem3A_78, %select_n3A_77 : i32
      %select_n3A_88 = arith.select %and3A_86, %add3A_87, %rem3A_78 : i32
      %eq3A_89 = arith.constant 1 : i32
      %eq3A_90 = arith.cmpi eq, %select_n3A_88, %eq3A_89 : i32
      %convert_element_type3A_91 = arith.extui %eq3A_90 : i1 to i32
      %cond3A_92 = arith.constant 0 : i32
      %cond3A_93 = arith.cmpi ne, %convert_element_type3A_91, %cond3A_92 : i32
      scf.if %cond3A_93 {
        %dma_wait3A_94 = arith.constant 0 : i32
        %dma_wait3A_95 = arith.constant 0 : i32
        %dma_wait3A_96 = tpu.memref_slice %arg2[%arg0, %dma_wait3A_94, %dma_wait3A_95] : memref<2x40960x128xf32, #tpu.memory_space<hbm>> -> memref<1x40960x128xf32, #tpu.memory_space<hbm>>
        %dma_wait3A_97 = tpu.memref_squeeze %dma_wait3A_96 : memref<1x40960x128xf32, #tpu.memory_space<hbm>> -> memref<40960x128xf32, #tpu.memory_space<hbm>>
        %dma_wait3A_98 = arith.constant 0 : i32
        %dma_wait3A_99 = arith.constant 0 : i32
        %dma_wait3A_100 = tpu.memref_slice %dma_wait3A_97[%dma_wait3A_98, %dma_wait3A_99] : memref<40960x128xf32, #tpu.memory_space<hbm>> -> memref<128x128xf32, #tpu.memory_space<hbm>>
        %dma_wait3A_101 = arith.constant 0 : i32
        %dma_wait3A_102 = arith.constant 0 : i32
        %dma_wait3A_103 = tpu.memref_slice %arg2[%arg0, %dma_wait3A_101, %dma_wait3A_102] : memref<2x40960x128xf32, #tpu.memory_space<hbm>> -> memref<1x40960x128xf32, #tpu.memory_space<hbm>>
        %dma_wait3A_104 = tpu.memref_squeeze %dma_wait3A_103 : memref<1x40960x128xf32, #tpu.memory_space<hbm>> -> memref<40960x128xf32, #tpu.memory_space<hbm>>
        %dma_wait3A_105 = arith.constant 0 : i32
        %dma_wait3A_106 = arith.constant 0 : i32
        %dma_wait3A_107 = tpu.memref_slice %dma_wait3A_104[%dma_wait3A_105, %dma_wait3A_106] : memref<40960x128xf32, #tpu.memory_space<hbm>> -> memref<128x128xf32, #tpu.memory_space<hbm>>
        tpu.wait_dma2 semaphore(%arg14 : memref<!tpu.dma_semaphore, #tpu.memory_space<semaphore_mem>>) src(%dma_wait3A_107 : memref<128x128xf32, #tpu.memory_space<hbm>>) dst(%arg10 : memref<128x128xf32, #tpu.memory_space<vmem>>)
        %add3A_108 = arith.constant 1 : i32
        %add3A_109 = arith.addi %scan3A_61, %add3A_108 : i32
        %lt3A_110 = arith.constant 40 : i32
        %lt3A_111 = arith.cmpi slt, %add3A_109, %lt3A_110 : i32
        %convert_element_type3A_112 = arith.extui %lt3A_111 : i1 to i32
        %cond3A_113 = arith.constant 0 : i32
        %cond3A_114 = arith.cmpi ne, %convert_element_type3A_112, %cond3A_113 : i32
        scf.if %cond3A_114 {
          %add3A_135 = arith.constant 1 : i32
          %add3A_136 = arith.addi %scan3A_61, %add3A_135 : i32
          %dma_start3A_137 = arith.constant 0 : i32
          %dma_start3A_138 = tpu.memref_slice %arg8[%add3A_136, %dma_start3A_137] : memref<40x128xi32, #tpu.memory_space<vmem>> -> memref<1x128xi32, #tpu.memory_space<vmem>>
          %dma_start3A_139 = tpu.memref_squeeze %dma_start3A_138 : memref<1x128xi32, #tpu.memory_space<vmem>> -> memref<128xi32, #tpu.memory_space<vmem>>
          %dma_start3A_140 = arith.constant 0 : i32
          %dma_start3A_141 = arith.constant 0 : i32
          %dma_start3A_142 = tpu.memref_slice %arg2[%arg0, %dma_start3A_140, %dma_start3A_141] : memref<2x40960x128xf32, #tpu.memory_space<hbm>> -> memref<1x40960x128xf32, #tpu.memory_space<hbm>>
          %dma_start3A_143 = tpu.memref_squeeze %dma_start3A_142 : memref<1x40960x128xf32, #tpu.memory_space<hbm>> -> memref<40960x128xf32, #tpu.memory_space<hbm>>
          %dma_start3A_144 = arith.constant 0 : i32
          %dma_start3A_145 = arith.constant 0 : i32
          %dma_start3A_146 = tpu.memref_slice %dma_start3A_143[%dma_start3A_144, %dma_start3A_145] : memref<40960x128xf32, #tpu.memory_space<hbm>> -> memref<40960x128xf32, #tpu.memory_space<hbm>>
          tpu.enqueue_indirect_dma source(%dma_start3A_146 : memref<40960x128xf32, #tpu.memory_space<hbm>>) target(%arg10 : memref<128x128xf32, #tpu.memory_space<vmem>>) offsets(%dma_start3A_139 : memref<128xi32, #tpu.memory_space<vmem>>) semaphore(%arg12 : memref<!tpu.dma_semaphore, #tpu.memory_space<semaphore_mem>>)
        } else {
        }
        %dma_wait3A_115 = arith.constant 0 : i32
        %dma_wait3A_116 = arith.constant 0 : i32
        %dma_wait3A_117 = tpu.memref_slice %arg2[%arg0, %dma_wait3A_115, %dma_wait3A_116] : memref<2x40960x128xf32, #tpu.memory_space<hbm>> -> memref<1x40960x128xf32, #tpu.memory_space<hbm>>
        %dma_wait3A_118 = tpu.memref_squeeze %dma_wait3A_117 : memref<1x40960x128xf32, #tpu.memory_space<hbm>> -> memref<40960x128xf32, #tpu.memory_space<hbm>>
        %dma_wait3A_119 = arith.constant 0 : i32
        %dma_wait3A_120 = arith.constant 0 : i32
        %dma_wait3A_121 = tpu.memref_slice %dma_wait3A_118[%dma_wait3A_119, %dma_wait3A_120] : memref<40960x128xf32, #tpu.memory_space<hbm>> -> memref<128x128xf32, #tpu.memory_space<hbm>>
        %dma_wait3A_122 = arith.constant 0 : i32
        %dma_wait3A_123 = arith.constant 0 : i32
        %dma_wait3A_124 = tpu.memref_slice %arg2[%arg0, %dma_wait3A_122, %dma_wait3A_123] : memref<2x40960x128xf32, #tpu.memory_space<hbm>> -> memref<1x40960x128xf32, #tpu.memory_space<hbm>>
        %dma_wait3A_125 = tpu.memref_squeeze %dma_wait3A_124 : memref<1x40960x128xf32, #tpu.memory_space<hbm>> -> memref<40960x128xf32, #tpu.memory_space<hbm>>
        %dma_wait3A_126 = arith.constant 0 : i32
        %dma_wait3A_127 = arith.constant 0 : i32
        %dma_wait3A_128 = tpu.memref_slice %dma_wait3A_125[%dma_wait3A_126, %dma_wait3A_127] : memref<40960x128xf32, #tpu.memory_space<hbm>> -> memref<128x128xf32, #tpu.memory_space<hbm>>
        tpu.wait_dma2 semaphore(%arg13 : memref<!tpu.dma_semaphore, #tpu.memory_space<semaphore_mem>>) src(%dma_wait3A_128 : memref<128x128xf32, #tpu.memory_space<hbm>>) dst(%arg11 : memref<128x128xf32, #tpu.memory_space<vmem>>)
        %dma_start3A_129 = arith.constant 0 : i32
        %dma_start3A_130 = tpu.memref_slice %arg9[%scan3A_61, %dma_start3A_129] : memref<40x128xi32, #tpu.memory_space<vmem>> -> memref<1x128xi32, #tpu.memory_space<vmem>>
        %dma_start3A_131 = tpu.memref_squeeze %dma_start3A_130 : memref<1x128xi32, #tpu.memory_space<vmem>> -> memref<128xi32, #tpu.memory_space<vmem>>
        %dma_start3A_132 = arith.constant 0 : i32
        %dma_start3A_133 = arith.constant 0 : i32
        %dma_start3A_134 = tpu.memref_slice %arg7[%dma_start3A_132, %dma_start3A_133] : memref<10240x128xf32, #tpu.memory_space<vmem_shared>> -> memref<10240x128xf32, #tpu.memory_space<vmem_shared>>
        tpu.enqueue_indirect_dma source(%arg11 : memref<128x128xf32, #tpu.memory_space<vmem>>) target(%dma_start3A_134 : memref<10240x128xf32, #tpu.memory_space<vmem_shared>>) offsets(%dma_start3A_131 : memref<128xi32, #tpu.memory_space<vmem>>) semaphore(%arg15 : memref<!tpu.dma_semaphore, #tpu.memory_space<semaphore_mem>>) {add = true}
      } else {
      }
    }
    %scan3A_45 = arith.constant 40 : i32
    %dma_wait3A_46 = arith.constant 0 : i32
    %dma_wait3A_47 = arith.constant 0 : i32
    %dma_wait3A_48 = tpu.memref_slice %arg2[%arg0, %dma_wait3A_46, %dma_wait3A_47] : memref<2x40960x128xf32, #tpu.memory_space<hbm>> -> memref<1x40960x128xf32, #tpu.memory_space<hbm>>
    %dma_wait3A_49 = tpu.memref_squeeze %dma_wait3A_48 : memref<1x40960x128xf32, #tpu.memory_space<hbm>> -> memref<40960x128xf32, #tpu.memory_space<hbm>>
    %dma_wait3A_50 = arith.constant 0 : i32
    %dma_wait3A_51 = arith.constant 0 : i32
    %dma_wait3A_52 = tpu.memref_slice %dma_wait3A_49[%dma_wait3A_50, %dma_wait3A_51] : memref<40960x128xf32, #tpu.memory_space<hbm>> -> memref<128x128xf32, #tpu.memory_space<hbm>>
    %dma_wait3A_53 = arith.constant 0 : i32
    %dma_wait3A_54 = arith.constant 0 : i32
    %dma_wait3A_55 = tpu.memref_slice %arg2[%arg0, %dma_wait3A_53, %dma_wait3A_54] : memref<2x40960x128xf32, #tpu.memory_space<hbm>> -> memref<1x40960x128xf32, #tpu.memory_space<hbm>>
    %dma_wait3A_56 = tpu.memref_squeeze %dma_wait3A_55 : memref<1x40960x128xf32, #tpu.memory_space<hbm>> -> memref<40960x128xf32, #tpu.memory_space<hbm>>
    %dma_wait3A_57 = arith.constant 0 : i32
    %dma_wait3A_58 = arith.constant 0 : i32
    %dma_wait3A_59 = tpu.memref_slice %dma_wait3A_56[%dma_wait3A_57, %dma_wait3A_58] : memref<40960x128xf32, #tpu.memory_space<hbm>> -> memref<128x128xf32, #tpu.memory_space<hbm>>
    tpu.wait_dma2 semaphore(%arg15 : memref<!tpu.dma_semaphore, #tpu.memory_space<semaphore_mem>>) src(%dma_wait3A_59 : memref<128x128xf32, #tpu.memory_space<hbm>>) dst(%arg11 : memref<128x128xf32, #tpu.memory_space<vmem>>)
    %barrier3A_60 = arith.constant 0 : index
    tpu.barrier barrier_id(%barrier3A_60)
    "tpu.region"() ({
      %run_scoped3A = tpu.sem_alloc : memref<!tpu.dma_semaphore, #tpu.memory_space<semaphore_mem>>
      %dma_start3A_61 = arith.constant 0 : i32
      %dma_start3A_62 = tpu.memref_slice %arg6[%arg0, %mul3A_0, %dma_start3A_61] : memref<2x10240x128xf32, #tpu.memory_space<hbm>> -> memref<1x640x128xf32, #tpu.memory_space<hbm>>
      %dma_start3A_63 = tpu.memref_squeeze %dma_start3A_62 : memref<1x640x128xf32, #tpu.memory_space<hbm>> -> memref<640x128xf32, #tpu.memory_space<hbm>>
      %dma_start3A_64 = arith.constant 0 : i32
      %dma_start3A_65 = tpu.memref_slice %arg7[%mul3A_0, %dma_start3A_64] : memref<10240x128xf32, #tpu.memory_space<vmem_shared>> -> memref<640x128xf32, #tpu.memory_space<vmem_shared>>
      tpu.enqueue_dma source(%dma_start3A_65 : memref<640x128xf32, #tpu.memory_space<vmem_shared>>) target(%dma_start3A_63 : memref<640x128xf32, #tpu.memory_space<hbm>>) target_semaphore(%run_scoped3A : memref<!tpu.dma_semaphore, #tpu.memory_space<semaphore_mem>>)
      %dma_wait3A_66 = arith.constant 0 : i32
      %dma_wait3A_67 = tpu.memref_slice %arg6[%arg0, %mul3A_0, %dma_wait3A_66] : memref<2x10240x128xf32, #tpu.memory_space<hbm>> -> memref<1x640x128xf32, #tpu.memory_space<hbm>>
      %dma_wait3A_68 = tpu.memref_squeeze %dma_wait3A_67 : memref<1x640x128xf32, #tpu.memory_space<hbm>> -> memref<640x128xf32, #tpu.memory_space<hbm>>
      %dma_wait3A_69 = arith.constant 0 : i32
      %dma_wait3A_70 = tpu.memref_slice %arg7[%mul3A_0, %dma_wait3A_69] : memref<10240x128xf32, #tpu.memory_space<vmem_shared>> -> memref<640x128xf32, #tpu.memory_space<vmem_shared>>
      tpu.wait_dma2 semaphore(%run_scoped3A : memref<!tpu.dma_semaphore, #tpu.memory_space<semaphore_mem>>) src(%dma_wait3A_70 : memref<640x128xf32, #tpu.memory_space<vmem_shared>>) dst(%dma_wait3A_68 : memref<640x128xf32, #tpu.memory_space<hbm>>)
      tpu.yield
    }) : () -> ()
    return
  }
}

#map = affine_map<(d0, d1) -> (0, 0, 0)>
module attributes {stable_mosaic.version = 14 : i64} {
  func.func @_sc_msg_body(%arg0: i32, %arg1: i32, %arg2: memref<2x40960x128xf32, #tpu.memory_space<hbm>>, %arg3: memref<2x10240x128xf32, #tpu.memory_space<hbm>>, %arg4: memref<16x80x128xi32, #tpu.memory_space<hbm>>, %arg5: memref<16x80x128xi32, #tpu.memory_space<hbm>>, %arg6: memref<2x10240x128xf32, #tpu.memory_space<hbm>>, %arg7: memref<10240x128xf32, #tpu.memory_space<vmem_shared>>, %arg8: memref<40x128xi32, #tpu.memory_space<vmem>>, %arg9: memref<40x128xi32, #tpu.memory_space<vmem>>, %arg10: memref<128x128xf32, #tpu.memory_space<vmem>>, %arg11: memref<128x128xf32, #tpu.memory_space<vmem>>, %arg12: memref<!tpu.dma_semaphore, #tpu.memory_space<semaphore_mem>>, %arg13: memref<!tpu.dma_semaphore, #tpu.memory_space<semaphore_mem>>, %arg14: memref<!tpu.dma_semaphore, #tpu.memory_space<semaphore_mem>>, %arg15: memref<!tpu.dma_semaphore, #tpu.memory_space<semaphore_mem>>) attributes {dimension_semantics = [#tpu.dimension_semantics<core_parallel>, #tpu.dimension_semantics<subcore_parallel>], iteration_bounds = array<i64: 2, 16>, scalar_prefetch = 0 : i64, scratch_operands = 9 : i64, tpu.core_type = #tpu.core_type<sc_vector_subcore>, window_params = [{transform_indices = #map}, {transform_indices = #map}, {transform_indices = #map}, {transform_indices = #map}, {transform_indices = #map}]} {
    %mul3A = arith.constant 640 : i32
    %mul3A_0 = arith.muli %arg1, %mul3A : i32
    "tpu.region"() ({
      %run_scoped3A = tpu.sem_alloc : memref<!tpu.dma_semaphore, #tpu.memory_space<semaphore_mem>>
      %dma_start3A_61 = arith.constant 0 : i32
      %dma_start3A_62 = tpu.memref_slice %arg7[%mul3A_0, %dma_start3A_61] : memref<10240x128xf32, #tpu.memory_space<vmem_shared>> -> memref<640x128xf32, #tpu.memory_space<vmem_shared>>
      %dma_start3A_63 = arith.constant 0 : i32
      %dma_start3A_64 = tpu.memref_slice %arg3[%arg0, %mul3A_0, %dma_start3A_63] : memref<2x10240x128xf32, #tpu.memory_space<hbm>> -> memref<1x640x128xf32, #tpu.memory_space<hbm>>
      %dma_start3A_65 = tpu.memref_squeeze %dma_start3A_64 : memref<1x640x128xf32, #tpu.memory_space<hbm>> -> memref<640x128xf32, #tpu.memory_space<hbm>>
      tpu.enqueue_dma source(%dma_start3A_65 : memref<640x128xf32, #tpu.memory_space<hbm>>) target(%dma_start3A_62 : memref<640x128xf32, #tpu.memory_space<vmem_shared>>) target_semaphore(%run_scoped3A : memref<!tpu.dma_semaphore, #tpu.memory_space<semaphore_mem>>)
      %dma_wait3A_66 = arith.constant 0 : i32
      %dma_wait3A_67 = tpu.memref_slice %arg7[%mul3A_0, %dma_wait3A_66] : memref<10240x128xf32, #tpu.memory_space<vmem_shared>> -> memref<640x128xf32, #tpu.memory_space<vmem_shared>>
      %dma_wait3A_68 = arith.constant 0 : i32
      %dma_wait3A_69 = tpu.memref_slice %arg3[%arg0, %mul3A_0, %dma_wait3A_68] : memref<2x10240x128xf32, #tpu.memory_space<hbm>> -> memref<1x640x128xf32, #tpu.memory_space<hbm>>
      %dma_wait3A_70 = tpu.memref_squeeze %dma_wait3A_69 : memref<1x640x128xf32, #tpu.memory_space<hbm>> -> memref<640x128xf32, #tpu.memory_space<hbm>>
      tpu.wait_dma2 semaphore(%run_scoped3A : memref<!tpu.dma_semaphore, #tpu.memory_space<semaphore_mem>>) src(%dma_wait3A_70 : memref<640x128xf32, #tpu.memory_space<hbm>>) dst(%dma_wait3A_67 : memref<640x128xf32, #tpu.memory_space<vmem_shared>>)
      tpu.yield
    }) : () -> ()
    %barrier3A = arith.constant 0 : index
    tpu.barrier barrier_id(%barrier3A)
    "tpu.region"() ({
      %run_scoped3A = tpu.sem_alloc : memref<!tpu.dma_semaphore, #tpu.memory_space<semaphore_mem>>
      %dma_start3A_61 = arith.constant 0 : i32
      %dma_start3A_62 = arith.constant 0 : i32
      %dma_start3A_63 = tpu.memref_slice %arg4[%arg1, %dma_start3A_61, %dma_start3A_62] : memref<16x80x128xi32, #tpu.memory_space<hbm>> -> memref<1x40x128xi32, #tpu.memory_space<hbm>>
      %dma_start3A_64 = tpu.memref_squeeze %dma_start3A_63 : memref<1x40x128xi32, #tpu.memory_space<hbm>> -> memref<40x128xi32, #tpu.memory_space<hbm>>
      %dma_start3A_65 = arith.constant 0 : i32
      %dma_start3A_66 = arith.constant 0 : i32
      %dma_start3A_67 = tpu.memref_slice %arg4[%arg1, %dma_start3A_65, %dma_start3A_66] : memref<16x80x128xi32, #tpu.memory_space<hbm>> -> memref<1x40x128xi32, #tpu.memory_space<hbm>>
      %dma_start3A_68 = tpu.memref_squeeze %dma_start3A_67 : memref<1x40x128xi32, #tpu.memory_space<hbm>> -> memref<40x128xi32, #tpu.memory_space<hbm>>
      tpu.enqueue_dma source(%dma_start3A_68 : memref<40x128xi32, #tpu.memory_space<hbm>>) target(%arg8 : memref<40x128xi32, #tpu.memory_space<vmem>>) target_semaphore(%run_scoped3A : memref<!tpu.dma_semaphore, #tpu.memory_space<semaphore_mem>>)
      %dma_wait3A_69 = arith.constant 0 : i32
      %dma_wait3A_70 = arith.constant 0 : i32
      %dma_wait3A_71 = tpu.memref_slice %arg4[%arg1, %dma_wait3A_69, %dma_wait3A_70] : memref<16x80x128xi32, #tpu.memory_space<hbm>> -> memref<1x40x128xi32, #tpu.memory_space<hbm>>
      %dma_wait3A_72 = tpu.memref_squeeze %dma_wait3A_71 : memref<1x40x128xi32, #tpu.memory_space<hbm>> -> memref<40x128xi32, #tpu.memory_space<hbm>>
      %dma_wait3A_73 = arith.constant 0 : i32
      %dma_wait3A_74 = arith.constant 0 : i32
      %dma_wait3A_75 = tpu.memref_slice %arg4[%arg1, %dma_wait3A_73, %dma_wait3A_74] : memref<16x80x128xi32, #tpu.memory_space<hbm>> -> memref<1x40x128xi32, #tpu.memory_space<hbm>>
      %dma_wait3A_76 = tpu.memref_squeeze %dma_wait3A_75 : memref<1x40x128xi32, #tpu.memory_space<hbm>> -> memref<40x128xi32, #tpu.memory_space<hbm>>
      tpu.wait_dma2 semaphore(%run_scoped3A : memref<!tpu.dma_semaphore, #tpu.memory_space<semaphore_mem>>) src(%dma_wait3A_76 : memref<40x128xi32, #tpu.memory_space<hbm>>) dst(%arg8 : memref<40x128xi32, #tpu.memory_space<vmem>>)
      tpu.yield
    }) : () -> ()
    "tpu.region"() ({
      %run_scoped3A = tpu.sem_alloc : memref<!tpu.dma_semaphore, #tpu.memory_space<semaphore_mem>>
      %dma_start3A_61 = arith.constant 0 : i32
      %dma_start3A_62 = arith.constant 0 : i32
      %dma_start3A_63 = tpu.memref_slice %arg5[%arg1, %dma_start3A_61, %dma_start3A_62] : memref<16x80x128xi32, #tpu.memory_space<hbm>> -> memref<1x40x128xi32, #tpu.memory_space<hbm>>
      %dma_start3A_64 = tpu.memref_squeeze %dma_start3A_63 : memref<1x40x128xi32, #tpu.memory_space<hbm>> -> memref<40x128xi32, #tpu.memory_space<hbm>>
      %dma_start3A_65 = arith.constant 0 : i32
      %dma_start3A_66 = arith.constant 0 : i32
      %dma_start3A_67 = tpu.memref_slice %arg5[%arg1, %dma_start3A_65, %dma_start3A_66] : memref<16x80x128xi32, #tpu.memory_space<hbm>> -> memref<1x40x128xi32, #tpu.memory_space<hbm>>
      %dma_start3A_68 = tpu.memref_squeeze %dma_start3A_67 : memref<1x40x128xi32, #tpu.memory_space<hbm>> -> memref<40x128xi32, #tpu.memory_space<hbm>>
      tpu.enqueue_dma source(%dma_start3A_68 : memref<40x128xi32, #tpu.memory_space<hbm>>) target(%arg9 : memref<40x128xi32, #tpu.memory_space<vmem>>) target_semaphore(%run_scoped3A : memref<!tpu.dma_semaphore, #tpu.memory_space<semaphore_mem>>)
      %dma_wait3A_69 = arith.constant 0 : i32
      %dma_wait3A_70 = arith.constant 0 : i32
      %dma_wait3A_71 = tpu.memref_slice %arg5[%arg1, %dma_wait3A_69, %dma_wait3A_70] : memref<16x80x128xi32, #tpu.memory_space<hbm>> -> memref<1x40x128xi32, #tpu.memory_space<hbm>>
      %dma_wait3A_72 = tpu.memref_squeeze %dma_wait3A_71 : memref<1x40x128xi32, #tpu.memory_space<hbm>> -> memref<40x128xi32, #tpu.memory_space<hbm>>
      %dma_wait3A_73 = arith.constant 0 : i32
      %dma_wait3A_74 = arith.constant 0 : i32
      %dma_wait3A_75 = tpu.memref_slice %arg5[%arg1, %dma_wait3A_73, %dma_wait3A_74] : memref<16x80x128xi32, #tpu.memory_space<hbm>> -> memref<1x40x128xi32, #tpu.memory_space<hbm>>
      %dma_wait3A_76 = tpu.memref_squeeze %dma_wait3A_75 : memref<1x40x128xi32, #tpu.memory_space<hbm>> -> memref<40x128xi32, #tpu.memory_space<hbm>>
      tpu.wait_dma2 semaphore(%run_scoped3A : memref<!tpu.dma_semaphore, #tpu.memory_space<semaphore_mem>>) src(%dma_wait3A_76 : memref<40x128xi32, #tpu.memory_space<hbm>>) dst(%arg9 : memref<40x128xi32, #tpu.memory_space<vmem>>)
      tpu.yield
    }) : () -> ()
    %dma_start3A = arith.constant 0 : i32
    %dma_start3A_1 = arith.constant 0 : i32
    %dma_start3A_2 = tpu.memref_slice %arg8[%dma_start3A, %dma_start3A_1] : memref<40x128xi32, #tpu.memory_space<vmem>> -> memref<1x128xi32, #tpu.memory_space<vmem>>
    %dma_start3A_3 = tpu.memref_squeeze %dma_start3A_2 : memref<1x128xi32, #tpu.memory_space<vmem>> -> memref<128xi32, #tpu.memory_space<vmem>>
    %dma_start3A_4 = arith.constant 0 : i32
    %dma_start3A_5 = arith.constant 0 : i32
    %dma_start3A_6 = tpu.memref_slice %arg2[%arg0, %dma_start3A_4, %dma_start3A_5] : memref<2x40960x128xf32, #tpu.memory_space<hbm>> -> memref<1x40960x128xf32, #tpu.memory_space<hbm>>
    %dma_start3A_7 = tpu.memref_squeeze %dma_start3A_6 : memref<1x40960x128xf32, #tpu.memory_space<hbm>> -> memref<40960x128xf32, #tpu.memory_space<hbm>>
    %dma_start3A_8 = arith.constant 0 : i32
    %dma_start3A_9 = arith.constant 0 : i32
    %dma_start3A_10 = tpu.memref_slice %dma_start3A_7[%dma_start3A_8, %dma_start3A_9] : memref<40960x128xf32, #tpu.memory_space<hbm>> -> memref<40960x128xf32, #tpu.memory_space<hbm>>
    tpu.enqueue_indirect_dma source(%dma_start3A_10 : memref<40960x128xf32, #tpu.memory_space<hbm>>) target(%arg10 : memref<128x128xf32, #tpu.memory_space<vmem>>) offsets(%dma_start3A_3 : memref<128xi32, #tpu.memory_space<vmem>>) semaphore(%arg12 : memref<!tpu.dma_semaphore, #tpu.memory_space<semaphore_mem>>)
    %scan3A = arith.constant 0 : i32
    %scan3A_11 = arith.constant 0 : i32
    %scan3A_12 = arith.constant 40 : i32
    %scan3A_13 = arith.addi %scan3A_11, %scan3A_12 : i32
    %scan3A_14 = arith.constant 1 : i32
    scf.for %scan3A_61 = %scan3A_11 to %scan3A_13 step %scan3A_14  : i32 {
      %jit3A = arith.constant 2 : i32
      %eq3A = arith.constant 0 : i32
      %eq3A_62 = arith.cmpi eq, %jit3A, %eq3A : i32
      %jit3A_63 = arith.constant 1 : i32
      %select_n3A = arith.select %eq3A_62, %jit3A_63, %jit3A : i32
      %rem3A = arith.remsi %scan3A_61, %select_n3A : i32
      %ne3A = arith.constant 0 : i32
      %ne3A_64 = arith.cmpi ne, %rem3A, %ne3A : i32
      %lt3A = arith.constant 0 : i32
      %lt3A_65 = arith.cmpi slt, %rem3A, %lt3A : i32
      %lt3A_66 = arith.constant 0 : i32
      %lt3A_67 = arith.cmpi slt, %select_n3A, %lt3A_66 : i32
      %ne3A_68 = arith.xori %lt3A_65, %lt3A_67 : i1
      %and3A = arith.andi %ne3A_68, %ne3A_64 : i1
      %add3A = arith.addi %rem3A, %select_n3A : i32
      %select_n3A_69 = arith.select %and3A, %add3A, %rem3A : i32
      %eq3A_70 = arith.constant 0 : i32
      %eq3A_71 = arith.cmpi eq, %select_n3A_69, %eq3A_70 : i32
      %convert_element_type3A = arith.extui %eq3A_71 : i1 to i32
      %cond3A = arith.constant 0 : i32
      %cond3A_72 = arith.cmpi ne, %convert_element_type3A, %cond3A : i32
      scf.if %cond3A_72 {
        %gt3A = arith.constant 0 : i32
        %gt3A_94 = arith.cmpi sgt, %scan3A_61, %gt3A : i32
        %convert_element_type3A_95 = arith.extui %gt3A_94 : i1 to i32
        %cond3A_96 = arith.constant 0 : i32
        %cond3A_97 = arith.cmpi ne, %convert_element_type3A_95, %cond3A_96 : i32
        scf.if %cond3A_97 {
          %dma_wait3A_125 = arith.constant 0 : i32
          %dma_wait3A_126 = arith.constant 0 : i32
          %dma_wait3A_127 = tpu.memref_slice %arg2[%arg0, %dma_wait3A_125, %dma_wait3A_126] : memref<2x40960x128xf32, #tpu.memory_space<hbm>> -> memref<1x40960x128xf32, #tpu.memory_space<hbm>>
          %dma_wait3A_128 = tpu.memref_squeeze %dma_wait3A_127 : memref<1x40960x128xf32, #tpu.memory_space<hbm>> -> memref<40960x128xf32, #tpu.memory_space<hbm>>
          %dma_wait3A_129 = arith.constant 0 : i32
          %dma_wait3A_130 = arith.constant 0 : i32
          %dma_wait3A_131 = tpu.memref_slice %dma_wait3A_128[%dma_wait3A_129, %dma_wait3A_130] : memref<40960x128xf32, #tpu.memory_space<hbm>> -> memref<128x128xf32, #tpu.memory_space<hbm>>
          %dma_wait3A_132 = arith.constant 0 : i32
          %dma_wait3A_133 = arith.constant 0 : i32
          %dma_wait3A_134 = tpu.memref_slice %arg2[%arg0, %dma_wait3A_132, %dma_wait3A_133] : memref<2x40960x128xf32, #tpu.memory_space<hbm>> -> memref<1x40960x128xf32, #tpu.memory_space<hbm>>
          %dma_wait3A_135 = tpu.memref_squeeze %dma_wait3A_134 : memref<1x40960x128xf32, #tpu.memory_space<hbm>> -> memref<40960x128xf32, #tpu.memory_space<hbm>>
          %dma_wait3A_136 = arith.constant 0 : i32
          %dma_wait3A_137 = arith.constant 0 : i32
          %dma_wait3A_138 = tpu.memref_slice %dma_wait3A_135[%dma_wait3A_136, %dma_wait3A_137] : memref<40960x128xf32, #tpu.memory_space<hbm>> -> memref<128x128xf32, #tpu.memory_space<hbm>>
          tpu.wait_dma2 semaphore(%arg15 : memref<!tpu.dma_semaphore, #tpu.memory_space<semaphore_mem>>) src(%dma_wait3A_138 : memref<128x128xf32, #tpu.memory_space<hbm>>) dst(%arg11 : memref<128x128xf32, #tpu.memory_space<vmem>>)
        } else {
        }
        %add3A_98 = arith.constant 1 : i32
        %add3A_99 = arith.addi %scan3A_61, %add3A_98 : i32
        %lt3A_100 = arith.constant 40 : i32
        %lt3A_101 = arith.cmpi slt, %add3A_99, %lt3A_100 : i32
        %convert_element_type3A_102 = arith.extui %lt3A_101 : i1 to i32
        %cond3A_103 = arith.constant 0 : i32
        %cond3A_104 = arith.cmpi ne, %convert_element_type3A_102, %cond3A_103 : i32
        scf.if %cond3A_104 {
          %add3A_125 = arith.constant 1 : i32
          %add3A_126 = arith.addi %scan3A_61, %add3A_125 : i32
          %dma_start3A_127 = arith.constant 0 : i32
          %dma_start3A_128 = tpu.memref_slice %arg8[%add3A_126, %dma_start3A_127] : memref<40x128xi32, #tpu.memory_space<vmem>> -> memref<1x128xi32, #tpu.memory_space<vmem>>
          %dma_start3A_129 = tpu.memref_squeeze %dma_start3A_128 : memref<1x128xi32, #tpu.memory_space<vmem>> -> memref<128xi32, #tpu.memory_space<vmem>>
          %dma_start3A_130 = arith.constant 0 : i32
          %dma_start3A_131 = arith.constant 0 : i32
          %dma_start3A_132 = tpu.memref_slice %arg2[%arg0, %dma_start3A_130, %dma_start3A_131] : memref<2x40960x128xf32, #tpu.memory_space<hbm>> -> memref<1x40960x128xf32, #tpu.memory_space<hbm>>
          %dma_start3A_133 = tpu.memref_squeeze %dma_start3A_132 : memref<1x40960x128xf32, #tpu.memory_space<hbm>> -> memref<40960x128xf32, #tpu.memory_space<hbm>>
          %dma_start3A_134 = arith.constant 0 : i32
          %dma_start3A_135 = arith.constant 0 : i32
          %dma_start3A_136 = tpu.memref_slice %dma_start3A_133[%dma_start3A_134, %dma_start3A_135] : memref<40960x128xf32, #tpu.memory_space<hbm>> -> memref<40960x128xf32, #tpu.memory_space<hbm>>
          tpu.enqueue_indirect_dma source(%dma_start3A_136 : memref<40960x128xf32, #tpu.memory_space<hbm>>) target(%arg11 : memref<128x128xf32, #tpu.memory_space<vmem>>) offsets(%dma_start3A_129 : memref<128xi32, #tpu.memory_space<vmem>>) semaphore(%arg13 : memref<!tpu.dma_semaphore, #tpu.memory_space<semaphore_mem>>)
        } else {
        }
        %dma_wait3A_105 = arith.constant 0 : i32
        %dma_wait3A_106 = arith.constant 0 : i32
        %dma_wait3A_107 = tpu.memref_slice %arg2[%arg0, %dma_wait3A_105, %dma_wait3A_106] : memref<2x40960x128xf32, #tpu.memory_space<hbm>> -> memref<1x40960x128xf32, #tpu.memory_space<hbm>>
        %dma_wait3A_108 = tpu.memref_squeeze %dma_wait3A_107 : memref<1x40960x128xf32, #tpu.memory_space<hbm>> -> memref<40960x128xf32, #tpu.memory_space<hbm>>
        %dma_wait3A_109 = arith.constant 0 : i32
        %dma_wait3A_110 = arith.constant 0 : i32
        %dma_wait3A_111 = tpu.memref_slice %dma_wait3A_108[%dma_wait3A_109, %dma_wait3A_110] : memref<40960x128xf32, #tpu.memory_space<hbm>> -> memref<128x128xf32, #tpu.memory_space<hbm>>
        %dma_wait3A_112 = arith.constant 0 : i32
        %dma_wait3A_113 = arith.constant 0 : i32
        %dma_wait3A_114 = tpu.memref_slice %arg2[%arg0, %dma_wait3A_112, %dma_wait3A_113] : memref<2x40960x128xf32, #tpu.memory_space<hbm>> -> memref<1x40960x128xf32, #tpu.memory_space<hbm>>
        %dma_wait3A_115 = tpu.memref_squeeze %dma_wait3A_114 : memref<1x40960x128xf32, #tpu.memory_space<hbm>> -> memref<40960x128xf32, #tpu.memory_space<hbm>>
        %dma_wait3A_116 = arith.constant 0 : i32
        %dma_wait3A_117 = arith.constant 0 : i32
        %dma_wait3A_118 = tpu.memref_slice %dma_wait3A_115[%dma_wait3A_116, %dma_wait3A_117] : memref<40960x128xf32, #tpu.memory_space<hbm>> -> memref<128x128xf32, #tpu.memory_space<hbm>>
        tpu.wait_dma2 semaphore(%arg12 : memref<!tpu.dma_semaphore, #tpu.memory_space<semaphore_mem>>) src(%dma_wait3A_118 : memref<128x128xf32, #tpu.memory_space<hbm>>) dst(%arg10 : memref<128x128xf32, #tpu.memory_space<vmem>>)
        %dma_start3A_119 = arith.constant 0 : i32
        %dma_start3A_120 = tpu.memref_slice %arg9[%scan3A_61, %dma_start3A_119] : memref<40x128xi32, #tpu.memory_space<vmem>> -> memref<1x128xi32, #tpu.memory_space<vmem>>
        %dma_start3A_121 = tpu.memref_squeeze %dma_start3A_120 : memref<1x128xi32, #tpu.memory_space<vmem>> -> memref<128xi32, #tpu.memory_space<vmem>>
        %dma_start3A_122 = arith.constant 0 : i32
        %dma_start3A_123 = arith.constant 0 : i32
        %dma_start3A_124 = tpu.memref_slice %arg7[%dma_start3A_122, %dma_start3A_123] : memref<10240x128xf32, #tpu.memory_space<vmem_shared>> -> memref<10240x128xf32, #tpu.memory_space<vmem_shared>>
        tpu.enqueue_indirect_dma source(%arg10 : memref<128x128xf32, #tpu.memory_space<vmem>>) target(%dma_start3A_124 : memref<10240x128xf32, #tpu.memory_space<vmem_shared>>) offsets(%dma_start3A_121 : memref<128xi32, #tpu.memory_space<vmem>>) semaphore(%arg14 : memref<!tpu.dma_semaphore, #tpu.memory_space<semaphore_mem>>) {add = true}
      } else {
      }
      %jit3A_73 = arith.constant 2 : i32
      %eq3A_74 = arith.constant 0 : i32
      %eq3A_75 = arith.cmpi eq, %jit3A_73, %eq3A_74 : i32
      %jit3A_76 = arith.constant 1 : i32
      %select_n3A_77 = arith.select %eq3A_75, %jit3A_76, %jit3A_73 : i32
      %rem3A_78 = arith.remsi %scan3A_61, %select_n3A_77 : i32
      %ne3A_79 = arith.constant 0 : i32
      %ne3A_80 = arith.cmpi ne, %rem3A_78, %ne3A_79 : i32
      %lt3A_81 = arith.constant 0 : i32
      %lt3A_82 = arith.cmpi slt, %rem3A_78, %lt3A_81 : i32
      %lt3A_83 = arith.constant 0 : i32
      %lt3A_84 = arith.cmpi slt, %select_n3A_77, %lt3A_83 : i32
      %ne3A_85 = arith.xori %lt3A_82, %lt3A_84 : i1
      %and3A_86 = arith.andi %ne3A_85, %ne3A_80 : i1
      %add3A_87 = arith.addi %rem3A_78, %select_n3A_77 : i32
      %select_n3A_88 = arith.select %and3A_86, %add3A_87, %rem3A_78 : i32
      %eq3A_89 = arith.constant 1 : i32
      %eq3A_90 = arith.cmpi eq, %select_n3A_88, %eq3A_89 : i32
      %convert_element_type3A_91 = arith.extui %eq3A_90 : i1 to i32
      %cond3A_92 = arith.constant 0 : i32
      %cond3A_93 = arith.cmpi ne, %convert_element_type3A_91, %cond3A_92 : i32
      scf.if %cond3A_93 {
        %dma_wait3A_94 = arith.constant 0 : i32
        %dma_wait3A_95 = arith.constant 0 : i32
        %dma_wait3A_96 = tpu.memref_slice %arg2[%arg0, %dma_wait3A_94, %dma_wait3A_95] : memref<2x40960x128xf32, #tpu.memory_space<hbm>> -> memref<1x40960x128xf32, #tpu.memory_space<hbm>>
        %dma_wait3A_97 = tpu.memref_squeeze %dma_wait3A_96 : memref<1x40960x128xf32, #tpu.memory_space<hbm>> -> memref<40960x128xf32, #tpu.memory_space<hbm>>
        %dma_wait3A_98 = arith.constant 0 : i32
        %dma_wait3A_99 = arith.constant 0 : i32
        %dma_wait3A_100 = tpu.memref_slice %dma_wait3A_97[%dma_wait3A_98, %dma_wait3A_99] : memref<40960x128xf32, #tpu.memory_space<hbm>> -> memref<128x128xf32, #tpu.memory_space<hbm>>
        %dma_wait3A_101 = arith.constant 0 : i32
        %dma_wait3A_102 = arith.constant 0 : i32
        %dma_wait3A_103 = tpu.memref_slice %arg2[%arg0, %dma_wait3A_101, %dma_wait3A_102] : memref<2x40960x128xf32, #tpu.memory_space<hbm>> -> memref<1x40960x128xf32, #tpu.memory_space<hbm>>
        %dma_wait3A_104 = tpu.memref_squeeze %dma_wait3A_103 : memref<1x40960x128xf32, #tpu.memory_space<hbm>> -> memref<40960x128xf32, #tpu.memory_space<hbm>>
        %dma_wait3A_105 = arith.constant 0 : i32
        %dma_wait3A_106 = arith.constant 0 : i32
        %dma_wait3A_107 = tpu.memref_slice %dma_wait3A_104[%dma_wait3A_105, %dma_wait3A_106] : memref<40960x128xf32, #tpu.memory_space<hbm>> -> memref<128x128xf32, #tpu.memory_space<hbm>>
        tpu.wait_dma2 semaphore(%arg14 : memref<!tpu.dma_semaphore, #tpu.memory_space<semaphore_mem>>) src(%dma_wait3A_107 : memref<128x128xf32, #tpu.memory_space<hbm>>) dst(%arg10 : memref<128x128xf32, #tpu.memory_space<vmem>>)
        %add3A_108 = arith.constant 1 : i32
        %add3A_109 = arith.addi %scan3A_61, %add3A_108 : i32
        %lt3A_110 = arith.constant 40 : i32
        %lt3A_111 = arith.cmpi slt, %add3A_109, %lt3A_110 : i32
        %convert_element_type3A_112 = arith.extui %lt3A_111 : i1 to i32
        %cond3A_113 = arith.constant 0 : i32
        %cond3A_114 = arith.cmpi ne, %convert_element_type3A_112, %cond3A_113 : i32
        scf.if %cond3A_114 {
          %add3A_135 = arith.constant 1 : i32
          %add3A_136 = arith.addi %scan3A_61, %add3A_135 : i32
          %dma_start3A_137 = arith.constant 0 : i32
          %dma_start3A_138 = tpu.memref_slice %arg8[%add3A_136, %dma_start3A_137] : memref<40x128xi32, #tpu.memory_space<vmem>> -> memref<1x128xi32, #tpu.memory_space<vmem>>
          %dma_start3A_139 = tpu.memref_squeeze %dma_start3A_138 : memref<1x128xi32, #tpu.memory_space<vmem>> -> memref<128xi32, #tpu.memory_space<vmem>>
          %dma_start3A_140 = arith.constant 0 : i32
          %dma_start3A_141 = arith.constant 0 : i32
          %dma_start3A_142 = tpu.memref_slice %arg2[%arg0, %dma_start3A_140, %dma_start3A_141] : memref<2x40960x128xf32, #tpu.memory_space<hbm>> -> memref<1x40960x128xf32, #tpu.memory_space<hbm>>
          %dma_start3A_143 = tpu.memref_squeeze %dma_start3A_142 : memref<1x40960x128xf32, #tpu.memory_space<hbm>> -> memref<40960x128xf32, #tpu.memory_space<hbm>>
          %dma_start3A_144 = arith.constant 0 : i32
          %dma_start3A_145 = arith.constant 0 : i32
          %dma_start3A_146 = tpu.memref_slice %dma_start3A_143[%dma_start3A_144, %dma_start3A_145] : memref<40960x128xf32, #tpu.memory_space<hbm>> -> memref<40960x128xf32, #tpu.memory_space<hbm>>
          tpu.enqueue_indirect_dma source(%dma_start3A_146 : memref<40960x128xf32, #tpu.memory_space<hbm>>) target(%arg10 : memref<128x128xf32, #tpu.memory_space<vmem>>) offsets(%dma_start3A_139 : memref<128xi32, #tpu.memory_space<vmem>>) semaphore(%arg12 : memref<!tpu.dma_semaphore, #tpu.memory_space<semaphore_mem>>)
        } else {
        }
        %dma_wait3A_115 = arith.constant 0 : i32
        %dma_wait3A_116 = arith.constant 0 : i32
        %dma_wait3A_117 = tpu.memref_slice %arg2[%arg0, %dma_wait3A_115, %dma_wait3A_116] : memref<2x40960x128xf32, #tpu.memory_space<hbm>> -> memref<1x40960x128xf32, #tpu.memory_space<hbm>>
        %dma_wait3A_118 = tpu.memref_squeeze %dma_wait3A_117 : memref<1x40960x128xf32, #tpu.memory_space<hbm>> -> memref<40960x128xf32, #tpu.memory_space<hbm>>
        %dma_wait3A_119 = arith.constant 0 : i32
        %dma_wait3A_120 = arith.constant 0 : i32
        %dma_wait3A_121 = tpu.memref_slice %dma_wait3A_118[%dma_wait3A_119, %dma_wait3A_120] : memref<40960x128xf32, #tpu.memory_space<hbm>> -> memref<128x128xf32, #tpu.memory_space<hbm>>
        %dma_wait3A_122 = arith.constant 0 : i32
        %dma_wait3A_123 = arith.constant 0 : i32
        %dma_wait3A_124 = tpu.memref_slice %arg2[%arg0, %dma_wait3A_122, %dma_wait3A_123] : memref<2x40960x128xf32, #tpu.memory_space<hbm>> -> memref<1x40960x128xf32, #tpu.memory_space<hbm>>
        %dma_wait3A_125 = tpu.memref_squeeze %dma_wait3A_124 : memref<1x40960x128xf32, #tpu.memory_space<hbm>> -> memref<40960x128xf32, #tpu.memory_space<hbm>>
        %dma_wait3A_126 = arith.constant 0 : i32
        %dma_wait3A_127 = arith.constant 0 : i32
        %dma_wait3A_128 = tpu.memref_slice %dma_wait3A_125[%dma_wait3A_126, %dma_wait3A_127] : memref<40960x128xf32, #tpu.memory_space<hbm>> -> memref<128x128xf32, #tpu.memory_space<hbm>>
        tpu.wait_dma2 semaphore(%arg13 : memref<!tpu.dma_semaphore, #tpu.memory_space<semaphore_mem>>) src(%dma_wait3A_128 : memref<128x128xf32, #tpu.memory_space<hbm>>) dst(%arg11 : memref<128x128xf32, #tpu.memory_space<vmem>>)
        %dma_start3A_129 = arith.constant 0 : i32
        %dma_start3A_130 = tpu.memref_slice %arg9[%scan3A_61, %dma_start3A_129] : memref<40x128xi32, #tpu.memory_space<vmem>> -> memref<1x128xi32, #tpu.memory_space<vmem>>
        %dma_start3A_131 = tpu.memref_squeeze %dma_start3A_130 : memref<1x128xi32, #tpu.memory_space<vmem>> -> memref<128xi32, #tpu.memory_space<vmem>>
        %dma_start3A_132 = arith.constant 0 : i32
        %dma_start3A_133 = arith.constant 0 : i32
        %dma_start3A_134 = tpu.memref_slice %arg7[%dma_start3A_132, %dma_start3A_133] : memref<10240x128xf32, #tpu.memory_space<vmem_shared>> -> memref<10240x128xf32, #tpu.memory_space<vmem_shared>>
        tpu.enqueue_indirect_dma source(%arg11 : memref<128x128xf32, #tpu.memory_space<vmem>>) target(%dma_start3A_134 : memref<10240x128xf32, #tpu.memory_space<vmem_shared>>) offsets(%dma_start3A_131 : memref<128xi32, #tpu.memory_space<vmem>>) semaphore(%arg15 : memref<!tpu.dma_semaphore, #tpu.memory_space<semaphore_mem>>) {add = true}
      } else {
      }
    }
    %scan3A_15 = arith.constant 40 : i32
    %dma_wait3A = arith.constant 0 : i32
    %dma_wait3A_16 = arith.constant 0 : i32
    %dma_wait3A_17 = tpu.memref_slice %arg2[%arg0, %dma_wait3A, %dma_wait3A_16] : memref<2x40960x128xf32, #tpu.memory_space<hbm>> -> memref<1x40960x128xf32, #tpu.memory_space<hbm>>
    %dma_wait3A_18 = tpu.memref_squeeze %dma_wait3A_17 : memref<1x40960x128xf32, #tpu.memory_space<hbm>> -> memref<40960x128xf32, #tpu.memory_space<hbm>>
    %dma_wait3A_19 = arith.constant 0 : i32
    %dma_wait3A_20 = arith.constant 0 : i32
    %dma_wait3A_21 = tpu.memref_slice %dma_wait3A_18[%dma_wait3A_19, %dma_wait3A_20] : memref<40960x128xf32, #tpu.memory_space<hbm>> -> memref<128x128xf32, #tpu.memory_space<hbm>>
    %dma_wait3A_22 = arith.constant 0 : i32
    %dma_wait3A_23 = arith.constant 0 : i32
    %dma_wait3A_24 = tpu.memref_slice %arg2[%arg0, %dma_wait3A_22, %dma_wait3A_23] : memref<2x40960x128xf32, #tpu.memory_space<hbm>> -> memref<1x40960x128xf32, #tpu.memory_space<hbm>>
    %dma_wait3A_25 = tpu.memref_squeeze %dma_wait3A_24 : memref<1x40960x128xf32, #tpu.memory_space<hbm>> -> memref<40960x128xf32, #tpu.memory_space<hbm>>
    %dma_wait3A_26 = arith.constant 0 : i32
    %dma_wait3A_27 = arith.constant 0 : i32
    %dma_wait3A_28 = tpu.memref_slice %dma_wait3A_25[%dma_wait3A_26, %dma_wait3A_27] : memref<40960x128xf32, #tpu.memory_space<hbm>> -> memref<128x128xf32, #tpu.memory_space<hbm>>
    tpu.wait_dma2 semaphore(%arg15 : memref<!tpu.dma_semaphore, #tpu.memory_space<semaphore_mem>>) src(%dma_wait3A_28 : memref<128x128xf32, #tpu.memory_space<hbm>>) dst(%arg11 : memref<128x128xf32, #tpu.memory_space<vmem>>)
    "tpu.region"() ({
      %run_scoped3A = tpu.sem_alloc : memref<!tpu.dma_semaphore, #tpu.memory_space<semaphore_mem>>
      %dma_start3A_61 = arith.constant 40 : i32
      %dma_start3A_62 = arith.constant 0 : i32
      %dma_start3A_63 = tpu.memref_slice %arg4[%arg1, %dma_start3A_61, %dma_start3A_62] : memref<16x80x128xi32, #tpu.memory_space<hbm>> -> memref<1x40x128xi32, #tpu.memory_space<hbm>>
      %dma_start3A_64 = tpu.memref_squeeze %dma_start3A_63 : memref<1x40x128xi32, #tpu.memory_space<hbm>> -> memref<40x128xi32, #tpu.memory_space<hbm>>
      %dma_start3A_65 = arith.constant 40 : i32
      %dma_start3A_66 = arith.constant 0 : i32
      %dma_start3A_67 = tpu.memref_slice %arg4[%arg1, %dma_start3A_65, %dma_start3A_66] : memref<16x80x128xi32, #tpu.memory_space<hbm>> -> memref<1x40x128xi32, #tpu.memory_space<hbm>>
      %dma_start3A_68 = tpu.memref_squeeze %dma_start3A_67 : memref<1x40x128xi32, #tpu.memory_space<hbm>> -> memref<40x128xi32, #tpu.memory_space<hbm>>
      tpu.enqueue_dma source(%dma_start3A_68 : memref<40x128xi32, #tpu.memory_space<hbm>>) target(%arg8 : memref<40x128xi32, #tpu.memory_space<vmem>>) target_semaphore(%run_scoped3A : memref<!tpu.dma_semaphore, #tpu.memory_space<semaphore_mem>>)
      %dma_wait3A_69 = arith.constant 40 : i32
      %dma_wait3A_70 = arith.constant 0 : i32
      %dma_wait3A_71 = tpu.memref_slice %arg4[%arg1, %dma_wait3A_69, %dma_wait3A_70] : memref<16x80x128xi32, #tpu.memory_space<hbm>> -> memref<1x40x128xi32, #tpu.memory_space<hbm>>
      %dma_wait3A_72 = tpu.memref_squeeze %dma_wait3A_71 : memref<1x40x128xi32, #tpu.memory_space<hbm>> -> memref<40x128xi32, #tpu.memory_space<hbm>>
      %dma_wait3A_73 = arith.constant 40 : i32
      %dma_wait3A_74 = arith.constant 0 : i32
      %dma_wait3A_75 = tpu.memref_slice %arg4[%arg1, %dma_wait3A_73, %dma_wait3A_74] : memref<16x80x128xi32, #tpu.memory_space<hbm>> -> memref<1x40x128xi32, #tpu.memory_space<hbm>>
      %dma_wait3A_76 = tpu.memref_squeeze %dma_wait3A_75 : memref<1x40x128xi32, #tpu.memory_space<hbm>> -> memref<40x128xi32, #tpu.memory_space<hbm>>
      tpu.wait_dma2 semaphore(%run_scoped3A : memref<!tpu.dma_semaphore, #tpu.memory_space<semaphore_mem>>) src(%dma_wait3A_76 : memref<40x128xi32, #tpu.memory_space<hbm>>) dst(%arg8 : memref<40x128xi32, #tpu.memory_space<vmem>>)
      tpu.yield
    }) : () -> ()
    "tpu.region"() ({
      %run_scoped3A = tpu.sem_alloc : memref<!tpu.dma_semaphore, #tpu.memory_space<semaphore_mem>>
      %dma_start3A_61 = arith.constant 40 : i32
      %dma_start3A_62 = arith.constant 0 : i32
      %dma_start3A_63 = tpu.memref_slice %arg5[%arg1, %dma_start3A_61, %dma_start3A_62] : memref<16x80x128xi32, #tpu.memory_space<hbm>> -> memref<1x40x128xi32, #tpu.memory_space<hbm>>
      %dma_start3A_64 = tpu.memref_squeeze %dma_start3A_63 : memref<1x40x128xi32, #tpu.memory_space<hbm>> -> memref<40x128xi32, #tpu.memory_space<hbm>>
      %dma_start3A_65 = arith.constant 40 : i32
      %dma_start3A_66 = arith.constant 0 : i32
      %dma_start3A_67 = tpu.memref_slice %arg5[%arg1, %dma_start3A_65, %dma_start3A_66] : memref<16x80x128xi32, #tpu.memory_space<hbm>> -> memref<1x40x128xi32, #tpu.memory_space<hbm>>
      %dma_start3A_68 = tpu.memref_squeeze %dma_start3A_67 : memref<1x40x128xi32, #tpu.memory_space<hbm>> -> memref<40x128xi32, #tpu.memory_space<hbm>>
      tpu.enqueue_dma source(%dma_start3A_68 : memref<40x128xi32, #tpu.memory_space<hbm>>) target(%arg9 : memref<40x128xi32, #tpu.memory_space<vmem>>) target_semaphore(%run_scoped3A : memref<!tpu.dma_semaphore, #tpu.memory_space<semaphore_mem>>)
      %dma_wait3A_69 = arith.constant 40 : i32
      %dma_wait3A_70 = arith.constant 0 : i32
      %dma_wait3A_71 = tpu.memref_slice %arg5[%arg1, %dma_wait3A_69, %dma_wait3A_70] : memref<16x80x128xi32, #tpu.memory_space<hbm>> -> memref<1x40x128xi32, #tpu.memory_space<hbm>>
      %dma_wait3A_72 = tpu.memref_squeeze %dma_wait3A_71 : memref<1x40x128xi32, #tpu.memory_space<hbm>> -> memref<40x128xi32, #tpu.memory_space<hbm>>
      %dma_wait3A_73 = arith.constant 40 : i32
      %dma_wait3A_74 = arith.constant 0 : i32
      %dma_wait3A_75 = tpu.memref_slice %arg5[%arg1, %dma_wait3A_73, %dma_wait3A_74] : memref<16x80x128xi32, #tpu.memory_space<hbm>> -> memref<1x40x128xi32, #tpu.memory_space<hbm>>
      %dma_wait3A_76 = tpu.memref_squeeze %dma_wait3A_75 : memref<1x40x128xi32, #tpu.memory_space<hbm>> -> memref<40x128xi32, #tpu.memory_space<hbm>>
      tpu.wait_dma2 semaphore(%run_scoped3A : memref<!tpu.dma_semaphore, #tpu.memory_space<semaphore_mem>>) src(%dma_wait3A_76 : memref<40x128xi32, #tpu.memory_space<hbm>>) dst(%arg9 : memref<40x128xi32, #tpu.memory_space<vmem>>)
      tpu.yield
    }) : () -> ()
    %dma_start3A_29 = arith.constant 0 : i32
    %dma_start3A_30 = arith.constant 0 : i32
    %dma_start3A_31 = tpu.memref_slice %arg8[%dma_start3A_29, %dma_start3A_30] : memref<40x128xi32, #tpu.memory_space<vmem>> -> memref<1x128xi32, #tpu.memory_space<vmem>>
    %dma_start3A_32 = tpu.memref_squeeze %dma_start3A_31 : memref<1x128xi32, #tpu.memory_space<vmem>> -> memref<128xi32, #tpu.memory_space<vmem>>
    %dma_start3A_33 = arith.constant 0 : i32
    %dma_start3A_34 = arith.constant 0 : i32
    %dma_start3A_35 = tpu.memref_slice %arg2[%arg0, %dma_start3A_33, %dma_start3A_34] : memref<2x40960x128xf32, #tpu.memory_space<hbm>> -> memref<1x40960x128xf32, #tpu.memory_space<hbm>>
    %dma_start3A_36 = tpu.memref_squeeze %dma_start3A_35 : memref<1x40960x128xf32, #tpu.memory_space<hbm>> -> memref<40960x128xf32, #tpu.memory_space<hbm>>
    %dma_start3A_37 = arith.constant 0 : i32
    %dma_start3A_38 = arith.constant 0 : i32
    %dma_start3A_39 = tpu.memref_slice %dma_start3A_36[%dma_start3A_37, %dma_start3A_38] : memref<40960x128xf32, #tpu.memory_space<hbm>> -> memref<40960x128xf32, #tpu.memory_space<hbm>>
    tpu.enqueue_indirect_dma source(%dma_start3A_39 : memref<40960x128xf32, #tpu.memory_space<hbm>>) target(%arg10 : memref<128x128xf32, #tpu.memory_space<vmem>>) offsets(%dma_start3A_32 : memref<128xi32, #tpu.memory_space<vmem>>) semaphore(%arg12 : memref<!tpu.dma_semaphore, #tpu.memory_space<semaphore_mem>>)
    %scan3A_40 = arith.constant 0 : i32
    %scan3A_41 = arith.constant 0 : i32
    %scan3A_42 = arith.constant 40 : i32
    %scan3A_43 = arith.addi %scan3A_41, %scan3A_42 : i32
    %scan3A_44 = arith.constant 1 : i32
    scf.for %scan3A_61 = %scan3A_41 to %scan3A_43 step %scan3A_44  : i32 {
      %jit3A = arith.constant 2 : i32
      %eq3A = arith.constant 0 : i32
      %eq3A_62 = arith.cmpi eq, %jit3A, %eq3A : i32
      %jit3A_63 = arith.constant 1 : i32
      %select_n3A = arith.select %eq3A_62, %jit3A_63, %jit3A : i32
      %rem3A = arith.remsi %scan3A_61, %select_n3A : i32
      %ne3A = arith.constant 0 : i32
      %ne3A_64 = arith.cmpi ne, %rem3A, %ne3A : i32
      %lt3A = arith.constant 0 : i32
      %lt3A_65 = arith.cmpi slt, %rem3A, %lt3A : i32
      %lt3A_66 = arith.constant 0 : i32
      %lt3A_67 = arith.cmpi slt, %select_n3A, %lt3A_66 : i32
      %ne3A_68 = arith.xori %lt3A_65, %lt3A_67 : i1
      %and3A = arith.andi %ne3A_68, %ne3A_64 : i1
      %add3A = arith.addi %rem3A, %select_n3A : i32
      %select_n3A_69 = arith.select %and3A, %add3A, %rem3A : i32
      %eq3A_70 = arith.constant 0 : i32
      %eq3A_71 = arith.cmpi eq, %select_n3A_69, %eq3A_70 : i32
      %convert_element_type3A = arith.extui %eq3A_71 : i1 to i32
      %cond3A = arith.constant 0 : i32
      %cond3A_72 = arith.cmpi ne, %convert_element_type3A, %cond3A : i32
      scf.if %cond3A_72 {
        %gt3A = arith.constant 0 : i32
        %gt3A_94 = arith.cmpi sgt, %scan3A_61, %gt3A : i32
        %convert_element_type3A_95 = arith.extui %gt3A_94 : i1 to i32
        %cond3A_96 = arith.constant 0 : i32
        %cond3A_97 = arith.cmpi ne, %convert_element_type3A_95, %cond3A_96 : i32
        scf.if %cond3A_97 {
          %dma_wait3A_125 = arith.constant 0 : i32
          %dma_wait3A_126 = arith.constant 0 : i32
          %dma_wait3A_127 = tpu.memref_slice %arg2[%arg0, %dma_wait3A_125, %dma_wait3A_126] : memref<2x40960x128xf32, #tpu.memory_space<hbm>> -> memref<1x40960x128xf32, #tpu.memory_space<hbm>>
          %dma_wait3A_128 = tpu.memref_squeeze %dma_wait3A_127 : memref<1x40960x128xf32, #tpu.memory_space<hbm>> -> memref<40960x128xf32, #tpu.memory_space<hbm>>
          %dma_wait3A_129 = arith.constant 0 : i32
          %dma_wait3A_130 = arith.constant 0 : i32
          %dma_wait3A_131 = tpu.memref_slice %dma_wait3A_128[%dma_wait3A_129, %dma_wait3A_130] : memref<40960x128xf32, #tpu.memory_space<hbm>> -> memref<128x128xf32, #tpu.memory_space<hbm>>
          %dma_wait3A_132 = arith.constant 0 : i32
          %dma_wait3A_133 = arith.constant 0 : i32
          %dma_wait3A_134 = tpu.memref_slice %arg2[%arg0, %dma_wait3A_132, %dma_wait3A_133] : memref<2x40960x128xf32, #tpu.memory_space<hbm>> -> memref<1x40960x128xf32, #tpu.memory_space<hbm>>
          %dma_wait3A_135 = tpu.memref_squeeze %dma_wait3A_134 : memref<1x40960x128xf32, #tpu.memory_space<hbm>> -> memref<40960x128xf32, #tpu.memory_space<hbm>>
          %dma_wait3A_136 = arith.constant 0 : i32
          %dma_wait3A_137 = arith.constant 0 : i32
          %dma_wait3A_138 = tpu.memref_slice %dma_wait3A_135[%dma_wait3A_136, %dma_wait3A_137] : memref<40960x128xf32, #tpu.memory_space<hbm>> -> memref<128x128xf32, #tpu.memory_space<hbm>>
          tpu.wait_dma2 semaphore(%arg15 : memref<!tpu.dma_semaphore, #tpu.memory_space<semaphore_mem>>) src(%dma_wait3A_138 : memref<128x128xf32, #tpu.memory_space<hbm>>) dst(%arg11 : memref<128x128xf32, #tpu.memory_space<vmem>>)
        } else {
        }
        %add3A_98 = arith.constant 1 : i32
        %add3A_99 = arith.addi %scan3A_61, %add3A_98 : i32
        %lt3A_100 = arith.constant 40 : i32
        %lt3A_101 = arith.cmpi slt, %add3A_99, %lt3A_100 : i32
        %convert_element_type3A_102 = arith.extui %lt3A_101 : i1 to i32
        %cond3A_103 = arith.constant 0 : i32
        %cond3A_104 = arith.cmpi ne, %convert_element_type3A_102, %cond3A_103 : i32
        scf.if %cond3A_104 {
          %add3A_125 = arith.constant 1 : i32
          %add3A_126 = arith.addi %scan3A_61, %add3A_125 : i32
          %dma_start3A_127 = arith.constant 0 : i32
          %dma_start3A_128 = tpu.memref_slice %arg8[%add3A_126, %dma_start3A_127] : memref<40x128xi32, #tpu.memory_space<vmem>> -> memref<1x128xi32, #tpu.memory_space<vmem>>
          %dma_start3A_129 = tpu.memref_squeeze %dma_start3A_128 : memref<1x128xi32, #tpu.memory_space<vmem>> -> memref<128xi32, #tpu.memory_space<vmem>>
          %dma_start3A_130 = arith.constant 0 : i32
          %dma_start3A_131 = arith.constant 0 : i32
          %dma_start3A_132 = tpu.memref_slice %arg2[%arg0, %dma_start3A_130, %dma_start3A_131] : memref<2x40960x128xf32, #tpu.memory_space<hbm>> -> memref<1x40960x128xf32, #tpu.memory_space<hbm>>
          %dma_start3A_133 = tpu.memref_squeeze %dma_start3A_132 : memref<1x40960x128xf32, #tpu.memory_space<hbm>> -> memref<40960x128xf32, #tpu.memory_space<hbm>>
          %dma_start3A_134 = arith.constant 0 : i32
          %dma_start3A_135 = arith.constant 0 : i32
          %dma_start3A_136 = tpu.memref_slice %dma_start3A_133[%dma_start3A_134, %dma_start3A_135] : memref<40960x128xf32, #tpu.memory_space<hbm>> -> memref<40960x128xf32, #tpu.memory_space<hbm>>
          tpu.enqueue_indirect_dma source(%dma_start3A_136 : memref<40960x128xf32, #tpu.memory_space<hbm>>) target(%arg11 : memref<128x128xf32, #tpu.memory_space<vmem>>) offsets(%dma_start3A_129 : memref<128xi32, #tpu.memory_space<vmem>>) semaphore(%arg13 : memref<!tpu.dma_semaphore, #tpu.memory_space<semaphore_mem>>)
        } else {
        }
        %dma_wait3A_105 = arith.constant 0 : i32
        %dma_wait3A_106 = arith.constant 0 : i32
        %dma_wait3A_107 = tpu.memref_slice %arg2[%arg0, %dma_wait3A_105, %dma_wait3A_106] : memref<2x40960x128xf32, #tpu.memory_space<hbm>> -> memref<1x40960x128xf32, #tpu.memory_space<hbm>>
        %dma_wait3A_108 = tpu.memref_squeeze %dma_wait3A_107 : memref<1x40960x128xf32, #tpu.memory_space<hbm>> -> memref<40960x128xf32, #tpu.memory_space<hbm>>
        %dma_wait3A_109 = arith.constant 0 : i32
        %dma_wait3A_110 = arith.constant 0 : i32
        %dma_wait3A_111 = tpu.memref_slice %dma_wait3A_108[%dma_wait3A_109, %dma_wait3A_110] : memref<40960x128xf32, #tpu.memory_space<hbm>> -> memref<128x128xf32, #tpu.memory_space<hbm>>
        %dma_wait3A_112 = arith.constant 0 : i32
        %dma_wait3A_113 = arith.constant 0 : i32
        %dma_wait3A_114 = tpu.memref_slice %arg2[%arg0, %dma_wait3A_112, %dma_wait3A_113] : memref<2x40960x128xf32, #tpu.memory_space<hbm>> -> memref<1x40960x128xf32, #tpu.memory_space<hbm>>
        %dma_wait3A_115 = tpu.memref_squeeze %dma_wait3A_114 : memref<1x40960x128xf32, #tpu.memory_space<hbm>> -> memref<40960x128xf32, #tpu.memory_space<hbm>>
        %dma_wait3A_116 = arith.constant 0 : i32
        %dma_wait3A_117 = arith.constant 0 : i32
        %dma_wait3A_118 = tpu.memref_slice %dma_wait3A_115[%dma_wait3A_116, %dma_wait3A_117] : memref<40960x128xf32, #tpu.memory_space<hbm>> -> memref<128x128xf32, #tpu.memory_space<hbm>>
        tpu.wait_dma2 semaphore(%arg12 : memref<!tpu.dma_semaphore, #tpu.memory_space<semaphore_mem>>) src(%dma_wait3A_118 : memref<128x128xf32, #tpu.memory_space<hbm>>) dst(%arg10 : memref<128x128xf32, #tpu.memory_space<vmem>>)
        %dma_start3A_119 = arith.constant 0 : i32
        %dma_start3A_120 = tpu.memref_slice %arg9[%scan3A_61, %dma_start3A_119] : memref<40x128xi32, #tpu.memory_space<vmem>> -> memref<1x128xi32, #tpu.memory_space<vmem>>
        %dma_start3A_121 = tpu.memref_squeeze %dma_start3A_120 : memref<1x128xi32, #tpu.memory_space<vmem>> -> memref<128xi32, #tpu.memory_space<vmem>>
        %dma_start3A_122 = arith.constant 0 : i32
        %dma_start3A_123 = arith.constant 0 : i32
        %dma_start3A_124 = tpu.memref_slice %arg7[%dma_start3A_122, %dma_start3A_123] : memref<10240x128xf32, #tpu.memory_space<vmem_shared>> -> memref<10240x128xf32, #tpu.memory_space<vmem_shared>>
        tpu.enqueue_indirect_dma source(%arg10 : memref<128x128xf32, #tpu.memory_space<vmem>>) target(%dma_start3A_124 : memref<10240x128xf32, #tpu.memory_space<vmem_shared>>) offsets(%dma_start3A_121 : memref<128xi32, #tpu.memory_space<vmem>>) semaphore(%arg14 : memref<!tpu.dma_semaphore, #tpu.memory_space<semaphore_mem>>) {add = true}
      } else {
      }
      %jit3A_73 = arith.constant 2 : i32
      %eq3A_74 = arith.constant 0 : i32
      %eq3A_75 = arith.cmpi eq, %jit3A_73, %eq3A_74 : i32
      %jit3A_76 = arith.constant 1 : i32
      %select_n3A_77 = arith.select %eq3A_75, %jit3A_76, %jit3A_73 : i32
      %rem3A_78 = arith.remsi %scan3A_61, %select_n3A_77 : i32
      %ne3A_79 = arith.constant 0 : i32
      %ne3A_80 = arith.cmpi ne, %rem3A_78, %ne3A_79 : i32
      %lt3A_81 = arith.constant 0 : i32
      %lt3A_82 = arith.cmpi slt, %rem3A_78, %lt3A_81 : i32
      %lt3A_83 = arith.constant 0 : i32
      %lt3A_84 = arith.cmpi slt, %select_n3A_77, %lt3A_83 : i32
      %ne3A_85 = arith.xori %lt3A_82, %lt3A_84 : i1
      %and3A_86 = arith.andi %ne3A_85, %ne3A_80 : i1
      %add3A_87 = arith.addi %rem3A_78, %select_n3A_77 : i32
      %select_n3A_88 = arith.select %and3A_86, %add3A_87, %rem3A_78 : i32
      %eq3A_89 = arith.constant 1 : i32
      %eq3A_90 = arith.cmpi eq, %select_n3A_88, %eq3A_89 : i32
      %convert_element_type3A_91 = arith.extui %eq3A_90 : i1 to i32
      %cond3A_92 = arith.constant 0 : i32
      %cond3A_93 = arith.cmpi ne, %convert_element_type3A_91, %cond3A_92 : i32
      scf.if %cond3A_93 {
        %dma_wait3A_94 = arith.constant 0 : i32
        %dma_wait3A_95 = arith.constant 0 : i32
        %dma_wait3A_96 = tpu.memref_slice %arg2[%arg0, %dma_wait3A_94, %dma_wait3A_95] : memref<2x40960x128xf32, #tpu.memory_space<hbm>> -> memref<1x40960x128xf32, #tpu.memory_space<hbm>>
        %dma_wait3A_97 = tpu.memref_squeeze %dma_wait3A_96 : memref<1x40960x128xf32, #tpu.memory_space<hbm>> -> memref<40960x128xf32, #tpu.memory_space<hbm>>
        %dma_wait3A_98 = arith.constant 0 : i32
        %dma_wait3A_99 = arith.constant 0 : i32
        %dma_wait3A_100 = tpu.memref_slice %dma_wait3A_97[%dma_wait3A_98, %dma_wait3A_99] : memref<40960x128xf32, #tpu.memory_space<hbm>> -> memref<128x128xf32, #tpu.memory_space<hbm>>
        %dma_wait3A_101 = arith.constant 0 : i32
        %dma_wait3A_102 = arith.constant 0 : i32
        %dma_wait3A_103 = tpu.memref_slice %arg2[%arg0, %dma_wait3A_101, %dma_wait3A_102] : memref<2x40960x128xf32, #tpu.memory_space<hbm>> -> memref<1x40960x128xf32, #tpu.memory_space<hbm>>
        %dma_wait3A_104 = tpu.memref_squeeze %dma_wait3A_103 : memref<1x40960x128xf32, #tpu.memory_space<hbm>> -> memref<40960x128xf32, #tpu.memory_space<hbm>>
        %dma_wait3A_105 = arith.constant 0 : i32
        %dma_wait3A_106 = arith.constant 0 : i32
        %dma_wait3A_107 = tpu.memref_slice %dma_wait3A_104[%dma_wait3A_105, %dma_wait3A_106] : memref<40960x128xf32, #tpu.memory_space<hbm>> -> memref<128x128xf32, #tpu.memory_space<hbm>>
        tpu.wait_dma2 semaphore(%arg14 : memref<!tpu.dma_semaphore, #tpu.memory_space<semaphore_mem>>) src(%dma_wait3A_107 : memref<128x128xf32, #tpu.memory_space<hbm>>) dst(%arg10 : memref<128x128xf32, #tpu.memory_space<vmem>>)
        %add3A_108 = arith.constant 1 : i32
        %add3A_109 = arith.addi %scan3A_61, %add3A_108 : i32
        %lt3A_110 = arith.constant 40 : i32
        %lt3A_111 = arith.cmpi slt, %add3A_109, %lt3A_110 : i32
        %convert_element_type3A_112 = arith.extui %lt3A_111 : i1 to i32
        %cond3A_113 = arith.constant 0 : i32
        %cond3A_114 = arith.cmpi ne, %convert_element_type3A_112, %cond3A_113 : i32
        scf.if %cond3A_114 {
          %add3A_135 = arith.constant 1 : i32
          %add3A_136 = arith.addi %scan3A_61, %add3A_135 : i32
          %dma_start3A_137 = arith.constant 0 : i32
          %dma_start3A_138 = tpu.memref_slice %arg8[%add3A_136, %dma_start3A_137] : memref<40x128xi32, #tpu.memory_space<vmem>> -> memref<1x128xi32, #tpu.memory_space<vmem>>
          %dma_start3A_139 = tpu.memref_squeeze %dma_start3A_138 : memref<1x128xi32, #tpu.memory_space<vmem>> -> memref<128xi32, #tpu.memory_space<vmem>>
          %dma_start3A_140 = arith.constant 0 : i32
          %dma_start3A_141 = arith.constant 0 : i32
          %dma_start3A_142 = tpu.memref_slice %arg2[%arg0, %dma_start3A_140, %dma_start3A_141] : memref<2x40960x128xf32, #tpu.memory_space<hbm>> -> memref<1x40960x128xf32, #tpu.memory_space<hbm>>
          %dma_start3A_143 = tpu.memref_squeeze %dma_start3A_142 : memref<1x40960x128xf32, #tpu.memory_space<hbm>> -> memref<40960x128xf32, #tpu.memory_space<hbm>>
          %dma_start3A_144 = arith.constant 0 : i32
          %dma_start3A_145 = arith.constant 0 : i32
          %dma_start3A_146 = tpu.memref_slice %dma_start3A_143[%dma_start3A_144, %dma_start3A_145] : memref<40960x128xf32, #tpu.memory_space<hbm>> -> memref<40960x128xf32, #tpu.memory_space<hbm>>
          tpu.enqueue_indirect_dma source(%dma_start3A_146 : memref<40960x128xf32, #tpu.memory_space<hbm>>) target(%arg10 : memref<128x128xf32, #tpu.memory_space<vmem>>) offsets(%dma_start3A_139 : memref<128xi32, #tpu.memory_space<vmem>>) semaphore(%arg12 : memref<!tpu.dma_semaphore, #tpu.memory_space<semaphore_mem>>)
        } else {
        }
        %dma_wait3A_115 = arith.constant 0 : i32
        %dma_wait3A_116 = arith.constant 0 : i32
        %dma_wait3A_117 = tpu.memref_slice %arg2[%arg0, %dma_wait3A_115, %dma_wait3A_116] : memref<2x40960x128xf32, #tpu.memory_space<hbm>> -> memref<1x40960x128xf32, #tpu.memory_space<hbm>>
        %dma_wait3A_118 = tpu.memref_squeeze %dma_wait3A_117 : memref<1x40960x128xf32, #tpu.memory_space<hbm>> -> memref<40960x128xf32, #tpu.memory_space<hbm>>
        %dma_wait3A_119 = arith.constant 0 : i32
        %dma_wait3A_120 = arith.constant 0 : i32
        %dma_wait3A_121 = tpu.memref_slice %dma_wait3A_118[%dma_wait3A_119, %dma_wait3A_120] : memref<40960x128xf32, #tpu.memory_space<hbm>> -> memref<128x128xf32, #tpu.memory_space<hbm>>
        %dma_wait3A_122 = arith.constant 0 : i32
        %dma_wait3A_123 = arith.constant 0 : i32
        %dma_wait3A_124 = tpu.memref_slice %arg2[%arg0, %dma_wait3A_122, %dma_wait3A_123] : memref<2x40960x128xf32, #tpu.memory_space<hbm>> -> memref<1x40960x128xf32, #tpu.memory_space<hbm>>
        %dma_wait3A_125 = tpu.memref_squeeze %dma_wait3A_124 : memref<1x40960x128xf32, #tpu.memory_space<hbm>> -> memref<40960x128xf32, #tpu.memory_space<hbm>>
        %dma_wait3A_126 = arith.constant 0 : i32
        %dma_wait3A_127 = arith.constant 0 : i32
        %dma_wait3A_128 = tpu.memref_slice %dma_wait3A_125[%dma_wait3A_126, %dma_wait3A_127] : memref<40960x128xf32, #tpu.memory_space<hbm>> -> memref<128x128xf32, #tpu.memory_space<hbm>>
        tpu.wait_dma2 semaphore(%arg13 : memref<!tpu.dma_semaphore, #tpu.memory_space<semaphore_mem>>) src(%dma_wait3A_128 : memref<128x128xf32, #tpu.memory_space<hbm>>) dst(%arg11 : memref<128x128xf32, #tpu.memory_space<vmem>>)
        %dma_start3A_129 = arith.constant 0 : i32
        %dma_start3A_130 = tpu.memref_slice %arg9[%scan3A_61, %dma_start3A_129] : memref<40x128xi32, #tpu.memory_space<vmem>> -> memref<1x128xi32, #tpu.memory_space<vmem>>
        %dma_start3A_131 = tpu.memref_squeeze %dma_start3A_130 : memref<1x128xi32, #tpu.memory_space<vmem>> -> memref<128xi32, #tpu.memory_space<vmem>>
        %dma_start3A_132 = arith.constant 0 : i32
        %dma_start3A_133 = arith.constant 0 : i32
        %dma_start3A_134 = tpu.memref_slice %arg7[%dma_start3A_132, %dma_start3A_133] : memref<10240x128xf32, #tpu.memory_space<vmem_shared>> -> memref<10240x128xf32, #tpu.memory_space<vmem_shared>>
        tpu.enqueue_indirect_dma source(%arg11 : memref<128x128xf32, #tpu.memory_space<vmem>>) target(%dma_start3A_134 : memref<10240x128xf32, #tpu.memory_space<vmem_shared>>) offsets(%dma_start3A_131 : memref<128xi32, #tpu.memory_space<vmem>>) semaphore(%arg15 : memref<!tpu.dma_semaphore, #tpu.memory_space<semaphore_mem>>) {add = true}
      } else {
      }
    }
    %scan3A_45 = arith.constant 40 : i32
    %dma_wait3A_46 = arith.constant 0 : i32
    %dma_wait3A_47 = arith.constant 0 : i32
    %dma_wait3A_48 = tpu.memref_slice %arg2[%arg0, %dma_wait3A_46, %dma_wait3A_47] : memref<2x40960x128xf32, #tpu.memory_space<hbm>> -> memref<1x40960x128xf32, #tpu.memory_space<hbm>>
    %dma_wait3A_49 = tpu.memref_squeeze %dma_wait3A_48 : memref<1x40960x128xf32, #tpu.memory_space<hbm>> -> memref<40960x128xf32, #tpu.memory_space<hbm>>
    %dma_wait3A_50 = arith.constant 0 : i32
    %dma_wait3A_51 = arith.constant 0 : i32
    %dma_wait3A_52 = tpu.memref_slice %dma_wait3A_49[%dma_wait3A_50, %dma_wait3A_51] : memref<40960x128xf32, #tpu.memory_space<hbm>> -> memref<128x128xf32, #tpu.memory_space<hbm>>
    %dma_wait3A_53 = arith.constant 0 : i32
    %dma_wait3A_54 = arith.constant 0 : i32
    %dma_wait3A_55 = tpu.memref_slice %arg2[%arg0, %dma_wait3A_53, %dma_wait3A_54] : memref<2x40960x128xf32, #tpu.memory_space<hbm>> -> memref<1x40960x128xf32, #tpu.memory_space<hbm>>
    %dma_wait3A_56 = tpu.memref_squeeze %dma_wait3A_55 : memref<1x40960x128xf32, #tpu.memory_space<hbm>> -> memref<40960x128xf32, #tpu.memory_space<hbm>>
    %dma_wait3A_57 = arith.constant 0 : i32
    %dma_wait3A_58 = arith.constant 0 : i32
    %dma_wait3A_59 = tpu.memref_slice %dma_wait3A_56[%dma_wait3A_57, %dma_wait3A_58] : memref<40960x128xf32, #tpu.memory_space<hbm>> -> memref<128x128xf32, #tpu.memory_space<hbm>>
    tpu.wait_dma2 semaphore(%arg15 : memref<!tpu.dma_semaphore, #tpu.memory_space<semaphore_mem>>) src(%dma_wait3A_59 : memref<128x128xf32, #tpu.memory_space<hbm>>) dst(%arg11 : memref<128x128xf32, #tpu.memory_space<vmem>>)
    %barrier3A_60 = arith.constant 0 : index
    tpu.barrier barrier_id(%barrier3A_60)
    "tpu.region"() ({
      %run_scoped3A = tpu.sem_alloc : memref<!tpu.dma_semaphore, #tpu.memory_space<semaphore_mem>>
      %dma_start3A_61 = arith.constant 0 : i32
      %dma_start3A_62 = tpu.memref_slice %arg6[%arg0, %mul3A_0, %dma_start3A_61] : memref<2x10240x128xf32, #tpu.memory_space<hbm>> -> memref<1x640x128xf32, #tpu.memory_space<hbm>>
      %dma_start3A_63 = tpu.memref_squeeze %dma_start3A_62 : memref<1x640x128xf32, #tpu.memory_space<hbm>> -> memref<640x128xf32, #tpu.memory_space<hbm>>
      %dma_start3A_64 = arith.constant 0 : i32
      %dma_start3A_65 = tpu.memref_slice %arg7[%mul3A_0, %dma_start3A_64] : memref<10240x128xf32, #tpu.memory_space<vmem_shared>> -> memref<640x128xf32, #tpu.memory_space<vmem_shared>>
      tpu.enqueue_dma source(%dma_start3A_65 : memref<640x128xf32, #tpu.memory_space<vmem_shared>>) target(%dma_start3A_63 : memref<640x128xf32, #tpu.memory_space<hbm>>) target_semaphore(%run_scoped3A : memref<!tpu.dma_semaphore, #tpu.memory_space<semaphore_mem>>)
      %dma_wait3A_66 = arith.constant 0 : i32
      %dma_wait3A_67 = tpu.memref_slice %arg6[%arg0, %mul3A_0, %dma_wait3A_66] : memref<2x10240x128xf32, #tpu.memory_space<hbm>> -> memref<1x640x128xf32, #tpu.memory_space<hbm>>
      %dma_wait3A_68 = tpu.memref_squeeze %dma_wait3A_67 : memref<1x640x128xf32, #tpu.memory_space<hbm>> -> memref<640x128xf32, #tpu.memory_space<hbm>>
      %dma_wait3A_69 = arith.constant 0 : i32
      %dma_wait3A_70 = tpu.memref_slice %arg7[%mul3A_0, %dma_wait3A_69] : memref<10240x128xf32, #tpu.memory_space<vmem_shared>> -> memref<640x128xf32, #tpu.memory_space<vmem_shared>>
      tpu.wait_dma2 semaphore(%run_scoped3A : memref<!tpu.dma_semaphore, #tpu.memory_space<semaphore_mem>>) src(%dma_wait3A_70 : memref<640x128xf32, #tpu.memory_space<vmem_shared>>) dst(%dma_wait3A_68 : memref<640x128xf32, #tpu.memory_space<hbm>>)
      tpu.yield
    }) : () -> ()
    return
  }
}

#map = affine_map<(d0, d1) -> (0, 0, 0)>
module attributes {stable_mosaic.version = 14 : i64} {
  func.func @_sc_msg_body(%arg0: i32, %arg1: i32, %arg2: memref<2x40960x128xf32, #tpu.memory_space<hbm>>, %arg3: memref<2x10240x128xf32, #tpu.memory_space<hbm>>, %arg4: memref<16x80x128xi32, #tpu.memory_space<hbm>>, %arg5: memref<16x80x128xi32, #tpu.memory_space<hbm>>, %arg6: memref<2x10240x128xf32, #tpu.memory_space<hbm>>, %arg7: memref<10240x128xf32, #tpu.memory_space<vmem_shared>>, %arg8: memref<40x128xi32, #tpu.memory_space<vmem>>, %arg9: memref<40x128xi32, #tpu.memory_space<vmem>>, %arg10: memref<128x128xf32, #tpu.memory_space<vmem>>, %arg11: memref<128x128xf32, #tpu.memory_space<vmem>>, %arg12: memref<!tpu.dma_semaphore, #tpu.memory_space<semaphore_mem>>, %arg13: memref<!tpu.dma_semaphore, #tpu.memory_space<semaphore_mem>>, %arg14: memref<!tpu.dma_semaphore, #tpu.memory_space<semaphore_mem>>, %arg15: memref<!tpu.dma_semaphore, #tpu.memory_space<semaphore_mem>>) attributes {dimension_semantics = [#tpu.dimension_semantics<core_parallel>, #tpu.dimension_semantics<subcore_parallel>], iteration_bounds = array<i64: 2, 16>, scalar_prefetch = 0 : i64, scratch_operands = 9 : i64, tpu.core_type = #tpu.core_type<sc_vector_subcore>, window_params = [{transform_indices = #map}, {transform_indices = #map}, {transform_indices = #map}, {transform_indices = #map}, {transform_indices = #map}]} {
    %mul3A = arith.constant 640 : i32
    %mul3A_0 = arith.muli %arg1, %mul3A : i32
    "tpu.region"() ({
      %run_scoped3A = tpu.sem_alloc : memref<!tpu.dma_semaphore, #tpu.memory_space<semaphore_mem>>
      %dma_start3A_61 = arith.constant 0 : i32
      %dma_start3A_62 = tpu.memref_slice %arg7[%mul3A_0, %dma_start3A_61] : memref<10240x128xf32, #tpu.memory_space<vmem_shared>> -> memref<640x128xf32, #tpu.memory_space<vmem_shared>>
      %dma_start3A_63 = arith.constant 0 : i32
      %dma_start3A_64 = tpu.memref_slice %arg3[%arg0, %mul3A_0, %dma_start3A_63] : memref<2x10240x128xf32, #tpu.memory_space<hbm>> -> memref<1x640x128xf32, #tpu.memory_space<hbm>>
      %dma_start3A_65 = tpu.memref_squeeze %dma_start3A_64 : memref<1x640x128xf32, #tpu.memory_space<hbm>> -> memref<640x128xf32, #tpu.memory_space<hbm>>
      tpu.enqueue_dma source(%dma_start3A_65 : memref<640x128xf32, #tpu.memory_space<hbm>>) target(%dma_start3A_62 : memref<640x128xf32, #tpu.memory_space<vmem_shared>>) target_semaphore(%run_scoped3A : memref<!tpu.dma_semaphore, #tpu.memory_space<semaphore_mem>>)
      %dma_wait3A_66 = arith.constant 0 : i32
      %dma_wait3A_67 = tpu.memref_slice %arg7[%mul3A_0, %dma_wait3A_66] : memref<10240x128xf32, #tpu.memory_space<vmem_shared>> -> memref<640x128xf32, #tpu.memory_space<vmem_shared>>
      %dma_wait3A_68 = arith.constant 0 : i32
      %dma_wait3A_69 = tpu.memref_slice %arg3[%arg0, %mul3A_0, %dma_wait3A_68] : memref<2x10240x128xf32, #tpu.memory_space<hbm>> -> memref<1x640x128xf32, #tpu.memory_space<hbm>>
      %dma_wait3A_70 = tpu.memref_squeeze %dma_wait3A_69 : memref<1x640x128xf32, #tpu.memory_space<hbm>> -> memref<640x128xf32, #tpu.memory_space<hbm>>
      tpu.wait_dma2 semaphore(%run_scoped3A : memref<!tpu.dma_semaphore, #tpu.memory_space<semaphore_mem>>) src(%dma_wait3A_70 : memref<640x128xf32, #tpu.memory_space<hbm>>) dst(%dma_wait3A_67 : memref<640x128xf32, #tpu.memory_space<vmem_shared>>)
      tpu.yield
    }) : () -> ()
    %barrier3A = arith.constant 0 : index
    tpu.barrier barrier_id(%barrier3A)
    "tpu.region"() ({
      %run_scoped3A = tpu.sem_alloc : memref<!tpu.dma_semaphore, #tpu.memory_space<semaphore_mem>>
      %dma_start3A_61 = arith.constant 0 : i32
      %dma_start3A_62 = arith.constant 0 : i32
      %dma_start3A_63 = tpu.memref_slice %arg4[%arg1, %dma_start3A_61, %dma_start3A_62] : memref<16x80x128xi32, #tpu.memory_space<hbm>> -> memref<1x40x128xi32, #tpu.memory_space<hbm>>
      %dma_start3A_64 = tpu.memref_squeeze %dma_start3A_63 : memref<1x40x128xi32, #tpu.memory_space<hbm>> -> memref<40x128xi32, #tpu.memory_space<hbm>>
      %dma_start3A_65 = arith.constant 0 : i32
      %dma_start3A_66 = arith.constant 0 : i32
      %dma_start3A_67 = tpu.memref_slice %arg4[%arg1, %dma_start3A_65, %dma_start3A_66] : memref<16x80x128xi32, #tpu.memory_space<hbm>> -> memref<1x40x128xi32, #tpu.memory_space<hbm>>
      %dma_start3A_68 = tpu.memref_squeeze %dma_start3A_67 : memref<1x40x128xi32, #tpu.memory_space<hbm>> -> memref<40x128xi32, #tpu.memory_space<hbm>>
      tpu.enqueue_dma source(%dma_start3A_68 : memref<40x128xi32, #tpu.memory_space<hbm>>) target(%arg8 : memref<40x128xi32, #tpu.memory_space<vmem>>) target_semaphore(%run_scoped3A : memref<!tpu.dma_semaphore, #tpu.memory_space<semaphore_mem>>)
      %dma_wait3A_69 = arith.constant 0 : i32
      %dma_wait3A_70 = arith.constant 0 : i32
      %dma_wait3A_71 = tpu.memref_slice %arg4[%arg1, %dma_wait3A_69, %dma_wait3A_70] : memref<16x80x128xi32, #tpu.memory_space<hbm>> -> memref<1x40x128xi32, #tpu.memory_space<hbm>>
      %dma_wait3A_72 = tpu.memref_squeeze %dma_wait3A_71 : memref<1x40x128xi32, #tpu.memory_space<hbm>> -> memref<40x128xi32, #tpu.memory_space<hbm>>
      %dma_wait3A_73 = arith.constant 0 : i32
      %dma_wait3A_74 = arith.constant 0 : i32
      %dma_wait3A_75 = tpu.memref_slice %arg4[%arg1, %dma_wait3A_73, %dma_wait3A_74] : memref<16x80x128xi32, #tpu.memory_space<hbm>> -> memref<1x40x128xi32, #tpu.memory_space<hbm>>
      %dma_wait3A_76 = tpu.memref_squeeze %dma_wait3A_75 : memref<1x40x128xi32, #tpu.memory_space<hbm>> -> memref<40x128xi32, #tpu.memory_space<hbm>>
      tpu.wait_dma2 semaphore(%run_scoped3A : memref<!tpu.dma_semaphore, #tpu.memory_space<semaphore_mem>>) src(%dma_wait3A_76 : memref<40x128xi32, #tpu.memory_space<hbm>>) dst(%arg8 : memref<40x128xi32, #tpu.memory_space<vmem>>)
      tpu.yield
    }) : () -> ()
    "tpu.region"() ({
      %run_scoped3A = tpu.sem_alloc : memref<!tpu.dma_semaphore, #tpu.memory_space<semaphore_mem>>
      %dma_start3A_61 = arith.constant 0 : i32
      %dma_start3A_62 = arith.constant 0 : i32
      %dma_start3A_63 = tpu.memref_slice %arg5[%arg1, %dma_start3A_61, %dma_start3A_62] : memref<16x80x128xi32, #tpu.memory_space<hbm>> -> memref<1x40x128xi32, #tpu.memory_space<hbm>>
      %dma_start3A_64 = tpu.memref_squeeze %dma_start3A_63 : memref<1x40x128xi32, #tpu.memory_space<hbm>> -> memref<40x128xi32, #tpu.memory_space<hbm>>
      %dma_start3A_65 = arith.constant 0 : i32
      %dma_start3A_66 = arith.constant 0 : i32
      %dma_start3A_67 = tpu.memref_slice %arg5[%arg1, %dma_start3A_65, %dma_start3A_66] : memref<16x80x128xi32, #tpu.memory_space<hbm>> -> memref<1x40x128xi32, #tpu.memory_space<hbm>>
      %dma_start3A_68 = tpu.memref_squeeze %dma_start3A_67 : memref<1x40x128xi32, #tpu.memory_space<hbm>> -> memref<40x128xi32, #tpu.memory_space<hbm>>
      tpu.enqueue_dma source(%dma_start3A_68 : memref<40x128xi32, #tpu.memory_space<hbm>>) target(%arg9 : memref<40x128xi32, #tpu.memory_space<vmem>>) target_semaphore(%run_scoped3A : memref<!tpu.dma_semaphore, #tpu.memory_space<semaphore_mem>>)
      %dma_wait3A_69 = arith.constant 0 : i32
      %dma_wait3A_70 = arith.constant 0 : i32
      %dma_wait3A_71 = tpu.memref_slice %arg5[%arg1, %dma_wait3A_69, %dma_wait3A_70] : memref<16x80x128xi32, #tpu.memory_space<hbm>> -> memref<1x40x128xi32, #tpu.memory_space<hbm>>
      %dma_wait3A_72 = tpu.memref_squeeze %dma_wait3A_71 : memref<1x40x128xi32, #tpu.memory_space<hbm>> -> memref<40x128xi32, #tpu.memory_space<hbm>>
      %dma_wait3A_73 = arith.constant 0 : i32
      %dma_wait3A_74 = arith.constant 0 : i32
      %dma_wait3A_75 = tpu.memref_slice %arg5[%arg1, %dma_wait3A_73, %dma_wait3A_74] : memref<16x80x128xi32, #tpu.memory_space<hbm>> -> memref<1x40x128xi32, #tpu.memory_space<hbm>>
      %dma_wait3A_76 = tpu.memref_squeeze %dma_wait3A_75 : memref<1x40x128xi32, #tpu.memory_space<hbm>> -> memref<40x128xi32, #tpu.memory_space<hbm>>
      tpu.wait_dma2 semaphore(%run_scoped3A : memref<!tpu.dma_semaphore, #tpu.memory_space<semaphore_mem>>) src(%dma_wait3A_76 : memref<40x128xi32, #tpu.memory_space<hbm>>) dst(%arg9 : memref<40x128xi32, #tpu.memory_space<vmem>>)
      tpu.yield
    }) : () -> ()
    %dma_start3A = arith.constant 0 : i32
    %dma_start3A_1 = arith.constant 0 : i32
    %dma_start3A_2 = tpu.memref_slice %arg8[%dma_start3A, %dma_start3A_1] : memref<40x128xi32, #tpu.memory_space<vmem>> -> memref<1x128xi32, #tpu.memory_space<vmem>>
    %dma_start3A_3 = tpu.memref_squeeze %dma_start3A_2 : memref<1x128xi32, #tpu.memory_space<vmem>> -> memref<128xi32, #tpu.memory_space<vmem>>
    %dma_start3A_4 = arith.constant 0 : i32
    %dma_start3A_5 = arith.constant 0 : i32
    %dma_start3A_6 = tpu.memref_slice %arg2[%arg0, %dma_start3A_4, %dma_start3A_5] : memref<2x40960x128xf32, #tpu.memory_space<hbm>> -> memref<1x40960x128xf32, #tpu.memory_space<hbm>>
    %dma_start3A_7 = tpu.memref_squeeze %dma_start3A_6 : memref<1x40960x128xf32, #tpu.memory_space<hbm>> -> memref<40960x128xf32, #tpu.memory_space<hbm>>
    %dma_start3A_8 = arith.constant 0 : i32
    %dma_start3A_9 = arith.constant 0 : i32
    %dma_start3A_10 = tpu.memref_slice %dma_start3A_7[%dma_start3A_8, %dma_start3A_9] : memref<40960x128xf32, #tpu.memory_space<hbm>> -> memref<40960x128xf32, #tpu.memory_space<hbm>>
    tpu.enqueue_indirect_dma source(%dma_start3A_10 : memref<40960x128xf32, #tpu.memory_space<hbm>>) target(%arg10 : memref<128x128xf32, #tpu.memory_space<vmem>>) offsets(%dma_start3A_3 : memref<128xi32, #tpu.memory_space<vmem>>) semaphore(%arg12 : memref<!tpu.dma_semaphore, #tpu.memory_space<semaphore_mem>>)
    %scan3A = arith.constant 0 : i32
    %scan3A_11 = arith.constant 0 : i32
    %scan3A_12 = arith.constant 40 : i32
    %scan3A_13 = arith.addi %scan3A_11, %scan3A_12 : i32
    %scan3A_14 = arith.constant 1 : i32
    scf.for %scan3A_61 = %scan3A_11 to %scan3A_13 step %scan3A_14  : i32 {
      %jit3A = arith.constant 2 : i32
      %eq3A = arith.constant 0 : i32
      %eq3A_62 = arith.cmpi eq, %jit3A, %eq3A : i32
      %jit3A_63 = arith.constant 1 : i32
      %select_n3A = arith.select %eq3A_62, %jit3A_63, %jit3A : i32
      %rem3A = arith.remsi %scan3A_61, %select_n3A : i32
      %ne3A = arith.constant 0 : i32
      %ne3A_64 = arith.cmpi ne, %rem3A, %ne3A : i32
      %lt3A = arith.constant 0 : i32
      %lt3A_65 = arith.cmpi slt, %rem3A, %lt3A : i32
      %lt3A_66 = arith.constant 0 : i32
      %lt3A_67 = arith.cmpi slt, %select_n3A, %lt3A_66 : i32
      %ne3A_68 = arith.xori %lt3A_65, %lt3A_67 : i1
      %and3A = arith.andi %ne3A_68, %ne3A_64 : i1
      %add3A = arith.addi %rem3A, %select_n3A : i32
      %select_n3A_69 = arith.select %and3A, %add3A, %rem3A : i32
      %eq3A_70 = arith.constant 0 : i32
      %eq3A_71 = arith.cmpi eq, %select_n3A_69, %eq3A_70 : i32
      %convert_element_type3A = arith.extui %eq3A_71 : i1 to i32
      %cond3A = arith.constant 0 : i32
      %cond3A_72 = arith.cmpi ne, %convert_element_type3A, %cond3A : i32
      scf.if %cond3A_72 {
        %gt3A = arith.constant 0 : i32
        %gt3A_94 = arith.cmpi sgt, %scan3A_61, %gt3A : i32
        %convert_element_type3A_95 = arith.extui %gt3A_94 : i1 to i32
        %cond3A_96 = arith.constant 0 : i32
        %cond3A_97 = arith.cmpi ne, %convert_element_type3A_95, %cond3A_96 : i32
        scf.if %cond3A_97 {
          %dma_wait3A_125 = arith.constant 0 : i32
          %dma_wait3A_126 = arith.constant 0 : i32
          %dma_wait3A_127 = tpu.memref_slice %arg2[%arg0, %dma_wait3A_125, %dma_wait3A_126] : memref<2x40960x128xf32, #tpu.memory_space<hbm>> -> memref<1x40960x128xf32, #tpu.memory_space<hbm>>
          %dma_wait3A_128 = tpu.memref_squeeze %dma_wait3A_127 : memref<1x40960x128xf32, #tpu.memory_space<hbm>> -> memref<40960x128xf32, #tpu.memory_space<hbm>>
          %dma_wait3A_129 = arith.constant 0 : i32
          %dma_wait3A_130 = arith.constant 0 : i32
          %dma_wait3A_131 = tpu.memref_slice %dma_wait3A_128[%dma_wait3A_129, %dma_wait3A_130] : memref<40960x128xf32, #tpu.memory_space<hbm>> -> memref<128x128xf32, #tpu.memory_space<hbm>>
          %dma_wait3A_132 = arith.constant 0 : i32
          %dma_wait3A_133 = arith.constant 0 : i32
          %dma_wait3A_134 = tpu.memref_slice %arg2[%arg0, %dma_wait3A_132, %dma_wait3A_133] : memref<2x40960x128xf32, #tpu.memory_space<hbm>> -> memref<1x40960x128xf32, #tpu.memory_space<hbm>>
          %dma_wait3A_135 = tpu.memref_squeeze %dma_wait3A_134 : memref<1x40960x128xf32, #tpu.memory_space<hbm>> -> memref<40960x128xf32, #tpu.memory_space<hbm>>
          %dma_wait3A_136 = arith.constant 0 : i32
          %dma_wait3A_137 = arith.constant 0 : i32
          %dma_wait3A_138 = tpu.memref_slice %dma_wait3A_135[%dma_wait3A_136, %dma_wait3A_137] : memref<40960x128xf32, #tpu.memory_space<hbm>> -> memref<128x128xf32, #tpu.memory_space<hbm>>
          tpu.wait_dma2 semaphore(%arg15 : memref<!tpu.dma_semaphore, #tpu.memory_space<semaphore_mem>>) src(%dma_wait3A_138 : memref<128x128xf32, #tpu.memory_space<hbm>>) dst(%arg11 : memref<128x128xf32, #tpu.memory_space<vmem>>)
        } else {
        }
        %add3A_98 = arith.constant 1 : i32
        %add3A_99 = arith.addi %scan3A_61, %add3A_98 : i32
        %lt3A_100 = arith.constant 40 : i32
        %lt3A_101 = arith.cmpi slt, %add3A_99, %lt3A_100 : i32
        %convert_element_type3A_102 = arith.extui %lt3A_101 : i1 to i32
        %cond3A_103 = arith.constant 0 : i32
        %cond3A_104 = arith.cmpi ne, %convert_element_type3A_102, %cond3A_103 : i32
        scf.if %cond3A_104 {
          %add3A_125 = arith.constant 1 : i32
          %add3A_126 = arith.addi %scan3A_61, %add3A_125 : i32
          %dma_start3A_127 = arith.constant 0 : i32
          %dma_start3A_128 = tpu.memref_slice %arg8[%add3A_126, %dma_start3A_127] : memref<40x128xi32, #tpu.memory_space<vmem>> -> memref<1x128xi32, #tpu.memory_space<vmem>>
          %dma_start3A_129 = tpu.memref_squeeze %dma_start3A_128 : memref<1x128xi32, #tpu.memory_space<vmem>> -> memref<128xi32, #tpu.memory_space<vmem>>
          %dma_start3A_130 = arith.constant 0 : i32
          %dma_start3A_131 = arith.constant 0 : i32
          %dma_start3A_132 = tpu.memref_slice %arg2[%arg0, %dma_start3A_130, %dma_start3A_131] : memref<2x40960x128xf32, #tpu.memory_space<hbm>> -> memref<1x40960x128xf32, #tpu.memory_space<hbm>>
          %dma_start3A_133 = tpu.memref_squeeze %dma_start3A_132 : memref<1x40960x128xf32, #tpu.memory_space<hbm>> -> memref<40960x128xf32, #tpu.memory_space<hbm>>
          %dma_start3A_134 = arith.constant 0 : i32
          %dma_start3A_135 = arith.constant 0 : i32
          %dma_start3A_136 = tpu.memref_slice %dma_start3A_133[%dma_start3A_134, %dma_start3A_135] : memref<40960x128xf32, #tpu.memory_space<hbm>> -> memref<40960x128xf32, #tpu.memory_space<hbm>>
          tpu.enqueue_indirect_dma source(%dma_start3A_136 : memref<40960x128xf32, #tpu.memory_space<hbm>>) target(%arg11 : memref<128x128xf32, #tpu.memory_space<vmem>>) offsets(%dma_start3A_129 : memref<128xi32, #tpu.memory_space<vmem>>) semaphore(%arg13 : memref<!tpu.dma_semaphore, #tpu.memory_space<semaphore_mem>>)
        } else {
        }
        %dma_wait3A_105 = arith.constant 0 : i32
        %dma_wait3A_106 = arith.constant 0 : i32
        %dma_wait3A_107 = tpu.memref_slice %arg2[%arg0, %dma_wait3A_105, %dma_wait3A_106] : memref<2x40960x128xf32, #tpu.memory_space<hbm>> -> memref<1x40960x128xf32, #tpu.memory_space<hbm>>
        %dma_wait3A_108 = tpu.memref_squeeze %dma_wait3A_107 : memref<1x40960x128xf32, #tpu.memory_space<hbm>> -> memref<40960x128xf32, #tpu.memory_space<hbm>>
        %dma_wait3A_109 = arith.constant 0 : i32
        %dma_wait3A_110 = arith.constant 0 : i32
        %dma_wait3A_111 = tpu.memref_slice %dma_wait3A_108[%dma_wait3A_109, %dma_wait3A_110] : memref<40960x128xf32, #tpu.memory_space<hbm>> -> memref<128x128xf32, #tpu.memory_space<hbm>>
        %dma_wait3A_112 = arith.constant 0 : i32
        %dma_wait3A_113 = arith.constant 0 : i32
        %dma_wait3A_114 = tpu.memref_slice %arg2[%arg0, %dma_wait3A_112, %dma_wait3A_113] : memref<2x40960x128xf32, #tpu.memory_space<hbm>> -> memref<1x40960x128xf32, #tpu.memory_space<hbm>>
        %dma_wait3A_115 = tpu.memref_squeeze %dma_wait3A_114 : memref<1x40960x128xf32, #tpu.memory_space<hbm>> -> memref<40960x128xf32, #tpu.memory_space<hbm>>
        %dma_wait3A_116 = arith.constant 0 : i32
        %dma_wait3A_117 = arith.constant 0 : i32
        %dma_wait3A_118 = tpu.memref_slice %dma_wait3A_115[%dma_wait3A_116, %dma_wait3A_117] : memref<40960x128xf32, #tpu.memory_space<hbm>> -> memref<128x128xf32, #tpu.memory_space<hbm>>
        tpu.wait_dma2 semaphore(%arg12 : memref<!tpu.dma_semaphore, #tpu.memory_space<semaphore_mem>>) src(%dma_wait3A_118 : memref<128x128xf32, #tpu.memory_space<hbm>>) dst(%arg10 : memref<128x128xf32, #tpu.memory_space<vmem>>)
        %dma_start3A_119 = arith.constant 0 : i32
        %dma_start3A_120 = tpu.memref_slice %arg9[%scan3A_61, %dma_start3A_119] : memref<40x128xi32, #tpu.memory_space<vmem>> -> memref<1x128xi32, #tpu.memory_space<vmem>>
        %dma_start3A_121 = tpu.memref_squeeze %dma_start3A_120 : memref<1x128xi32, #tpu.memory_space<vmem>> -> memref<128xi32, #tpu.memory_space<vmem>>
        %dma_start3A_122 = arith.constant 0 : i32
        %dma_start3A_123 = arith.constant 0 : i32
        %dma_start3A_124 = tpu.memref_slice %arg7[%dma_start3A_122, %dma_start3A_123] : memref<10240x128xf32, #tpu.memory_space<vmem_shared>> -> memref<10240x128xf32, #tpu.memory_space<vmem_shared>>
        tpu.enqueue_indirect_dma source(%arg10 : memref<128x128xf32, #tpu.memory_space<vmem>>) target(%dma_start3A_124 : memref<10240x128xf32, #tpu.memory_space<vmem_shared>>) offsets(%dma_start3A_121 : memref<128xi32, #tpu.memory_space<vmem>>) semaphore(%arg14 : memref<!tpu.dma_semaphore, #tpu.memory_space<semaphore_mem>>) {add = true}
      } else {
      }
      %jit3A_73 = arith.constant 2 : i32
      %eq3A_74 = arith.constant 0 : i32
      %eq3A_75 = arith.cmpi eq, %jit3A_73, %eq3A_74 : i32
      %jit3A_76 = arith.constant 1 : i32
      %select_n3A_77 = arith.select %eq3A_75, %jit3A_76, %jit3A_73 : i32
      %rem3A_78 = arith.remsi %scan3A_61, %select_n3A_77 : i32
      %ne3A_79 = arith.constant 0 : i32
      %ne3A_80 = arith.cmpi ne, %rem3A_78, %ne3A_79 : i32
      %lt3A_81 = arith.constant 0 : i32
      %lt3A_82 = arith.cmpi slt, %rem3A_78, %lt3A_81 : i32
      %lt3A_83 = arith.constant 0 : i32
      %lt3A_84 = arith.cmpi slt, %select_n3A_77, %lt3A_83 : i32
      %ne3A_85 = arith.xori %lt3A_82, %lt3A_84 : i1
      %and3A_86 = arith.andi %ne3A_85, %ne3A_80 : i1
      %add3A_87 = arith.addi %rem3A_78, %select_n3A_77 : i32
      %select_n3A_88 = arith.select %and3A_86, %add3A_87, %rem3A_78 : i32
      %eq3A_89 = arith.constant 1 : i32
      %eq3A_90 = arith.cmpi eq, %select_n3A_88, %eq3A_89 : i32
      %convert_element_type3A_91 = arith.extui %eq3A_90 : i1 to i32
      %cond3A_92 = arith.constant 0 : i32
      %cond3A_93 = arith.cmpi ne, %convert_element_type3A_91, %cond3A_92 : i32
      scf.if %cond3A_93 {
        %dma_wait3A_94 = arith.constant 0 : i32
        %dma_wait3A_95 = arith.constant 0 : i32
        %dma_wait3A_96 = tpu.memref_slice %arg2[%arg0, %dma_wait3A_94, %dma_wait3A_95] : memref<2x40960x128xf32, #tpu.memory_space<hbm>> -> memref<1x40960x128xf32, #tpu.memory_space<hbm>>
        %dma_wait3A_97 = tpu.memref_squeeze %dma_wait3A_96 : memref<1x40960x128xf32, #tpu.memory_space<hbm>> -> memref<40960x128xf32, #tpu.memory_space<hbm>>
        %dma_wait3A_98 = arith.constant 0 : i32
        %dma_wait3A_99 = arith.constant 0 : i32
        %dma_wait3A_100 = tpu.memref_slice %dma_wait3A_97[%dma_wait3A_98, %dma_wait3A_99] : memref<40960x128xf32, #tpu.memory_space<hbm>> -> memref<128x128xf32, #tpu.memory_space<hbm>>
        %dma_wait3A_101 = arith.constant 0 : i32
        %dma_wait3A_102 = arith.constant 0 : i32
        %dma_wait3A_103 = tpu.memref_slice %arg2[%arg0, %dma_wait3A_101, %dma_wait3A_102] : memref<2x40960x128xf32, #tpu.memory_space<hbm>> -> memref<1x40960x128xf32, #tpu.memory_space<hbm>>
        %dma_wait3A_104 = tpu.memref_squeeze %dma_wait3A_103 : memref<1x40960x128xf32, #tpu.memory_space<hbm>> -> memref<40960x128xf32, #tpu.memory_space<hbm>>
        %dma_wait3A_105 = arith.constant 0 : i32
        %dma_wait3A_106 = arith.constant 0 : i32
        %dma_wait3A_107 = tpu.memref_slice %dma_wait3A_104[%dma_wait3A_105, %dma_wait3A_106] : memref<40960x128xf32, #tpu.memory_space<hbm>> -> memref<128x128xf32, #tpu.memory_space<hbm>>
        tpu.wait_dma2 semaphore(%arg14 : memref<!tpu.dma_semaphore, #tpu.memory_space<semaphore_mem>>) src(%dma_wait3A_107 : memref<128x128xf32, #tpu.memory_space<hbm>>) dst(%arg10 : memref<128x128xf32, #tpu.memory_space<vmem>>)
        %add3A_108 = arith.constant 1 : i32
        %add3A_109 = arith.addi %scan3A_61, %add3A_108 : i32
        %lt3A_110 = arith.constant 40 : i32
        %lt3A_111 = arith.cmpi slt, %add3A_109, %lt3A_110 : i32
        %convert_element_type3A_112 = arith.extui %lt3A_111 : i1 to i32
        %cond3A_113 = arith.constant 0 : i32
        %cond3A_114 = arith.cmpi ne, %convert_element_type3A_112, %cond3A_113 : i32
        scf.if %cond3A_114 {
          %add3A_135 = arith.constant 1 : i32
          %add3A_136 = arith.addi %scan3A_61, %add3A_135 : i32
          %dma_start3A_137 = arith.constant 0 : i32
          %dma_start3A_138 = tpu.memref_slice %arg8[%add3A_136, %dma_start3A_137] : memref<40x128xi32, #tpu.memory_space<vmem>> -> memref<1x128xi32, #tpu.memory_space<vmem>>
          %dma_start3A_139 = tpu.memref_squeeze %dma_start3A_138 : memref<1x128xi32, #tpu.memory_space<vmem>> -> memref<128xi32, #tpu.memory_space<vmem>>
          %dma_start3A_140 = arith.constant 0 : i32
          %dma_start3A_141 = arith.constant 0 : i32
          %dma_start3A_142 = tpu.memref_slice %arg2[%arg0, %dma_start3A_140, %dma_start3A_141] : memref<2x40960x128xf32, #tpu.memory_space<hbm>> -> memref<1x40960x128xf32, #tpu.memory_space<hbm>>
          %dma_start3A_143 = tpu.memref_squeeze %dma_start3A_142 : memref<1x40960x128xf32, #tpu.memory_space<hbm>> -> memref<40960x128xf32, #tpu.memory_space<hbm>>
          %dma_start3A_144 = arith.constant 0 : i32
          %dma_start3A_145 = arith.constant 0 : i32
          %dma_start3A_146 = tpu.memref_slice %dma_start3A_143[%dma_start3A_144, %dma_start3A_145] : memref<40960x128xf32, #tpu.memory_space<hbm>> -> memref<40960x128xf32, #tpu.memory_space<hbm>>
          tpu.enqueue_indirect_dma source(%dma_start3A_146 : memref<40960x128xf32, #tpu.memory_space<hbm>>) target(%arg10 : memref<128x128xf32, #tpu.memory_space<vmem>>) offsets(%dma_start3A_139 : memref<128xi32, #tpu.memory_space<vmem>>) semaphore(%arg12 : memref<!tpu.dma_semaphore, #tpu.memory_space<semaphore_mem>>)
        } else {
        }
        %dma_wait3A_115 = arith.constant 0 : i32
        %dma_wait3A_116 = arith.constant 0 : i32
        %dma_wait3A_117 = tpu.memref_slice %arg2[%arg0, %dma_wait3A_115, %dma_wait3A_116] : memref<2x40960x128xf32, #tpu.memory_space<hbm>> -> memref<1x40960x128xf32, #tpu.memory_space<hbm>>
        %dma_wait3A_118 = tpu.memref_squeeze %dma_wait3A_117 : memref<1x40960x128xf32, #tpu.memory_space<hbm>> -> memref<40960x128xf32, #tpu.memory_space<hbm>>
        %dma_wait3A_119 = arith.constant 0 : i32
        %dma_wait3A_120 = arith.constant 0 : i32
        %dma_wait3A_121 = tpu.memref_slice %dma_wait3A_118[%dma_wait3A_119, %dma_wait3A_120] : memref<40960x128xf32, #tpu.memory_space<hbm>> -> memref<128x128xf32, #tpu.memory_space<hbm>>
        %dma_wait3A_122 = arith.constant 0 : i32
        %dma_wait3A_123 = arith.constant 0 : i32
        %dma_wait3A_124 = tpu.memref_slice %arg2[%arg0, %dma_wait3A_122, %dma_wait3A_123] : memref<2x40960x128xf32, #tpu.memory_space<hbm>> -> memref<1x40960x128xf32, #tpu.memory_space<hbm>>
        %dma_wait3A_125 = tpu.memref_squeeze %dma_wait3A_124 : memref<1x40960x128xf32, #tpu.memory_space<hbm>> -> memref<40960x128xf32, #tpu.memory_space<hbm>>
        %dma_wait3A_126 = arith.constant 0 : i32
        %dma_wait3A_127 = arith.constant 0 : i32
        %dma_wait3A_128 = tpu.memref_slice %dma_wait3A_125[%dma_wait3A_126, %dma_wait3A_127] : memref<40960x128xf32, #tpu.memory_space<hbm>> -> memref<128x128xf32, #tpu.memory_space<hbm>>
        tpu.wait_dma2 semaphore(%arg13 : memref<!tpu.dma_semaphore, #tpu.memory_space<semaphore_mem>>) src(%dma_wait3A_128 : memref<128x128xf32, #tpu.memory_space<hbm>>) dst(%arg11 : memref<128x128xf32, #tpu.memory_space<vmem>>)
        %dma_start3A_129 = arith.constant 0 : i32
        %dma_start3A_130 = tpu.memref_slice %arg9[%scan3A_61, %dma_start3A_129] : memref<40x128xi32, #tpu.memory_space<vmem>> -> memref<1x128xi32, #tpu.memory_space<vmem>>
        %dma_start3A_131 = tpu.memref_squeeze %dma_start3A_130 : memref<1x128xi32, #tpu.memory_space<vmem>> -> memref<128xi32, #tpu.memory_space<vmem>>
        %dma_start3A_132 = arith.constant 0 : i32
        %dma_start3A_133 = arith.constant 0 : i32
        %dma_start3A_134 = tpu.memref_slice %arg7[%dma_start3A_132, %dma_start3A_133] : memref<10240x128xf32, #tpu.memory_space<vmem_shared>> -> memref<10240x128xf32, #tpu.memory_space<vmem_shared>>
        tpu.enqueue_indirect_dma source(%arg11 : memref<128x128xf32, #tpu.memory_space<vmem>>) target(%dma_start3A_134 : memref<10240x128xf32, #tpu.memory_space<vmem_shared>>) offsets(%dma_start3A_131 : memref<128xi32, #tpu.memory_space<vmem>>) semaphore(%arg15 : memref<!tpu.dma_semaphore, #tpu.memory_space<semaphore_mem>>) {add = true}
      } else {
      }
    }
    %scan3A_15 = arith.constant 40 : i32
    %dma_wait3A = arith.constant 0 : i32
    %dma_wait3A_16 = arith.constant 0 : i32
    %dma_wait3A_17 = tpu.memref_slice %arg2[%arg0, %dma_wait3A, %dma_wait3A_16] : memref<2x40960x128xf32, #tpu.memory_space<hbm>> -> memref<1x40960x128xf32, #tpu.memory_space<hbm>>
    %dma_wait3A_18 = tpu.memref_squeeze %dma_wait3A_17 : memref<1x40960x128xf32, #tpu.memory_space<hbm>> -> memref<40960x128xf32, #tpu.memory_space<hbm>>
    %dma_wait3A_19 = arith.constant 0 : i32
    %dma_wait3A_20 = arith.constant 0 : i32
    %dma_wait3A_21 = tpu.memref_slice %dma_wait3A_18[%dma_wait3A_19, %dma_wait3A_20] : memref<40960x128xf32, #tpu.memory_space<hbm>> -> memref<128x128xf32, #tpu.memory_space<hbm>>
    %dma_wait3A_22 = arith.constant 0 : i32
    %dma_wait3A_23 = arith.constant 0 : i32
    %dma_wait3A_24 = tpu.memref_slice %arg2[%arg0, %dma_wait3A_22, %dma_wait3A_23] : memref<2x40960x128xf32, #tpu.memory_space<hbm>> -> memref<1x40960x128xf32, #tpu.memory_space<hbm>>
    %dma_wait3A_25 = tpu.memref_squeeze %dma_wait3A_24 : memref<1x40960x128xf32, #tpu.memory_space<hbm>> -> memref<40960x128xf32, #tpu.memory_space<hbm>>
    %dma_wait3A_26 = arith.constant 0 : i32
    %dma_wait3A_27 = arith.constant 0 : i32
    %dma_wait3A_28 = tpu.memref_slice %dma_wait3A_25[%dma_wait3A_26, %dma_wait3A_27] : memref<40960x128xf32, #tpu.memory_space<hbm>> -> memref<128x128xf32, #tpu.memory_space<hbm>>
    tpu.wait_dma2 semaphore(%arg15 : memref<!tpu.dma_semaphore, #tpu.memory_space<semaphore_mem>>) src(%dma_wait3A_28 : memref<128x128xf32, #tpu.memory_space<hbm>>) dst(%arg11 : memref<128x128xf32, #tpu.memory_space<vmem>>)
    "tpu.region"() ({
      %run_scoped3A = tpu.sem_alloc : memref<!tpu.dma_semaphore, #tpu.memory_space<semaphore_mem>>
      %dma_start3A_61 = arith.constant 40 : i32
      %dma_start3A_62 = arith.constant 0 : i32
      %dma_start3A_63 = tpu.memref_slice %arg4[%arg1, %dma_start3A_61, %dma_start3A_62] : memref<16x80x128xi32, #tpu.memory_space<hbm>> -> memref<1x40x128xi32, #tpu.memory_space<hbm>>
      %dma_start3A_64 = tpu.memref_squeeze %dma_start3A_63 : memref<1x40x128xi32, #tpu.memory_space<hbm>> -> memref<40x128xi32, #tpu.memory_space<hbm>>
      %dma_start3A_65 = arith.constant 40 : i32
      %dma_start3A_66 = arith.constant 0 : i32
      %dma_start3A_67 = tpu.memref_slice %arg4[%arg1, %dma_start3A_65, %dma_start3A_66] : memref<16x80x128xi32, #tpu.memory_space<hbm>> -> memref<1x40x128xi32, #tpu.memory_space<hbm>>
      %dma_start3A_68 = tpu.memref_squeeze %dma_start3A_67 : memref<1x40x128xi32, #tpu.memory_space<hbm>> -> memref<40x128xi32, #tpu.memory_space<hbm>>
      tpu.enqueue_dma source(%dma_start3A_68 : memref<40x128xi32, #tpu.memory_space<hbm>>) target(%arg8 : memref<40x128xi32, #tpu.memory_space<vmem>>) target_semaphore(%run_scoped3A : memref<!tpu.dma_semaphore, #tpu.memory_space<semaphore_mem>>)
      %dma_wait3A_69 = arith.constant 40 : i32
      %dma_wait3A_70 = arith.constant 0 : i32
      %dma_wait3A_71 = tpu.memref_slice %arg4[%arg1, %dma_wait3A_69, %dma_wait3A_70] : memref<16x80x128xi32, #tpu.memory_space<hbm>> -> memref<1x40x128xi32, #tpu.memory_space<hbm>>
      %dma_wait3A_72 = tpu.memref_squeeze %dma_wait3A_71 : memref<1x40x128xi32, #tpu.memory_space<hbm>> -> memref<40x128xi32, #tpu.memory_space<hbm>>
      %dma_wait3A_73 = arith.constant 40 : i32
      %dma_wait3A_74 = arith.constant 0 : i32
      %dma_wait3A_75 = tpu.memref_slice %arg4[%arg1, %dma_wait3A_73, %dma_wait3A_74] : memref<16x80x128xi32, #tpu.memory_space<hbm>> -> memref<1x40x128xi32, #tpu.memory_space<hbm>>
      %dma_wait3A_76 = tpu.memref_squeeze %dma_wait3A_75 : memref<1x40x128xi32, #tpu.memory_space<hbm>> -> memref<40x128xi32, #tpu.memory_space<hbm>>
      tpu.wait_dma2 semaphore(%run_scoped3A : memref<!tpu.dma_semaphore, #tpu.memory_space<semaphore_mem>>) src(%dma_wait3A_76 : memref<40x128xi32, #tpu.memory_space<hbm>>) dst(%arg8 : memref<40x128xi32, #tpu.memory_space<vmem>>)
      tpu.yield
    }) : () -> ()
    "tpu.region"() ({
      %run_scoped3A = tpu.sem_alloc : memref<!tpu.dma_semaphore, #tpu.memory_space<semaphore_mem>>
      %dma_start3A_61 = arith.constant 40 : i32
      %dma_start3A_62 = arith.constant 0 : i32
      %dma_start3A_63 = tpu.memref_slice %arg5[%arg1, %dma_start3A_61, %dma_start3A_62] : memref<16x80x128xi32, #tpu.memory_space<hbm>> -> memref<1x40x128xi32, #tpu.memory_space<hbm>>
      %dma_start3A_64 = tpu.memref_squeeze %dma_start3A_63 : memref<1x40x128xi32, #tpu.memory_space<hbm>> -> memref<40x128xi32, #tpu.memory_space<hbm>>
      %dma_start3A_65 = arith.constant 40 : i32
      %dma_start3A_66 = arith.constant 0 : i32
      %dma_start3A_67 = tpu.memref_slice %arg5[%arg1, %dma_start3A_65, %dma_start3A_66] : memref<16x80x128xi32, #tpu.memory_space<hbm>> -> memref<1x40x128xi32, #tpu.memory_space<hbm>>
      %dma_start3A_68 = tpu.memref_squeeze %dma_start3A_67 : memref<1x40x128xi32, #tpu.memory_space<hbm>> -> memref<40x128xi32, #tpu.memory_space<hbm>>
      tpu.enqueue_dma source(%dma_start3A_68 : memref<40x128xi32, #tpu.memory_space<hbm>>) target(%arg9 : memref<40x128xi32, #tpu.memory_space<vmem>>) target_semaphore(%run_scoped3A : memref<!tpu.dma_semaphore, #tpu.memory_space<semaphore_mem>>)
      %dma_wait3A_69 = arith.constant 40 : i32
      %dma_wait3A_70 = arith.constant 0 : i32
      %dma_wait3A_71 = tpu.memref_slice %arg5[%arg1, %dma_wait3A_69, %dma_wait3A_70] : memref<16x80x128xi32, #tpu.memory_space<hbm>> -> memref<1x40x128xi32, #tpu.memory_space<hbm>>
      %dma_wait3A_72 = tpu.memref_squeeze %dma_wait3A_71 : memref<1x40x128xi32, #tpu.memory_space<hbm>> -> memref<40x128xi32, #tpu.memory_space<hbm>>
      %dma_wait3A_73 = arith.constant 40 : i32
      %dma_wait3A_74 = arith.constant 0 : i32
      %dma_wait3A_75 = tpu.memref_slice %arg5[%arg1, %dma_wait3A_73, %dma_wait3A_74] : memref<16x80x128xi32, #tpu.memory_space<hbm>> -> memref<1x40x128xi32, #tpu.memory_space<hbm>>
      %dma_wait3A_76 = tpu.memref_squeeze %dma_wait3A_75 : memref<1x40x128xi32, #tpu.memory_space<hbm>> -> memref<40x128xi32, #tpu.memory_space<hbm>>
      tpu.wait_dma2 semaphore(%run_scoped3A : memref<!tpu.dma_semaphore, #tpu.memory_space<semaphore_mem>>) src(%dma_wait3A_76 : memref<40x128xi32, #tpu.memory_space<hbm>>) dst(%arg9 : memref<40x128xi32, #tpu.memory_space<vmem>>)
      tpu.yield
    }) : () -> ()
    %dma_start3A_29 = arith.constant 0 : i32
    %dma_start3A_30 = arith.constant 0 : i32
    %dma_start3A_31 = tpu.memref_slice %arg8[%dma_start3A_29, %dma_start3A_30] : memref<40x128xi32, #tpu.memory_space<vmem>> -> memref<1x128xi32, #tpu.memory_space<vmem>>
    %dma_start3A_32 = tpu.memref_squeeze %dma_start3A_31 : memref<1x128xi32, #tpu.memory_space<vmem>> -> memref<128xi32, #tpu.memory_space<vmem>>
    %dma_start3A_33 = arith.constant 0 : i32
    %dma_start3A_34 = arith.constant 0 : i32
    %dma_start3A_35 = tpu.memref_slice %arg2[%arg0, %dma_start3A_33, %dma_start3A_34] : memref<2x40960x128xf32, #tpu.memory_space<hbm>> -> memref<1x40960x128xf32, #tpu.memory_space<hbm>>
    %dma_start3A_36 = tpu.memref_squeeze %dma_start3A_35 : memref<1x40960x128xf32, #tpu.memory_space<hbm>> -> memref<40960x128xf32, #tpu.memory_space<hbm>>
    %dma_start3A_37 = arith.constant 0 : i32
    %dma_start3A_38 = arith.constant 0 : i32
    %dma_start3A_39 = tpu.memref_slice %dma_start3A_36[%dma_start3A_37, %dma_start3A_38] : memref<40960x128xf32, #tpu.memory_space<hbm>> -> memref<40960x128xf32, #tpu.memory_space<hbm>>
    tpu.enqueue_indirect_dma source(%dma_start3A_39 : memref<40960x128xf32, #tpu.memory_space<hbm>>) target(%arg10 : memref<128x128xf32, #tpu.memory_space<vmem>>) offsets(%dma_start3A_32 : memref<128xi32, #tpu.memory_space<vmem>>) semaphore(%arg12 : memref<!tpu.dma_semaphore, #tpu.memory_space<semaphore_mem>>)
    %scan3A_40 = arith.constant 0 : i32
    %scan3A_41 = arith.constant 0 : i32
    %scan3A_42 = arith.constant 40 : i32
    %scan3A_43 = arith.addi %scan3A_41, %scan3A_42 : i32
    %scan3A_44 = arith.constant 1 : i32
    scf.for %scan3A_61 = %scan3A_41 to %scan3A_43 step %scan3A_44  : i32 {
      %jit3A = arith.constant 2 : i32
      %eq3A = arith.constant 0 : i32
      %eq3A_62 = arith.cmpi eq, %jit3A, %eq3A : i32
      %jit3A_63 = arith.constant 1 : i32
      %select_n3A = arith.select %eq3A_62, %jit3A_63, %jit3A : i32
      %rem3A = arith.remsi %scan3A_61, %select_n3A : i32
      %ne3A = arith.constant 0 : i32
      %ne3A_64 = arith.cmpi ne, %rem3A, %ne3A : i32
      %lt3A = arith.constant 0 : i32
      %lt3A_65 = arith.cmpi slt, %rem3A, %lt3A : i32
      %lt3A_66 = arith.constant 0 : i32
      %lt3A_67 = arith.cmpi slt, %select_n3A, %lt3A_66 : i32
      %ne3A_68 = arith.xori %lt3A_65, %lt3A_67 : i1
      %and3A = arith.andi %ne3A_68, %ne3A_64 : i1
      %add3A = arith.addi %rem3A, %select_n3A : i32
      %select_n3A_69 = arith.select %and3A, %add3A, %rem3A : i32
      %eq3A_70 = arith.constant 0 : i32
      %eq3A_71 = arith.cmpi eq, %select_n3A_69, %eq3A_70 : i32
      %convert_element_type3A = arith.extui %eq3A_71 : i1 to i32
      %cond3A = arith.constant 0 : i32
      %cond3A_72 = arith.cmpi ne, %convert_element_type3A, %cond3A : i32
      scf.if %cond3A_72 {
        %gt3A = arith.constant 0 : i32
        %gt3A_94 = arith.cmpi sgt, %scan3A_61, %gt3A : i32
        %convert_element_type3A_95 = arith.extui %gt3A_94 : i1 to i32
        %cond3A_96 = arith.constant 0 : i32
        %cond3A_97 = arith.cmpi ne, %convert_element_type3A_95, %cond3A_96 : i32
        scf.if %cond3A_97 {
          %dma_wait3A_125 = arith.constant 0 : i32
          %dma_wait3A_126 = arith.constant 0 : i32
          %dma_wait3A_127 = tpu.memref_slice %arg2[%arg0, %dma_wait3A_125, %dma_wait3A_126] : memref<2x40960x128xf32, #tpu.memory_space<hbm>> -> memref<1x40960x128xf32, #tpu.memory_space<hbm>>
          %dma_wait3A_128 = tpu.memref_squeeze %dma_wait3A_127 : memref<1x40960x128xf32, #tpu.memory_space<hbm>> -> memref<40960x128xf32, #tpu.memory_space<hbm>>
          %dma_wait3A_129 = arith.constant 0 : i32
          %dma_wait3A_130 = arith.constant 0 : i32
          %dma_wait3A_131 = tpu.memref_slice %dma_wait3A_128[%dma_wait3A_129, %dma_wait3A_130] : memref<40960x128xf32, #tpu.memory_space<hbm>> -> memref<128x128xf32, #tpu.memory_space<hbm>>
          %dma_wait3A_132 = arith.constant 0 : i32
          %dma_wait3A_133 = arith.constant 0 : i32
          %dma_wait3A_134 = tpu.memref_slice %arg2[%arg0, %dma_wait3A_132, %dma_wait3A_133] : memref<2x40960x128xf32, #tpu.memory_space<hbm>> -> memref<1x40960x128xf32, #tpu.memory_space<hbm>>
          %dma_wait3A_135 = tpu.memref_squeeze %dma_wait3A_134 : memref<1x40960x128xf32, #tpu.memory_space<hbm>> -> memref<40960x128xf32, #tpu.memory_space<hbm>>
          %dma_wait3A_136 = arith.constant 0 : i32
          %dma_wait3A_137 = arith.constant 0 : i32
          %dma_wait3A_138 = tpu.memref_slice %dma_wait3A_135[%dma_wait3A_136, %dma_wait3A_137] : memref<40960x128xf32, #tpu.memory_space<hbm>> -> memref<128x128xf32, #tpu.memory_space<hbm>>
          tpu.wait_dma2 semaphore(%arg15 : memref<!tpu.dma_semaphore, #tpu.memory_space<semaphore_mem>>) src(%dma_wait3A_138 : memref<128x128xf32, #tpu.memory_space<hbm>>) dst(%arg11 : memref<128x128xf32, #tpu.memory_space<vmem>>)
        } else {
        }
        %add3A_98 = arith.constant 1 : i32
        %add3A_99 = arith.addi %scan3A_61, %add3A_98 : i32
        %lt3A_100 = arith.constant 40 : i32
        %lt3A_101 = arith.cmpi slt, %add3A_99, %lt3A_100 : i32
        %convert_element_type3A_102 = arith.extui %lt3A_101 : i1 to i32
        %cond3A_103 = arith.constant 0 : i32
        %cond3A_104 = arith.cmpi ne, %convert_element_type3A_102, %cond3A_103 : i32
        scf.if %cond3A_104 {
          %add3A_125 = arith.constant 1 : i32
          %add3A_126 = arith.addi %scan3A_61, %add3A_125 : i32
          %dma_start3A_127 = arith.constant 0 : i32
          %dma_start3A_128 = tpu.memref_slice %arg8[%add3A_126, %dma_start3A_127] : memref<40x128xi32, #tpu.memory_space<vmem>> -> memref<1x128xi32, #tpu.memory_space<vmem>>
          %dma_start3A_129 = tpu.memref_squeeze %dma_start3A_128 : memref<1x128xi32, #tpu.memory_space<vmem>> -> memref<128xi32, #tpu.memory_space<vmem>>
          %dma_start3A_130 = arith.constant 0 : i32
          %dma_start3A_131 = arith.constant 0 : i32
          %dma_start3A_132 = tpu.memref_slice %arg2[%arg0, %dma_start3A_130, %dma_start3A_131] : memref<2x40960x128xf32, #tpu.memory_space<hbm>> -> memref<1x40960x128xf32, #tpu.memory_space<hbm>>
          %dma_start3A_133 = tpu.memref_squeeze %dma_start3A_132 : memref<1x40960x128xf32, #tpu.memory_space<hbm>> -> memref<40960x128xf32, #tpu.memory_space<hbm>>
          %dma_start3A_134 = arith.constant 0 : i32
          %dma_start3A_135 = arith.constant 0 : i32
          %dma_start3A_136 = tpu.memref_slice %dma_start3A_133[%dma_start3A_134, %dma_start3A_135] : memref<40960x128xf32, #tpu.memory_space<hbm>> -> memref<40960x128xf32, #tpu.memory_space<hbm>>
          tpu.enqueue_indirect_dma source(%dma_start3A_136 : memref<40960x128xf32, #tpu.memory_space<hbm>>) target(%arg11 : memref<128x128xf32, #tpu.memory_space<vmem>>) offsets(%dma_start3A_129 : memref<128xi32, #tpu.memory_space<vmem>>) semaphore(%arg13 : memref<!tpu.dma_semaphore, #tpu.memory_space<semaphore_mem>>)
        } else {
        }
        %dma_wait3A_105 = arith.constant 0 : i32
        %dma_wait3A_106 = arith.constant 0 : i32
        %dma_wait3A_107 = tpu.memref_slice %arg2[%arg0, %dma_wait3A_105, %dma_wait3A_106] : memref<2x40960x128xf32, #tpu.memory_space<hbm>> -> memref<1x40960x128xf32, #tpu.memory_space<hbm>>
        %dma_wait3A_108 = tpu.memref_squeeze %dma_wait3A_107 : memref<1x40960x128xf32, #tpu.memory_space<hbm>> -> memref<40960x128xf32, #tpu.memory_space<hbm>>
        %dma_wait3A_109 = arith.constant 0 : i32
        %dma_wait3A_110 = arith.constant 0 : i32
        %dma_wait3A_111 = tpu.memref_slice %dma_wait3A_108[%dma_wait3A_109, %dma_wait3A_110] : memref<40960x128xf32, #tpu.memory_space<hbm>> -> memref<128x128xf32, #tpu.memory_space<hbm>>
        %dma_wait3A_112 = arith.constant 0 : i32
        %dma_wait3A_113 = arith.constant 0 : i32
        %dma_wait3A_114 = tpu.memref_slice %arg2[%arg0, %dma_wait3A_112, %dma_wait3A_113] : memref<2x40960x128xf32, #tpu.memory_space<hbm>> -> memref<1x40960x128xf32, #tpu.memory_space<hbm>>
        %dma_wait3A_115 = tpu.memref_squeeze %dma_wait3A_114 : memref<1x40960x128xf32, #tpu.memory_space<hbm>> -> memref<40960x128xf32, #tpu.memory_space<hbm>>
        %dma_wait3A_116 = arith.constant 0 : i32
        %dma_wait3A_117 = arith.constant 0 : i32
        %dma_wait3A_118 = tpu.memref_slice %dma_wait3A_115[%dma_wait3A_116, %dma_wait3A_117] : memref<40960x128xf32, #tpu.memory_space<hbm>> -> memref<128x128xf32, #tpu.memory_space<hbm>>
        tpu.wait_dma2 semaphore(%arg12 : memref<!tpu.dma_semaphore, #tpu.memory_space<semaphore_mem>>) src(%dma_wait3A_118 : memref<128x128xf32, #tpu.memory_space<hbm>>) dst(%arg10 : memref<128x128xf32, #tpu.memory_space<vmem>>)
        %dma_start3A_119 = arith.constant 0 : i32
        %dma_start3A_120 = tpu.memref_slice %arg9[%scan3A_61, %dma_start3A_119] : memref<40x128xi32, #tpu.memory_space<vmem>> -> memref<1x128xi32, #tpu.memory_space<vmem>>
        %dma_start3A_121 = tpu.memref_squeeze %dma_start3A_120 : memref<1x128xi32, #tpu.memory_space<vmem>> -> memref<128xi32, #tpu.memory_space<vmem>>
        %dma_start3A_122 = arith.constant 0 : i32
        %dma_start3A_123 = arith.constant 0 : i32
        %dma_start3A_124 = tpu.memref_slice %arg7[%dma_start3A_122, %dma_start3A_123] : memref<10240x128xf32, #tpu.memory_space<vmem_shared>> -> memref<10240x128xf32, #tpu.memory_space<vmem_shared>>
        tpu.enqueue_indirect_dma source(%arg10 : memref<128x128xf32, #tpu.memory_space<vmem>>) target(%dma_start3A_124 : memref<10240x128xf32, #tpu.memory_space<vmem_shared>>) offsets(%dma_start3A_121 : memref<128xi32, #tpu.memory_space<vmem>>) semaphore(%arg14 : memref<!tpu.dma_semaphore, #tpu.memory_space<semaphore_mem>>) {add = true}
      } else {
      }
      %jit3A_73 = arith.constant 2 : i32
      %eq3A_74 = arith.constant 0 : i32
      %eq3A_75 = arith.cmpi eq, %jit3A_73, %eq3A_74 : i32
      %jit3A_76 = arith.constant 1 : i32
      %select_n3A_77 = arith.select %eq3A_75, %jit3A_76, %jit3A_73 : i32
      %rem3A_78 = arith.remsi %scan3A_61, %select_n3A_77 : i32
      %ne3A_79 = arith.constant 0 : i32
      %ne3A_80 = arith.cmpi ne, %rem3A_78, %ne3A_79 : i32
      %lt3A_81 = arith.constant 0 : i32
      %lt3A_82 = arith.cmpi slt, %rem3A_78, %lt3A_81 : i32
      %lt3A_83 = arith.constant 0 : i32
      %lt3A_84 = arith.cmpi slt, %select_n3A_77, %lt3A_83 : i32
      %ne3A_85 = arith.xori %lt3A_82, %lt3A_84 : i1
      %and3A_86 = arith.andi %ne3A_85, %ne3A_80 : i1
      %add3A_87 = arith.addi %rem3A_78, %select_n3A_77 : i32
      %select_n3A_88 = arith.select %and3A_86, %add3A_87, %rem3A_78 : i32
      %eq3A_89 = arith.constant 1 : i32
      %eq3A_90 = arith.cmpi eq, %select_n3A_88, %eq3A_89 : i32
      %convert_element_type3A_91 = arith.extui %eq3A_90 : i1 to i32
      %cond3A_92 = arith.constant 0 : i32
      %cond3A_93 = arith.cmpi ne, %convert_element_type3A_91, %cond3A_92 : i32
      scf.if %cond3A_93 {
        %dma_wait3A_94 = arith.constant 0 : i32
        %dma_wait3A_95 = arith.constant 0 : i32
        %dma_wait3A_96 = tpu.memref_slice %arg2[%arg0, %dma_wait3A_94, %dma_wait3A_95] : memref<2x40960x128xf32, #tpu.memory_space<hbm>> -> memref<1x40960x128xf32, #tpu.memory_space<hbm>>
        %dma_wait3A_97 = tpu.memref_squeeze %dma_wait3A_96 : memref<1x40960x128xf32, #tpu.memory_space<hbm>> -> memref<40960x128xf32, #tpu.memory_space<hbm>>
        %dma_wait3A_98 = arith.constant 0 : i32
        %dma_wait3A_99 = arith.constant 0 : i32
        %dma_wait3A_100 = tpu.memref_slice %dma_wait3A_97[%dma_wait3A_98, %dma_wait3A_99] : memref<40960x128xf32, #tpu.memory_space<hbm>> -> memref<128x128xf32, #tpu.memory_space<hbm>>
        %dma_wait3A_101 = arith.constant 0 : i32
        %dma_wait3A_102 = arith.constant 0 : i32
        %dma_wait3A_103 = tpu.memref_slice %arg2[%arg0, %dma_wait3A_101, %dma_wait3A_102] : memref<2x40960x128xf32, #tpu.memory_space<hbm>> -> memref<1x40960x128xf32, #tpu.memory_space<hbm>>
        %dma_wait3A_104 = tpu.memref_squeeze %dma_wait3A_103 : memref<1x40960x128xf32, #tpu.memory_space<hbm>> -> memref<40960x128xf32, #tpu.memory_space<hbm>>
        %dma_wait3A_105 = arith.constant 0 : i32
        %dma_wait3A_106 = arith.constant 0 : i32
        %dma_wait3A_107 = tpu.memref_slice %dma_wait3A_104[%dma_wait3A_105, %dma_wait3A_106] : memref<40960x128xf32, #tpu.memory_space<hbm>> -> memref<128x128xf32, #tpu.memory_space<hbm>>
        tpu.wait_dma2 semaphore(%arg14 : memref<!tpu.dma_semaphore, #tpu.memory_space<semaphore_mem>>) src(%dma_wait3A_107 : memref<128x128xf32, #tpu.memory_space<hbm>>) dst(%arg10 : memref<128x128xf32, #tpu.memory_space<vmem>>)
        %add3A_108 = arith.constant 1 : i32
        %add3A_109 = arith.addi %scan3A_61, %add3A_108 : i32
        %lt3A_110 = arith.constant 40 : i32
        %lt3A_111 = arith.cmpi slt, %add3A_109, %lt3A_110 : i32
        %convert_element_type3A_112 = arith.extui %lt3A_111 : i1 to i32
        %cond3A_113 = arith.constant 0 : i32
        %cond3A_114 = arith.cmpi ne, %convert_element_type3A_112, %cond3A_113 : i32
        scf.if %cond3A_114 {
          %add3A_135 = arith.constant 1 : i32
          %add3A_136 = arith.addi %scan3A_61, %add3A_135 : i32
          %dma_start3A_137 = arith.constant 0 : i32
          %dma_start3A_138 = tpu.memref_slice %arg8[%add3A_136, %dma_start3A_137] : memref<40x128xi32, #tpu.memory_space<vmem>> -> memref<1x128xi32, #tpu.memory_space<vmem>>
          %dma_start3A_139 = tpu.memref_squeeze %dma_start3A_138 : memref<1x128xi32, #tpu.memory_space<vmem>> -> memref<128xi32, #tpu.memory_space<vmem>>
          %dma_start3A_140 = arith.constant 0 : i32
          %dma_start3A_141 = arith.constant 0 : i32
          %dma_start3A_142 = tpu.memref_slice %arg2[%arg0, %dma_start3A_140, %dma_start3A_141] : memref<2x40960x128xf32, #tpu.memory_space<hbm>> -> memref<1x40960x128xf32, #tpu.memory_space<hbm>>
          %dma_start3A_143 = tpu.memref_squeeze %dma_start3A_142 : memref<1x40960x128xf32, #tpu.memory_space<hbm>> -> memref<40960x128xf32, #tpu.memory_space<hbm>>
          %dma_start3A_144 = arith.constant 0 : i32
          %dma_start3A_145 = arith.constant 0 : i32
          %dma_start3A_146 = tpu.memref_slice %dma_start3A_143[%dma_start3A_144, %dma_start3A_145] : memref<40960x128xf32, #tpu.memory_space<hbm>> -> memref<40960x128xf32, #tpu.memory_space<hbm>>
          tpu.enqueue_indirect_dma source(%dma_start3A_146 : memref<40960x128xf32, #tpu.memory_space<hbm>>) target(%arg10 : memref<128x128xf32, #tpu.memory_space<vmem>>) offsets(%dma_start3A_139 : memref<128xi32, #tpu.memory_space<vmem>>) semaphore(%arg12 : memref<!tpu.dma_semaphore, #tpu.memory_space<semaphore_mem>>)
        } else {
        }
        %dma_wait3A_115 = arith.constant 0 : i32
        %dma_wait3A_116 = arith.constant 0 : i32
        %dma_wait3A_117 = tpu.memref_slice %arg2[%arg0, %dma_wait3A_115, %dma_wait3A_116] : memref<2x40960x128xf32, #tpu.memory_space<hbm>> -> memref<1x40960x128xf32, #tpu.memory_space<hbm>>
        %dma_wait3A_118 = tpu.memref_squeeze %dma_wait3A_117 : memref<1x40960x128xf32, #tpu.memory_space<hbm>> -> memref<40960x128xf32, #tpu.memory_space<hbm>>
        %dma_wait3A_119 = arith.constant 0 : i32
        %dma_wait3A_120 = arith.constant 0 : i32
        %dma_wait3A_121 = tpu.memref_slice %dma_wait3A_118[%dma_wait3A_119, %dma_wait3A_120] : memref<40960x128xf32, #tpu.memory_space<hbm>> -> memref<128x128xf32, #tpu.memory_space<hbm>>
        %dma_wait3A_122 = arith.constant 0 : i32
        %dma_wait3A_123 = arith.constant 0 : i32
        %dma_wait3A_124 = tpu.memref_slice %arg2[%arg0, %dma_wait3A_122, %dma_wait3A_123] : memref<2x40960x128xf32, #tpu.memory_space<hbm>> -> memref<1x40960x128xf32, #tpu.memory_space<hbm>>
        %dma_wait3A_125 = tpu.memref_squeeze %dma_wait3A_124 : memref<1x40960x128xf32, #tpu.memory_space<hbm>> -> memref<40960x128xf32, #tpu.memory_space<hbm>>
        %dma_wait3A_126 = arith.constant 0 : i32
        %dma_wait3A_127 = arith.constant 0 : i32
        %dma_wait3A_128 = tpu.memref_slice %dma_wait3A_125[%dma_wait3A_126, %dma_wait3A_127] : memref<40960x128xf32, #tpu.memory_space<hbm>> -> memref<128x128xf32, #tpu.memory_space<hbm>>
        tpu.wait_dma2 semaphore(%arg13 : memref<!tpu.dma_semaphore, #tpu.memory_space<semaphore_mem>>) src(%dma_wait3A_128 : memref<128x128xf32, #tpu.memory_space<hbm>>) dst(%arg11 : memref<128x128xf32, #tpu.memory_space<vmem>>)
        %dma_start3A_129 = arith.constant 0 : i32
        %dma_start3A_130 = tpu.memref_slice %arg9[%scan3A_61, %dma_start3A_129] : memref<40x128xi32, #tpu.memory_space<vmem>> -> memref<1x128xi32, #tpu.memory_space<vmem>>
        %dma_start3A_131 = tpu.memref_squeeze %dma_start3A_130 : memref<1x128xi32, #tpu.memory_space<vmem>> -> memref<128xi32, #tpu.memory_space<vmem>>
        %dma_start3A_132 = arith.constant 0 : i32
        %dma_start3A_133 = arith.constant 0 : i32
        %dma_start3A_134 = tpu.memref_slice %arg7[%dma_start3A_132, %dma_start3A_133] : memref<10240x128xf32, #tpu.memory_space<vmem_shared>> -> memref<10240x128xf32, #tpu.memory_space<vmem_shared>>
        tpu.enqueue_indirect_dma source(%arg11 : memref<128x128xf32, #tpu.memory_space<vmem>>) target(%dma_start3A_134 : memref<10240x128xf32, #tpu.memory_space<vmem_shared>>) offsets(%dma_start3A_131 : memref<128xi32, #tpu.memory_space<vmem>>) semaphore(%arg15 : memref<!tpu.dma_semaphore, #tpu.memory_space<semaphore_mem>>) {add = true}
      } else {
      }
    }
    %scan3A_45 = arith.constant 40 : i32
    %dma_wait3A_46 = arith.constant 0 : i32
    %dma_wait3A_47 = arith.constant 0 : i32
    %dma_wait3A_48 = tpu.memref_slice %arg2[%arg0, %dma_wait3A_46, %dma_wait3A_47] : memref<2x40960x128xf32, #tpu.memory_space<hbm>> -> memref<1x40960x128xf32, #tpu.memory_space<hbm>>
    %dma_wait3A_49 = tpu.memref_squeeze %dma_wait3A_48 : memref<1x40960x128xf32, #tpu.memory_space<hbm>> -> memref<40960x128xf32, #tpu.memory_space<hbm>>
    %dma_wait3A_50 = arith.constant 0 : i32
    %dma_wait3A_51 = arith.constant 0 : i32
    %dma_wait3A_52 = tpu.memref_slice %dma_wait3A_49[%dma_wait3A_50, %dma_wait3A_51] : memref<40960x128xf32, #tpu.memory_space<hbm>> -> memref<128x128xf32, #tpu.memory_space<hbm>>
    %dma_wait3A_53 = arith.constant 0 : i32
    %dma_wait3A_54 = arith.constant 0 : i32
    %dma_wait3A_55 = tpu.memref_slice %arg2[%arg0, %dma_wait3A_53, %dma_wait3A_54] : memref<2x40960x128xf32, #tpu.memory_space<hbm>> -> memref<1x40960x128xf32, #tpu.memory_space<hbm>>
    %dma_wait3A_56 = tpu.memref_squeeze %dma_wait3A_55 : memref<1x40960x128xf32, #tpu.memory_space<hbm>> -> memref<40960x128xf32, #tpu.memory_space<hbm>>
    %dma_wait3A_57 = arith.constant 0 : i32
    %dma_wait3A_58 = arith.constant 0 : i32
    %dma_wait3A_59 = tpu.memref_slice %dma_wait3A_56[%dma_wait3A_57, %dma_wait3A_58] : memref<40960x128xf32, #tpu.memory_space<hbm>> -> memref<128x128xf32, #tpu.memory_space<hbm>>
    tpu.wait_dma2 semaphore(%arg15 : memref<!tpu.dma_semaphore, #tpu.memory_space<semaphore_mem>>) src(%dma_wait3A_59 : memref<128x128xf32, #tpu.memory_space<hbm>>) dst(%arg11 : memref<128x128xf32, #tpu.memory_space<vmem>>)
    %barrier3A_60 = arith.constant 0 : index
    tpu.barrier barrier_id(%barrier3A_60)
    "tpu.region"() ({
      %run_scoped3A = tpu.sem_alloc : memref<!tpu.dma_semaphore, #tpu.memory_space<semaphore_mem>>
      %dma_start3A_61 = arith.constant 0 : i32
      %dma_start3A_62 = tpu.memref_slice %arg6[%arg0, %mul3A_0, %dma_start3A_61] : memref<2x10240x128xf32, #tpu.memory_space<hbm>> -> memref<1x640x128xf32, #tpu.memory_space<hbm>>
      %dma_start3A_63 = tpu.memref_squeeze %dma_start3A_62 : memref<1x640x128xf32, #tpu.memory_space<hbm>> -> memref<640x128xf32, #tpu.memory_space<hbm>>
      %dma_start3A_64 = arith.constant 0 : i32
      %dma_start3A_65 = tpu.memref_slice %arg7[%mul3A_0, %dma_start3A_64] : memref<10240x128xf32, #tpu.memory_space<vmem_shared>> -> memref<640x128xf32, #tpu.memory_space<vmem_shared>>
      tpu.enqueue_dma source(%dma_start3A_65 : memref<640x128xf32, #tpu.memory_space<vmem_shared>>) target(%dma_start3A_63 : memref<640x128xf32, #tpu.memory_space<hbm>>) target_semaphore(%run_scoped3A : memref<!tpu.dma_semaphore, #tpu.memory_space<semaphore_mem>>)
      %dma_wait3A_66 = arith.constant 0 : i32
      %dma_wait3A_67 = tpu.memref_slice %arg6[%arg0, %mul3A_0, %dma_wait3A_66] : memref<2x10240x128xf32, #tpu.memory_space<hbm>> -> memref<1x640x128xf32, #tpu.memory_space<hbm>>
      %dma_wait3A_68 = tpu.memref_squeeze %dma_wait3A_67 : memref<1x640x128xf32, #tpu.memory_space<hbm>> -> memref<640x128xf32, #tpu.memory_space<hbm>>
      %dma_wait3A_69 = arith.constant 0 : i32
      %dma_wait3A_70 = tpu.memref_slice %arg7[%mul3A_0, %dma_wait3A_69] : memref<10240x128xf32, #tpu.memory_space<vmem_shared>> -> memref<640x128xf32, #tpu.memory_space<vmem_shared>>
      tpu.wait_dma2 semaphore(%run_scoped3A : memref<!tpu.dma_semaphore, #tpu.memory_space<semaphore_mem>>) src(%dma_wait3A_70 : memref<640x128xf32, #tpu.memory_space<vmem_shared>>) dst(%dma_wait3A_68 : memref<640x128xf32, #tpu.memory_space<hbm>>)
      tpu.yield
    }) : () -> ()
    return
  }
}

module attributes {stable_mosaic.version = 14 : i64} {
  func.func @_update_body(%arg0: i32, %arg1: memref<2x1024x128xf32, #tpu.memory_space<vmem>>, %arg2: memref<256x256xf32, #tpu.memory_space<vmem>>, %arg3: memref<1x256xf32, #tpu.memory_space<vmem>>, %arg4: memref<4x256xf32, #tpu.memory_space<vmem>>, %arg5: memref<2x1024x128xf32, #tpu.memory_space<vmem>>, %arg6: memref<2x4x1024x128xf32, #tpu.memory_space<vmem>>) attributes {dimension_semantics = [#tpu.dimension_semantics<arbitrary>], iteration_bounds = array<i64: 10>, scalar_prefetch = 0 : i64, scratch_operands = 0 : i64, tpu.core_type = #tpu.core_type<tc>, window_params = [{transform_indices = @transform_0, window_bounds = array<i64: 2, 1024, 128>}, {pipeline_mode = #tpu.pipeline_mode<synchronous>, transform_indices = @transform_1, window_bounds = array<i64: 256, 256>}, {pipeline_mode = #tpu.pipeline_mode<synchronous>, transform_indices = @transform_2, window_bounds = array<i64: 1, 256>}, {pipeline_mode = #tpu.pipeline_mode<synchronous>, transform_indices = @transform_3, window_bounds = array<i64: 4, 256>}, {transform_indices = @transform_4, window_bounds = array<i64: 2, 1024, 128>}, {transform_indices = @transform_5, window_bounds = array<i64: 2, 4, 1024, 128>}]} {
    %get3A = arith.constant 0 : index
    %get3A_0 = arith.constant 0 : index
    %get3A_1 = arith.constant 0 : index
    %get3A_2 = vector.load %arg1[%get3A, %get3A_0, %get3A_1] : memref<2x1024x128xf32, #tpu.memory_space<vmem>>, vector<1x1024x128xf32>
    %get3A_3 = vector.shape_cast %get3A_2 : vector<1x1024x128xf32> to vector<1024x128xf32>
    %get3A_4 = arith.constant 1 : index
    %get3A_5 = arith.constant 0 : index
    %get3A_6 = arith.constant 0 : index
    %get3A_7 = vector.load %arg1[%get3A_4, %get3A_5, %get3A_6] : memref<2x1024x128xf32, #tpu.memory_space<vmem>>, vector<1x1024x128xf32>
    %get3A_8 = vector.shape_cast %get3A_7 : vector<1x1024x128xf32> to vector<1024x128xf32>
    %concatenate3A = tpu.concatenate %get3A_3, %get3A_8 in 1 : vector<1024x128xf32>, vector<1024x128xf32> -> vector<1024x256xf32>
    %get3A_9 = arith.constant 0 : index
    %get3A_10 = arith.constant 0 : index
    %get3A_11 = vector.load %arg2[%get3A_9, %get3A_10] : memref<256x256xf32, #tpu.memory_space<vmem>>, vector<256x256xf32>
    %dot_general3A = arith.constant dense<0.000000e+00> : vector<1024x256xf32>
    %dot_general3A_12 = tpu.matmul %concatenate3A, %get3A_11, %dot_general3A {dimension_numbers = #tpu.dot_dimension_numbers<[1], [0], [0], [1], [0, 0, 1, 1], [], []>, transpose_lhs_hint = false} : vector<1024x256xf32>, vector<256x256xf32>, vector<1024x256xf32> -> vector<1024x256xf32>
    %get3A_13 = arith.constant 0 : index
    %get3A_14 = arith.constant 0 : index
    %get3A_15 = vector.load %arg3[%get3A_13, %get3A_14] : memref<1x256xf32, #tpu.memory_space<vmem>>, vector<1x256xf32>
    %add3A = vector.broadcast %get3A_15 : vector<1x256xf32> to vector<1024x256xf32>
    %add3A_16 = arith.addf %dot_general3A_12, %add3A : vector<1024x256xf32>
    %max3A = arith.constant 0.000000e+00 : f32
    %max3A_17 = vector.broadcast %max3A : f32 to vector<1024x256xf32>
    %max3A_18 = arith.maximumf %add3A_16, %max3A_17 : vector<1024x256xf32>
    %slice3A = vector.extract_strided_slice %max3A_18 {offsets = [0, 0], sizes = [1024, 128], strides = [1, 1]} : vector<1024x256xf32> to vector<1024x128xf32>
    %swap3A = arith.constant 0 : index
    %swap3A_19 = arith.constant 0 : index
    %swap3A_20 = arith.constant 0 : index
    %swap3A_21 = vector.load %arg5[%swap3A, %swap3A_19, %swap3A_20] : memref<2x1024x128xf32, #tpu.memory_space<vmem>>, vector<1x1024x128xf32>
    %swap3A_22 = vector.shape_cast %swap3A_21 : vector<1x1024x128xf32> to vector<1024x128xf32>
    %swap3A_23 = vector.shape_cast %slice3A : vector<1024x128xf32> to vector<1x1024x128xf32>
    tpu.vector_store %arg5[%swap3A, %swap3A_19, %swap3A_20], %swap3A_23 {strides = array<i32>} : memref<2x1024x128xf32, #tpu.memory_space<vmem>>, vector<1x1024x128xf32>,
    %slice3A_24 = vector.extract_strided_slice %max3A_18 {offsets = [0, 128], sizes = [1024, 128], strides = [1, 1]} : vector<1024x256xf32> to vector<1024x128xf32>
    %swap3A_25 = arith.constant 1 : index
    %swap3A_26 = arith.constant 0 : index
    %swap3A_27 = arith.constant 0 : index
    %swap3A_28 = vector.load %arg5[%swap3A_25, %swap3A_26, %swap3A_27] : memref<2x1024x128xf32, #tpu.memory_space<vmem>>, vector<1x1024x128xf32>
    %swap3A_29 = vector.shape_cast %swap3A_28 : vector<1x1024x128xf32> to vector<1024x128xf32>
    %swap3A_30 = vector.shape_cast %slice3A_24 : vector<1024x128xf32> to vector<1x1024x128xf32>
    tpu.vector_store %arg5[%swap3A_25, %swap3A_26, %swap3A_27], %swap3A_30 {strides = array<i32>} : memref<2x1024x128xf32, #tpu.memory_space<vmem>>, vector<1x1024x128xf32>,
    %broadcast_in_dim3A = vector.shape_cast %max3A_18 : vector<1024x256xf32> to vector<1x1024x256xf32>
    %get3A_31 = arith.constant 0 : index
    %get3A_32 = arith.constant 0 : index
    %get3A_33 = vector.load %arg4[%get3A_31, %get3A_32] : memref<4x256xf32, #tpu.memory_space<vmem>>, vector<4x256xf32>
    %broadcast_in_dim3A_34 = vector.shape_cast %get3A_33 : vector<4x256xf32> to vector<4x1x256xf32>
    %add3A_35 = vector.broadcast %broadcast_in_dim3A : vector<1x1024x256xf32> to vector<4x1024x256xf32>
    %add3A_36 = vector.broadcast %broadcast_in_dim3A_34 : vector<4x1x256xf32> to vector<4x1024x256xf32>
    %add3A_37 = arith.addf %add3A_35, %add3A_36 : vector<4x1024x256xf32>
    %max3A_38 = arith.constant 0.000000e+00 : f32
    %max3A_39 = vector.broadcast %max3A_38 : f32 to vector<4x1024x256xf32>
    %max3A_40 = arith.maximumf %add3A_37, %max3A_39 : vector<4x1024x256xf32>
    %slice3A_41 = vector.extract_strided_slice %max3A_40 {offsets = [0, 0, 0], sizes = [4, 1024, 128], strides = [1, 1, 1]} : vector<4x1024x256xf32> to vector<4x1024x128xf32>
    %swap3A_42 = arith.constant 0 : index
    %swap3A_43 = arith.constant 0 : index
    %swap3A_44 = arith.constant 0 : index
    %swap3A_45 = arith.constant 0 : index
    %swap3A_46 = vector.load %arg6[%swap3A_42, %swap3A_43, %swap3A_44, %swap3A_45] : memref<2x4x1024x128xf32, #tpu.memory_space<vmem>>, vector<1x4x1024x128xf32>
    %swap3A_47 = vector.shape_cast %swap3A_46 : vector<1x4x1024x128xf32> to vector<4x1024x128xf32>
    %swap3A_48 = vector.shape_cast %slice3A_41 : vector<4x1024x128xf32> to vector<1x4x1024x128xf32>
    tpu.vector_store %arg6[%swap3A_42, %swap3A_43, %swap3A_44, %swap3A_45], %swap3A_48 {strides = array<i32>} : memref<2x4x1024x128xf32, #tpu.memory_space<vmem>>, vector<1x4x1024x128xf32>,
    %slice3A_49 = vector.extract_strided_slice %max3A_40 {offsets = [0, 0, 128], sizes = [4, 1024, 128], strides = [1, 1, 1]} : vector<4x1024x256xf32> to vector<4x1024x128xf32>
    %swap3A_50 = arith.constant 1 : index
    %swap3A_51 = arith.constant 0 : index
    %swap3A_52 = arith.constant 0 : index
    %swap3A_53 = arith.constant 0 : index
    %swap3A_54 = vector.load %arg6[%swap3A_50, %swap3A_51, %swap3A_52, %swap3A_53] : memref<2x4x1024x128xf32, #tpu.memory_space<vmem>>, vector<1x4x1024x128xf32>
    %swap3A_55 = vector.shape_cast %swap3A_54 : vector<1x4x1024x128xf32> to vector<4x1024x128xf32>
    %swap3A_56 = vector.shape_cast %slice3A_49 : vector<4x1024x128xf32> to vector<1x4x1024x128xf32>
    tpu.vector_store %arg6[%swap3A_50, %swap3A_51, %swap3A_52, %swap3A_53], %swap3A_56 {strides = array<i32>} : memref<2x4x1024x128xf32, #tpu.memory_space<vmem>>, vector<1x4x1024x128xf32>,
    return
  }
  func.func @transform_0(%arg0: i32) -> (i32, i32, i32) {
    %c0_i32 = arith.constant 0 : i32
    %c0_i32_0 = arith.constant 0 : i32
    %c0_i32_1 = arith.constant 0 : i32
    return %c0_i32, %arg0, %c0_i32_0 : i32, i32, i32
  }
  func.func @transform_1(%arg0: i32) -> (i32, i32) {
    %c0_i32 = arith.constant 0 : i32
    %c0_i32_0 = arith.constant 0 : i32
    %c0_i32_1 = arith.constant 0 : i32
    return %c0_i32, %c0_i32_0 : i32, i32
  }
  func.func @transform_2(%arg0: i32) -> (i32, i32) {
    %c0_i32 = arith.constant 0 : i32
    %c0_i32_0 = arith.constant 0 : i32
    %c0_i32_1 = arith.constant 0 : i32
    return %c0_i32, %c0_i32_0 : i32, i32
  }
  func.func @transform_3(%arg0: i32) -> (i32, i32) {
    %c0_i32 = arith.constant 0 : i32
    %c0_i32_0 = arith.constant 0 : i32
    %c0_i32_1 = arith.constant 0 : i32
    return %c0_i32, %c0_i32_0 : i32, i32
  }
  func.func @transform_4(%arg0: i32) -> (i32, i32, i32) {
    %c0_i32 = arith.constant 0 : i32
    %c0_i32_0 = arith.constant 0 : i32
    %c0_i32_1 = arith.constant 0 : i32
    return %c0_i32, %arg0, %c0_i32_0 : i32, i32, i32
  }
  func.func @transform_5(%arg0: i32) -> (i32, i32, i32, i32) {
    %c0_i32 = arith.constant 0 : i32
    %c0_i32_0 = arith.constant 0 : i32
    %c0_i32_1 = arith.constant 0 : i32
    %c0_i32_2 = arith.constant 0 : i32
    return %c0_i32, %c0_i32_0, %arg0, %c0_i32_1 : i32, i32, i32, i32
  }
}

module attributes {stable_mosaic.version = 14 : i64} {
  func.func @_prep_body(%arg0: i32, %arg1: memref<2x1024x128xf32, #tpu.memory_space<vmem>>, %arg2: memref<4x256xf32, #tpu.memory_space<vmem>>, %arg3: memref<2x4x1024x128xf32, #tpu.memory_space<vmem>>) attributes {dimension_semantics = [#tpu.dimension_semantics<arbitrary>], iteration_bounds = array<i64: 10>, scalar_prefetch = 0 : i64, scratch_operands = 0 : i64, tpu.core_type = #tpu.core_type<tc>, window_params = [{transform_indices = @transform_0, window_bounds = array<i64: 2, 1024, 128>}, {pipeline_mode = #tpu.pipeline_mode<synchronous>, transform_indices = @transform_1, window_bounds = array<i64: 4, 256>}, {transform_indices = @transform_2, window_bounds = array<i64: 2, 4, 1024, 128>}]} {
    %get3A = arith.constant 0 : index
    %get3A_0 = arith.constant 0 : index
    %get3A_1 = arith.constant 0 : index
    %get3A_2 = vector.load %arg1[%get3A, %get3A_0, %get3A_1] : memref<2x1024x128xf32, #tpu.memory_space<vmem>>, vector<1x1024x128xf32>
    %get3A_3 = vector.shape_cast %get3A_2 : vector<1x1024x128xf32> to vector<1024x128xf32>
    %get3A_4 = arith.constant 1 : index
    %get3A_5 = arith.constant 0 : index
    %get3A_6 = arith.constant 0 : index
    %get3A_7 = vector.load %arg1[%get3A_4, %get3A_5, %get3A_6] : memref<2x1024x128xf32, #tpu.memory_space<vmem>>, vector<1x1024x128xf32>
    %get3A_8 = vector.shape_cast %get3A_7 : vector<1x1024x128xf32> to vector<1024x128xf32>
    %concatenate3A = tpu.concatenate %get3A_3, %get3A_8 in 1 : vector<1024x128xf32>, vector<1024x128xf32> -> vector<1024x256xf32>
    %broadcast_in_dim3A = vector.shape_cast %concatenate3A : vector<1024x256xf32> to vector<1x1024x256xf32>
    %get3A_9 = arith.constant 0 : index
    %get3A_10 = arith.constant 0 : index
    %get3A_11 = vector.load %arg2[%get3A_9, %get3A_10] : memref<4x256xf32, #tpu.memory_space<vmem>>, vector<4x256xf32>
    %broadcast_in_dim3A_12 = vector.shape_cast %get3A_11 : vector<4x256xf32> to vector<4x1x256xf32>
    %add3A = vector.broadcast %broadcast_in_dim3A : vector<1x1024x256xf32> to vector<4x1024x256xf32>
    %add3A_13 = vector.broadcast %broadcast_in_dim3A_12 : vector<4x1x256xf32> to vector<4x1024x256xf32>
    %add3A_14 = arith.addf %add3A, %add3A_13 : vector<4x1024x256xf32>
    %max3A = arith.constant 0.000000e+00 : f32
    %max3A_15 = vector.broadcast %max3A : f32 to vector<4x1024x256xf32>
    %max3A_16 = arith.maximumf %add3A_14, %max3A_15 : vector<4x1024x256xf32>
    %slice3A = vector.extract_strided_slice %max3A_16 {offsets = [0, 0, 0], sizes = [4, 1024, 128], strides = [1, 1, 1]} : vector<4x1024x256xf32> to vector<4x1024x128xf32>
    %swap3A = arith.constant 0 : index
    %swap3A_17 = arith.constant 0 : index
    %swap3A_18 = arith.constant 0 : index
    %swap3A_19 = arith.constant 0 : index
    %swap3A_20 = vector.load %arg3[%swap3A, %swap3A_17, %swap3A_18, %swap3A_19] : memref<2x4x1024x128xf32, #tpu.memory_space<vmem>>, vector<1x4x1024x128xf32>
    %swap3A_21 = vector.shape_cast %swap3A_20 : vector<1x4x1024x128xf32> to vector<4x1024x128xf32>
    %swap3A_22 = vector.shape_cast %slice3A : vector<4x1024x128xf32> to vector<1x4x1024x128xf32>
    tpu.vector_store %arg3[%swap3A, %swap3A_17, %swap3A_18, %swap3A_19], %swap3A_22 {strides = array<i32>} : memref<2x4x1024x128xf32, #tpu.memory_space<vmem>>, vector<1x4x1024x128xf32>,
    %slice3A_23 = vector.extract_strided_slice %max3A_16 {offsets = [0, 0, 128], sizes = [4, 1024, 128], strides = [1, 1, 1]} : vector<4x1024x256xf32> to vector<4x1024x128xf32>
    %swap3A_24 = arith.constant 1 : index
    %swap3A_25 = arith.constant 0 : index
    %swap3A_26 = arith.constant 0 : index
    %swap3A_27 = arith.constant 0 : index
    %swap3A_28 = vector.load %arg3[%swap3A_24, %swap3A_25, %swap3A_26, %swap3A_27] : memref<2x4x1024x128xf32, #tpu.memory_space<vmem>>, vector<1x4x1024x128xf32>
    %swap3A_29 = vector.shape_cast %swap3A_28 : vector<1x4x1024x128xf32> to vector<4x1024x128xf32>
    %swap3A_30 = vector.shape_cast %slice3A_23 : vector<4x1024x128xf32> to vector<1x4x1024x128xf32>
    tpu.vector_store %arg3[%swap3A_24, %swap3A_25, %swap3A_26, %swap3A_27], %swap3A_30 {strides = array<i32>} : memref<2x4x1024x128xf32, #tpu.memory_space<vmem>>, vector<1x4x1024x128xf32>,
    return
  }
  func.func @transform_0(%arg0: i32) -> (i32, i32, i32) {
    %c0_i32 = arith.constant 0 : i32
    %c0_i32_0 = arith.constant 0 : i32
    %c0_i32_1 = arith.constant 0 : i32
    return %c0_i32, %arg0, %c0_i32_0 : i32, i32, i32
  }
  func.func @transform_1(%arg0: i32) -> (i32, i32) {
    %c0_i32 = arith.constant 0 : i32
    %c0_i32_0 = arith.constant 0 : i32
    %c0_i32_1 = arith.constant 0 : i32
    return %c0_i32, %c0_i32_0 : i32, i32
  }
  func.func @transform_2(%arg0: i32) -> (i32, i32, i32, i32) {
    %c0_i32 = arith.constant 0 : i32
    %c0_i32_0 = arith.constant 0 : i32
    %c0_i32_1 = arith.constant 0 : i32
    %c0_i32_2 = arith.constant 0 : i32
    return %c0_i32, %c0_i32_0, %arg0, %c0_i32_1 : i32, i32, i32, i32
  }
}

module attributes {stable_mosaic.version = 14 : i64} {
  func.func @_final_body(%arg0: i32, %arg1: memref<2x1000x128xf32, #tpu.memory_space<vmem>>, %arg2: memref<256x256xf32, #tpu.memory_space<vmem>>, %arg3: memref<1x256xf32, #tpu.memory_space<vmem>>, %arg4: memref<1000x128xi32, #tpu.memory_space<vmem>>, %arg5: memref<256x128xf32, #tpu.memory_space<vmem>>, %arg6: memref<1x128xf32, #tpu.memory_space<vmem>>, %arg7: memref<256x128xf32, #tpu.memory_space<vmem>>, %arg8: memref<256x256xf32, #tpu.memory_space<vmem>>) attributes {dimension_semantics = [#tpu.dimension_semantics<arbitrary>], iteration_bounds = array<i64: 10>, scalar_prefetch = 0 : i64, scratch_operands = 1 : i64, tpu.core_type = #tpu.core_type<tc>, window_params = [{transform_indices = @transform_0, window_bounds = array<i64: 2, 1000, 128>}, {pipeline_mode = #tpu.pipeline_mode<synchronous>, transform_indices = @transform_1, window_bounds = array<i64: 256, 256>}, {pipeline_mode = #tpu.pipeline_mode<synchronous>, transform_indices = @transform_2, window_bounds = array<i64: 1, 256>}, {transform_indices = @transform_3, window_bounds = array<i64: 1000, 128>}, {pipeline_mode = #tpu.pipeline_mode<synchronous>, transform_indices = @transform_4, window_bounds = array<i64: 256, 128>}, {pipeline_mode = #tpu.pipeline_mode<synchronous>, transform_indices = @transform_5, window_bounds = array<i64: 1, 128>}, {pipeline_mode = #tpu.pipeline_mode<synchronous>, transform_indices = @transform_6, window_bounds = array<i64: 256, 128>}]} {
    %eq3A = arith.constant 0 : i32
    %eq3A_0 = arith.cmpi eq, %arg0, %eq3A : i32
    %convert_element_type3A = arith.extui %eq3A_0 : i1 to i32
    %cond3A = arith.constant 0 : i32
    %cond3A_1 = arith.cmpi ne, %convert_element_type3A, %cond3A : i32
    scf.if %cond3A_1 {
      %broadcast_in_dim3A = arith.constant 0.000000e+00 : f32
      %broadcast_in_dim3A_47 = vector.broadcast %broadcast_in_dim3A : f32 to vector<256x256xf32>
      %swap3A_48 = arith.constant 0 : index
      %swap3A_49 = arith.constant 0 : index
      %swap3A_50 = vector.load %arg8[%swap3A_48, %swap3A_49] : memref<256x256xf32, #tpu.memory_space<vmem>>, vector<256x256xf32>
      tpu.vector_store %arg8[%swap3A_48, %swap3A_49], %broadcast_in_dim3A_47 {strides = array<i32>} : memref<256x256xf32, #tpu.memory_space<vmem>>, vector<256x256xf32>,
    } else {
    }
    %get3A = arith.constant 0 : index
    %get3A_2 = arith.constant 0 : index
    %get3A_3 = arith.constant 0 : index
    %get3A_4 = vector.load %arg1[%get3A, %get3A_2, %get3A_3] : memref<2x1000x128xf32, #tpu.memory_space<vmem>>, vector<1x1000x128xf32>
    %get3A_5 = vector.shape_cast %get3A_4 : vector<1x1000x128xf32> to vector<1000x128xf32>
    %get3A_6 = arith.constant 1 : index
    %get3A_7 = arith.constant 0 : index
    %get3A_8 = arith.constant 0 : index
    %get3A_9 = vector.load %arg1[%get3A_6, %get3A_7, %get3A_8] : memref<2x1000x128xf32, #tpu.memory_space<vmem>>, vector<1x1000x128xf32>
    %get3A_10 = vector.shape_cast %get3A_9 : vector<1x1000x128xf32> to vector<1000x128xf32>
    %concatenate3A = tpu.concatenate %get3A_5, %get3A_10 in 1 : vector<1000x128xf32>, vector<1000x128xf32> -> vector<1000x256xf32>
    %get3A_11 = arith.constant 0 : index
    %get3A_12 = arith.constant 0 : index
    %get3A_13 = vector.load %arg2[%get3A_11, %get3A_12] : memref<256x256xf32, #tpu.memory_space<vmem>>, vector<256x256xf32>
    %dot_general3A = arith.constant dense<0.000000e+00> : vector<1000x256xf32>
    %dot_general3A_14 = tpu.matmul %concatenate3A, %get3A_13, %dot_general3A {dimension_numbers = #tpu.dot_dimension_numbers<[1], [0], [0], [1], [0, 0, 1, 1], [], []>, transpose_lhs_hint = false} : vector<1000x256xf32>, vector<256x256xf32>, vector<1000x256xf32> -> vector<1000x256xf32>
    %get3A_15 = arith.constant 0 : index
    %get3A_16 = arith.constant 0 : index
    %get3A_17 = vector.load %arg3[%get3A_15, %get3A_16] : memref<1x256xf32, #tpu.memory_space<vmem>>, vector<1x256xf32>
    %add3A = vector.broadcast %get3A_17 : vector<1x256xf32> to vector<1000x256xf32>
    %add3A_18 = arith.addf %dot_general3A_14, %add3A : vector<1000x256xf32>
    %max3A = arith.constant 0.000000e+00 : f32
    %max3A_19 = vector.broadcast %max3A : f32 to vector<1000x256xf32>
    %max3A_20 = arith.maximumf %add3A_18, %max3A_19 : vector<1000x256xf32>
    %get3A_21 = arith.constant 0 : index
    %get3A_22 = arith.constant 0 : index
    %get3A_23 = vector.load %arg4[%get3A_21, %get3A_22] : memref<1000x128xi32, #tpu.memory_space<vmem>>, vector<1000x128xi32>
    %iota3A = tpu.iota {dimensions = array<i32: 1>} : vector<1000x128xi32>
    %eq3A_24 = arith.cmpi eq, %get3A_23, %iota3A : vector<1000x128xi32>
    %convert_element_type3A_25 = arith.extui %eq3A_24 : vector<1000x128xi1> to vector<1000x128xi32>
    %convert_element_type3A_26 = arith.sitofp %convert_element_type3A_25 : vector<1000x128xi32> to vector<1000x128xf32>
    %add3A_27 = arith.constant 128 : i32
    %add3A_28 = vector.broadcast %add3A_27 : i32 to vector<1000x128xi32>
    %add3A_29 = arith.addi %iota3A, %add3A_28 : vector<1000x128xi32>
    %eq3A_30 = arith.cmpi eq, %get3A_23, %add3A_29 : vector<1000x128xi32>
    %convert_element_type3A_31 = arith.extui %eq3A_30 : vector<1000x128xi1> to vector<1000x128xi32>
    %convert_element_type3A_32 = arith.sitofp %convert_element_type3A_31 : vector<1000x128xi32> to vector<1000x128xf32>
    %concatenate3A_33 = tpu.concatenate %convert_element_type3A_26, %convert_element_type3A_32 in 1 : vector<1000x128xf32>, vector<1000x128xf32> -> vector<1000x256xf32>
    %get3A_34 = arith.constant 0 : index
    %get3A_35 = arith.constant 0 : index
    %get3A_36 = vector.load %arg8[%get3A_34, %get3A_35] : memref<256x256xf32, #tpu.memory_space<vmem>>, vector<256x256xf32>
    %dot_general3A_37 = arith.constant dense<0.000000e+00> : vector<256x256xf32>
    %dot_general3A_38 = tpu.matmul %concatenate3A_33, %max3A_20, %dot_general3A_37 {dimension_numbers = #tpu.dot_dimension_numbers<[0], [0], [1], [1], [0, 1, 1, 1], [], []>, transpose_lhs_hint = false} : vector<1000x256xf32>, vector<1000x256xf32>, vector<256x256xf32> -> vector<256x256xf32>
    %add3A_39 = arith.addf %get3A_36, %dot_general3A_38 : vector<256x256xf32>
    %swap3A = arith.constant 0 : index
    %swap3A_40 = arith.constant 0 : index
    %swap3A_41 = vector.load %arg8[%swap3A, %swap3A_40] : memref<256x256xf32, #tpu.memory_space<vmem>>, vector<256x256xf32>
    tpu.vector_store %arg8[%swap3A, %swap3A_40], %add3A_39 {strides = array<i32>} : memref<256x256xf32, #tpu.memory_space<vmem>>, vector<256x256xf32>,
    %eq3A_42 = arith.constant 9 : i32
    %eq3A_43 = arith.cmpi eq, %arg0, %eq3A_42 : i32
    %convert_element_type3A_44 = arith.extui %eq3A_43 : i1 to i32
    %cond3A_45 = arith.constant 0 : i32
    %cond3A_46 = arith.cmpi ne, %convert_element_type3A_44, %cond3A_45 : i32
    scf.if %cond3A_46 {
      %get3A_47 = arith.constant 0 : index
      %get3A_48 = arith.constant 0 : index
      %get3A_49 = vector.load %arg8[%get3A_47, %get3A_48] : memref<256x256xf32, #tpu.memory_space<vmem>>, vector<256x256xf32>
      %get3A_50 = arith.constant 0 : index
      %get3A_51 = arith.constant 0 : index
      %get3A_52 = vector.load %arg5[%get3A_50, %get3A_51] : memref<256x128xf32, #tpu.memory_space<vmem>>, vector<256x128xf32>
      %dot_general3A_53 = arith.constant dense<0.000000e+00> : vector<256x128xf32>
      %dot_general3A_54 = tpu.matmul %get3A_49, %get3A_52, %dot_general3A_53 {dimension_numbers = #tpu.dot_dimension_numbers<[1], [0], [0], [1], [0, 0, 1, 1], [], []>, transpose_lhs_hint = false} : vector<256x256xf32>, vector<256x128xf32>, vector<256x128xf32> -> vector<256x128xf32>
      %get3A_55 = arith.constant 0 : index
      %get3A_56 = arith.constant 0 : index
      %get3A_57 = vector.load %arg6[%get3A_55, %get3A_56] : memref<1x128xf32, #tpu.memory_space<vmem>>, vector<1x128xf32>
      %add3A_58 = vector.broadcast %get3A_57 : vector<1x128xf32> to vector<256x128xf32>
      %add3A_59 = arith.addf %dot_general3A_54, %add3A_58 : vector<256x128xf32>
      %reduce_max3A = arith.constant dense<0xFF800000> : vector<256xf32>
      %reduce_max3A_60 = vector.multi_reduction <maximumf>, %add3A_59, %reduce_max3A [1] : vector<256x128xf32> to vector<256xf32>
      %broadcast_in_dim3A = vector.shape_cast %reduce_max3A_60 : vector<256xf32> to vector<256x1xf32>
      %sub3A = vector.broadcast %broadcast_in_dim3A : vector<256x1xf32> to vector<256x128xf32>
      %sub3A_61 = arith.subf %add3A_59, %sub3A : vector<256x128xf32>
      %exp3A = math.exp %sub3A_61 : vector<256x128xf32>
      %reduce_sum3A = arith.constant dense<0.000000e+00> : vector<256xf32>
      %reduce_sum3A_62 = vector.multi_reduction <add>, %exp3A, %reduce_sum3A [1] : vector<256x128xf32> to vector<256xf32>
      %broadcast_in_dim3A_63 = vector.shape_cast %reduce_sum3A_62 : vector<256xf32> to vector<256x1xf32>
      %div3A = vector.broadcast %broadcast_in_dim3A_63 : vector<256x1xf32> to vector<256x128xf32>
      %div3A_64 = arith.divf %exp3A, %div3A : vector<256x128xf32>
      %swap3A_65 = arith.constant 0 : index
      %swap3A_66 = arith.constant 0 : index
      %swap3A_67 = vector.load %arg7[%swap3A_65, %swap3A_66] : memref<256x128xf32, #tpu.memory_space<vmem>>, vector<256x128xf32>
      tpu.vector_store %arg7[%swap3A_65, %swap3A_66], %div3A_64 {strides = array<i32>} : memref<256x128xf32, #tpu.memory_space<vmem>>, vector<256x128xf32>,
    } else {
    }
    return
  }
  func.func @transform_0(%arg0: i32) -> (i32, i32, i32) {
    %c0_i32 = arith.constant 0 : i32
    %c0_i32_0 = arith.constant 0 : i32
    %c0_i32_1 = arith.constant 0 : i32
    return %c0_i32, %arg0, %c0_i32_0 : i32, i32, i32
  }
  func.func @transform_1(%arg0: i32) -> (i32, i32) {
    %c0_i32 = arith.constant 0 : i32
    %c0_i32_0 = arith.constant 0 : i32
    %c0_i32_1 = arith.constant 0 : i32
    return %c0_i32, %c0_i32_0 : i32, i32
  }
  func.func @transform_2(%arg0: i32) -> (i32, i32) {
    %c0_i32 = arith.constant 0 : i32
    %c0_i32_0 = arith.constant 0 : i32
    %c0_i32_1 = arith.constant 0 : i32
    return %c0_i32, %c0_i32_0 : i32, i32
  }
  func.func @transform_3(%arg0: i32) -> (i32, i32) {
    %c0_i32 = arith.constant 0 : i32
    %c0_i32_0 = arith.constant 0 : i32
    return %arg0, %c0_i32 : i32, i32
  }
  func.func @transform_4(%arg0: i32) -> (i32, i32) {
    %c0_i32 = arith.constant 0 : i32
    %c0_i32_0 = arith.constant 0 : i32
    %c0_i32_1 = arith.constant 0 : i32
    return %c0_i32, %c0_i32_0 : i32, i32
  }
  func.func @transform_5(%arg0: i32) -> (i32, i32) {
    %c0_i32 = arith.constant 0 : i32
    %c0_i32_0 = arith.constant 0 : i32
    %c0_i32_1 = arith.constant 0 : i32
    return %c0_i32, %c0_i32_0 : i32, i32
  }
  func.func @transform_6(%arg0: i32) -> (i32, i32) {
    %c0_i32 = arith.constant 0 : i32
    %c0_i32_0 = arith.constant 0 : i32
    %c0_i32_1 = arith.constant 0 : i32
    return %c0_i32, %c0_i32_0 : i32, i32
  }
}

</mosaic_0001>

<sc_bundles>
// kernel: kernel.14.cloned.1.call-start
scs
__scs_entry_jumppad:
0x0: {  	(pc) =	sbr.rel $0x88, $3  }
0x1: {  	(tag) =	ssettag $0x0;
	lr =	simm.s32 $0x1  }
0x2: {  	[smem:$0x3F97] =	sst lr;
	_ =	strace $0xD0000000  }
0x3: {  	_ = 	snop  }
0x4: {  	_ = 	snop  }
0x5: {  	_ = 	snop  }
0x6: {  	_ = 	snop  }
0x7: {  	_ = 	snop  }
__scs_overlays_trampoline_lowered:
0x8: {  	[smem:$0x3FA6] =	sst s0  }
0x9: {  	[smem:$0x3FA7] =	sst s1  }
0xa: {  	[smem:$0x3FA8] =	sst s2  }
0xb: {  	[smem:$0x3FA9] =	sst s3  }
0xc: {  	[smem:$0x3FAA] =	sst s4  }
0xd: {  	[smem:$0x3FAB] =	sst s5  }
0xe: {  	[smem:$0x3FAC] =	sst s6  }
0xf: {  	[smem:$0x3FAD] =	sst s7  }
0x10: {  	[smem:$0x3FAE] =	sst s8  }
0x11: {  	[smem:$0x3FAF] =	sst s9;
	s0 =	simm.s32 @!p0 $0x0  }
0x12: {  	s1 =	sld [smem:$0x3F95];
	s0 =	simm.s32 @p0 $0x1  }
0x13: {  	[smem:$0x3FB0] =	sst s0;
	s0 =	simm.s32 @!p1 $0x0  }
0x14: {  	s2 =	sld [smem:$0x3F94];
	s0 =	simm.s32 @p1 $0x1  }
0x15: {  	[smem:$0x3FB1] =	sst s0;
	s0 =	simm.s32 @!p2 $0x0  }
0x16: {  	s3 =	sld [smem:$0x3FDB];
	s0 =	simm.s32 @p2 $0x1  }
0x17: {  	s4 =	simm.s32 $0x1BF5;
	[smem:$0x3FB3] =	sst s0  }
0x18: {  	s0 =	sld [smem:$0x3F96];
	_ =	swait.ge [sflag:s4], $0x0  }
0x19: {  	s7 =	sld [smem:$0x3F97]  }
0x1a: {  	s8 =	sadd.s32 $0xFFFFE003, lr  }
0x1b: {  	s9 =	sadd.s32 $0xFFFFFEF7, lr;
	s5 =	simm.s32 $0xFFFFFFFF;
	p2 =	slt.u32 s8, $0xFFFFF086  }
0x1c: {  	p1 =	slt.u32 s9, $0xF7A;
	s5 =	simm.s32 @!p2 $0x0  }
0x1d: {  	s5 =	simm.s32 @p1 $0x1;
	p0 =	seq.s32 s7, s2  }
0x1e: {  	s7 =	smul.u32 @!p0 $0xF7A, s2;
	p2 =	seq.s32 @!p0 s5, $0x0  }
0x1f: {  	s9 =	smul.u32 $0xF7A, s1;
	s8 =	simm.s32 @!p0 $0x1BF5;
	p2 =	por !p2, p0  }
0x20: {  	[sflag:s8] =	ssyncset.s32 @!p0 $0xFFFFF086;
	s6 =	sadd.s32 @!p0 s3, s7;
	s7 =	simm.s32 @!p0 $0x108  }
0x21: {  	s3 =	sadd.s32 s3, s9;
	s6 =	sadd.s32 @!p0 $0x88, s6;
	s7 =	simm.s32 @p2 $0x1082  }
0x22: {  	[simem:s7], [sflag:s8] =	dma.local @!p0 [hbm:s6], $0xF7A  }
0x23: {  	s9 =	sor.u32 $0xD0000000, s2;
	s6 =	simm.s32 $0x108;
	_ =	swait.ge @!p0 [sflag:s8], $0x0  }
0x24: {  	s3 =	sadd.s32 $0x88, s3;
	s6 =	simm.s32 @!p1 $0x1082;
	[sflag:s4] =	ssyncset.s32 $0xFFFFF086  }
0x25: {  	[simem:s6], [sflag:s4] =	dma.local [hbm:s3], $0xF7A  }
0x26: {  	[smem:$0x3F97] =	sst s1;
	(tag) =	ssettag s2;
	_ =	strace s9  }
0x27: {  	s1 =	sld [smem:$0x3FA7]  }
0x28: {  	s2 =	sld [smem:$0x3FA8]  }
0x29: {  	s4 =	sld [smem:$0x3FAA]  }
0x2a: {  	p0 =	seq.s32 s5, $0x0;
	s5 =	sld [smem:$0x3FAB]  }
0x2b: {  	s6 =	sld [smem:$0x3FAC]  }
0x2c: {  	s7 =	sld [smem:$0x3FAD]  }
0x2d: {  	s3 =	simm.s32 $0x108;
	s8 =	sld [smem:$0x3FAE]  }
0x2e: {  	s3 =	simm.s32 @!p0 $0x1082;
	s9 =	sld [smem:$0x3FAF]  }
0x2f: {  	lr =	sadd.s32 s0, s3;
	s0 =	sld [smem:$0x3FA6]  }
0x30: {  	s3 =	sld [smem:$0x3FA9]  }
0x31: {  	[smem:$0x3FB2] =	sst s10  }
0x32: {  	s10 =	sld [smem:$0x3FB0];
	_ =	sdelay $0x3  }
0x33: {  	p0 =	seq.s32 s10, $0x1;
	s10 =	sld [smem:$0x3FB2];
	_ =	sdelay $0x3  }
0x34: {  	[smem:$0x3FB2] =	sst s10  }
0x35: {  	s10 =	sld [smem:$0x3FB1];
	_ =	sdelay $0x3  }
0x36: {  	p1 =	seq.s32 s10, $0x1;
	s10 =	sld [smem:$0x3FB2];
	_ =	sdelay $0x3  }
0x37: {  	[smem:$0x3FB2] =	sst s10  }
0x38: {  	s10 =	sld [smem:$0x3FB3]  }
0x39: {  	_ = 	snop;
	(pc) =	sbr.ind lr, $3  }
0x3a: {  	_ = 	snop  }
0x3b: {  	_ = 	snop  }
0x3c: {  	p2 =	seq.s32 s10, $0x1;
	s10 =	sld [smem:$0x3FB2]  }
0x3d: {  	_ =	shalt  }
0x3e: {  	_ =	shalt  }
0x3f: {  	_ =	shalt  }
0x40: {  	_ =	shalt  }
0x41: {  	_ =	shalt  }
0x42: {  	_ =	shalt  }
0x43: {  	_ =	shalt  }
0x44: {  	_ =	shalt  }
0x45: {  	_ =	shalt  }
0x46: {  	_ =	shalt  }
0x47: {  	_ =	shalt  }
0x48: {  	_ =	shalt  }
0x49: {  	_ =	shalt  }
0x4a: {  	_ =	shalt  }
0x4b: {  	_ =	shalt  }
0x4c: {  	_ =	shalt  }
0x4d: {  	_ =	shalt  }
0x4e: {  	_ =	shalt  }
0x4f: {  	_ =	shalt  }
0x50: {  	_ =	shalt  }
0x51: {  	_ =	shalt  }
0x52: {  	_ =	shalt  }
0x53: {  	_ =	shalt  }
0x54: {  	_ =	shalt  }
0x55: {  	_ =	shalt  }
0x56: {  	_ =	shalt  }
0x57: {  	_ =	shalt  }
0x58: {  	_ =	shalt  }
0x59: {  	_ =	shalt  }
0x5a: {  	_ =	shalt  }
0x5b: {  	_ =	shalt  }
0x5c: {  	_ =	shalt  }
0x5d: {  	_ =	shalt  }
0x5e: {  	_ =	shalt  }
0x5f: {  	_ =	shalt  }
0x60: {  	_ =	shalt  }
0x61: {  	_ =	shalt  }
0x62: {  	_ =	shalt  }
0x63: {  	_ =	shalt  }
0x64: {  	_ =	shalt  }
0x65: {  	_ =	shalt  }
0x66: {  	_ =	shalt  }
0x67: {  	_ =	shalt  }
0x68: {  	_ =	shalt  }
0x69: {  	_ =	shalt  }
0x6a: {  	_ =	shalt  }
0x6b: {  	_ =	shalt  }
0x6c: {  	_ =	shalt  }
0x6d: {  	_ =	shalt  }
0x6e: {  	_ =	shalt  }
0x6f: {  	_ =	shalt  }
0x70: {  	_ =	shalt  }
0x71: {  	_ =	shalt  }
0x72: {  	_ =	shalt  }
0x73: {  	_ =	shalt  }
0x74: {  	_ =	shalt  }
0x75: {  	_ =	shalt  }
0x76: {  	_ =	shalt  }
0x77: {  	_ =	shalt  }
0x78: {  	_ =	shalt  }
0x79: {  	_ =	shalt  }
0x7a: {  	_ =	shalt  }
0x7b: {  	_ =	shalt  }
0x7c: {  	_ =	shalt  }
0x7d: {  	_ =	shalt  }
0x7e: {  	_ =	shalt  }
0x7f: {  	_ =	shalt  }
0x80: {  	_ =	shalt  }
0x81: {  	_ =	shalt  }
0x82: {  	_ =	shalt  }
0x83: {  	_ =	shalt  }
0x84: {  	_ =	shalt  }
0x85: {  	_ =	shalt  }
0x86: {  	_ =	shalt  }
0x87: {  	_ =	shalt  }
.Lfunc_end0:
.L_simem_size_0:
called_computation_lowered:
.L_overlay_start_0:
0x88: {  	s2 =	sld [smem:$0x3FD9]  }
0x89: {  	s3 =	sld [smem:$0x3FFE];
	_ =	sdelay $0x1  }
0x8a: {  	s1 =	srdreg.scid  }
0x8b: {  	s0 =	sand.u32 $0x1, s1  }
0x8c: {  	s17 =	sshll.u32 s0, $0xA;
	s2 =	sadd.s32 s3, s2  }
0x8d: {  	s2 =	sadd.s32 s2, s17  }
0x8e: {  	[smem:$0x3FBE] =	sst s2  }
0x8f: {  	_ = 	snop  }
0x90: {  	s2 =	sld [smem:$0x3FD0];
	(tm) =	ssettm $0x1  }
0x91: {  	s18 =	sld [smem:$0x3FFB];
	_ =	sdelay $0x3  }
0x92: {  	_ =	strace s18  }
0x93: {  	s3 =	sld [smem:$0x3FFC];
	_ =	sdelay $0x3  }
0x94: {  	_ =	strace s3  }
0x95: {  	s3 =	sld [smem:$0x3FFD];
	_ =	sdelay $0x3  }
0x96: {  	_ =	strace s3  }
0x97: {  	_ =	strace $0x8FFFFFFF  }
0x98: {  	s19 =	sld [smem:$0x3FDB];
	_ =	sdelay $0x1  }
0x99: {  	s4 =	simm.s32 $_scs_section_size  }
0x9a: {  	s5 =	simm.s32 $_size__tile_overlayer_lowered;
	s6 =	simm.s32 $_tile_overlayer_lowered  }
0x9b: {  	s22 =	simm.s32 $0x1BFF;
	s21 =	sshll.u32 s6, $0x1;
	s3 =	sadd.s32 s4, s19  }
0x9c: {  	s7 =	simm.s32 $0x0;
	s20 =	sshll.u32 s5, $0x1;
	s5 =	sadd.s32 s21, s3  }
0x9d: {  	[timem:s7], [sflag:s22] =	dma.local [hbm:s5], s20  }
0x9e: {  	_ =	swait.ge [sflag:s22], s20  }
0x9f: {  	s4 =	ssub.s32 $0x0, s20;
	[sflag:s22] =	ssyncset.done $0x0  }
0xa0: {  	[sflag:s22] =	ssyncadd.s32 s4;
	_ =	sdelay $0x1  }
0xa1: {  	s23 =	simm.s32 $0x1B8B  }
0xa2: {  	_ =	swait.ge [sflag:s23], $0x1  }
0xa3: {  	[sflag:s23] =	ssyncset.done $0x0  }
0xa4: {  	s25 =	simm.s32 $0x1B8E;
	s24 =	sld [smem:$0x3FFE];
	[sflag:s23] =	ssyncadd.s32 $0xFFFFFFFF  }
0xa5: {  	s26 =	simm.s32 $execute0_lowered;
	[smem:$0x3FD2] =	sst s25  }
0xa6: {  	s5 =	sshll.u32 s26, $0x1;
	_ =	strace $0x80000046;
	[dreg:$0x1] =	wrdreg $0xFFFFFFFF  }
0xa7: {  	s28 =	simm.s32 $_size_execute0_lowered;
	s3 =	sadd.s32 s3, s5;
	[dreg:$0x0] =	wrdreg $0x0  }
0xa8: {  	s5 =	sshll.u32 s28, $0x1;
	[dreg:$0x2] =	wrdreg s3  }
0xa9: {  	[dreg:$0x3] =	wrdreg s5  }
0xaa: {  	[dreg:$0x4] =	wrdreg $0xC0  }
0xab: {  	_ =	task [dreg:s7], $0x5FFFF  }
0xac: {  	[dreg:$0x1] =	wrdreg $0xFFFFFFFF  }
0xad: {  	[dreg:$0x0] =	wrdreg $0x60  }
0xae: {  	[dreg:$0x2] =	wrdreg s2  }
0xaf: {  	[dreg:$0x3] =	wrdreg s24  }
0xb0: {  	[dreg:$0x4] =	wrdreg $0x9  }
0xb1: {  	_ =	task.clear_ibuf [dreg:s7], $0x5FFFF;
	_ =	strace $0x90000046  }
0xb2: {  	s29 =	simm.s32 $0x9;
	_ =	strace $0x80000048  }
0xb3: {  	_ =	swait.ge [sflag:s29], $0x1  }
0xb4: {  	[sflag:s29] =	ssyncadd.s32 $0xFFFFFFFF  }
0xb5: {  	_ =	strace $0x90000048  }
0xb6: {  	_ =	sfence  }
0xb7: {  	s30 =	sld [smem:$0x0];
	_ =	sdelay $0x2  }
0xb8: {  	s31 =	sshll.u32 s1, $0xD;
	s1 =	sshrl.u32 s1, $0x2  }
0xb9: {  	s3 =	sand.u32 $0x4000, s31;
	s1 =	sadd.s32 s1, s30  }
0xba: {  	s0 =	sor.u32 s3, s0;
	s1 =	sshll.u32 s1, $0x11  }
0xbb: {  	s0 =	sor.u32 s1, s0  }
0xbc: {  	s0 =	sadd.s32 $0x8F2B, s0  }
0xbd: {  	[sflag:s0] =	ssyncadd.remote.s32 $0x1  }
0xbe: {  	_ =	sfence.sel $0xFFFF  }
0xbf: {  	[dreg:$0x0] =	wrdreg $0xFFFFFFFF;
	(pc) =	sbr.abs _section_cstart, $3  }
0xc0: {  	[dreg:$0x1] =	wrdreg $0xFFFFFFFF  }
0xc1: {  	_ =	task.clear_ibuf [dreg:s7], $0x2FFFF;
	_ =	strace $0x9FFFFFFF  }
0xc2: {  	(tm) =	ssettm $0x7FFFFFFF  }
0xc3: {  	_ =	shalt  }
tec
execute0_lowered:
.L_overlay_start_1:
0x0: {  	(tag) =	ssettag $0x1  }
0x1: {  	s4 =	rddreg [dreg:$0x0]  }
0x2: {  	s3 =	rddreg [dreg:$0x1]  }
0x3: {  	s1 =	srdreg.scid;
	s0 =	rddreg [dreg:$0x2]  }
0x4: {  	s2 =	simm.s32 $0x0;
	s15 =	simm.s32 $0x80;
	s16 =	simm.s32 $0x400  }
0x5: {  	s17 =	simm.s32 $0x1;
	s18 =	simm.s32 $0x100;
	s19 =	simm.s32 $0x180  }
0x6: {  	s20 =	simm.s32 $0x200;
	s21 =	simm.s32 $0x4400;
	s14 =	sand.u32 $0x1, s1  }
0x7: {  	s22 =	simm.s32 $0x6C00;
	s1 =	stileid.u32;
	s5 =	smul.u32 $0x140000, s14  }
0x8: {  	s23 =	simm.s32 $0x9400;
	[smem:$0x7FF] =	sst s2;
	s6 =	smul.u32 $0x14000, s1  }
0x9: {  	s24 =	simm.s32 $0x0;
	_ =	strace $0x80000047;
	s30 =	smul.u32 $0x500, s1  }
0xa: {  	s7 =	sshll.u32 s1, $0x7;
	s8 =	ssub.s32 $0x2, s14;
	s9 =	smul.u32 $0x780, s14  }
0xb: {  	p0 =	sne.s32 s14, $0x0;
	s14 =	simm.s32 $0x2;
	s7 =	sadd.s32 s7, s3  }
0xc: {  	s31 =	sshrl.u32 s8, $0x1;
	s5 =	sadd.s32 s6, s5;
	s12 =	sadd.s32 s30, s3  }
.Ltmp0:
0xd: {  	s13 =	ssub.s32 s8, s31;
	s5 =	sshrl.u32 s5, $0x3;
	(pc) =	sbr.rel .LBB2_1-.Ltmp0, $4  }
0xe: {  	s4 =	sadd.s32 s4, s9;
	s11 =	sadd.s32 $0x9400, s12;
	s10 =	sadd.s32 s5, s3  }
0xf: {  	s13 =	smax.u32 s13, $0x1;
	s3 =	sadd.s32 $0xE400, s7;
	s5 =	sadd.s32 $0xEC00, s10  }
0x10: {  	s6 =	sadd.s32 $0xF400, s10;
	s7 =	sadd.s32 $0xFC00, s10;
	s8 =	sadd.s32 $0x10400, s10  }
0x11: {  	s9 =	sadd.s32 $0x10C00, s10;
	s10 =	sadd.s32 $0x4400, s12;
	s12 =	sadd.s32 $0x5EC00, s12  }
.LBB2_4:
0x12: {  	v0 =	vmul.u32 $0x2800, v0;
	_ =	sdelay $0x1  }
0x13: {  	v0 =	vadd.s32 v1, v0  }
0x14: {  	[tilespmem:s25+$0x9400] =	vst v0  }
0x15: {  	[hbm4b:s12+s2] =	stream.linear.scatter [tilespmem:s23], [sflag:$0x2], $0x2800, $0x38;
	[tilespmem:$0xBC00] =	vst v63  }
0x16: {  	_ =	swait.ge [sflag:s14], $0x2800  }
0x17: {  	[sflag:s14] =	ssyncset.done $0x0  }
0x18: {  	[sflag:s14] =	ssyncadd.s32 $0xFFFFD800  }
.LBB2_5:
0x19: {  	s24 =	sadd.s32 $0x1, s24  }
0x1a: {  	p1 =	sne.s32 s24, s13  }
.Ltmp1:
0x1b: {  	_ = 	snop;
	(pc) =	sbr.rel @!p1 .LBB2_6-.Ltmp1, $1  }
0x1c: {  	_ =	sdelay $0x3  }
.LBB2_1:
0x1d: {  	[tilespmem:s2], [sflag:$0x2] =	stream.linear.gather [hbm4b:s3+s2], $0x280, $0x38;
	[tilespmem:$0xBC00] =	vst v63  }
0x1e: {  	_ =	swait.ge [sflag:s14], $0x280  }
0x1f: {  	[sflag:s14] =	ssyncset.done $0x0  }
0x20: {  	[sflag:s14] =	ssyncadd.s32 $0xFFFFFD80  }
0x21: {  	[tilespmem:s16], [sflag:$0x1] =	stream.indirect.gather [hbm4b:s4+s15], $0x80, s2, s15, $0xb8;
	[tilespmem:$0xBC00] =	vst v63  }
0x22: {  	_ =	swait.ge [sflag:s17], $0x4000  }
0x23: {  	[sflag:s17] =	ssyncset.done $0x0  }
0x24: {  	[sflag:s17] =	ssyncadd.s32 $0xFFFFC000  }
0x25: {  	[hbm4b:s5+s2] =	stream.linear.scatter [tilespmem:s16], [sflag:$0x2], $0x4000, $0x38;
	[tilespmem:$0xBC00] =	vst v63  }
0x26: {  	_ =	swait.ge [sflag:s14], $0x4000  }
0x27: {  	[sflag:s14] =	ssyncset.done $0x0  }
0x28: {  	[sflag:s14] =	ssyncadd.s32 $0xFFFFC000  }
0x29: {  	[tilespmem:s16], [sflag:$0x1] =	stream.indirect.gather [hbm4b:s4+s15], $0x80, s15, s15, $0xb8;
	[tilespmem:$0xBC00] =	vst v63  }
0x2a: {  	_ =	swait.ge [sflag:s17], $0x4000  }
0x2b: {  	[sflag:s17] =	ssyncset.done $0x0  }
0x2c: {  	[sflag:s17] =	ssyncadd.s32 $0xFFFFC000  }
0x2d: {  	[hbm4b:s6+s2] =	stream.linear.scatter [tilespmem:s16], [sflag:$0x2], $0x4000, $0x38;
	[tilespmem:$0xBC00] =	vst v63  }
0x2e: {  	_ =	swait.ge [sflag:s14], $0x4000  }
0x2f: {  	[sflag:s14] =	ssyncset.done $0x0  }
0x30: {  	[sflag:s14] =	ssyncadd.s32 $0xFFFFC000  }
0x31: {  	[tilespmem:s16], [sflag:$0x1] =	stream.indirect.gather [hbm4b:s4+s15], $0x80, s18, s15, $0xb8;
	[tilespmem:$0xBC00] =	vst v63  }
0x32: {  	_ =	swait.ge [sflag:s17], $0x4000  }
0x33: {  	[sflag:s17] =	ssyncset.done $0x0  }
0x34: {  	[sflag:s17] =	ssyncadd.s32 $0xFFFFC000  }
0x35: {  	[hbm4b:s7+s2] =	stream.linear.scatter [tilespmem:s16], [sflag:$0x2], $0x4000, $0x38;
	[tilespmem:$0xBC00] =	vst v63  }
0x36: {  	_ =	swait.ge [sflag:s14], $0x4000  }
0x37: {  	[sflag:s14] =	ssyncset.done $0x0  }
0x38: {  	[sflag:s14] =	ssyncadd.s32 $0xFFFFC000  }
0x39: {  	[tilespmem:s16], [sflag:$0x1] =	stream.indirect.gather [hbm4b:s4+s15], $0x80, s19, s15, $0xb8;
	[tilespmem:$0xBC00] =	vst v63  }
0x3a: {  	_ =	swait.ge [sflag:s17], $0x4000  }
0x3b: {  	[sflag:s17] =	ssyncset.done $0x0  }
0x3c: {  	[sflag:s17] =	ssyncadd.s32 $0xFFFFC000  }
0x3d: {  	[hbm4b:s8+s2] =	stream.linear.scatter [tilespmem:s16], [sflag:$0x2], $0x4000, $0x38;
	[tilespmem:$0xBC00] =	vst v63  }
0x3e: {  	_ =	swait.ge [sflag:s14], $0x4000  }
0x3f: {  	[sflag:s14] =	ssyncset.done $0x0  }
0x40: {  	[sflag:s14] =	ssyncadd.s32 $0xFFFFC000  }
0x41: {  	[tilespmem:s16], [sflag:$0x1] =	stream.indirect.gather [hbm4b:s4+s15], $0x80, s20, s15, $0xb8;
	[tilespmem:$0xBC00] =	vst v63  }
0x42: {  	_ =	swait.ge [sflag:s17], $0x4000  }
0x43: {  	[sflag:s17] =	ssyncset.done $0x0  }
.Ltmp2:
0x44: {  	[sflag:s17] =	ssyncadd.s32 $0xFFFFC000;
	(pc) =	sbr.rel @p0 .LBB2_5-.Ltmp2, $4  }
0x45: {  	[hbm4b:s9+s2] =	stream.linear.scatter [tilespmem:s16], [sflag:$0x2], $0x4000, $0x38;
	[tilespmem:$0xBC00] =	vst v63  }
0x46: {  	_ =	swait.ge [sflag:s14], $0x4000  }
0x47: {  	[sflag:s14] =	ssyncset.done $0x0  }
0x48: {  	[sflag:s14] =	ssyncadd.s32 $0xFFFFC000  }
0x49: {  	s25 =	simm.s32 $0x0  }
0x4a: {  	[tilespmem:s21], [sflag:$0x2] =	stream.linear.gather [hbm4b:s10+s25], $0x2800, $0x38;
	[tilespmem:$0xBC00] =	vst v63  }
0x4b: {  	_ =	swait.ge [sflag:s14], $0x2800  }
0x4c: {  	[sflag:s14] =	ssyncset.done $0x0  }
0x4d: {  	[sflag:s14] =	ssyncadd.s32 $0xFFFFD800  }
0x4e: {  	[tilespmem:s22], [sflag:$0x2] =	stream.linear.gather [hbm4b:s11+s25], $0x2800, $0x38;
	[tilespmem:$0xBC00] =	vst v63  }
0x4f: {  	_ =	swait.ge [sflag:s14], $0x2800  }
0x50: {  	[sflag:s14] =	ssyncset.done $0x0  }
0x51: {  	s25 =	simm.s32 $0x0;
	[sflag:s14] =	ssyncadd.s32 $0xFFFFD800  }
0x52: {  	v0 =	vld [tilespmem:s25+$0x6C00];
	_ =	sdelay $0x1  }
0x53: {  	s26 =	simm.s32 $0x40;
	v1 =	vld [tilespmem:s25+$0x4400]  }
.LBB2_3:
0x54: {  	p1 =	sne.s32 s26, $0x9FC0  }
.Ltmp3:
0x55: {  	_ = 	snop;
	(pc) =	sbr.rel @p1 .LBB2_3-.Ltmp3, $4  }
0x56: {  	v2 =	vmul.u32 $0x2800, v0  }
0x57: {  	s28 =	sshra.s32 s26, $0x2  }
0x58: {  	v0 =	vld [tilespmem:s28+$0x6C00];
	v2 =	vadd.s32 v1, v2  }
0x59: {  	s26 =	sadd.s32 $0x40, s26;
	v1 =	vld [tilespmem:s28+$0x4400];
	[tilespmem:s25+$0x9400] =	vst v2;
	s25 =	smov.u32 s28  }
.Ltmp4:
0x5a: {  	_ = 	snop;
	(pc) =	sbr.rel .LBB2_4-.Ltmp4, $1  }
0x5b: {  	_ =	sdelay $0x3  }
.LBB2_6:
0x5c: {  	_ =	sfence.sel $0x180000  }
0x5d: {  	[bflag:$0x0] =	sbarrier.arrive $0xFFFF  }
0x5e: {  	p0 =	sne.s32 s1, $0x0;
	_ =	strace $0x90000047  }
0x5f: {  	s0 =	sadd.s32 @!p0 $0x100000, s0;
	[bflag:$0x2] =	sbarrier.arrive $0xFFFF  }
0x60: {  	[sflag:s0] =	ssyncadd.tile.s32 @!p0 $0x1;
	_ =	shalt  }
.Lfunc_end2:
_tile_overlayer_lowered:
.L_overlay_start_2:
0x61: {  	(tag) =	ssettag $0x2  }
0x62: {  	s0 =	rddreg [dreg:$0x0];
	s2 =	stileid.u32  }
0x63: {  	s1 =	rddreg [dreg:$0x1];
	p0 =	sne.s32 s2, $0x0  }
0x64: {  	s3 =	rddreg [dreg:$0x2];
	[bflag:$0x3] =	sbarrier.arrive $0xFFFF;
	s2 =	simm.s32 @!p0 $0x1C02  }
0x65: {  	[timem:s3], [sflag:s2] =	dma.local @!p0 [hbm:s0], s1  }
0x66: {  	s0 =	simm.s32 @!p0 $0x2  }
0x67: {  	_ =	swait.ge @!p0 [sflag:s0], s1  }
0x68: {  	s1 =	ssub.s32 @!p0 $0x0, s1;
	[sflag:s0] =	ssyncset.done @!p0 $0x0  }
0x69: {  	[sflag:s0] =	ssyncadd.s32 @!p0 s1  }
0x6a: {  	[bflag:$0x3] =	sbarrier.arrive $0xFFFF  }
0x6b: {  	_ =	shalt  }

// kernel: kernel.17.cloned.1.call-start
scs
__scs_entry_jumppad:
0x0: {  	(pc) =	sbr.rel $0x88, $3  }
0x1: {  	(tag) =	ssettag $0x0;
	lr =	simm.s32 $0x1  }
0x2: {  	[smem:$0x3F97] =	sst lr;
	_ =	strace $0xD0000000  }
0x3: {  	_ = 	snop  }
0x4: {  	_ = 	snop  }
0x5: {  	_ = 	snop  }
0x6: {  	_ = 	snop  }
0x7: {  	_ = 	snop  }
__scs_overlays_trampoline_lowered:
0x8: {  	[smem:$0x3FA6] =	sst s0  }
0x9: {  	[smem:$0x3FA7] =	sst s1  }
0xa: {  	[smem:$0x3FA8] =	sst s2  }
0xb: {  	[smem:$0x3FA9] =	sst s3  }
0xc: {  	[smem:$0x3FAA] =	sst s4  }
0xd: {  	[smem:$0x3FAB] =	sst s5  }
0xe: {  	[smem:$0x3FAC] =	sst s6  }
0xf: {  	[smem:$0x3FAD] =	sst s7  }
0x10: {  	[smem:$0x3FAE] =	sst s8  }
0x11: {  	[smem:$0x3FAF] =	sst s9;
	s0 =	simm.s32 @!p0 $0x0  }
0x12: {  	s1 =	sld [smem:$0x3F95];
	s0 =	simm.s32 @p0 $0x1  }
0x13: {  	[smem:$0x3FB0] =	sst s0;
	s0 =	simm.s32 @!p1 $0x0  }
0x14: {  	s2 =	sld [smem:$0x3F94];
	s0 =	simm.s32 @p1 $0x1  }
0x15: {  	[smem:$0x3FB1] =	sst s0;
	s0 =	simm.s32 @!p2 $0x0  }
0x16: {  	s3 =	sld [smem:$0x3FDB];
	s0 =	simm.s32 @p2 $0x1  }
0x17: {  	s4 =	simm.s32 $0x1BF5;
	[smem:$0x3FB3] =	sst s0  }
0x18: {  	s0 =	sld [smem:$0x3F96];
	_ =	swait.ge [sflag:s4], $0x0  }
0x19: {  	s7 =	sld [smem:$0x3F97]  }
0x1a: {  	s8 =	sadd.s32 $0xFFFFE003, lr  }
0x1b: {  	s9 =	sadd.s32 $0xFFFFFEF7, lr;
	s5 =	simm.s32 $0xFFFFFFFF;
	p2 =	slt.u32 s8, $0xFFFFF086  }
0x1c: {  	p1 =	slt.u32 s9, $0xF7A;
	s5 =	simm.s32 @!p2 $0x0  }
0x1d: {  	s5 =	simm.s32 @p1 $0x1;
	p0 =	seq.s32 s7, s2  }
0x1e: {  	s7 =	smul.u32 @!p0 $0xF7A, s2;
	p2 =	seq.s32 @!p0 s5, $0x0  }
0x1f: {  	s9 =	smul.u32 $0xF7A, s1;
	s8 =	simm.s32 @!p0 $0x1BF5;
	p2 =	por !p2, p0  }
0x20: {  	[sflag:s8] =	ssyncset.s32 @!p0 $0xFFFFF086;
	s6 =	sadd.s32 @!p0 s3, s7;
	s7 =	simm.s32 @!p0 $0x108  }
0x21: {  	s3 =	sadd.s32 s3, s9;
	s6 =	sadd.s32 @!p0 $0x88, s6;
	s7 =	simm.s32 @p2 $0x1082  }
0x22: {  	[simem:s7], [sflag:s8] =	dma.local @!p0 [hbm:s6], $0xF7A  }
0x23: {  	s9 =	sor.u32 $0xD0000000, s2;
	s6 =	simm.s32 $0x108;
	_ =	swait.ge @!p0 [sflag:s8], $0x0  }
0x24: {  	s3 =	sadd.s32 $0x88, s3;
	s6 =	simm.s32 @!p1 $0x1082;
	[sflag:s4] =	ssyncset.s32 $0xFFFFF086  }
0x25: {  	[simem:s6], [sflag:s4] =	dma.local [hbm:s3], $0xF7A  }
0x26: {  	[smem:$0x3F97] =	sst s1;
	(tag) =	ssettag s2;
	_ =	strace s9  }
0x27: {  	s1 =	sld [smem:$0x3FA7]  }
0x28: {  	s2 =	sld [smem:$0x3FA8]  }
0x29: {  	s4 =	sld [smem:$0x3FAA]  }
0x2a: {  	p0 =	seq.s32 s5, $0x0;
	s5 =	sld [smem:$0x3FAB]  }
0x2b: {  	s6 =	sld [smem:$0x3FAC]  }
0x2c: {  	s7 =	sld [smem:$0x3FAD]  }
0x2d: {  	s3 =	simm.s32 $0x108;
	s8 =	sld [smem:$0x3FAE]  }
0x2e: {  	s3 =	simm.s32 @!p0 $0x1082;
	s9 =	sld [smem:$0x3FAF]  }
0x2f: {  	lr =	sadd.s32 s0, s3;
	s0 =	sld [smem:$0x3FA6]  }
0x30: {  	s3 =	sld [smem:$0x3FA9]  }
0x31: {  	[smem:$0x3FB2] =	sst s10  }
0x32: {  	s10 =	sld [smem:$0x3FB0];
	_ =	sdelay $0x3  }
0x33: {  	p0 =	seq.s32 s10, $0x1;
	s10 =	sld [smem:$0x3FB2];
	_ =	sdelay $0x3  }
0x34: {  	[smem:$0x3FB2] =	sst s10  }
0x35: {  	s10 =	sld [smem:$0x3FB1];
	_ =	sdelay $0x3  }
0x36: {  	p1 =	seq.s32 s10, $0x1;
	s10 =	sld [smem:$0x3FB2];
	_ =	sdelay $0x3  }
0x37: {  	[smem:$0x3FB2] =	sst s10  }
0x38: {  	s10 =	sld [smem:$0x3FB3]  }
0x39: {  	_ = 	snop;
	(pc) =	sbr.ind lr, $3  }
0x3a: {  	_ = 	snop  }
0x3b: {  	_ = 	snop  }
0x3c: {  	p2 =	seq.s32 s10, $0x1;
	s10 =	sld [smem:$0x3FB2]  }
0x3d: {  	_ =	shalt  }
0x3e: {  	_ =	shalt  }
0x3f: {  	_ =	shalt  }
0x40: {  	_ =	shalt  }
0x41: {  	_ =	shalt  }
0x42: {  	_ =	shalt  }
0x43: {  	_ =	shalt  }
0x44: {  	_ =	shalt  }
0x45: {  	_ =	shalt  }
0x46: {  	_ =	shalt  }
0x47: {  	_ =	shalt  }
0x48: {  	_ =	shalt  }
0x49: {  	_ =	shalt  }
0x4a: {  	_ =	shalt  }
0x4b: {  	_ =	shalt  }
0x4c: {  	_ =	shalt  }
0x4d: {  	_ =	shalt  }
0x4e: {  	_ =	shalt  }
0x4f: {  	_ =	shalt  }
0x50: {  	_ =	shalt  }
0x51: {  	_ =	shalt  }
0x52: {  	_ =	shalt  }
0x53: {  	_ =	shalt  }
0x54: {  	_ =	shalt  }
0x55: {  	_ =	shalt  }
0x56: {  	_ =	shalt  }
0x57: {  	_ =	shalt  }
0x58: {  	_ =	shalt  }
0x59: {  	_ =	shalt  }
0x5a: {  	_ =	shalt  }
0x5b: {  	_ =	shalt  }
0x5c: {  	_ =	shalt  }
0x5d: {  	_ =	shalt  }
0x5e: {  	_ =	shalt  }
0x5f: {  	_ =	shalt  }
0x60: {  	_ =	shalt  }
0x61: {  	_ =	shalt  }
0x62: {  	_ =	shalt  }
0x63: {  	_ =	shalt  }
0x64: {  	_ =	shalt  }
0x65: {  	_ =	shalt  }
0x66: {  	_ =	shalt  }
0x67: {  	_ =	shalt  }
0x68: {  	_ =	shalt  }
0x69: {  	_ =	shalt  }
0x6a: {  	_ =	shalt  }
0x6b: {  	_ =	shalt  }
0x6c: {  	_ =	shalt  }
0x6d: {  	_ =	shalt  }
0x6e: {  	_ =	shalt  }
0x6f: {  	_ =	shalt  }
0x70: {  	_ =	shalt  }
0x71: {  	_ =	shalt  }
0x72: {  	_ =	shalt  }
0x73: {  	_ =	shalt  }
0x74: {  	_ =	shalt  }
0x75: {  	_ =	shalt  }
0x76: {  	_ =	shalt  }
0x77: {  	_ =	shalt  }
0x78: {  	_ =	shalt  }
0x79: {  	_ =	shalt  }
0x7a: {  	_ =	shalt  }
0x7b: {  	_ =	shalt  }
0x7c: {  	_ =	shalt  }
0x7d: {  	_ =	shalt  }
0x7e: {  	_ =	shalt  }
0x7f: {  	_ =	shalt  }
0x80: {  	_ =	shalt  }
0x81: {  	_ =	shalt  }
0x82: {  	_ =	shalt  }
0x83: {  	_ =	shalt  }
0x84: {  	_ =	shalt  }
0x85: {  	_ =	shalt  }
0x86: {  	_ =	shalt  }
0x87: {  	_ =	shalt  }
.Lfunc_end0:
.L_simem_size_0:
called_computation.1_lowered:
.L_overlay_start_0:
0x88: {  	s2 =	sld [smem:$0x3FD9]  }
0x89: {  	s3 =	sld [smem:$0x3FFE];
	_ =	sdelay $0x1  }
0x8a: {  	s1 =	srdreg.scid  }
0x8b: {  	s0 =	sand.u32 $0x1, s1  }
0x8c: {  	s16 =	sshll.u32 s0, $0xA;
	s2 =	sadd.s32 s3, s2  }
0x8d: {  	s2 =	sadd.s32 s2, s16  }
0x8e: {  	[smem:$0x3FBE] =	sst s2  }
0x8f: {  	_ = 	snop  }
0x90: {  	(tm) =	ssettm $0x1  }
0x91: {  	s17 =	sld [smem:$0x3FFB];
	_ =	sdelay $0x3  }
0x92: {  	_ =	strace s17  }
0x93: {  	s2 =	sld [smem:$0x3FFC];
	_ =	sdelay $0x3  }
0x94: {  	_ =	strace s2  }
0x95: {  	s2 =	sld [smem:$0x3FFD];
	_ =	sdelay $0x3  }
0x96: {  	_ =	strace s2  }
0x97: {  	_ =	strace $0x8FFFFFFF  }
0x98: {  	s18 =	sld [smem:$0x3FDB];
	_ =	sdelay $0x1  }
0x99: {  	s19 =	simm.s32 $_scs_section_size  }
0x9a: {  	s4 =	simm.s32 $_size__tile_overlayer_lowered;
	s5 =	simm.s32 $_tile_overlayer_lowered  }
0x9b: {  	s22 =	simm.s32 $0x1BFF;
	s21 =	sshll.u32 s5, $0x1;
	s2 =	sadd.s32 s19, s18  }
0x9c: {  	s6 =	simm.s32 $0x0;
	s20 =	sshll.u32 s4, $0x1;
	s4 =	sadd.s32 s21, s2  }
0x9d: {  	[timem:s6], [sflag:s22] =	dma.local [hbm:s4], s20  }
0x9e: {  	_ =	swait.ge [sflag:s22], s20  }
0x9f: {  	s3 =	ssub.s32 $0x0, s20;
	[sflag:s22] =	ssyncset.done $0x0  }
0xa0: {  	[sflag:s22] =	ssyncadd.s32 s3;
	_ =	sdelay $0x1  }
0xa1: {  	s23 =	simm.s32 $0x1B8B  }
0xa2: {  	_ =	swait.ge [sflag:s23], $0x1  }
0xa3: {  	[sflag:s23] =	ssyncset.done $0x0  }
0xa4: {  	s25 =	simm.s32 $0x1B8E;
	s24 =	sld [smem:$0x3FFE];
	[sflag:s23] =	ssyncadd.s32 $0xFFFFFFFF  }
0xa5: {  	s26 =	simm.s32 $execute0_lowered;
	[smem:$0x3FD2] =	sst s25  }
0xa6: {  	s4 =	sshll.u32 s26, $0x1;
	_ =	strace $0x80000049;
	[dreg:$0x1] =	wrdreg $0xFFFFFFFF  }
0xa7: {  	s28 =	simm.s32 $_size_execute0_lowered;
	s2 =	sadd.s32 s2, s4;
	[dreg:$0x0] =	wrdreg $0x0  }
0xa8: {  	s4 =	sshll.u32 s28, $0x1;
	[dreg:$0x2] =	wrdreg s2  }
0xa9: {  	[dreg:$0x3] =	wrdreg s4  }
0xaa: {  	[dreg:$0x4] =	wrdreg $0xC0  }
0xab: {  	_ =	task [dreg:s6], $0x5FFFF  }
0xac: {  	[dreg:$0x1] =	wrdreg $0xFFFFFFFF  }
0xad: {  	[dreg:$0x0] =	wrdreg $0x60  }
0xae: {  	[dreg:$0x2] =	wrdreg s24  }
0xaf: {  	[dreg:$0x3] =	wrdreg $0x0  }
0xb0: {  	[dreg:$0x4] =	wrdreg $0x9  }
0xb1: {  	_ =	task.clear_ibuf [dreg:s6], $0x5FFFF;
	_ =	strace $0x90000049  }
0xb2: {  	s29 =	simm.s32 $0x9;
	_ =	strace $0x8000004B  }
0xb3: {  	_ =	swait.ge [sflag:s29], $0x1  }
0xb4: {  	[sflag:s29] =	ssyncadd.s32 $0xFFFFFFFF  }
0xb5: {  	_ =	strace $0x9000004B  }
0xb6: {  	_ =	sfence  }
0xb7: {  	s30 =	sld [smem:$0x0];
	_ =	sdelay $0x2  }
0xb8: {  	s31 =	sshll.u32 s1, $0xD;
	s1 =	sshrl.u32 s1, $0x2  }
0xb9: {  	s3 =	sand.u32 $0x4000, s31;
	s1 =	sadd.s32 s1, s30  }
0xba: {  	s0 =	sor.u32 s3, s0;
	s1 =	sshll.u32 s1, $0x11  }
0xbb: {  	s0 =	sor.u32 s1, s0  }
0xbc: {  	s0 =	sadd.s32 $0x8F2B, s0  }
0xbd: {  	[sflag:s0] =	ssyncadd.remote.s32 $0x1  }
0xbe: {  	_ =	sfence.sel $0xFFFF  }
0xbf: {  	[dreg:$0x0] =	wrdreg $0xFFFFFFFF;
	(pc) =	sbr.abs _section_cstart, $3  }
0xc0: {  	[dreg:$0x1] =	wrdreg $0xFFFFFFFF  }
0xc1: {  	_ =	task.clear_ibuf [dreg:s6], $0x2FFFF;
	_ =	strace $0x9FFFFFFF  }
0xc2: {  	(tm) =	ssettm $0x7FFFFFFF  }
0xc3: {  	_ =	shalt  }
tec
execute0_lowered:
.L_overlay_start_1:
0x0: {  	(tag) =	ssettag $0x1  }
0x1: {  	s0 =	srdreg.scid;
	s1 =	rddreg [dreg:$0x0]  }
0x2: {  	s2 =	rddreg [dreg:$0x1];
	s7 =	stileid.u32  }
0x3: {  	s3 =	simm.s32 $0x0;
	s14 =	simm.s32 $0x5;
	s15 =	simm.s32 $0x14000  }
0x4: {  	s16 =	simm.s32 $0x15400;
	s17 =	simm.s32 $0x80;
	s18 =	simm.s32 $0x16800  }
0x5: {  	s19 =	simm.s32 $0x14080;
	s20 =	simm.s32 $0x1A800;
	s6 =	smul.u32 $0x14000, s7  }
0x6: {  	s21 =	simm.s32 $0x3;
	s22 =	simm.s32 $0x2;
	s24 =	smul.u32 $0x50000, s7  }
0x7: {  	s0 =	sand.u32 $0x1, s0;
	[smem:$0x7FF] =	sst s3;
	s26 =	smul.u32 $0x2800, s7  }
0x8: {  	s9 =	sadd.s32 $0x5EC00, s1;
	s10 =	sadd.s32 $0x63C00, s1;
	s4 =	smul.u32 $0xA0000, s0  }
0x9: {  	s28 =	sshll.u32 s7, $0x6;
	s5 =	smul.u32 $0x140000, s0;
	s0 =	ssub.s32 $0x2, s0  }
0xa: {  	_ =	strace $0x8000004A;
	s25 =	sshrl.u32 s0, $0x1;
	s11 =	sshrl.u32 s26, $0x3  }
0xb: {  	s8 =	sadd.s32 s4, s1;
	s23 =	sadd.s32 s6, s5;
	s5 =	sshrl.u32 s24, $0x2  }
0xc: {  	s0 =	ssub.s32 s0, s25;
	s30 =	sadd.s32 s9, s11;
	s31 =	sadd.s32 s10, s11  }
0xd: {  	s11 =	sadd.s32 $0x280, s11;
	s24 =	simm.s32 $0x4;
	s25 =	simm.s32 $0x0  }
0xe: {  	s4 =	sshrl.u32 s23, $0x3;
	s13 =	sadd.s32 s5, s2;
	[dreg:$0x4] =	wrdreg s30  }
0xf: {  	s5 =	sor.u32 $0x1C05, s28;
	[dreg:$0x5] =	wrdreg s31;
	s8 =	sadd.s32 $0x68C00, s8  }
0x10: {  	s9 =	sadd.s32 s9, s11;
	s10 =	sadd.s32 s10, s11;
	s1 =	sadd.s32 s4, s1  }
0x11: {  	s12 =	smax.u32 s0, $0x1;
	s23 =	simm.s32 $0x16780;
	s29 =	sadd.s32 $0xEC00, s1  }
0x12: {  	s13 =	sshrl.u32 s13, $0x3;
	s11 =	sadd.s32 $0x1A8C00, s1;
	[dreg:$0x3] =	wrdreg s29  }
.LBB2_1:
0x13: {  	s0 =	rddreg [dreg:$0x3]  }
0x14: {  	[spmem:s13], [sflag:s5] =	dma.local [hbm:s0], $0x2800  }
0x15: {  	_ =	swait.ge [sflag:s14], $0x2800  }
0x16: {  	[sflag:s14] =	ssyncset.done $0x0  }
0x17: {  	[sflag:s14] =	ssyncadd.s32 $0xFFFFD800  }
0x18: {  	[bflag:$0x0] =	sbarrier.arrive $0xFFFF  }
0x19: {  	s1 =	rddreg [dreg:$0x4]  }
0x1a: {  	[tilespmem:s15], [sflag:$0x5] =	stream.linear.gather [hbm4b:s1+s3], $0x1400, $0x38;
	[tilespmem:$0x1E800] =	vst v63  }
0x1b: {  	_ =	swait.ge [sflag:s14], $0x1400  }
0x1c: {  	[sflag:s14] =	ssyncset.done $0x0  }
0x1d: {  	s4 =	rddreg [dreg:$0x5];
	[sflag:s14] =	ssyncadd.s32 $0xFFFFEC00  }
0x1e: {  	[tilespmem:s16], [sflag:$0x5] =	stream.linear.gather [hbm4b:s4+s3], $0x1400, $0x38;
	[tilespmem:$0x1E800] =	vst v63  }
0x1f: {  	_ =	swait.ge [sflag:s14], $0x1400  }
0x20: {  	[sflag:s14] =	ssyncset.done $0x0  }
0x21: {  	[sflag:s14] =	ssyncadd.s32 $0xFFFFEC00  }
0x22: {  	[tilespmem:s18], [sflag:$0x1] =	stream.indirect.gather [hbm4b:s8+s17], $0x80, s15, s17, $0xb8;
	[tilespmem:$0x1E800] =	vst v63  }
0x23: {  	s6 =	simm.s32 $0x1  }
0x24: {  	[tilespmem:s20], [sflag:$0x2] =	stream.indirect.gather [hbm4b:s8+s17], $0x80, s19, s17, $0xb8;
	[tilespmem:$0x1E800] =	vst v63  }
0x25: {  	s0 =	sand.u32 $0x1, s6;
	_ =	swait.ge [sflag:s6], $0x4000  }
0x26: {  	p0 =	seq.s32 s0, $0x1;
	[sflag:s6] =	ssyncset.done $0x0  }
0x27: {  	s0 =	simm.s32 @p0 $0x3;
	[sflag:s6] =	ssyncadd.s32 $0xFFFFC000  }
0x28: {  	[spmem:s2] =	stream.indirect.scatter.add.f32 [tilespmem:s18], [sflag:$0x3], $0x80, s16, s17, $0xb8;
	[tilespmem:$0x1E800] =	vst v63  }
0x29: {  	s26 =	simm.s32 @p0 $0x2;
	_ =	swait.ge @p0 [sflag:s0], $0x4000  }
0x2a: {  	s1 =	simm.s32 $0x14100;
	[sflag:s0] =	ssyncset.done @p0 $0x0;
	p0 =	por p0, p0  }
0x2b: {  	[sflag:s0] =	ssyncadd.s32 @p0 $0xFFFFC000;
	s0 =	simm.s32 @p0 $0x80;
	s28 =	simm.s32 @p0 $0x16800  }
0x2c: {  	[tilespmem:s28], [sflag:$0x1] =	stream.indirect.gather @p0 [hbm4b:s8+s0], $0x80, s1, s0, $0xb8;
	[tilespmem:$0x1E800] =	vst v63  }
0x2d: {  	_ =	swait.ge @p0 [sflag:s26], $0x4000  }
0x2e: {  	s29 =	simm.s32 $0x15480;
	[sflag:s26] =	ssyncset.done @p0 $0x0  }
0x2f: {  	s28 =	simm.s32 @!p0 $0x4;
	[sflag:s26] =	ssyncadd.s32 @p0 $0xFFFFC000;
	s26 =	simm.s32 @p0 $0x1A800  }
0x30: {  	[spmem:s2] =	stream.indirect.scatter.add.f32 @p0 [tilespmem:s26], [sflag:$0x4], $0x80, s29, s0, $0xb8;
	[tilespmem:$0x1E800] =	vst v63  }
0x31: {  	s30 =	simm.s32 $0x3;
	s4 =	simm.s32 $0x2;
	_ =	swait.ge @!p0 [sflag:s28], $0x4000  }
0x32: {  	s7 =	sand.u32 $0x1, s4;
	s31 =	simm.s32 @!p0 $0x80;
	[sflag:s28] =	ssyncset.done @!p0 $0x0  }
0x33: {  	s0 =	simm.s32 @!p0 $0x1;
	[sflag:s28] =	ssyncadd.s32 @!p0 $0xFFFFC000;
	s28 =	simm.s32 @!p0 $0x1A800  }
0x34: {  	[tilespmem:s28], [sflag:$0x2] =	stream.indirect.gather @!p0 [hbm4b:s8+s31], $0x80, s1, s31, $0xb8;
	[tilespmem:$0x1E800] =	vst v63  }
0x35: {  	p2 =	seq.s32 s7, $0x1;
	s26 =	simm.s32 $0x14180;
	_ =	swait.ge @!p0 [sflag:s0], $0x4000  }
0x36: {  	s28 =	simm.s32 $0x15500;
	s1 =	simm.s32 @!p0 $0x16800;
	[sflag:s0] =	ssyncset.done @!p0 $0x0  }
.LBB2_2:
0x37: {  	s4 =	simm.s32 @p2 $0x3;
	[sflag:s0] =	ssyncadd.s32 @!p0 $0xFFFFC000  }
0x38: {  	s6 =	smov.u32 s30;
	s30 =	sadd.s32 $0x1, s30;
	s7 =	smov.u32 s26  }
0x39: {  	[spmem:s2] =	stream.indirect.scatter.add.f32 @!p0 [tilespmem:s1], [sflag:$0x3], $0x80, s29, s31, $0xb8;
	[tilespmem:$0x1E800] =	vst v63  }
0x3a: {  	p1 =	sne.s32 s30, $0x27;
	s29 =	smov.u32 s28;
	_ =	swait.ge @p2 [sflag:s4], $0x4000  }
0x3b: {  	s0 =	simm.s32 @p2 $0x2;
	p0 =	por p2, p2;
	[sflag:s4] =	ssyncset.done @p2 $0x0  }
0x3c: {  	s1 =	simm.s32 @p0 $0x80;
	[sflag:s4] =	ssyncadd.s32 @p0 $0xFFFFC000;
	s4 =	simm.s32 @p0 $0x16800  }
0x3d: {  	[tilespmem:s4], [sflag:$0x1] =	stream.indirect.gather @p0 [hbm4b:s8+s1], $0x80, s26, s1, $0xb8;
	[tilespmem:$0x1E800] =	vst v63  }
0x3e: {  	_ =	swait.ge @p0 [sflag:s0], $0x4000  }
0x3f: {  	[sflag:s0] =	ssyncset.done @p0 $0x0  }
0x40: {  	s4 =	simm.s32 @!p0 $0x4;
	[sflag:s0] =	ssyncadd.s32 @p0 $0xFFFFC000;
	s0 =	simm.s32 @p0 $0x1A800  }
0x41: {  	[spmem:s2] =	stream.indirect.scatter.add.f32 @p0 [tilespmem:s0], [sflag:$0x4], $0x80, s28, s1, $0xb8;
	[tilespmem:$0x1E800] =	vst v63  }
0x42: {  	s26 =	sadd.s32 $0x80, s26;
	_ =	swait.ge @!p0 [sflag:s4], $0x4000  }
.Ltmp0:
0x43: {  	s0 =	simm.s32 @!p0 $0x1;
	[sflag:s4] =	ssyncset.done @!p0 $0x0;
	(pc) =	sbr.rel @p1 .LBB2_2-.Ltmp0, $4  }
0x44: {  	s31 =	simm.s32 @!p0 $0x80;
	s1 =	simm.s32 @!p0 $0x1A800;
	[sflag:s4] =	ssyncadd.s32 @!p0 $0xFFFFC000  }
0x45: {  	[tilespmem:s1], [sflag:$0x2] =	stream.indirect.gather @!p0 [hbm4b:s8+s31], $0x80, s7, s31, $0xb8;
	[tilespmem:$0x1E800] =	vst v63  }
0x46: {  	s28 =	sadd.s32 $0x80, s28;
	s1 =	sand.u32 $0x1, s6;
	_ =	swait.ge @!p0 [sflag:s0], $0x4000  }
0x47: {  	p2 =	seq.s32 s1, $0x1;
	s1 =	simm.s32 @!p0 $0x16800;
	[sflag:s0] =	ssyncset.done @!p0 $0x0  }
0x48: {  	s4 =	simm.s32 @p2 $0x3;
	[sflag:s0] =	ssyncadd.s32 @!p0 $0xFFFFC000  }
0x49: {  	[spmem:s2] =	stream.indirect.scatter.add.f32 @!p0 [tilespmem:s1], [sflag:$0x3], $0x80, s29, s31, $0xb8;
	[tilespmem:$0x1E800] =	vst v63  }
0x4a: {  	_ =	swait.ge @p2 [sflag:s4], $0x4000  }
0x4b: {  	s0 =	simm.s32 @p2 $0x2;
	p0 =	por p2, p2;
	[sflag:s4] =	ssyncset.done @p2 $0x0  }
0x4c: {  	s1 =	simm.s32 @p0 $0x80;
	[sflag:s4] =	ssyncadd.s32 @p0 $0xFFFFC000;
	s4 =	simm.s32 @p0 $0x16800  }
0x4d: {  	[tilespmem:s4], [sflag:$0x1] =	stream.indirect.gather @p0 [hbm4b:s8+s1], $0x80, s26, s1, $0xb8;
	[tilespmem:$0x1E800] =	vst v63  }
0x4e: {  	_ =	swait.ge @p0 [sflag:s0], $0x4000  }
0x4f: {  	[sflag:s0] =	ssyncset.done @p0 $0x0  }
0x50: {  	s4 =	simm.s32 @!p0 $0x4;
	[sflag:s0] =	ssyncadd.s32 @p0 $0xFFFFC000;
	s0 =	simm.s32 @p0 $0x1A800  }
0x51: {  	[spmem:s2] =	stream.indirect.scatter.add.f32 @p0 [tilespmem:s0], [sflag:$0x4], $0x80, s28, s1, $0xb8;
	[tilespmem:$0x1E800] =	vst v63  }
0x52: {  	_ =	swait.ge @!p0 [sflag:s4], $0x4000  }
0x53: {  	s0 =	simm.s32 @!p0 $0x1;
	[sflag:s4] =	ssyncset.done @!p0 $0x0  }
0x54: {  	s1 =	simm.s32 @!p0 $0x80;
	[sflag:s4] =	ssyncadd.s32 @!p0 $0xFFFFC000;
	s4 =	simm.s32 @!p0 $0x1A800  }
0x55: {  	[tilespmem:s4], [sflag:$0x2] =	stream.indirect.gather @!p0 [hbm4b:s8+s1], $0x80, s26, s1, $0xb8;
	[tilespmem:$0x1E800] =	vst v63  }
0x56: {  	_ =	swait.ge @!p0 [sflag:s0], $0x4000  }
0x57: {  	[sflag:s0] =	ssyncset.done @!p0 $0x0  }
0x58: {  	s4 =	simm.s32 @!p0 $0x16800;
	[sflag:s0] =	ssyncadd.s32 @!p0 $0xFFFFC000  }
0x59: {  	[spmem:s2] =	stream.indirect.scatter.add.f32 @!p0 [tilespmem:s4], [sflag:$0x3], $0x80, s28, s1, $0xb8;
	[tilespmem:$0x1E800] =	vst v63  }
0x5a: {  	_ =	swait.ge [sflag:s21], $0x4000  }
0x5b: {  	[sflag:s21] =	ssyncset.done $0x0  }
0x5c: {  	[sflag:s21] =	ssyncadd.s32 $0xFFFFC000  }
0x5d: {  	_ =	swait.ge [sflag:s22], $0x4000  }
0x5e: {  	[sflag:s22] =	ssyncset.done $0x0  }
0x5f: {  	[sflag:s22] =	ssyncadd.s32 $0xFFFFC000  }
0x60: {  	[spmem:s2] =	stream.indirect.scatter.add.f32 [tilespmem:s20], [sflag:$0x4], $0x80, s23, s17, $0xb8;
	[tilespmem:$0x1E800] =	vst v63  }
0x61: {  	_ =	swait.ge [sflag:s24], $0x4000  }
0x62: {  	[sflag:s24] =	ssyncset.done $0x0  }
0x63: {  	[sflag:s24] =	ssyncadd.s32 $0xFFFFC000  }
0x64: {  	[tilespmem:s15], [sflag:$0x5] =	stream.linear.gather [hbm4b:s9+s3], $0x1400, $0x38;
	[tilespmem:$0x1E800] =	vst v63  }
0x65: {  	_ =	swait.ge [sflag:s14], $0x1400  }
0x66: {  	[sflag:s14] =	ssyncset.done $0x0  }
0x67: {  	[sflag:s14] =	ssyncadd.s32 $0xFFFFEC00  }
0x68: {  	[tilespmem:s16], [sflag:$0x5] =	stream.linear.gather [hbm4b:s10+s3], $0x1400, $0x38;
	[tilespmem:$0x1E800] =	vst v63  }
0x69: {  	_ =	swait.ge [sflag:s14], $0x1400  }
0x6a: {  	[sflag:s14] =	ssyncset.done $0x0  }
0x6b: {  	[sflag:s14] =	ssyncadd.s32 $0xFFFFEC00  }
0x6c: {  	[tilespmem:s18], [sflag:$0x1] =	stream.indirect.gather [hbm4b:s8+s17], $0x80, s15, s17, $0xb8;
	[tilespmem:$0x1E800] =	vst v63  }
0x6d: {  	s6 =	simm.s32 $0x1  }
0x6e: {  	[tilespmem:s20], [sflag:$0x2] =	stream.indirect.gather [hbm4b:s8+s17], $0x80, s19, s17, $0xb8;
	[tilespmem:$0x1E800] =	vst v63  }
0x6f: {  	s0 =	sand.u32 $0x1, s6;
	_ =	swait.ge [sflag:s6], $0x4000  }
0x70: {  	p0 =	seq.s32 s0, $0x1;
	[sflag:s6] =	ssyncset.done $0x0  }
0x71: {  	s0 =	simm.s32 @p0 $0x3;
	[sflag:s6] =	ssyncadd.s32 $0xFFFFC000  }
0x72: {  	[spmem:s2] =	stream.indirect.scatter.add.f32 [tilespmem:s18], [sflag:$0x3], $0x80, s16, s17, $0xb8;
	[tilespmem:$0x1E800] =	vst v63  }
0x73: {  	s1 =	simm.s32 $0x14100;
	_ =	swait.ge @p0 [sflag:s0], $0x4000  }
0x74: {  	s4 =	simm.s32 @p0 $0x2;
	[sflag:s0] =	ssyncset.done @p0 $0x0;
	p0 =	por p0, p0  }
0x75: {  	[sflag:s0] =	ssyncadd.s32 @p0 $0xFFFFC000;
	s0 =	simm.s32 @p0 $0x80;
	s6 =	simm.s32 @p0 $0x16800  }
0x76: {  	[tilespmem:s6], [sflag:$0x1] =	stream.indirect.gather @p0 [hbm4b:s8+s0], $0x80, s1, s0, $0xb8;
	[tilespmem:$0x1E800] =	vst v63  }
0x77: {  	_ =	swait.ge @p0 [sflag:s4], $0x4000  }
0x78: {  	s29 =	simm.s32 $0x15480;
	[sflag:s4] =	ssyncset.done @p0 $0x0  }
0x79: {  	s6 =	simm.s32 @!p0 $0x4;
	[sflag:s4] =	ssyncadd.s32 @p0 $0xFFFFC000;
	s4 =	simm.s32 @p0 $0x1A800  }
0x7a: {  	[spmem:s2] =	stream.indirect.scatter.add.f32 @p0 [tilespmem:s4], [sflag:$0x4], $0x80, s29, s0, $0xb8;
	[tilespmem:$0x1E800] =	vst v63  }
0x7b: {  	s7 =	simm.s32 $0x2;
	s30 =	simm.s32 $0x3;
	_ =	swait.ge @!p0 [sflag:s6], $0x4000  }
0x7c: {  	s7 =	sand.u32 $0x1, s7;
	s31 =	simm.s32 @!p0 $0x80;
	[sflag:s6] =	ssyncset.done @!p0 $0x0  }
0x7d: {  	s0 =	simm.s32 @!p0 $0x1;
	[sflag:s6] =	ssyncadd.s32 @!p0 $0xFFFFC000;
	s6 =	simm.s32 @!p0 $0x1A800  }
0x7e: {  	[tilespmem:s6], [sflag:$0x2] =	stream.indirect.gather @!p0 [hbm4b:s8+s31], $0x80, s1, s31, $0xb8;
	[tilespmem:$0x1E800] =	vst v63  }
0x7f: {  	p2 =	seq.s32 s7, $0x1;
	s26 =	simm.s32 $0x14180;
	_ =	swait.ge @!p0 [sflag:s0], $0x4000  }
0x80: {  	s28 =	simm.s32 $0x15500;
	s1 =	simm.s32 @!p0 $0x16800;
	[sflag:s0] =	ssyncset.done @!p0 $0x0  }
.LBB2_4:
0x81: {  	s4 =	simm.s32 @p2 $0x3;
	[sflag:s0] =	ssyncadd.s32 @!p0 $0xFFFFC000  }
0x82: {  	s6 =	smov.u32 s30;
	s30 =	sadd.s32 $0x1, s30;
	s7 =	smov.u32 s26  }
0x83: {  	[spmem:s2] =	stream.indirect.scatter.add.f32 @!p0 [tilespmem:s1], [sflag:$0x3], $0x80, s29, s31, $0xb8;
	[tilespmem:$0x1E800] =	vst v63  }
0x84: {  	p1 =	sne.s32 s30, $0x27;
	s29 =	smov.u32 s28;
	_ =	swait.ge @p2 [sflag:s4], $0x4000  }
0x85: {  	s0 =	simm.s32 @p2 $0x2;
	p0 =	por p2, p2;
	[sflag:s4] =	ssyncset.done @p2 $0x0  }
0x86: {  	s1 =	simm.s32 @p0 $0x80;
	[sflag:s4] =	ssyncadd.s32 @p0 $0xFFFFC000;
	s4 =	simm.s32 @p0 $0x16800  }
0x87: {  	[tilespmem:s4], [sflag:$0x1] =	stream.indirect.gather @p0 [hbm4b:s8+s1], $0x80, s26, s1, $0xb8;
	[tilespmem:$0x1E800] =	vst v63  }
0x88: {  	_ =	swait.ge @p0 [sflag:s0], $0x4000  }
0x89: {  	[sflag:s0] =	ssyncset.done @p0 $0x0  }
0x8a: {  	s4 =	simm.s32 @!p0 $0x4;
	[sflag:s0] =	ssyncadd.s32 @p0 $0xFFFFC000;
	s0 =	simm.s32 @p0 $0x1A800  }
0x8b: {  	[spmem:s2] =	stream.indirect.scatter.add.f32 @p0 [tilespmem:s0], [sflag:$0x4], $0x80, s28, s1, $0xb8;
	[tilespmem:$0x1E800] =	vst v63  }
0x8c: {  	s26 =	sadd.s32 $0x80, s26;
	_ =	swait.ge @!p0 [sflag:s4], $0x4000  }
.Ltmp1:
0x8d: {  	s0 =	simm.s32 @!p0 $0x1;
	[sflag:s4] =	ssyncset.done @!p0 $0x0;
	(pc) =	sbr.rel @p1 .LBB2_4-.Ltmp1, $4  }
0x8e: {  	s31 =	simm.s32 @!p0 $0x80;
	s1 =	simm.s32 @!p0 $0x1A800;
	[sflag:s4] =	ssyncadd.s32 @!p0 $0xFFFFC000  }
0x8f: {  	[tilespmem:s1], [sflag:$0x2] =	stream.indirect.gather @!p0 [hbm4b:s8+s31], $0x80, s7, s31, $0xb8;
	[tilespmem:$0x1E800] =	vst v63  }
0x90: {  	s28 =	sadd.s32 $0x80, s28;
	s1 =	sand.u32 $0x1, s6;
	_ =	swait.ge @!p0 [sflag:s0], $0x4000  }
0x91: {  	p2 =	seq.s32 s1, $0x1;
	s1 =	simm.s32 @!p0 $0x16800;
	[sflag:s0] =	ssyncset.done @!p0 $0x0  }
0x92: {  	s4 =	simm.s32 @p2 $0x3;
	[sflag:s0] =	ssyncadd.s32 @!p0 $0xFFFFC000  }
0x93: {  	[spmem:s2] =	stream.indirect.scatter.add.f32 @!p0 [tilespmem:s1], [sflag:$0x3], $0x80, s29, s31, $0xb8;
	[tilespmem:$0x1E800] =	vst v63  }
0x94: {  	_ =	swait.ge @p2 [sflag:s4], $0x4000  }
0x95: {  	s0 =	simm.s32 @p2 $0x2;
	p0 =	por p2, p2;
	[sflag:s4] =	ssyncset.done @p2 $0x0  }
0x96: {  	s1 =	simm.s32 @p0 $0x80;
	[sflag:s4] =	ssyncadd.s32 @p0 $0xFFFFC000;
	s4 =	simm.s32 @p0 $0x16800  }
0x97: {  	[tilespmem:s4], [sflag:$0x1] =	stream.indirect.gather @p0 [hbm4b:s8+s1], $0x80, s26, s1, $0xb8;
	[tilespmem:$0x1E800] =	vst v63  }
0x98: {  	_ =	swait.ge @p0 [sflag:s0], $0x4000  }
0x99: {  	[sflag:s0] =	ssyncset.done @p0 $0x0  }
0x9a: {  	s4 =	simm.s32 @!p0 $0x4;
	[sflag:s0] =	ssyncadd.s32 @p0 $0xFFFFC000;
	s0 =	simm.s32 @p0 $0x1A800  }
0x9b: {  	[spmem:s2] =	stream.indirect.scatter.add.f32 @p0 [tilespmem:s0], [sflag:$0x4], $0x80, s28, s1, $0xb8;
	[tilespmem:$0x1E800] =	vst v63  }
0x9c: {  	_ =	swait.ge @!p0 [sflag:s4], $0x4000  }
0x9d: {  	s0 =	simm.s32 @!p0 $0x1;
	[sflag:s4] =	ssyncset.done @!p0 $0x0  }
0x9e: {  	s1 =	simm.s32 @!p0 $0x80;
	[sflag:s4] =	ssyncadd.s32 @!p0 $0xFFFFC000;
	s4 =	simm.s32 @!p0 $0x1A800  }
0x9f: {  	[tilespmem:s4], [sflag:$0x2] =	stream.indirect.gather @!p0 [hbm4b:s8+s1], $0x80, s26, s1, $0xb8;
	[tilespmem:$0x1E800] =	vst v63  }
0xa0: {  	_ =	swait.ge @!p0 [sflag:s0], $0x4000  }
0xa1: {  	[sflag:s0] =	ssyncset.done @!p0 $0x0  }
0xa2: {  	s4 =	simm.s32 @!p0 $0x16800;
	[sflag:s0] =	ssyncadd.s32 @!p0 $0xFFFFC000  }
0xa3: {  	[spmem:s2] =	stream.indirect.scatter.add.f32 @!p0 [tilespmem:s4], [sflag:$0x3], $0x80, s28, s1, $0xb8;
	[tilespmem:$0x1E800] =	vst v63  }
0xa4: {  	_ =	swait.ge [sflag:s21], $0x4000  }
0xa5: {  	[sflag:s21] =	ssyncset.done $0x0  }
0xa6: {  	[sflag:s21] =	ssyncadd.s32 $0xFFFFC000  }
0xa7: {  	_ =	swait.ge [sflag:s22], $0x4000  }
0xa8: {  	[sflag:s22] =	ssyncset.done $0x0  }
0xa9: {  	[sflag:s22] =	ssyncadd.s32 $0xFFFFC000  }
0xaa: {  	[spmem:s2] =	stream.indirect.scatter.add.f32 [tilespmem:s20], [sflag:$0x4], $0x80, s23, s17, $0xb8;
	[tilespmem:$0x1E800] =	vst v63  }
0xab: {  	_ =	swait.ge [sflag:s24], $0x4000  }
0xac: {  	s25 =	sadd.s32 $0x1, s25;
	[sflag:s24] =	ssyncset.done $0x0  }
0xad: {  	p0 =	sne.s32 s25, s12;
	[sflag:s24] =	ssyncadd.s32 $0xFFFFC000  }
.Ltmp2:
0xae: {  	[bflag:$0x0] =	sbarrier.arrive $0xFFFF;
	(pc) =	sbr.rel @p0 .LBB2_1-.Ltmp2, $4  }
0xaf: {  	[hbm:s11], [sflag:s5] =	dma.local [spmem:s13], $0x2800  }
0xb0: {  	_ =	swait.ge [sflag:s14], $0x2800  }
0xb1: {  	[sflag:s14] =	ssyncset.done $0x0  }
0xb2: {  	[sflag:s14] =	ssyncadd.s32 $0xFFFFD800  }
0xb3: {  	_ =	sfence.sel $0x180000  }
0xb4: {  	[bflag:$0x0] =	sbarrier.arrive $0xFFFF  }
0xb5: {  	_ =	strace $0x9000004A  }
0xb6: {  	s0 =	stileid.u32;
	[bflag:$0x2] =	sbarrier.arrive $0xFFFF  }
0xb7: {  	p0 =	sne.s32 s0, $0x0;
	s0 =	rddreg [dreg:$0x2]  }
0xb8: {  	s0 =	sadd.s32 @!p0 $0x100000, s0  }
0xb9: {  	[sflag:s0] =	ssyncadd.tile.s32 @!p0 $0x1;
	_ =	shalt  }
.Lfunc_end2:
_tile_overlayer_lowered:
.L_overlay_start_2:
0xba: {  	(tag) =	ssettag $0x2  }
0xbb: {  	s0 =	rddreg [dreg:$0x0];
	s2 =	stileid.u32  }
0xbc: {  	s1 =	rddreg [dreg:$0x1];
	p0 =	sne.s32 s2, $0x0  }
0xbd: {  	s3 =	rddreg [dreg:$0x2];
	[bflag:$0x3] =	sbarrier.arrive $0xFFFF;
	s2 =	simm.s32 @!p0 $0x1C05  }
0xbe: {  	[timem:s3], [sflag:s2] =	dma.local @!p0 [hbm:s0], s1  }
0xbf: {  	s0 =	simm.s32 @!p0 $0x5  }
0xc0: {  	_ =	swait.ge @!p0 [sflag:s0], s1  }
0xc1: {  	s1 =	ssub.s32 @!p0 $0x0, s1;
	[sflag:s0] =	ssyncset.done @!p0 $0x0  }
0xc2: {  	[sflag:s0] =	ssyncadd.s32 @!p0 s1  }
0xc3: {  	[bflag:$0x3] =	sbarrier.arrive $0xFFFF  }
0xc4: {  	_ =	shalt  }

// kernel: kernel.20.cloned.1.call-start
scs
__scs_entry_jumppad:
0x0: {  	(pc) =	sbr.rel $0x88, $3  }
0x1: {  	(tag) =	ssettag $0x0;
	lr =	simm.s32 $0x1  }
0x2: {  	[smem:$0x3F97] =	sst lr;
	_ =	strace $0xD0000000  }
0x3: {  	_ = 	snop  }
0x4: {  	_ = 	snop  }
0x5: {  	_ = 	snop  }
0x6: {  	_ = 	snop  }
0x7: {  	_ = 	snop  }
__scs_overlays_trampoline_lowered:
0x8: {  	[smem:$0x3FA6] =	sst s0  }
0x9: {  	[smem:$0x3FA7] =	sst s1  }
0xa: {  	[smem:$0x3FA8] =	sst s2  }
0xb: {  	[smem:$0x3FA9] =	sst s3  }
0xc: {  	[smem:$0x3FAA] =	sst s4  }
0xd: {  	[smem:$0x3FAB] =	sst s5  }
0xe: {  	[smem:$0x3FAC] =	sst s6  }
0xf: {  	[smem:$0x3FAD] =	sst s7  }
0x10: {  	[smem:$0x3FAE] =	sst s8  }
0x11: {  	[smem:$0x3FAF] =	sst s9;
	s0 =	simm.s32 @!p0 $0x0  }
0x12: {  	s1 =	sld [smem:$0x3F95];
	s0 =	simm.s32 @p0 $0x1  }
0x13: {  	[smem:$0x3FB0] =	sst s0;
	s0 =	simm.s32 @!p1 $0x0  }
0x14: {  	s2 =	sld [smem:$0x3F94];
	s0 =	simm.s32 @p1 $0x1  }
0x15: {  	[smem:$0x3FB1] =	sst s0;
	s0 =	simm.s32 @!p2 $0x0  }
0x16: {  	s3 =	sld [smem:$0x3FDB];
	s0 =	simm.s32 @p2 $0x1  }
0x17: {  	s4 =	simm.s32 $0x1BF5;
	[smem:$0x3FB3] =	sst s0  }
0x18: {  	s0 =	sld [smem:$0x3F96];
	_ =	swait.ge [sflag:s4], $0x0  }
0x19: {  	s7 =	sld [smem:$0x3F97]  }
0x1a: {  	s8 =	sadd.s32 $0xFFFFE003, lr  }
0x1b: {  	s9 =	sadd.s32 $0xFFFFFEF7, lr;
	s5 =	simm.s32 $0xFFFFFFFF;
	p2 =	slt.u32 s8, $0xFFFFF086  }
0x1c: {  	p1 =	slt.u32 s9, $0xF7A;
	s5 =	simm.s32 @!p2 $0x0  }
0x1d: {  	s5 =	simm.s32 @p1 $0x1;
	p0 =	seq.s32 s7, s2  }
0x1e: {  	s7 =	smul.u32 @!p0 $0xF7A, s2;
	p2 =	seq.s32 @!p0 s5, $0x0  }
0x1f: {  	s9 =	smul.u32 $0xF7A, s1;
	s8 =	simm.s32 @!p0 $0x1BF5;
	p2 =	por !p2, p0  }
0x20: {  	[sflag:s8] =	ssyncset.s32 @!p0 $0xFFFFF086;
	s6 =	sadd.s32 @!p0 s3, s7;
	s7 =	simm.s32 @!p0 $0x108  }
0x21: {  	s3 =	sadd.s32 s3, s9;
	s6 =	sadd.s32 @!p0 $0x88, s6;
	s7 =	simm.s32 @p2 $0x1082  }
0x22: {  	[simem:s7], [sflag:s8] =	dma.local @!p0 [hbm:s6], $0xF7A  }
0x23: {  	s9 =	sor.u32 $0xD0000000, s2;
	s6 =	simm.s32 $0x108;
	_ =	swait.ge @!p0 [sflag:s8], $0x0  }
0x24: {  	s3 =	sadd.s32 $0x88, s3;
	s6 =	simm.s32 @!p1 $0x1082;
	[sflag:s4] =	ssyncset.s32 $0xFFFFF086  }
0x25: {  	[simem:s6], [sflag:s4] =	dma.local [hbm:s3], $0xF7A  }
0x26: {  	[smem:$0x3F97] =	sst s1;
	(tag) =	ssettag s2;
	_ =	strace s9  }
0x27: {  	s1 =	sld [smem:$0x3FA7]  }
0x28: {  	s2 =	sld [smem:$0x3FA8]  }
0x29: {  	s4 =	sld [smem:$0x3FAA]  }
0x2a: {  	p0 =	seq.s32 s5, $0x0;
	s5 =	sld [smem:$0x3FAB]  }
0x2b: {  	s6 =	sld [smem:$0x3FAC]  }
0x2c: {  	s7 =	sld [smem:$0x3FAD]  }
0x2d: {  	s3 =	simm.s32 $0x108;
	s8 =	sld [smem:$0x3FAE]  }
0x2e: {  	s3 =	simm.s32 @!p0 $0x1082;
	s9 =	sld [smem:$0x3FAF]  }
0x2f: {  	lr =	sadd.s32 s0, s3;
	s0 =	sld [smem:$0x3FA6]  }
0x30: {  	s3 =	sld [smem:$0x3FA9]  }
0x31: {  	[smem:$0x3FB2] =	sst s10  }
0x32: {  	s10 =	sld [smem:$0x3FB0];
	_ =	sdelay $0x3  }
0x33: {  	p0 =	seq.s32 s10, $0x1;
	s10 =	sld [smem:$0x3FB2];
	_ =	sdelay $0x3  }
0x34: {  	[smem:$0x3FB2] =	sst s10  }
0x35: {  	s10 =	sld [smem:$0x3FB1];
	_ =	sdelay $0x3  }
0x36: {  	p1 =	seq.s32 s10, $0x1;
	s10 =	sld [smem:$0x3FB2];
	_ =	sdelay $0x3  }
0x37: {  	[smem:$0x3FB2] =	sst s10  }
0x38: {  	s10 =	sld [smem:$0x3FB3]  }
0x39: {  	_ = 	snop;
	(pc) =	sbr.ind lr, $3  }
0x3a: {  	_ = 	snop  }
0x3b: {  	_ = 	snop  }
0x3c: {  	p2 =	seq.s32 s10, $0x1;
	s10 =	sld [smem:$0x3FB2]  }
0x3d: {  	_ =	shalt  }
0x3e: {  	_ =	shalt  }
0x3f: {  	_ =	shalt  }
0x40: {  	_ =	shalt  }
0x41: {  	_ =	shalt  }
0x42: {  	_ =	shalt  }
0x43: {  	_ =	shalt  }
0x44: {  	_ =	shalt  }
0x45: {  	_ =	shalt  }
0x46: {  	_ =	shalt  }
0x47: {  	_ =	shalt  }
0x48: {  	_ =	shalt  }
0x49: {  	_ =	shalt  }
0x4a: {  	_ =	shalt  }
0x4b: {  	_ =	shalt  }
0x4c: {  	_ =	shalt  }
0x4d: {  	_ =	shalt  }
0x4e: {  	_ =	shalt  }
0x4f: {  	_ =	shalt  }
0x50: {  	_ =	shalt  }
0x51: {  	_ =	shalt  }
0x52: {  	_ =	shalt  }
0x53: {  	_ =	shalt  }
0x54: {  	_ =	shalt  }
0x55: {  	_ =	shalt  }
0x56: {  	_ =	shalt  }
0x57: {  	_ =	shalt  }
0x58: {  	_ =	shalt  }
0x59: {  	_ =	shalt  }
0x5a: {  	_ =	shalt  }
0x5b: {  	_ =	shalt  }
0x5c: {  	_ =	shalt  }
0x5d: {  	_ =	shalt  }
0x5e: {  	_ =	shalt  }
0x5f: {  	_ =	shalt  }
0x60: {  	_ =	shalt  }
0x61: {  	_ =	shalt  }
0x62: {  	_ =	shalt  }
0x63: {  	_ =	shalt  }
0x64: {  	_ =	shalt  }
0x65: {  	_ =	shalt  }
0x66: {  	_ =	shalt  }
0x67: {  	_ =	shalt  }
0x68: {  	_ =	shalt  }
0x69: {  	_ =	shalt  }
0x6a: {  	_ =	shalt  }
0x6b: {  	_ =	shalt  }
0x6c: {  	_ =	shalt  }
0x6d: {  	_ =	shalt  }
0x6e: {  	_ =	shalt  }
0x6f: {  	_ =	shalt  }
0x70: {  	_ =	shalt  }
0x71: {  	_ =	shalt  }
0x72: {  	_ =	shalt  }
0x73: {  	_ =	shalt  }
0x74: {  	_ =	shalt  }
0x75: {  	_ =	shalt  }
0x76: {  	_ =	shalt  }
0x77: {  	_ =	shalt  }
0x78: {  	_ =	shalt  }
0x79: {  	_ =	shalt  }
0x7a: {  	_ =	shalt  }
0x7b: {  	_ =	shalt  }
0x7c: {  	_ =	shalt  }
0x7d: {  	_ =	shalt  }
0x7e: {  	_ =	shalt  }
0x7f: {  	_ =	shalt  }
0x80: {  	_ =	shalt  }
0x81: {  	_ =	shalt  }
0x82: {  	_ =	shalt  }
0x83: {  	_ =	shalt  }
0x84: {  	_ =	shalt  }
0x85: {  	_ =	shalt  }
0x86: {  	_ =	shalt  }
0x87: {  	_ =	shalt  }
.Lfunc_end0:
.L_simem_size_0:
called_computation.2_lowered:
.L_overlay_start_0:
0x88: {  	s2 =	sld [smem:$0x3FD9]  }
0x89: {  	s3 =	sld [smem:$0x3FFE];
	_ =	sdelay $0x1  }
0x8a: {  	s1 =	srdreg.scid  }
0x8b: {  	s0 =	sand.u32 $0x1, s1  }
0x8c: {  	s16 =	sshll.u32 s0, $0xA;
	s2 =	sadd.s32 s3, s2  }
0x8d: {  	s2 =	sadd.s32 s2, s16  }
0x8e: {  	[smem:$0x3FBE] =	sst s2  }
0x8f: {  	_ = 	snop  }
0x90: {  	(tm) =	ssettm $0x1  }
0x91: {  	s17 =	sld [smem:$0x3FFB];
	_ =	sdelay $0x3  }
0x92: {  	_ =	strace s17  }
0x93: {  	s2 =	sld [smem:$0x3FFC];
	_ =	sdelay $0x3  }
0x94: {  	_ =	strace s2  }
0x95: {  	s2 =	sld [smem:$0x3FFD];
	_ =	sdelay $0x3  }
0x96: {  	_ =	strace s2  }
0x97: {  	_ =	strace $0x8FFFFFFF  }
0x98: {  	s18 =	sld [smem:$0x3FDB];
	_ =	sdelay $0x1  }
0x99: {  	s19 =	simm.s32 $_scs_section_size  }
0x9a: {  	s4 =	simm.s32 $_size__tile_overlayer_lowered;
	s5 =	simm.s32 $_tile_overlayer_lowered  }
0x9b: {  	s22 =	simm.s32 $0x1BFF;
	s21 =	sshll.u32 s5, $0x1;
	s2 =	sadd.s32 s19, s18  }
0x9c: {  	s6 =	simm.s32 $0x0;
	s20 =	sshll.u32 s4, $0x1;
	s4 =	sadd.s32 s21, s2  }
0x9d: {  	[timem:s6], [sflag:s22] =	dma.local [hbm:s4], s20  }
0x9e: {  	_ =	swait.ge [sflag:s22], s20  }
0x9f: {  	s3 =	ssub.s32 $0x0, s20;
	[sflag:s22] =	ssyncset.done $0x0  }
0xa0: {  	[sflag:s22] =	ssyncadd.s32 s3;
	_ =	sdelay $0x1  }
0xa1: {  	s23 =	simm.s32 $0x1B8B  }
0xa2: {  	_ =	swait.ge [sflag:s23], $0x1  }
0xa3: {  	[sflag:s23] =	ssyncset.done $0x0  }
0xa4: {  	s25 =	simm.s32 $0x1B8E;
	s24 =	sld [smem:$0x3FFE];
	[sflag:s23] =	ssyncadd.s32 $0xFFFFFFFF  }
0xa5: {  	s26 =	simm.s32 $execute0_lowered;
	[smem:$0x3FD2] =	sst s25  }
0xa6: {  	s4 =	sshll.u32 s26, $0x1;
	_ =	strace $0x8000004C;
	[dreg:$0x1] =	wrdreg $0xFFFFFFFF  }
0xa7: {  	s28 =	simm.s32 $_size_execute0_lowered;
	s2 =	sadd.s32 s2, s4;
	[dreg:$0x0] =	wrdreg $0x0  }
0xa8: {  	s4 =	sshll.u32 s28, $0x1;
	[dreg:$0x2] =	wrdreg s2  }
0xa9: {  	[dreg:$0x3] =	wrdreg s4  }
0xaa: {  	[dreg:$0x4] =	wrdreg $0xC0  }
0xab: {  	_ =	task [dreg:s6], $0x5FFFF  }
0xac: {  	[dreg:$0x1] =	wrdreg $0xFFFFFFFF  }
0xad: {  	[dreg:$0x0] =	wrdreg $0x60  }
0xae: {  	[dreg:$0x2] =	wrdreg s24  }
0xaf: {  	[dreg:$0x3] =	wrdreg $0x0  }
0xb0: {  	[dreg:$0x4] =	wrdreg $0x9  }
0xb1: {  	_ =	task.clear_ibuf [dreg:s6], $0x5FFFF;
	_ =	strace $0x9000004C  }
0xb2: {  	s29 =	simm.s32 $0x9;
	_ =	strace $0x8000004E  }
0xb3: {  	_ =	swait.ge [sflag:s29], $0x1  }
0xb4: {  	[sflag:s29] =	ssyncadd.s32 $0xFFFFFFFF  }
0xb5: {  	_ =	strace $0x9000004E  }
0xb6: {  	_ =	sfence  }
0xb7: {  	s30 =	sld [smem:$0x0];
	_ =	sdelay $0x2  }
0xb8: {  	s31 =	sshll.u32 s1, $0xD;
	s1 =	sshrl.u32 s1, $0x2  }
0xb9: {  	s3 =	sand.u32 $0x4000, s31;
	s1 =	sadd.s32 s1, s30  }
0xba: {  	s0 =	sor.u32 s3, s0;
	s1 =	sshll.u32 s1, $0x11  }
0xbb: {  	s0 =	sor.u32 s1, s0  }
0xbc: {  	s0 =	sadd.s32 $0x8F2B, s0  }
0xbd: {  	[sflag:s0] =	ssyncadd.remote.s32 $0x1  }
0xbe: {  	_ =	sfence.sel $0xFFFF  }
0xbf: {  	[dreg:$0x0] =	wrdreg $0xFFFFFFFF;
	(pc) =	sbr.abs _section_cstart, $3  }
0xc0: {  	[dreg:$0x1] =	wrdreg $0xFFFFFFFF  }
0xc1: {  	_ =	task.clear_ibuf [dreg:s6], $0x2FFFF;
	_ =	strace $0x9FFFFFFF  }
0xc2: {  	(tm) =	ssettm $0x7FFFFFFF  }
0xc3: {  	_ =	shalt  }
tec
execute0_lowered:
.L_overlay_start_1:
0x0: {  	(tag) =	ssettag $0x1  }
0x1: {  	s0 =	srdreg.scid;
	s1 =	rddreg [dreg:$0x0]  }
0x2: {  	s2 =	rddreg [dreg:$0x1];
	s7 =	stileid.u32  }
0x3: {  	s3 =	simm.s32 $0x0;
	s14 =	simm.s32 $0x5;
	s15 =	simm.s32 $0x14000  }
0x4: {  	s16 =	simm.s32 $0x15400;
	s17 =	simm.s32 $0x80;
	s18 =	simm.s32 $0x16800  }
0x5: {  	s19 =	simm.s32 $0x14080;
	s20 =	simm.s32 $0x1A800;
	s6 =	smul.u32 $0x14000, s7  }
0x6: {  	s21 =	simm.s32 $0x3;
	s22 =	simm.s32 $0x2;
	s24 =	smul.u32 $0x50000, s7  }
0x7: {  	s0 =	sand.u32 $0x1, s0;
	[smem:$0x7FF] =	sst s3;
	s26 =	smul.u32 $0x2800, s7  }
0x8: {  	s9 =	sadd.s32 $0x5EC00, s1;
	s10 =	sadd.s32 $0x63C00, s1;
	s4 =	smul.u32 $0xA0000, s0  }
0x9: {  	s28 =	sshll.u32 s7, $0x6;
	s5 =	smul.u32 $0x140000, s0;
	s0 =	ssub.s32 $0x2, s0  }
0xa: {  	_ =	strace $0x8000004D;
	s25 =	sshrl.u32 s0, $0x1;
	s11 =	sshrl.u32 s26, $0x3  }
0xb: {  	s8 =	sadd.s32 s4, s1;
	s23 =	sadd.s32 s6, s5;
	s5 =	sshrl.u32 s24, $0x2  }
0xc: {  	s0 =	ssub.s32 s0, s25;
	s30 =	sadd.s32 s9, s11;
	s31 =	sadd.s32 s10, s11  }
0xd: {  	s11 =	sadd.s32 $0x280, s11;
	s24 =	simm.s32 $0x4;
	s25 =	simm.s32 $0x0  }
0xe: {  	s4 =	sshrl.u32 s23, $0x3;
	s13 =	sadd.s32 s5, s2;
	[dreg:$0x4] =	wrdreg s30  }
0xf: {  	s5 =	sor.u32 $0x1C05, s28;
	[dreg:$0x5] =	wrdreg s31;
	s8 =	sadd.s32 $0x68C00, s8  }
0x10: {  	s9 =	sadd.s32 s9, s11;
	s10 =	sadd.s32 s10, s11;
	s1 =	sadd.s32 s4, s1  }
0x11: {  	s12 =	smax.u32 s0, $0x1;
	s23 =	simm.s32 $0x16780;
	s29 =	sadd.s32 $0x8600, s1  }
0x12: {  	s13 =	sshrl.u32 s13, $0x3;
	s11 =	sadd.s32 $0x1A8C00, s1;
	[dreg:$0x3] =	wrdreg s29  }
.LBB2_1:
0x13: {  	s0 =	rddreg [dreg:$0x3]  }
0x14: {  	[spmem:s13], [sflag:s5] =	dma.local [hbm:s0], $0x2800  }
0x15: {  	_ =	swait.ge [sflag:s14], $0x2800  }
0x16: {  	[sflag:s14] =	ssyncset.done $0x0  }
0x17: {  	[sflag:s14] =	ssyncadd.s32 $0xFFFFD800  }
0x18: {  	[bflag:$0x0] =	sbarrier.arrive $0xFFFF  }
0x19: {  	s1 =	rddreg [dreg:$0x4]  }
0x1a: {  	[tilespmem:s15], [sflag:$0x5] =	stream.linear.gather [hbm4b:s1+s3], $0x1400, $0x38;
	[tilespmem:$0x1E800] =	vst v63  }
0x1b: {  	_ =	swait.ge [sflag:s14], $0x1400  }
0x1c: {  	[sflag:s14] =	ssyncset.done $0x0  }
0x1d: {  	s4 =	rddreg [dreg:$0x5];
	[sflag:s14] =	ssyncadd.s32 $0xFFFFEC00  }
0x1e: {  	[tilespmem:s16], [sflag:$0x5] =	stream.linear.gather [hbm4b:s4+s3], $0x1400, $0x38;
	[tilespmem:$0x1E800] =	vst v63  }
0x1f: {  	_ =	swait.ge [sflag:s14], $0x1400  }
0x20: {  	[sflag:s14] =	ssyncset.done $0x0  }
0x21: {  	[sflag:s14] =	ssyncadd.s32 $0xFFFFEC00  }
0x22: {  	[tilespmem:s18], [sflag:$0x1] =	stream.indirect.gather [hbm4b:s8+s17], $0x80, s15, s17, $0xb8;
	[tilespmem:$0x1E800] =	vst v63  }
0x23: {  	s6 =	simm.s32 $0x1  }
0x24: {  	[tilespmem:s20], [sflag:$0x2] =	stream.indirect.gather [hbm4b:s8+s17], $0x80, s19, s17, $0xb8;
	[tilespmem:$0x1E800] =	vst v63  }
0x25: {  	s0 =	sand.u32 $0x1, s6;
	_ =	swait.ge [sflag:s6], $0x4000  }
0x26: {  	p0 =	seq.s32 s0, $0x1;
	[sflag:s6] =	ssyncset.done $0x0  }
0x27: {  	s0 =	simm.s32 @p0 $0x3;
	[sflag:s6] =	ssyncadd.s32 $0xFFFFC000  }
0x28: {  	[spmem:s2] =	stream.indirect.scatter.add.f32 [tilespmem:s18], [sflag:$0x3], $0x80, s16, s17, $0xb8;
	[tilespmem:$0x1E800] =	vst v63  }
0x29: {  	s26 =	simm.s32 @p0 $0x2;
	_ =	swait.ge @p0 [sflag:s0], $0x4000  }
0x2a: {  	s1 =	simm.s32 $0x14100;
	[sflag:s0] =	ssyncset.done @p0 $0x0;
	p0 =	por p0, p0  }
0x2b: {  	[sflag:s0] =	ssyncadd.s32 @p0 $0xFFFFC000;
	s0 =	simm.s32 @p0 $0x80;
	s28 =	simm.s32 @p0 $0x16800  }
0x2c: {  	[tilespmem:s28], [sflag:$0x1] =	stream.indirect.gather @p0 [hbm4b:s8+s0], $0x80, s1, s0, $0xb8;
	[tilespmem:$0x1E800] =	vst v63  }
0x2d: {  	_ =	swait.ge @p0 [sflag:s26], $0x4000  }
0x2e: {  	s29 =	simm.s32 $0x15480;
	[sflag:s26] =	ssyncset.done @p0 $0x0  }
0x2f: {  	s28 =	simm.s32 @!p0 $0x4;
	[sflag:s26] =	ssyncadd.s32 @p0 $0xFFFFC000;
	s26 =	simm.s32 @p0 $0x1A800  }
0x30: {  	[spmem:s2] =	stream.indirect.scatter.add.f32 @p0 [tilespmem:s26], [sflag:$0x4], $0x80, s29, s0, $0xb8;
	[tilespmem:$0x1E800] =	vst v63  }
0x31: {  	s30 =	simm.s32 $0x3;
	s4 =	simm.s32 $0x2;
	_ =	swait.ge @!p0 [sflag:s28], $0x4000  }
0x32: {  	s7 =	sand.u32 $0x1, s4;
	s31 =	simm.s32 @!p0 $0x80;
	[sflag:s28] =	ssyncset.done @!p0 $0x0  }
0x33: {  	s0 =	simm.s32 @!p0 $0x1;
	[sflag:s28] =	ssyncadd.s32 @!p0 $0xFFFFC000;
	s28 =	simm.s32 @!p0 $0x1A800  }
0x34: {  	[tilespmem:s28], [sflag:$0x2] =	stream.indirect.gather @!p0 [hbm4b:s8+s31], $0x80, s1, s31, $0xb8;
	[tilespmem:$0x1E800] =	vst v63  }
0x35: {  	p2 =	seq.s32 s7, $0x1;
	s26 =	simm.s32 $0x14180;
	_ =	swait.ge @!p0 [sflag:s0], $0x4000  }
0x36: {  	s28 =	simm.s32 $0x15500;
	s1 =	simm.s32 @!p0 $0x16800;
	[sflag:s0] =	ssyncset.done @!p0 $0x0  }
.LBB2_2:
0x37: {  	s4 =	simm.s32 @p2 $0x3;
	[sflag:s0] =	ssyncadd.s32 @!p0 $0xFFFFC000  }
0x38: {  	s6 =	smov.u32 s30;
	s30 =	sadd.s32 $0x1, s30;
	s7 =	smov.u32 s26  }
0x39: {  	[spmem:s2] =	stream.indirect.scatter.add.f32 @!p0 [tilespmem:s1], [sflag:$0x3], $0x80, s29, s31, $0xb8;
	[tilespmem:$0x1E800] =	vst v63  }
0x3a: {  	p1 =	sne.s32 s30, $0x27;
	s29 =	smov.u32 s28;
	_ =	swait.ge @p2 [sflag:s4], $0x4000  }
0x3b: {  	s0 =	simm.s32 @p2 $0x2;
	p0 =	por p2, p2;
	[sflag:s4] =	ssyncset.done @p2 $0x0  }
0x3c: {  	s1 =	simm.s32 @p0 $0x80;
	[sflag:s4] =	ssyncadd.s32 @p0 $0xFFFFC000;
	s4 =	simm.s32 @p0 $0x16800  }
0x3d: {  	[tilespmem:s4], [sflag:$0x1] =	stream.indirect.gather @p0 [hbm4b:s8+s1], $0x80, s26, s1, $0xb8;
	[tilespmem:$0x1E800] =	vst v63  }
0x3e: {  	_ =	swait.ge @p0 [sflag:s0], $0x4000  }
0x3f: {  	[sflag:s0] =	ssyncset.done @p0 $0x0  }
0x40: {  	s4 =	simm.s32 @!p0 $0x4;
	[sflag:s0] =	ssyncadd.s32 @p0 $0xFFFFC000;
	s0 =	simm.s32 @p0 $0x1A800  }
0x41: {  	[spmem:s2] =	stream.indirect.scatter.add.f32 @p0 [tilespmem:s0], [sflag:$0x4], $0x80, s28, s1, $0xb8;
	[tilespmem:$0x1E800] =	vst v63  }
0x42: {  	s26 =	sadd.s32 $0x80, s26;
	_ =	swait.ge @!p0 [sflag:s4], $0x4000  }
.Ltmp0:
0x43: {  	s0 =	simm.s32 @!p0 $0x1;
	[sflag:s4] =	ssyncset.done @!p0 $0x0;
	(pc) =	sbr.rel @p1 .LBB2_2-.Ltmp0, $4  }
0x44: {  	s31 =	simm.s32 @!p0 $0x80;
	s1 =	simm.s32 @!p0 $0x1A800;
	[sflag:s4] =	ssyncadd.s32 @!p0 $0xFFFFC000  }
0x45: {  	[tilespmem:s1], [sflag:$0x2] =	stream.indirect.gather @!p0 [hbm4b:s8+s31], $0x80, s7, s31, $0xb8;
	[tilespmem:$0x1E800] =	vst v63  }
0x46: {  	s28 =	sadd.s32 $0x80, s28;
	s1 =	sand.u32 $0x1, s6;
	_ =	swait.ge @!p0 [sflag:s0], $0x4000  }
0x47: {  	p2 =	seq.s32 s1, $0x1;
	s1 =	simm.s32 @!p0 $0x16800;
	[sflag:s0] =	ssyncset.done @!p0 $0x0  }
0x48: {  	s4 =	simm.s32 @p2 $0x3;
	[sflag:s0] =	ssyncadd.s32 @!p0 $0xFFFFC000  }
0x49: {  	[spmem:s2] =	stream.indirect.scatter.add.f32 @!p0 [tilespmem:s1], [sflag:$0x3], $0x80, s29, s31, $0xb8;
	[tilespmem:$0x1E800] =	vst v63  }
0x4a: {  	_ =	swait.ge @p2 [sflag:s4], $0x4000  }
0x4b: {  	s0 =	simm.s32 @p2 $0x2;
	p0 =	por p2, p2;
	[sflag:s4] =	ssyncset.done @p2 $0x0  }
0x4c: {  	s1 =	simm.s32 @p0 $0x80;
	[sflag:s4] =	ssyncadd.s32 @p0 $0xFFFFC000;
	s4 =	simm.s32 @p0 $0x16800  }
0x4d: {  	[tilespmem:s4], [sflag:$0x1] =	stream.indirect.gather @p0 [hbm4b:s8+s1], $0x80, s26, s1, $0xb8;
	[tilespmem:$0x1E800] =	vst v63  }
0x4e: {  	_ =	swait.ge @p0 [sflag:s0], $0x4000  }
0x4f: {  	[sflag:s0] =	ssyncset.done @p0 $0x0  }
0x50: {  	s4 =	simm.s32 @!p0 $0x4;
	[sflag:s0] =	ssyncadd.s32 @p0 $0xFFFFC000;
	s0 =	simm.s32 @p0 $0x1A800  }
0x51: {  	[spmem:s2] =	stream.indirect.scatter.add.f32 @p0 [tilespmem:s0], [sflag:$0x4], $0x80, s28, s1, $0xb8;
	[tilespmem:$0x1E800] =	vst v63  }
0x52: {  	_ =	swait.ge @!p0 [sflag:s4], $0x4000  }
0x53: {  	s0 =	simm.s32 @!p0 $0x1;
	[sflag:s4] =	ssyncset.done @!p0 $0x0  }
0x54: {  	s1 =	simm.s32 @!p0 $0x80;
	[sflag:s4] =	ssyncadd.s32 @!p0 $0xFFFFC000;
	s4 =	simm.s32 @!p0 $0x1A800  }
0x55: {  	[tilespmem:s4], [sflag:$0x2] =	stream.indirect.gather @!p0 [hbm4b:s8+s1], $0x80, s26, s1, $0xb8;
	[tilespmem:$0x1E800] =	vst v63  }
0x56: {  	_ =	swait.ge @!p0 [sflag:s0], $0x4000  }
0x57: {  	[sflag:s0] =	ssyncset.done @!p0 $0x0  }
0x58: {  	s4 =	simm.s32 @!p0 $0x16800;
	[sflag:s0] =	ssyncadd.s32 @!p0 $0xFFFFC000  }
0x59: {  	[spmem:s2] =	stream.indirect.scatter.add.f32 @!p0 [tilespmem:s4], [sflag:$0x3], $0x80, s28, s1, $0xb8;
	[tilespmem:$0x1E800] =	vst v63  }
0x5a: {  	_ =	swait.ge [sflag:s21], $0x4000  }
0x5b: {  	[sflag:s21] =	ssyncset.done $0x0  }
0x5c: {  	[sflag:s21] =	ssyncadd.s32 $0xFFFFC000  }
0x5d: {  	_ =	swait.ge [sflag:s22], $0x4000  }
0x5e: {  	[sflag:s22] =	ssyncset.done $0x0  }
0x5f: {  	[sflag:s22] =	ssyncadd.s32 $0xFFFFC000  }
0x60: {  	[spmem:s2] =	stream.indirect.scatter.add.f32 [tilespmem:s20], [sflag:$0x4], $0x80, s23, s17, $0xb8;
	[tilespmem:$0x1E800] =	vst v63  }
0x61: {  	_ =	swait.ge [sflag:s24], $0x4000  }
0x62: {  	[sflag:s24] =	ssyncset.done $0x0  }
0x63: {  	[sflag:s24] =	ssyncadd.s32 $0xFFFFC000  }
0x64: {  	[tilespmem:s15], [sflag:$0x5] =	stream.linear.gather [hbm4b:s9+s3], $0x1400, $0x38;
	[tilespmem:$0x1E800] =	vst v63  }
0x65: {  	_ =	swait.ge [sflag:s14], $0x1400  }
0x66: {  	[sflag:s14] =	ssyncset.done $0x0  }
0x67: {  	[sflag:s14] =	ssyncadd.s32 $0xFFFFEC00  }
0x68: {  	[tilespmem:s16], [sflag:$0x5] =	stream.linear.gather [hbm4b:s10+s3], $0x1400, $0x38;
	[tilespmem:$0x1E800] =	vst v63  }
0x69: {  	_ =	swait.ge [sflag:s14], $0x1400  }
0x6a: {  	[sflag:s14] =	ssyncset.done $0x0  }
0x6b: {  	[sflag:s14] =	ssyncadd.s32 $0xFFFFEC00  }
0x6c: {  	[tilespmem:s18], [sflag:$0x1] =	stream.indirect.gather [hbm4b:s8+s17], $0x80, s15, s17, $0xb8;
	[tilespmem:$0x1E800] =	vst v63  }
0x6d: {  	s6 =	simm.s32 $0x1  }
0x6e: {  	[tilespmem:s20], [sflag:$0x2] =	stream.indirect.gather [hbm4b:s8+s17], $0x80, s19, s17, $0xb8;
	[tilespmem:$0x1E800] =	vst v63  }
0x6f: {  	s0 =	sand.u32 $0x1, s6;
	_ =	swait.ge [sflag:s6], $0x4000  }
0x70: {  	p0 =	seq.s32 s0, $0x1;
	[sflag:s6] =	ssyncset.done $0x0  }
0x71: {  	s0 =	simm.s32 @p0 $0x3;
	[sflag:s6] =	ssyncadd.s32 $0xFFFFC000  }
0x72: {  	[spmem:s2] =	stream.indirect.scatter.add.f32 [tilespmem:s18], [sflag:$0x3], $0x80, s16, s17, $0xb8;
	[tilespmem:$0x1E800] =	vst v63  }
0x73: {  	s1 =	simm.s32 $0x14100;
	_ =	swait.ge @p0 [sflag:s0], $0x4000  }
0x74: {  	s4 =	simm.s32 @p0 $0x2;
	[sflag:s0] =	ssyncset.done @p0 $0x0;
	p0 =	por p0, p0  }
0x75: {  	[sflag:s0] =	ssyncadd.s32 @p0 $0xFFFFC000;
	s0 =	simm.s32 @p0 $0x80;
	s6 =	simm.s32 @p0 $0x16800  }
0x76: {  	[tilespmem:s6], [sflag:$0x1] =	stream.indirect.gather @p0 [hbm4b:s8+s0], $0x80, s1, s0, $0xb8;
	[tilespmem:$0x1E800] =	vst v63  }
0x77: {  	_ =	swait.ge @p0 [sflag:s4], $0x4000  }
0x78: {  	s29 =	simm.s32 $0x15480;
	[sflag:s4] =	ssyncset.done @p0 $0x0  }
0x79: {  	s6 =	simm.s32 @!p0 $0x4;
	[sflag:s4] =	ssyncadd.s32 @p0 $0xFFFFC000;
	s4 =	simm.s32 @p0 $0x1A800  }
0x7a: {  	[spmem:s2] =	stream.indirect.scatter.add.f32 @p0 [tilespmem:s4], [sflag:$0x4], $0x80, s29, s0, $0xb8;
	[tilespmem:$0x1E800] =	vst v63  }
0x7b: {  	s7 =	simm.s32 $0x2;
	s30 =	simm.s32 $0x3;
	_ =	swait.ge @!p0 [sflag:s6], $0x4000  }
0x7c: {  	s7 =	sand.u32 $0x1, s7;
	s31 =	simm.s32 @!p0 $0x80;
	[sflag:s6] =	ssyncset.done @!p0 $0x0  }
0x7d: {  	s0 =	simm.s32 @!p0 $0x1;
	[sflag:s6] =	ssyncadd.s32 @!p0 $0xFFFFC000;
	s6 =	simm.s32 @!p0 $0x1A800  }
0x7e: {  	[tilespmem:s6], [sflag:$0x2] =	stream.indirect.gather @!p0 [hbm4b:s8+s31], $0x80, s1, s31, $0xb8;
	[tilespmem:$0x1E800] =	vst v63  }
0x7f: {  	p2 =	seq.s32 s7, $0x1;
	s26 =	simm.s32 $0x14180;
	_ =	swait.ge @!p0 [sflag:s0], $0x4000  }
0x80: {  	s28 =	simm.s32 $0x15500;
	s1 =	simm.s32 @!p0 $0x16800;
	[sflag:s0] =	ssyncset.done @!p0 $0x0  }
.LBB2_4:
0x81: {  	s4 =	simm.s32 @p2 $0x3;
	[sflag:s0] =	ssyncadd.s32 @!p0 $0xFFFFC000  }
0x82: {  	s6 =	smov.u32 s30;
	s30 =	sadd.s32 $0x1, s30;
	s7 =	smov.u32 s26  }
0x83: {  	[spmem:s2] =	stream.indirect.scatter.add.f32 @!p0 [tilespmem:s1], [sflag:$0x3], $0x80, s29, s31, $0xb8;
	[tilespmem:$0x1E800] =	vst v63  }
0x84: {  	p1 =	sne.s32 s30, $0x27;
	s29 =	smov.u32 s28;
	_ =	swait.ge @p2 [sflag:s4], $0x4000  }
0x85: {  	s0 =	simm.s32 @p2 $0x2;
	p0 =	por p2, p2;
	[sflag:s4] =	ssyncset.done @p2 $0x0  }
0x86: {  	s1 =	simm.s32 @p0 $0x80;
	[sflag:s4] =	ssyncadd.s32 @p0 $0xFFFFC000;
	s4 =	simm.s32 @p0 $0x16800  }
0x87: {  	[tilespmem:s4], [sflag:$0x1] =	stream.indirect.gather @p0 [hbm4b:s8+s1], $0x80, s26, s1, $0xb8;
	[tilespmem:$0x1E800] =	vst v63  }
0x88: {  	_ =	swait.ge @p0 [sflag:s0], $0x4000  }
0x89: {  	[sflag:s0] =	ssyncset.done @p0 $0x0  }
0x8a: {  	s4 =	simm.s32 @!p0 $0x4;
	[sflag:s0] =	ssyncadd.s32 @p0 $0xFFFFC000;
	s0 =	simm.s32 @p0 $0x1A800  }
0x8b: {  	[spmem:s2] =	stream.indirect.scatter.add.f32 @p0 [tilespmem:s0], [sflag:$0x4], $0x80, s28, s1, $0xb8;
	[tilespmem:$0x1E800] =	vst v63  }
0x8c: {  	s26 =	sadd.s32 $0x80, s26;
	_ =	swait.ge @!p0 [sflag:s4], $0x4000  }
.Ltmp1:
0x8d: {  	s0 =	simm.s32 @!p0 $0x1;
	[sflag:s4] =	ssyncset.done @!p0 $0x0;
	(pc) =	sbr.rel @p1 .LBB2_4-.Ltmp1, $4  }
0x8e: {  	s31 =	simm.s32 @!p0 $0x80;
	s1 =	simm.s32 @!p0 $0x1A800;
	[sflag:s4] =	ssyncadd.s32 @!p0 $0xFFFFC000  }
0x8f: {  	[tilespmem:s1], [sflag:$0x2] =	stream.indirect.gather @!p0 [hbm4b:s8+s31], $0x80, s7, s31, $0xb8;
	[tilespmem:$0x1E800] =	vst v63  }
0x90: {  	s28 =	sadd.s32 $0x80, s28;
	s1 =	sand.u32 $0x1, s6;
	_ =	swait.ge @!p0 [sflag:s0], $0x4000  }
0x91: {  	p2 =	seq.s32 s1, $0x1;
	s1 =	simm.s32 @!p0 $0x16800;
	[sflag:s0] =	ssyncset.done @!p0 $0x0  }
0x92: {  	s4 =	simm.s32 @p2 $0x3;
	[sflag:s0] =	ssyncadd.s32 @!p0 $0xFFFFC000  }
0x93: {  	[spmem:s2] =	stream.indirect.scatter.add.f32 @!p0 [tilespmem:s1], [sflag:$0x3], $0x80, s29, s31, $0xb8;
	[tilespmem:$0x1E800] =	vst v63  }
0x94: {  	_ =	swait.ge @p2 [sflag:s4], $0x4000  }
0x95: {  	s0 =	simm.s32 @p2 $0x2;
	p0 =	por p2, p2;
	[sflag:s4] =	ssyncset.done @p2 $0x0  }
0x96: {  	s1 =	simm.s32 @p0 $0x80;
	[sflag:s4] =	ssyncadd.s32 @p0 $0xFFFFC000;
	s4 =	simm.s32 @p0 $0x16800  }
0x97: {  	[tilespmem:s4], [sflag:$0x1] =	stream.indirect.gather @p0 [hbm4b:s8+s1], $0x80, s26, s1, $0xb8;
	[tilespmem:$0x1E800] =	vst v63  }
0x98: {  	_ =	swait.ge @p0 [sflag:s0], $0x4000  }
0x99: {  	[sflag:s0] =	ssyncset.done @p0 $0x0  }
0x9a: {  	s4 =	simm.s32 @!p0 $0x4;
	[sflag:s0] =	ssyncadd.s32 @p0 $0xFFFFC000;
	s0 =	simm.s32 @p0 $0x1A800  }
0x9b: {  	[spmem:s2] =	stream.indirect.scatter.add.f32 @p0 [tilespmem:s0], [sflag:$0x4], $0x80, s28, s1, $0xb8;
	[tilespmem:$0x1E800] =	vst v63  }
0x9c: {  	_ =	swait.ge @!p0 [sflag:s4], $0x4000  }
0x9d: {  	s0 =	simm.s32 @!p0 $0x1;
	[sflag:s4] =	ssyncset.done @!p0 $0x0  }
0x9e: {  	s1 =	simm.s32 @!p0 $0x80;
	[sflag:s4] =	ssyncadd.s32 @!p0 $0xFFFFC000;
	s4 =	simm.s32 @!p0 $0x1A800  }
0x9f: {  	[tilespmem:s4], [sflag:$0x2] =	stream.indirect.gather @!p0 [hbm4b:s8+s1], $0x80, s26, s1, $0xb8;
	[tilespmem:$0x1E800] =	vst v63  }
0xa0: {  	_ =	swait.ge @!p0 [sflag:s0], $0x4000  }
0xa1: {  	[sflag:s0] =	ssyncset.done @!p0 $0x0  }
0xa2: {  	s4 =	simm.s32 @!p0 $0x16800;
	[sflag:s0] =	ssyncadd.s32 @!p0 $0xFFFFC000  }
0xa3: {  	[spmem:s2] =	stream.indirect.scatter.add.f32 @!p0 [tilespmem:s4], [sflag:$0x3], $0x80, s28, s1, $0xb8;
	[tilespmem:$0x1E800] =	vst v63  }
0xa4: {  	_ =	swait.ge [sflag:s21], $0x4000  }
0xa5: {  	[sflag:s21] =	ssyncset.done $0x0  }
0xa6: {  	[sflag:s21] =	ssyncadd.s32 $0xFFFFC000  }
0xa7: {  	_ =	swait.ge [sflag:s22], $0x4000  }
0xa8: {  	[sflag:s22] =	ssyncset.done $0x0  }
0xa9: {  	[sflag:s22] =	ssyncadd.s32 $0xFFFFC000  }
0xaa: {  	[spmem:s2] =	stream.indirect.scatter.add.f32 [tilespmem:s20], [sflag:$0x4], $0x80, s23, s17, $0xb8;
	[tilespmem:$0x1E800] =	vst v63  }
0xab: {  	_ =	swait.ge [sflag:s24], $0x4000  }
0xac: {  	s25 =	sadd.s32 $0x1, s25;
	[sflag:s24] =	ssyncset.done $0x0  }
0xad: {  	p0 =	sne.s32 s25, s12;
	[sflag:s24] =	ssyncadd.s32 $0xFFFFC000  }
.Ltmp2:
0xae: {  	[bflag:$0x0] =	sbarrier.arrive $0xFFFF;
	(pc) =	sbr.rel @p0 .LBB2_1-.Ltmp2, $4  }
0xaf: {  	[hbm:s11], [sflag:s5] =	dma.local [spmem:s13], $0x2800  }
0xb0: {  	_ =	swait.ge [sflag:s14], $0x2800  }
0xb1: {  	[sflag:s14] =	ssyncset.done $0x0  }
0xb2: {  	[sflag:s14] =	ssyncadd.s32 $0xFFFFD800  }
0xb3: {  	_ =	sfence.sel $0x180000  }
0xb4: {  	[bflag:$0x0] =	sbarrier.arrive $0xFFFF  }
0xb5: {  	_ =	strace $0x9000004D  }
0xb6: {  	s0 =	stileid.u32;
	[bflag:$0x2] =	sbarrier.arrive $0xFFFF  }
0xb7: {  	p0 =	sne.s32 s0, $0x0;
	s0 =	rddreg [dreg:$0x2]  }
0xb8: {  	s0 =	sadd.s32 @!p0 $0x100000, s0  }
0xb9: {  	[sflag:s0] =	ssyncadd.tile.s32 @!p0 $0x1;
	_ =	shalt  }
.Lfunc_end2:
_tile_overlayer_lowered:
.L_overlay_start_2:
0xba: {  	(tag) =	ssettag $0x2  }
0xbb: {  	s0 =	rddreg [dreg:$0x0];
	s2 =	stileid.u32  }
0xbc: {  	s1 =	rddreg [dreg:$0x1];
	p0 =	sne.s32 s2, $0x0  }
0xbd: {  	s3 =	rddreg [dreg:$0x2];
	[bflag:$0x3] =	sbarrier.arrive $0xFFFF;
	s2 =	simm.s32 @!p0 $0x1C05  }
0xbe: {  	[timem:s3], [sflag:s2] =	dma.local @!p0 [hbm:s0], s1  }
0xbf: {  	s0 =	simm.s32 @!p0 $0x5  }
0xc0: {  	_ =	swait.ge @!p0 [sflag:s0], s1  }
0xc1: {  	s1 =	ssub.s32 @!p0 $0x0, s1;
	[sflag:s0] =	ssyncset.done @!p0 $0x0  }
0xc2: {  	[sflag:s0] =	ssyncadd.s32 @!p0 s1  }
0xc3: {  	[bflag:$0x3] =	sbarrier.arrive $0xFFFF  }
0xc4: {  	_ =	shalt  }

// kernel: kernel.23.cloned.1.call-start
scs
__scs_entry_jumppad:
0x0: {  	(pc) =	sbr.rel $0x88, $3  }
0x1: {  	(tag) =	ssettag $0x0;
	lr =	simm.s32 $0x1  }
0x2: {  	[smem:$0x3F97] =	sst lr;
	_ =	strace $0xD0000000  }
0x3: {  	_ = 	snop  }
0x4: {  	_ = 	snop  }
0x5: {  	_ = 	snop  }
0x6: {  	_ = 	snop  }
0x7: {  	_ = 	snop  }
__scs_overlays_trampoline_lowered:
0x8: {  	[smem:$0x3FA6] =	sst s0  }
0x9: {  	[smem:$0x3FA7] =	sst s1  }
0xa: {  	[smem:$0x3FA8] =	sst s2  }
0xb: {  	[smem:$0x3FA9] =	sst s3  }
0xc: {  	[smem:$0x3FAA] =	sst s4  }
0xd: {  	[smem:$0x3FAB] =	sst s5  }
0xe: {  	[smem:$0x3FAC] =	sst s6  }
0xf: {  	[smem:$0x3FAD] =	sst s7  }
0x10: {  	[smem:$0x3FAE] =	sst s8  }
0x11: {  	[smem:$0x3FAF] =	sst s9;
	s0 =	simm.s32 @!p0 $0x0  }
0x12: {  	s1 =	sld [smem:$0x3F95];
	s0 =	simm.s32 @p0 $0x1  }
0x13: {  	[smem:$0x3FB0] =	sst s0;
	s0 =	simm.s32 @!p1 $0x0  }
0x14: {  	s2 =	sld [smem:$0x3F94];
	s0 =	simm.s32 @p1 $0x1  }
0x15: {  	[smem:$0x3FB1] =	sst s0;
	s0 =	simm.s32 @!p2 $0x0  }
0x16: {  	s3 =	sld [smem:$0x3FDB];
	s0 =	simm.s32 @p2 $0x1  }
0x17: {  	s4 =	simm.s32 $0x1BF5;
	[smem:$0x3FB3] =	sst s0  }
0x18: {  	s0 =	sld [smem:$0x3F96];
	_ =	swait.ge [sflag:s4], $0x0  }
0x19: {  	s7 =	sld [smem:$0x3F97]  }
0x1a: {  	s8 =	sadd.s32 $0xFFFFE003, lr  }
0x1b: {  	s9 =	sadd.s32 $0xFFFFFEF7, lr;
	s5 =	simm.s32 $0xFFFFFFFF;
	p2 =	slt.u32 s8, $0xFFFFF086  }
0x1c: {  	p1 =	slt.u32 s9, $0xF7A;
	s5 =	simm.s32 @!p2 $0x0  }
0x1d: {  	s5 =	simm.s32 @p1 $0x1;
	p0 =	seq.s32 s7, s2  }
0x1e: {  	s7 =	smul.u32 @!p0 $0xF7A, s2;
	p2 =	seq.s32 @!p0 s5, $0x0  }
0x1f: {  	s9 =	smul.u32 $0xF7A, s1;
	s8 =	simm.s32 @!p0 $0x1BF5;
	p2 =	por !p2, p0  }
0x20: {  	[sflag:s8] =	ssyncset.s32 @!p0 $0xFFFFF086;
	s6 =	sadd.s32 @!p0 s3, s7;
	s7 =	simm.s32 @!p0 $0x108  }
0x21: {  	s3 =	sadd.s32 s3, s9;
	s6 =	sadd.s32 @!p0 $0x88, s6;
	s7 =	simm.s32 @p2 $0x1082  }
0x22: {  	[simem:s7], [sflag:s8] =	dma.local @!p0 [hbm:s6], $0xF7A  }
0x23: {  	s9 =	sor.u32 $0xD0000000, s2;
	s6 =	simm.s32 $0x108;
	_ =	swait.ge @!p0 [sflag:s8], $0x0  }
0x24: {  	s3 =	sadd.s32 $0x88, s3;
	s6 =	simm.s32 @!p1 $0x1082;
	[sflag:s4] =	ssyncset.s32 $0xFFFFF086  }
0x25: {  	[simem:s6], [sflag:s4] =	dma.local [hbm:s3], $0xF7A  }
0x26: {  	[smem:$0x3F97] =	sst s1;
	(tag) =	ssettag s2;
	_ =	strace s9  }
0x27: {  	s1 =	sld [smem:$0x3FA7]  }
0x28: {  	s2 =	sld [smem:$0x3FA8]  }
0x29: {  	s4 =	sld [smem:$0x3FAA]  }
0x2a: {  	p0 =	seq.s32 s5, $0x0;
	s5 =	sld [smem:$0x3FAB]  }
0x2b: {  	s6 =	sld [smem:$0x3FAC]  }
0x2c: {  	s7 =	sld [smem:$0x3FAD]  }
0x2d: {  	s3 =	simm.s32 $0x108;
	s8 =	sld [smem:$0x3FAE]  }
0x2e: {  	s3 =	simm.s32 @!p0 $0x1082;
	s9 =	sld [smem:$0x3FAF]  }
0x2f: {  	lr =	sadd.s32 s0, s3;
	s0 =	sld [smem:$0x3FA6]  }
0x30: {  	s3 =	sld [smem:$0x3FA9]  }
0x31: {  	[smem:$0x3FB2] =	sst s10  }
0x32: {  	s10 =	sld [smem:$0x3FB0];
	_ =	sdelay $0x3  }
0x33: {  	p0 =	seq.s32 s10, $0x1;
	s10 =	sld [smem:$0x3FB2];
	_ =	sdelay $0x3  }
0x34: {  	[smem:$0x3FB2] =	sst s10  }
0x35: {  	s10 =	sld [smem:$0x3FB1];
	_ =	sdelay $0x3  }
0x36: {  	p1 =	seq.s32 s10, $0x1;
	s10 =	sld [smem:$0x3FB2];
	_ =	sdelay $0x3  }
0x37: {  	[smem:$0x3FB2] =	sst s10  }
0x38: {  	s10 =	sld [smem:$0x3FB3]  }
0x39: {  	_ = 	snop;
	(pc) =	sbr.ind lr, $3  }
0x3a: {  	_ = 	snop  }
0x3b: {  	_ = 	snop  }
0x3c: {  	p2 =	seq.s32 s10, $0x1;
	s10 =	sld [smem:$0x3FB2]  }
0x3d: {  	_ =	shalt  }
0x3e: {  	_ =	shalt  }
0x3f: {  	_ =	shalt  }
0x40: {  	_ =	shalt  }
0x41: {  	_ =	shalt  }
0x42: {  	_ =	shalt  }
0x43: {  	_ =	shalt  }
0x44: {  	_ =	shalt  }
0x45: {  	_ =	shalt  }
0x46: {  	_ =	shalt  }
0x47: {  	_ =	shalt  }
0x48: {  	_ =	shalt  }
0x49: {  	_ =	shalt  }
0x4a: {  	_ =	shalt  }
0x4b: {  	_ =	shalt  }
0x4c: {  	_ =	shalt  }
0x4d: {  	_ =	shalt  }
0x4e: {  	_ =	shalt  }
0x4f: {  	_ =	shalt  }
0x50: {  	_ =	shalt  }
0x51: {  	_ =	shalt  }
0x52: {  	_ =	shalt  }
0x53: {  	_ =	shalt  }
0x54: {  	_ =	shalt  }
0x55: {  	_ =	shalt  }
0x56: {  	_ =	shalt  }
0x57: {  	_ =	shalt  }
0x58: {  	_ =	shalt  }
0x59: {  	_ =	shalt  }
0x5a: {  	_ =	shalt  }
0x5b: {  	_ =	shalt  }
0x5c: {  	_ =	shalt  }
0x5d: {  	_ =	shalt  }
0x5e: {  	_ =	shalt  }
0x5f: {  	_ =	shalt  }
0x60: {  	_ =	shalt  }
0x61: {  	_ =	shalt  }
0x62: {  	_ =	shalt  }
0x63: {  	_ =	shalt  }
0x64: {  	_ =	shalt  }
0x65: {  	_ =	shalt  }
0x66: {  	_ =	shalt  }
0x67: {  	_ =	shalt  }
0x68: {  	_ =	shalt  }
0x69: {  	_ =	shalt  }
0x6a: {  	_ =	shalt  }
0x6b: {  	_ =	shalt  }
0x6c: {  	_ =	shalt  }
0x6d: {  	_ =	shalt  }
0x6e: {  	_ =	shalt  }
0x6f: {  	_ =	shalt  }
0x70: {  	_ =	shalt  }
0x71: {  	_ =	shalt  }
0x72: {  	_ =	shalt  }
0x73: {  	_ =	shalt  }
0x74: {  	_ =	shalt  }
0x75: {  	_ =	shalt  }
0x76: {  	_ =	shalt  }
0x77: {  	_ =	shalt  }
0x78: {  	_ =	shalt  }
0x79: {  	_ =	shalt  }
0x7a: {  	_ =	shalt  }
0x7b: {  	_ =	shalt  }
0x7c: {  	_ =	shalt  }
0x7d: {  	_ =	shalt  }
0x7e: {  	_ =	shalt  }
0x7f: {  	_ =	shalt  }
0x80: {  	_ =	shalt  }
0x81: {  	_ =	shalt  }
0x82: {  	_ =	shalt  }
0x83: {  	_ =	shalt  }
0x84: {  	_ =	shalt  }
0x85: {  	_ =	shalt  }
0x86: {  	_ =	shalt  }
0x87: {  	_ =	shalt  }
.Lfunc_end0:
.L_simem_size_0:
called_computation.3_lowered:
.L_overlay_start_0:
0x88: {  	s2 =	sld [smem:$0x3FD9]  }
0x89: {  	s3 =	sld [smem:$0x3FFE];
	_ =	sdelay $0x1  }
0x8a: {  	s1 =	srdreg.scid  }
0x8b: {  	s0 =	sand.u32 $0x1, s1  }
0x8c: {  	s16 =	sshll.u32 s0, $0xA;
	s2 =	sadd.s32 s3, s2  }
0x8d: {  	s2 =	sadd.s32 s2, s16  }
0x8e: {  	[smem:$0x3FBE] =	sst s2  }
0x8f: {  	_ = 	snop  }
0x90: {  	(tm) =	ssettm $0x1  }
0x91: {  	s17 =	sld [smem:$0x3FFB];
	_ =	sdelay $0x3  }
0x92: {  	_ =	strace s17  }
0x93: {  	s2 =	sld [smem:$0x3FFC];
	_ =	sdelay $0x3  }
0x94: {  	_ =	strace s2  }
0x95: {  	s2 =	sld [smem:$0x3FFD];
	_ =	sdelay $0x3  }
0x96: {  	_ =	strace s2  }
0x97: {  	_ =	strace $0x8FFFFFFF  }
0x98: {  	s18 =	sld [smem:$0x3FDB];
	_ =	sdelay $0x1  }
0x99: {  	s19 =	simm.s32 $_scs_section_size  }
0x9a: {  	s4 =	simm.s32 $_size__tile_overlayer_lowered;
	s5 =	simm.s32 $_tile_overlayer_lowered  }
0x9b: {  	s22 =	simm.s32 $0x1BFF;
	s21 =	sshll.u32 s5, $0x1;
	s2 =	sadd.s32 s19, s18  }
0x9c: {  	s6 =	simm.s32 $0x0;
	s20 =	sshll.u32 s4, $0x1;
	s4 =	sadd.s32 s21, s2  }
0x9d: {  	[timem:s6], [sflag:s22] =	dma.local [hbm:s4], s20  }
0x9e: {  	_ =	swait.ge [sflag:s22], s20  }
0x9f: {  	s3 =	ssub.s32 $0x0, s20;
	[sflag:s22] =	ssyncset.done $0x0  }
0xa0: {  	[sflag:s22] =	ssyncadd.s32 s3;
	_ =	sdelay $0x1  }
0xa1: {  	s23 =	simm.s32 $0x1B8B  }
0xa2: {  	_ =	swait.ge [sflag:s23], $0x1  }
0xa3: {  	[sflag:s23] =	ssyncset.done $0x0  }
0xa4: {  	s25 =	simm.s32 $0x1B8E;
	s24 =	sld [smem:$0x3FFE];
	[sflag:s23] =	ssyncadd.s32 $0xFFFFFFFF  }
0xa5: {  	s26 =	simm.s32 $execute0_lowered;
	[smem:$0x3FD2] =	sst s25  }
0xa6: {  	s4 =	sshll.u32 s26, $0x1;
	_ =	strace $0x8000004F;
	[dreg:$0x1] =	wrdreg $0xFFFFFFFF  }
0xa7: {  	s28 =	simm.s32 $_size_execute0_lowered;
	s2 =	sadd.s32 s2, s4;
	[dreg:$0x0] =	wrdreg $0x0  }
0xa8: {  	s4 =	sshll.u32 s28, $0x1;
	[dreg:$0x2] =	wrdreg s2  }
0xa9: {  	[dreg:$0x3] =	wrdreg s4  }
0xaa: {  	[dreg:$0x4] =	wrdreg $0xC0  }
0xab: {  	_ =	task [dreg:s6], $0x5FFFF  }
0xac: {  	[dreg:$0x1] =	wrdreg $0xFFFFFFFF  }
0xad: {  	[dreg:$0x0] =	wrdreg $0x60  }
0xae: {  	[dreg:$0x2] =	wrdreg s24  }
0xaf: {  	[dreg:$0x3] =	wrdreg $0x0  }
0xb0: {  	[dreg:$0x4] =	wrdreg $0x9  }
0xb1: {  	_ =	task.clear_ibuf [dreg:s6], $0x5FFFF;
	_ =	strace $0x9000004F  }
0xb2: {  	s29 =	simm.s32 $0x9;
	_ =	strace $0x80000051  }
0xb3: {  	_ =	swait.ge [sflag:s29], $0x1  }
0xb4: {  	[sflag:s29] =	ssyncadd.s32 $0xFFFFFFFF  }
0xb5: {  	_ =	strace $0x90000051  }
0xb6: {  	_ =	sfence  }
0xb7: {  	s30 =	sld [smem:$0x0];
	_ =	sdelay $0x2  }
0xb8: {  	s31 =	sshll.u32 s1, $0xD;
	s1 =	sshrl.u32 s1, $0x2  }
0xb9: {  	s3 =	sand.u32 $0x4000, s31;
	s1 =	sadd.s32 s1, s30  }
0xba: {  	s0 =	sor.u32 s3, s0;
	s1 =	sshll.u32 s1, $0x11  }
0xbb: {  	s0 =	sor.u32 s1, s0  }
0xbc: {  	s0 =	sadd.s32 $0x8F2B, s0  }
0xbd: {  	[sflag:s0] =	ssyncadd.remote.s32 $0x1  }
0xbe: {  	_ =	sfence.sel $0xFFFF  }
0xbf: {  	[dreg:$0x0] =	wrdreg $0xFFFFFFFF;
	(pc) =	sbr.abs _section_cstart, $3  }
0xc0: {  	[dreg:$0x1] =	wrdreg $0xFFFFFFFF  }
0xc1: {  	_ =	task.clear_ibuf [dreg:s6], $0x2FFFF;
	_ =	strace $0x9FFFFFFF  }
0xc2: {  	(tm) =	ssettm $0x7FFFFFFF  }
0xc3: {  	_ =	shalt  }
tec
execute0_lowered:
.L_overlay_start_1:
0x0: {  	(tag) =	ssettag $0x1  }
0x1: {  	s0 =	srdreg.scid;
	s1 =	rddreg [dreg:$0x0]  }
0x2: {  	s2 =	rddreg [dreg:$0x1];
	s7 =	stileid.u32  }
0x3: {  	s3 =	simm.s32 $0x0;
	s14 =	simm.s32 $0x5;
	s15 =	simm.s32 $0x14000  }
0x4: {  	s16 =	simm.s32 $0x15400;
	s17 =	simm.s32 $0x80;
	s18 =	simm.s32 $0x16800  }
0x5: {  	s19 =	simm.s32 $0x14080;
	s20 =	simm.s32 $0x1A800;
	s6 =	smul.u32 $0x14000, s7  }
0x6: {  	s21 =	simm.s32 $0x3;
	s22 =	simm.s32 $0x2;
	s24 =	smul.u32 $0x50000, s7  }
0x7: {  	s0 =	sand.u32 $0x1, s0;
	[smem:$0x7FF] =	sst s3;
	s26 =	smul.u32 $0x2800, s7  }
0x8: {  	s9 =	sadd.s32 $0x5EC00, s1;
	s10 =	sadd.s32 $0x63C00, s1;
	s4 =	smul.u32 $0xA0000, s0  }
0x9: {  	s28 =	sshll.u32 s7, $0x6;
	s5 =	smul.u32 $0x140000, s0;
	s0 =	ssub.s32 $0x2, s0  }
0xa: {  	_ =	strace $0x80000050;
	s25 =	sshrl.u32 s0, $0x1;
	s11 =	sshrl.u32 s26, $0x3  }
0xb: {  	s8 =	sadd.s32 s4, s1;
	s23 =	sadd.s32 s6, s5;
	s5 =	sshrl.u32 s24, $0x2  }
0xc: {  	s0 =	ssub.s32 s0, s25;
	s30 =	sadd.s32 s9, s11;
	s31 =	sadd.s32 s10, s11  }
0xd: {  	s11 =	sadd.s32 $0x280, s11;
	s24 =	simm.s32 $0x4;
	s25 =	simm.s32 $0x0  }
0xe: {  	s4 =	sshrl.u32 s23, $0x3;
	s13 =	sadd.s32 s5, s2;
	[dreg:$0x4] =	wrdreg s30  }
0xf: {  	s5 =	sor.u32 $0x1C05, s28;
	[dreg:$0x5] =	wrdreg s31;
	s8 =	sadd.s32 $0x68C00, s8  }
0x10: {  	s9 =	sadd.s32 s9, s11;
	s10 =	sadd.s32 s10, s11;
	s1 =	sadd.s32 s4, s1  }
0x11: {  	s12 =	smax.u32 s0, $0x1;
	s23 =	simm.s32 $0x16780;
	s29 =	sadd.s32 $0x8600, s1  }
0x12: {  	s13 =	sshrl.u32 s13, $0x3;
	s11 =	sadd.s32 $0x1A8C00, s1;
	[dreg:$0x3] =	wrdreg s29  }
.LBB2_1:
0x13: {  	s0 =	rddreg [dreg:$0x3]  }
0x14: {  	[spmem:s13], [sflag:s5] =	dma.local [hbm:s0], $0x2800  }
0x15: {  	_ =	swait.ge [sflag:s14], $0x2800  }
0x16: {  	[sflag:s14] =	ssyncset.done $0x0  }
0x17: {  	[sflag:s14] =	ssyncadd.s32 $0xFFFFD800  }
0x18: {  	[bflag:$0x0] =	sbarrier.arrive $0xFFFF  }
0x19: {  	s1 =	rddreg [dreg:$0x4]  }
0x1a: {  	[tilespmem:s15], [sflag:$0x5] =	stream.linear.gather [hbm4b:s1+s3], $0x1400, $0x38;
	[tilespmem:$0x1E800] =	vst v63  }
0x1b: {  	_ =	swait.ge [sflag:s14], $0x1400  }
0x1c: {  	[sflag:s14] =	ssyncset.done $0x0  }
0x1d: {  	s4 =	rddreg [dreg:$0x5];
	[sflag:s14] =	ssyncadd.s32 $0xFFFFEC00  }
0x1e: {  	[tilespmem:s16], [sflag:$0x5] =	stream.linear.gather [hbm4b:s4+s3], $0x1400, $0x38;
	[tilespmem:$0x1E800] =	vst v63  }
0x1f: {  	_ =	swait.ge [sflag:s14], $0x1400  }
0x20: {  	[sflag:s14] =	ssyncset.done $0x0  }
0x21: {  	[sflag:s14] =	ssyncadd.s32 $0xFFFFEC00  }
0x22: {  	[tilespmem:s18], [sflag:$0x1] =	stream.indirect.gather [hbm4b:s8+s17], $0x80, s15, s17, $0xb8;
	[tilespmem:$0x1E800] =	vst v63  }
0x23: {  	s6 =	simm.s32 $0x1  }
0x24: {  	[tilespmem:s20], [sflag:$0x2] =	stream.indirect.gather [hbm4b:s8+s17], $0x80, s19, s17, $0xb8;
	[tilespmem:$0x1E800] =	vst v63  }
0x25: {  	s0 =	sand.u32 $0x1, s6;
	_ =	swait.ge [sflag:s6], $0x4000  }
0x26: {  	p0 =	seq.s32 s0, $0x1;
	[sflag:s6] =	ssyncset.done $0x0  }
0x27: {  	s0 =	simm.s32 @p0 $0x3;
	[sflag:s6] =	ssyncadd.s32 $0xFFFFC000  }
0x28: {  	[spmem:s2] =	stream.indirect.scatter.add.f32 [tilespmem:s18], [sflag:$0x3], $0x80, s16, s17, $0xb8;
	[tilespmem:$0x1E800] =	vst v63  }
0x29: {  	s26 =	simm.s32 @p0 $0x2;
	_ =	swait.ge @p0 [sflag:s0], $0x4000  }
0x2a: {  	s1 =	simm.s32 $0x14100;
	[sflag:s0] =	ssyncset.done @p0 $0x0;
	p0 =	por p0, p0  }
0x2b: {  	[sflag:s0] =	ssyncadd.s32 @p0 $0xFFFFC000;
	s0 =	simm.s32 @p0 $0x80;
	s28 =	simm.s32 @p0 $0x16800  }
0x2c: {  	[tilespmem:s28], [sflag:$0x1] =	stream.indirect.gather @p0 [hbm4b:s8+s0], $0x80, s1, s0, $0xb8;
	[tilespmem:$0x1E800] =	vst v63  }
0x2d: {  	_ =	swait.ge @p0 [sflag:s26], $0x4000  }
0x2e: {  	s29 =	simm.s32 $0x15480;
	[sflag:s26] =	ssyncset.done @p0 $0x0  }
0x2f: {  	s28 =	simm.s32 @!p0 $0x4;
	[sflag:s26] =	ssyncadd.s32 @p0 $0xFFFFC000;
	s26 =	simm.s32 @p0 $0x1A800  }
0x30: {  	[spmem:s2] =	stream.indirect.scatter.add.f32 @p0 [tilespmem:s26], [sflag:$0x4], $0x80, s29, s0, $0xb8;
	[tilespmem:$0x1E800] =	vst v63  }
0x31: {  	s30 =	simm.s32 $0x3;
	s4 =	simm.s32 $0x2;
	_ =	swait.ge @!p0 [sflag:s28], $0x4000  }
0x32: {  	s7 =	sand.u32 $0x1, s4;
	s31 =	simm.s32 @!p0 $0x80;
	[sflag:s28] =	ssyncset.done @!p0 $0x0  }
0x33: {  	s0 =	simm.s32 @!p0 $0x1;
	[sflag:s28] =	ssyncadd.s32 @!p0 $0xFFFFC000;
	s28 =	simm.s32 @!p0 $0x1A800  }
0x34: {  	[tilespmem:s28], [sflag:$0x2] =	stream.indirect.gather @!p0 [hbm4b:s8+s31], $0x80, s1, s31, $0xb8;
	[tilespmem:$0x1E800] =	vst v63  }
0x35: {  	p2 =	seq.s32 s7, $0x1;
	s26 =	simm.s32 $0x14180;
	_ =	swait.ge @!p0 [sflag:s0], $0x4000  }
0x36: {  	s28 =	simm.s32 $0x15500;
	s1 =	simm.s32 @!p0 $0x16800;
	[sflag:s0] =	ssyncset.done @!p0 $0x0  }
.LBB2_2:
0x37: {  	s4 =	simm.s32 @p2 $0x3;
	[sflag:s0] =	ssyncadd.s32 @!p0 $0xFFFFC000  }
0x38: {  	s6 =	smov.u32 s30;
	s30 =	sadd.s32 $0x1, s30;
	s7 =	smov.u32 s26  }
0x39: {  	[spmem:s2] =	stream.indirect.scatter.add.f32 @!p0 [tilespmem:s1], [sflag:$0x3], $0x80, s29, s31, $0xb8;
	[tilespmem:$0x1E800] =	vst v63  }
0x3a: {  	p1 =	sne.s32 s30, $0x27;
	s29 =	smov.u32 s28;
	_ =	swait.ge @p2 [sflag:s4], $0x4000  }
0x3b: {  	s0 =	simm.s32 @p2 $0x2;
	p0 =	por p2, p2;
	[sflag:s4] =	ssyncset.done @p2 $0x0  }
0x3c: {  	s1 =	simm.s32 @p0 $0x80;
	[sflag:s4] =	ssyncadd.s32 @p0 $0xFFFFC000;
	s4 =	simm.s32 @p0 $0x16800  }
0x3d: {  	[tilespmem:s4], [sflag:$0x1] =	stream.indirect.gather @p0 [hbm4b:s8+s1], $0x80, s26, s1, $0xb8;
	[tilespmem:$0x1E800] =	vst v63  }
0x3e: {  	_ =	swait.ge @p0 [sflag:s0], $0x4000  }
0x3f: {  	[sflag:s0] =	ssyncset.done @p0 $0x0  }
0x40: {  	s4 =	simm.s32 @!p0 $0x4;
	[sflag:s0] =	ssyncadd.s32 @p0 $0xFFFFC000;
	s0 =	simm.s32 @p0 $0x1A800  }
0x41: {  	[spmem:s2] =	stream.indirect.scatter.add.f32 @p0 [tilespmem:s0], [sflag:$0x4], $0x80, s28, s1, $0xb8;
	[tilespmem:$0x1E800] =	vst v63  }
0x42: {  	s26 =	sadd.s32 $0x80, s26;
	_ =	swait.ge @!p0 [sflag:s4], $0x4000  }
.Ltmp0:
0x43: {  	s0 =	simm.s32 @!p0 $0x1;
	[sflag:s4] =	ssyncset.done @!p0 $0x0;
	(pc) =	sbr.rel @p1 .LBB2_2-.Ltmp0, $4  }
0x44: {  	s31 =	simm.s32 @!p0 $0x80;
	s1 =	simm.s32 @!p0 $0x1A800;
	[sflag:s4] =	ssyncadd.s32 @!p0 $0xFFFFC000  }
0x45: {  	[tilespmem:s1], [sflag:$0x2] =	stream.indirect.gather @!p0 [hbm4b:s8+s31], $0x80, s7, s31, $0xb8;
	[tilespmem:$0x1E800] =	vst v63  }
0x46: {  	s28 =	sadd.s32 $0x80, s28;
	s1 =	sand.u32 $0x1, s6;
	_ =	swait.ge @!p0 [sflag:s0], $0x4000  }
0x47: {  	p2 =	seq.s32 s1, $0x1;
	s1 =	simm.s32 @!p0 $0x16800;
	[sflag:s0] =	ssyncset.done @!p0 $0x0  }
0x48: {  	s4 =	simm.s32 @p2 $0x3;
	[sflag:s0] =	ssyncadd.s32 @!p0 $0xFFFFC000  }
0x49: {  	[spmem:s2] =	stream.indirect.scatter.add.f32 @!p0 [tilespmem:s1], [sflag:$0x3], $0x80, s29, s31, $0xb8;
	[tilespmem:$0x1E800] =	vst v63  }
0x4a: {  	_ =	swait.ge @p2 [sflag:s4], $0x4000  }
0x4b: {  	s0 =	simm.s32 @p2 $0x2;
	p0 =	por p2, p2;
	[sflag:s4] =	ssyncset.done @p2 $0x0  }
0x4c: {  	s1 =	simm.s32 @p0 $0x80;
	[sflag:s4] =	ssyncadd.s32 @p0 $0xFFFFC000;
	s4 =	simm.s32 @p0 $0x16800  }
0x4d: {  	[tilespmem:s4], [sflag:$0x1] =	stream.indirect.gather @p0 [hbm4b:s8+s1], $0x80, s26, s1, $0xb8;
	[tilespmem:$0x1E800] =	vst v63  }
0x4e: {  	_ =	swait.ge @p0 [sflag:s0], $0x4000  }
0x4f: {  	[sflag:s0] =	ssyncset.done @p0 $0x0  }
0x50: {  	s4 =	simm.s32 @!p0 $0x4;
	[sflag:s0] =	ssyncadd.s32 @p0 $0xFFFFC000;
	s0 =	simm.s32 @p0 $0x1A800  }
0x51: {  	[spmem:s2] =	stream.indirect.scatter.add.f32 @p0 [tilespmem:s0], [sflag:$0x4], $0x80, s28, s1, $0xb8;
	[tilespmem:$0x1E800] =	vst v63  }
0x52: {  	_ =	swait.ge @!p0 [sflag:s4], $0x4000  }
0x53: {  	s0 =	simm.s32 @!p0 $0x1;
	[sflag:s4] =	ssyncset.done @!p0 $0x0  }
0x54: {  	s1 =	simm.s32 @!p0 $0x80;
	[sflag:s4] =	ssyncadd.s32 @!p0 $0xFFFFC000;
	s4 =	simm.s32 @!p0 $0x1A800  }
0x55: {  	[tilespmem:s4], [sflag:$0x2] =	stream.indirect.gather @!p0 [hbm4b:s8+s1], $0x80, s26, s1, $0xb8;
	[tilespmem:$0x1E800] =	vst v63  }
0x56: {  	_ =	swait.ge @!p0 [sflag:s0], $0x4000  }
0x57: {  	[sflag:s0] =	ssyncset.done @!p0 $0x0  }
0x58: {  	s4 =	simm.s32 @!p0 $0x16800;
	[sflag:s0] =	ssyncadd.s32 @!p0 $0xFFFFC000  }
0x59: {  	[spmem:s2] =	stream.indirect.scatter.add.f32 @!p0 [tilespmem:s4], [sflag:$0x3], $0x80, s28, s1, $0xb8;
	[tilespmem:$0x1E800] =	vst v63  }
0x5a: {  	_ =	swait.ge [sflag:s21], $0x4000  }
0x5b: {  	[sflag:s21] =	ssyncset.done $0x0  }
0x5c: {  	[sflag:s21] =	ssyncadd.s32 $0xFFFFC000  }
0x5d: {  	_ =	swait.ge [sflag:s22], $0x4000  }
0x5e: {  	[sflag:s22] =	ssyncset.done $0x0  }
0x5f: {  	[sflag:s22] =	ssyncadd.s32 $0xFFFFC000  }
0x60: {  	[spmem:s2] =	stream.indirect.scatter.add.f32 [tilespmem:s20], [sflag:$0x4], $0x80, s23, s17, $0xb8;
	[tilespmem:$0x1E800] =	vst v63  }
0x61: {  	_ =	swait.ge [sflag:s24], $0x4000  }
0x62: {  	[sflag:s24] =	ssyncset.done $0x0  }
0x63: {  	[sflag:s24] =	ssyncadd.s32 $0xFFFFC000  }
0x64: {  	[tilespmem:s15], [sflag:$0x5] =	stream.linear.gather [hbm4b:s9+s3], $0x1400, $0x38;
	[tilespmem:$0x1E800] =	vst v63  }
0x65: {  	_ =	swait.ge [sflag:s14], $0x1400  }
0x66: {  	[sflag:s14] =	ssyncset.done $0x0  }
0x67: {  	[sflag:s14] =	ssyncadd.s32 $0xFFFFEC00  }
0x68: {  	[tilespmem:s16], [sflag:$0x5] =	stream.linear.gather [hbm4b:s10+s3], $0x1400, $0x38;
	[tilespmem:$0x1E800] =	vst v63  }
0x69: {  	_ =	swait.ge [sflag:s14], $0x1400  }
0x6a: {  	[sflag:s14] =	ssyncset.done $0x0  }
0x6b: {  	[sflag:s14] =	ssyncadd.s32 $0xFFFFEC00  }
0x6c: {  	[tilespmem:s18], [sflag:$0x1] =	stream.indirect.gather [hbm4b:s8+s17], $0x80, s15, s17, $0xb8;
	[tilespmem:$0x1E800] =	vst v63  }
0x6d: {  	s6 =	simm.s32 $0x1  }
0x6e: {  	[tilespmem:s20], [sflag:$0x2] =	stream.indirect.gather [hbm4b:s8+s17], $0x80, s19, s17, $0xb8;
	[tilespmem:$0x1E800] =	vst v63  }
0x6f: {  	s0 =	sand.u32 $0x1, s6;
	_ =	swait.ge [sflag:s6], $0x4000  }
0x70: {  	p0 =	seq.s32 s0, $0x1;
	[sflag:s6] =	ssyncset.done $0x0  }
0x71: {  	s0 =	simm.s32 @p0 $0x3;
	[sflag:s6] =	ssyncadd.s32 $0xFFFFC000  }
0x72: {  	[spmem:s2] =	stream.indirect.scatter.add.f32 [tilespmem:s18], [sflag:$0x3], $0x80, s16, s17, $0xb8;
	[tilespmem:$0x1E800] =	vst v63  }
0x73: {  	s1 =	simm.s32 $0x14100;
	_ =	swait.ge @p0 [sflag:s0], $0x4000  }
0x74: {  	s4 =	simm.s32 @p0 $0x2;
	[sflag:s0] =	ssyncset.done @p0 $0x0;
	p0 =	por p0, p0  }
0x75: {  	[sflag:s0] =	ssyncadd.s32 @p0 $0xFFFFC000;
	s0 =	simm.s32 @p0 $0x80;
	s6 =	simm.s32 @p0 $0x16800  }
0x76: {  	[tilespmem:s6], [sflag:$0x1] =	stream.indirect.gather @p0 [hbm4b:s8+s0], $0x80, s1, s0, $0xb8;
	[tilespmem:$0x1E800] =	vst v63  }
0x77: {  	_ =	swait.ge @p0 [sflag:s4], $0x4000  }
0x78: {  	s29 =	simm.s32 $0x15480;
	[sflag:s4] =	ssyncset.done @p0 $0x0  }
0x79: {  	s6 =	simm.s32 @!p0 $0x4;
	[sflag:s4] =	ssyncadd.s32 @p0 $0xFFFFC000;
	s4 =	simm.s32 @p0 $0x1A800  }
0x7a: {  	[spmem:s2] =	stream.indirect.scatter.add.f32 @p0 [tilespmem:s4], [sflag:$0x4], $0x80, s29, s0, $0xb8;
	[tilespmem:$0x1E800] =	vst v63  }
0x7b: {  	s7 =	simm.s32 $0x2;
	s30 =	simm.s32 $0x3;
	_ =	swait.ge @!p0 [sflag:s6], $0x4000  }
0x7c: {  	s7 =	sand.u32 $0x1, s7;
	s31 =	simm.s32 @!p0 $0x80;
	[sflag:s6] =	ssyncset.done @!p0 $0x0  }
0x7d: {  	s0 =	simm.s32 @!p0 $0x1;
	[sflag:s6] =	ssyncadd.s32 @!p0 $0xFFFFC000;
	s6 =	simm.s32 @!p0 $0x1A800  }
0x7e: {  	[tilespmem:s6], [sflag:$0x2] =	stream.indirect.gather @!p0 [hbm4b:s8+s31], $0x80, s1, s31, $0xb8;
	[tilespmem:$0x1E800] =	vst v63  }
0x7f: {  	p2 =	seq.s32 s7, $0x1;
	s26 =	simm.s32 $0x14180;
	_ =	swait.ge @!p0 [sflag:s0], $0x4000  }
0x80: {  	s28 =	simm.s32 $0x15500;
	s1 =	simm.s32 @!p0 $0x16800;
	[sflag:s0] =	ssyncset.done @!p0 $0x0  }
.LBB2_4:
0x81: {  	s4 =	simm.s32 @p2 $0x3;
	[sflag:s0] =	ssyncadd.s32 @!p0 $0xFFFFC000  }
0x82: {  	s6 =	smov.u32 s30;
	s30 =	sadd.s32 $0x1, s30;
	s7 =	smov.u32 s26  }
0x83: {  	[spmem:s2] =	stream.indirect.scatter.add.f32 @!p0 [tilespmem:s1], [sflag:$0x3], $0x80, s29, s31, $0xb8;
	[tilespmem:$0x1E800] =	vst v63  }
0x84: {  	p1 =	sne.s32 s30, $0x27;
	s29 =	smov.u32 s28;
	_ =	swait.ge @p2 [sflag:s4], $0x4000  }
0x85: {  	s0 =	simm.s32 @p2 $0x2;
	p0 =	por p2, p2;
	[sflag:s4] =	ssyncset.done @p2 $0x0  }
0x86: {  	s1 =	simm.s32 @p0 $0x80;
	[sflag:s4] =	ssyncadd.s32 @p0 $0xFFFFC000;
	s4 =	simm.s32 @p0 $0x16800  }
0x87: {  	[tilespmem:s4], [sflag:$0x1] =	stream.indirect.gather @p0 [hbm4b:s8+s1], $0x80, s26, s1, $0xb8;
	[tilespmem:$0x1E800] =	vst v63  }
0x88: {  	_ =	swait.ge @p0 [sflag:s0], $0x4000  }
0x89: {  	[sflag:s0] =	ssyncset.done @p0 $0x0  }
0x8a: {  	s4 =	simm.s32 @!p0 $0x4;
	[sflag:s0] =	ssyncadd.s32 @p0 $0xFFFFC000;
	s0 =	simm.s32 @p0 $0x1A800  }
0x8b: {  	[spmem:s2] =	stream.indirect.scatter.add.f32 @p0 [tilespmem:s0], [sflag:$0x4], $0x80, s28, s1, $0xb8;
	[tilespmem:$0x1E800] =	vst v63  }
0x8c: {  	s26 =	sadd.s32 $0x80, s26;
	_ =	swait.ge @!p0 [sflag:s4], $0x4000  }
.Ltmp1:
0x8d: {  	s0 =	simm.s32 @!p0 $0x1;
	[sflag:s4] =	ssyncset.done @!p0 $0x0;
	(pc) =	sbr.rel @p1 .LBB2_4-.Ltmp1, $4  }
0x8e: {  	s31 =	simm.s32 @!p0 $0x80;
	s1 =	simm.s32 @!p0 $0x1A800;
	[sflag:s4] =	ssyncadd.s32 @!p0 $0xFFFFC000  }
0x8f: {  	[tilespmem:s1], [sflag:$0x2] =	stream.indirect.gather @!p0 [hbm4b:s8+s31], $0x80, s7, s31, $0xb8;
	[tilespmem:$0x1E800] =	vst v63  }
0x90: {  	s28 =	sadd.s32 $0x80, s28;
	s1 =	sand.u32 $0x1, s6;
	_ =	swait.ge @!p0 [sflag:s0], $0x4000  }
0x91: {  	p2 =	seq.s32 s1, $0x1;
	s1 =	simm.s32 @!p0 $0x16800;
	[sflag:s0] =	ssyncset.done @!p0 $0x0  }
0x92: {  	s4 =	simm.s32 @p2 $0x3;
	[sflag:s0] =	ssyncadd.s32 @!p0 $0xFFFFC000  }
0x93: {  	[spmem:s2] =	stream.indirect.scatter.add.f32 @!p0 [tilespmem:s1], [sflag:$0x3], $0x80, s29, s31, $0xb8;
	[tilespmem:$0x1E800] =	vst v63  }
0x94: {  	_ =	swait.ge @p2 [sflag:s4], $0x4000  }
0x95: {  	s0 =	simm.s32 @p2 $0x2;
	p0 =	por p2, p2;
	[sflag:s4] =	ssyncset.done @p2 $0x0  }
0x96: {  	s1 =	simm.s32 @p0 $0x80;
	[sflag:s4] =	ssyncadd.s32 @p0 $0xFFFFC000;
	s4 =	simm.s32 @p0 $0x16800  }
0x97: {  	[tilespmem:s4], [sflag:$0x1] =	stream.indirect.gather @p0 [hbm4b:s8+s1], $0x80, s26, s1, $0xb8;
	[tilespmem:$0x1E800] =	vst v63  }
0x98: {  	_ =	swait.ge @p0 [sflag:s0], $0x4000  }
0x99: {  	[sflag:s0] =	ssyncset.done @p0 $0x0  }
0x9a: {  	s4 =	simm.s32 @!p0 $0x4;
	[sflag:s0] =	ssyncadd.s32 @p0 $0xFFFFC000;
	s0 =	simm.s32 @p0 $0x1A800  }
0x9b: {  	[spmem:s2] =	stream.indirect.scatter.add.f32 @p0 [tilespmem:s0], [sflag:$0x4], $0x80, s28, s1, $0xb8;
	[tilespmem:$0x1E800] =	vst v63  }
0x9c: {  	_ =	swait.ge @!p0 [sflag:s4], $0x4000  }
0x9d: {  	s0 =	simm.s32 @!p0 $0x1;
	[sflag:s4] =	ssyncset.done @!p0 $0x0  }
0x9e: {  	s1 =	simm.s32 @!p0 $0x80;
	[sflag:s4] =	ssyncadd.s32 @!p0 $0xFFFFC000;
	s4 =	simm.s32 @!p0 $0x1A800  }
0x9f: {  	[tilespmem:s4], [sflag:$0x2] =	stream.indirect.gather @!p0 [hbm4b:s8+s1], $0x80, s26, s1, $0xb8;
	[tilespmem:$0x1E800] =	vst v63  }
0xa0: {  	_ =	swait.ge @!p0 [sflag:s0], $0x4000  }
0xa1: {  	[sflag:s0] =	ssyncset.done @!p0 $0x0  }
0xa2: {  	s4 =	simm.s32 @!p0 $0x16800;
	[sflag:s0] =	ssyncadd.s32 @!p0 $0xFFFFC000  }
0xa3: {  	[spmem:s2] =	stream.indirect.scatter.add.f32 @!p0 [tilespmem:s4], [sflag:$0x3], $0x80, s28, s1, $0xb8;
	[tilespmem:$0x1E800] =	vst v63  }
0xa4: {  	_ =	swait.ge [sflag:s21], $0x4000  }
0xa5: {  	[sflag:s21] =	ssyncset.done $0x0  }
0xa6: {  	[sflag:s21] =	ssyncadd.s32 $0xFFFFC000  }
0xa7: {  	_ =	swait.ge [sflag:s22], $0x4000  }
0xa8: {  	[sflag:s22] =	ssyncset.done $0x0  }
0xa9: {  	[sflag:s22] =	ssyncadd.s32 $0xFFFFC000  }
0xaa: {  	[spmem:s2] =	stream.indirect.scatter.add.f32 [tilespmem:s20], [sflag:$0x4], $0x80, s23, s17, $0xb8;
	[tilespmem:$0x1E800] =	vst v63  }
0xab: {  	_ =	swait.ge [sflag:s24], $0x4000  }
0xac: {  	s25 =	sadd.s32 $0x1, s25;
	[sflag:s24] =	ssyncset.done $0x0  }
0xad: {  	p0 =	sne.s32 s25, s12;
	[sflag:s24] =	ssyncadd.s32 $0xFFFFC000  }
.Ltmp2:
0xae: {  	[bflag:$0x0] =	sbarrier.arrive $0xFFFF;
	(pc) =	sbr.rel @p0 .LBB2_1-.Ltmp2, $4  }
0xaf: {  	[hbm:s11], [sflag:s5] =	dma.local [spmem:s13], $0x2800  }
0xb0: {  	_ =	swait.ge [sflag:s14], $0x2800  }
0xb1: {  	[sflag:s14] =	ssyncset.done $0x0  }
0xb2: {  	[sflag:s14] =	ssyncadd.s32 $0xFFFFD800  }
0xb3: {  	_ =	sfence.sel $0x180000  }
0xb4: {  	[bflag:$0x0] =	sbarrier.arrive $0xFFFF  }
0xb5: {  	_ =	strace $0x90000050  }
0xb6: {  	s0 =	stileid.u32;
	[bflag:$0x2] =	sbarrier.arrive $0xFFFF  }
0xb7: {  	p0 =	sne.s32 s0, $0x0;
	s0 =	rddreg [dreg:$0x2]  }
0xb8: {  	s0 =	sadd.s32 @!p0 $0x100000, s0  }
0xb9: {  	[sflag:s0] =	ssyncadd.tile.s32 @!p0 $0x1;
	_ =	shalt  }
.Lfunc_end2:
_tile_overlayer_lowered:
.L_overlay_start_2:
0xba: {  	(tag) =	ssettag $0x2  }
0xbb: {  	s0 =	rddreg [dreg:$0x0];
	s2 =	stileid.u32  }
0xbc: {  	s1 =	rddreg [dreg:$0x1];
	p0 =	sne.s32 s2, $0x0  }
0xbd: {  	s3 =	rddreg [dreg:$0x2];
	[bflag:$0x3] =	sbarrier.arrive $0xFFFF;
	s2 =	simm.s32 @!p0 $0x1C05  }
0xbe: {  	[timem:s3], [sflag:s2] =	dma.local @!p0 [hbm:s0], s1  }
0xbf: {  	s0 =	simm.s32 @!p0 $0x5  }
0xc0: {  	_ =	swait.ge @!p0 [sflag:s0], s1  }
0xc1: {  	s1 =	ssub.s32 @!p0 $0x0, s1;
	[sflag:s0] =	ssyncset.done @!p0 $0x0  }
0xc2: {  	[sflag:s0] =	ssyncadd.s32 @!p0 s1  }
0xc3: {  	[bflag:$0x3] =	sbarrier.arrive $0xFFFF  }
0xc4: {  	_ =	shalt  }

// kernel: kernel.26.cloned.1.call-start
scs
__scs_entry_jumppad:
0x0: {  	(pc) =	sbr.rel $0x88, $3  }
0x1: {  	(tag) =	ssettag $0x0;
	lr =	simm.s32 $0x1  }
0x2: {  	[smem:$0x3F97] =	sst lr;
	_ =	strace $0xD0000000  }
0x3: {  	_ = 	snop  }
0x4: {  	_ = 	snop  }
0x5: {  	_ = 	snop  }
0x6: {  	_ = 	snop  }
0x7: {  	_ = 	snop  }
__scs_overlays_trampoline_lowered:
0x8: {  	[smem:$0x3FA6] =	sst s0  }
0x9: {  	[smem:$0x3FA7] =	sst s1  }
0xa: {  	[smem:$0x3FA8] =	sst s2  }
0xb: {  	[smem:$0x3FA9] =	sst s3  }
0xc: {  	[smem:$0x3FAA] =	sst s4  }
0xd: {  	[smem:$0x3FAB] =	sst s5  }
0xe: {  	[smem:$0x3FAC] =	sst s6  }
0xf: {  	[smem:$0x3FAD] =	sst s7  }
0x10: {  	[smem:$0x3FAE] =	sst s8  }
0x11: {  	[smem:$0x3FAF] =	sst s9;
	s0 =	simm.s32 @!p0 $0x0  }
0x12: {  	s1 =	sld [smem:$0x3F95];
	s0 =	simm.s32 @p0 $0x1  }
0x13: {  	[smem:$0x3FB0] =	sst s0;
	s0 =	simm.s32 @!p1 $0x0  }
0x14: {  	s2 =	sld [smem:$0x3F94];
	s0 =	simm.s32 @p1 $0x1  }
0x15: {  	[smem:$0x3FB1] =	sst s0;
	s0 =	simm.s32 @!p2 $0x0  }
0x16: {  	s3 =	sld [smem:$0x3FDB];
	s0 =	simm.s32 @p2 $0x1  }
0x17: {  	s4 =	simm.s32 $0x1BF5;
	[smem:$0x3FB3] =	sst s0  }
0x18: {  	s0 =	sld [smem:$0x3F96];
	_ =	swait.ge [sflag:s4], $0x0  }
0x19: {  	s7 =	sld [smem:$0x3F97]  }
0x1a: {  	s8 =	sadd.s32 $0xFFFFE003, lr  }
0x1b: {  	s9 =	sadd.s32 $0xFFFFFEF7, lr;
	s5 =	simm.s32 $0xFFFFFFFF;
	p2 =	slt.u32 s8, $0xFFFFF086  }
0x1c: {  	p1 =	slt.u32 s9, $0xF7A;
	s5 =	simm.s32 @!p2 $0x0  }
0x1d: {  	s5 =	simm.s32 @p1 $0x1;
	p0 =	seq.s32 s7, s2  }
0x1e: {  	s7 =	smul.u32 @!p0 $0xF7A, s2;
	p2 =	seq.s32 @!p0 s5, $0x0  }
0x1f: {  	s9 =	smul.u32 $0xF7A, s1;
	s8 =	simm.s32 @!p0 $0x1BF5;
	p2 =	por !p2, p0  }
0x20: {  	[sflag:s8] =	ssyncset.s32 @!p0 $0xFFFFF086;
	s6 =	sadd.s32 @!p0 s3, s7;
	s7 =	simm.s32 @!p0 $0x108  }
0x21: {  	s3 =	sadd.s32 s3, s9;
	s6 =	sadd.s32 @!p0 $0x88, s6;
	s7 =	simm.s32 @p2 $0x1082  }
0x22: {  	[simem:s7], [sflag:s8] =	dma.local @!p0 [hbm:s6], $0xF7A  }
0x23: {  	s9 =	sor.u32 $0xD0000000, s2;
	s6 =	simm.s32 $0x108;
	_ =	swait.ge @!p0 [sflag:s8], $0x0  }
0x24: {  	s3 =	sadd.s32 $0x88, s3;
	s6 =	simm.s32 @!p1 $0x1082;
	[sflag:s4] =	ssyncset.s32 $0xFFFFF086  }
0x25: {  	[simem:s6], [sflag:s4] =	dma.local [hbm:s3], $0xF7A  }
0x26: {  	[smem:$0x3F97] =	sst s1;
	(tag) =	ssettag s2;
	_ =	strace s9  }
0x27: {  	s1 =	sld [smem:$0x3FA7]  }
0x28: {  	s2 =	sld [smem:$0x3FA8]  }
0x29: {  	s4 =	sld [smem:$0x3FAA]  }
0x2a: {  	p0 =	seq.s32 s5, $0x0;
	s5 =	sld [smem:$0x3FAB]  }
0x2b: {  	s6 =	sld [smem:$0x3FAC]  }
0x2c: {  	s7 =	sld [smem:$0x3FAD]  }
0x2d: {  	s3 =	simm.s32 $0x108;
	s8 =	sld [smem:$0x3FAE]  }
0x2e: {  	s3 =	simm.s32 @!p0 $0x1082;
	s9 =	sld [smem:$0x3FAF]  }
0x2f: {  	lr =	sadd.s32 s0, s3;
	s0 =	sld [smem:$0x3FA6]  }
0x30: {  	s3 =	sld [smem:$0x3FA9]  }
0x31: {  	[smem:$0x3FB2] =	sst s10  }
0x32: {  	s10 =	sld [smem:$0x3FB0];
	_ =	sdelay $0x3  }
0x33: {  	p0 =	seq.s32 s10, $0x1;
	s10 =	sld [smem:$0x3FB2];
	_ =	sdelay $0x3  }
0x34: {  	[smem:$0x3FB2] =	sst s10  }
0x35: {  	s10 =	sld [smem:$0x3FB1];
	_ =	sdelay $0x3  }
0x36: {  	p1 =	seq.s32 s10, $0x1;
	s10 =	sld [smem:$0x3FB2];
	_ =	sdelay $0x3  }
0x37: {  	[smem:$0x3FB2] =	sst s10  }
0x38: {  	s10 =	sld [smem:$0x3FB3]  }
0x39: {  	_ = 	snop;
	(pc) =	sbr.ind lr, $3  }
0x3a: {  	_ = 	snop  }
0x3b: {  	_ = 	snop  }
0x3c: {  	p2 =	seq.s32 s10, $0x1;
	s10 =	sld [smem:$0x3FB2]  }
0x3d: {  	_ =	shalt  }
0x3e: {  	_ =	shalt  }
0x3f: {  	_ =	shalt  }
0x40: {  	_ =	shalt  }
0x41: {  	_ =	shalt  }
0x42: {  	_ =	shalt  }
0x43: {  	_ =	shalt  }
0x44: {  	_ =	shalt  }
0x45: {  	_ =	shalt  }
0x46: {  	_ =	shalt  }
0x47: {  	_ =	shalt  }
0x48: {  	_ =	shalt  }
0x49: {  	_ =	shalt  }
0x4a: {  	_ =	shalt  }
0x4b: {  	_ =	shalt  }
0x4c: {  	_ =	shalt  }
0x4d: {  	_ =	shalt  }
0x4e: {  	_ =	shalt  }
0x4f: {  	_ =	shalt  }
0x50: {  	_ =	shalt  }
0x51: {  	_ =	shalt  }
0x52: {  	_ =	shalt  }
0x53: {  	_ =	shalt  }
0x54: {  	_ =	shalt  }
0x55: {  	_ =	shalt  }
0x56: {  	_ =	shalt  }
0x57: {  	_ =	shalt  }
0x58: {  	_ =	shalt  }
0x59: {  	_ =	shalt  }
0x5a: {  	_ =	shalt  }
0x5b: {  	_ =	shalt  }
0x5c: {  	_ =	shalt  }
0x5d: {  	_ =	shalt  }
0x5e: {  	_ =	shalt  }
0x5f: {  	_ =	shalt  }
0x60: {  	_ =	shalt  }
0x61: {  	_ =	shalt  }
0x62: {  	_ =	shalt  }
0x63: {  	_ =	shalt  }
0x64: {  	_ =	shalt  }
0x65: {  	_ =	shalt  }
0x66: {  	_ =	shalt  }
0x67: {  	_ =	shalt  }
0x68: {  	_ =	shalt  }
0x69: {  	_ =	shalt  }
0x6a: {  	_ =	shalt  }
0x6b: {  	_ =	shalt  }
0x6c: {  	_ =	shalt  }
0x6d: {  	_ =	shalt  }
0x6e: {  	_ =	shalt  }
0x6f: {  	_ =	shalt  }
0x70: {  	_ =	shalt  }
0x71: {  	_ =	shalt  }
0x72: {  	_ =	shalt  }
0x73: {  	_ =	shalt  }
0x74: {  	_ =	shalt  }
0x75: {  	_ =	shalt  }
0x76: {  	_ =	shalt  }
0x77: {  	_ =	shalt  }
0x78: {  	_ =	shalt  }
0x79: {  	_ =	shalt  }
0x7a: {  	_ =	shalt  }
0x7b: {  	_ =	shalt  }
0x7c: {  	_ =	shalt  }
0x7d: {  	_ =	shalt  }
0x7e: {  	_ =	shalt  }
0x7f: {  	_ =	shalt  }
0x80: {  	_ =	shalt  }
0x81: {  	_ =	shalt  }
0x82: {  	_ =	shalt  }
0x83: {  	_ =	shalt  }
0x84: {  	_ =	shalt  }
0x85: {  	_ =	shalt  }
0x86: {  	_ =	shalt  }
0x87: {  	_ =	shalt  }
.Lfunc_end0:
.L_simem_size_0:
called_computation.4_lowered:
.L_overlay_start_0:
0x88: {  	s2 =	sld [smem:$0x3FD9]  }
0x89: {  	s3 =	sld [smem:$0x3FFE];
	_ =	sdelay $0x1  }
0x8a: {  	s1 =	srdreg.scid  }
0x8b: {  	s0 =	sand.u32 $0x1, s1  }
0x8c: {  	s16 =	sshll.u32 s0, $0xA;
	s2 =	sadd.s32 s3, s2  }
0x8d: {  	s2 =	sadd.s32 s2, s16  }
0x8e: {  	[smem:$0x3FBE] =	sst s2  }
0x8f: {  	_ = 	snop  }
0x90: {  	(tm) =	ssettm $0x1  }
0x91: {  	s17 =	sld [smem:$0x3FFB];
	_ =	sdelay $0x3  }
0x92: {  	_ =	strace s17  }
0x93: {  	s2 =	sld [smem:$0x3FFC];
	_ =	sdelay $0x3  }
0x94: {  	_ =	strace s2  }
0x95: {  	s2 =	sld [smem:$0x3FFD];
	_ =	sdelay $0x3  }
0x96: {  	_ =	strace s2  }
0x97: {  	_ =	strace $0x8FFFFFFF  }
0x98: {  	s18 =	sld [smem:$0x3FDB];
	_ =	sdelay $0x1  }
0x99: {  	s19 =	simm.s32 $_scs_section_size  }
0x9a: {  	s4 =	simm.s32 $_size__tile_overlayer_lowered;
	s5 =	simm.s32 $_tile_overlayer_lowered  }
0x9b: {  	s22 =	simm.s32 $0x1BFF;
	s21 =	sshll.u32 s5, $0x1;
	s2 =	sadd.s32 s19, s18  }
0x9c: {  	s6 =	simm.s32 $0x0;
	s20 =	sshll.u32 s4, $0x1;
	s4 =	sadd.s32 s21, s2  }
0x9d: {  	[timem:s6], [sflag:s22] =	dma.local [hbm:s4], s20  }
0x9e: {  	_ =	swait.ge [sflag:s22], s20  }
0x9f: {  	s3 =	ssub.s32 $0x0, s20;
	[sflag:s22] =	ssyncset.done $0x0  }
0xa0: {  	[sflag:s22] =	ssyncadd.s32 s3;
	_ =	sdelay $0x1  }
0xa1: {  	s23 =	simm.s32 $0x1B8B  }
0xa2: {  	_ =	swait.ge [sflag:s23], $0x1  }
0xa3: {  	[sflag:s23] =	ssyncset.done $0x0  }
0xa4: {  	s25 =	simm.s32 $0x1B8E;
	s24 =	sld [smem:$0x3FFE];
	[sflag:s23] =	ssyncadd.s32 $0xFFFFFFFF  }
0xa5: {  	s26 =	simm.s32 $execute0_lowered;
	[smem:$0x3FD2] =	sst s25  }
0xa6: {  	s4 =	sshll.u32 s26, $0x1;
	_ =	strace $0x80000052;
	[dreg:$0x1] =	wrdreg $0xFFFFFFFF  }
0xa7: {  	s28 =	simm.s32 $_size_execute0_lowered;
	s2 =	sadd.s32 s2, s4;
	[dreg:$0x0] =	wrdreg $0x0  }
0xa8: {  	s4 =	sshll.u32 s28, $0x1;
	[dreg:$0x2] =	wrdreg s2  }
0xa9: {  	[dreg:$0x3] =	wrdreg s4  }
0xaa: {  	[dreg:$0x4] =	wrdreg $0xC0  }
0xab: {  	_ =	task [dreg:s6], $0x5FFFF  }
0xac: {  	[dreg:$0x1] =	wrdreg $0xFFFFFFFF  }
0xad: {  	[dreg:$0x0] =	wrdreg $0x60  }
0xae: {  	[dreg:$0x2] =	wrdreg s24  }
0xaf: {  	[dreg:$0x3] =	wrdreg $0x0  }
0xb0: {  	[dreg:$0x4] =	wrdreg $0x9  }
0xb1: {  	_ =	task.clear_ibuf [dreg:s6], $0x5FFFF;
	_ =	strace $0x90000052  }
0xb2: {  	s29 =	simm.s32 $0x9;
	_ =	strace $0x80000054  }
0xb3: {  	_ =	swait.ge [sflag:s29], $0x1  }
0xb4: {  	[sflag:s29] =	ssyncadd.s32 $0xFFFFFFFF  }
0xb5: {  	_ =	strace $0x90000054  }
0xb6: {  	_ =	sfence  }
0xb7: {  	s30 =	sld [smem:$0x0];
	_ =	sdelay $0x2  }
0xb8: {  	s31 =	sshll.u32 s1, $0xD;
	s1 =	sshrl.u32 s1, $0x2  }
0xb9: {  	s3 =	sand.u32 $0x4000, s31;
	s1 =	sadd.s32 s1, s30  }
0xba: {  	s0 =	sor.u32 s3, s0;
	s1 =	sshll.u32 s1, $0x11  }
0xbb: {  	s0 =	sor.u32 s1, s0  }
0xbc: {  	s0 =	sadd.s32 $0x8F2B, s0  }
0xbd: {  	[sflag:s0] =	ssyncadd.remote.s32 $0x1  }
0xbe: {  	_ =	sfence.sel $0xFFFF  }
0xbf: {  	[dreg:$0x0] =	wrdreg $0xFFFFFFFF;
	(pc) =	sbr.abs _section_cstart, $3  }
0xc0: {  	[dreg:$0x1] =	wrdreg $0xFFFFFFFF  }
0xc1: {  	_ =	task.clear_ibuf [dreg:s6], $0x2FFFF;
	_ =	strace $0x9FFFFFFF  }
0xc2: {  	(tm) =	ssettm $0x7FFFFFFF  }
0xc3: {  	_ =	shalt  }
tec
execute0_lowered:
.L_overlay_start_1:
0x0: {  	(tag) =	ssettag $0x1  }
0x1: {  	s0 =	srdreg.scid;
	s1 =	rddreg [dreg:$0x0]  }
0x2: {  	s2 =	rddreg [dreg:$0x1];
	s7 =	stileid.u32  }
0x3: {  	s3 =	simm.s32 $0x0;
	s14 =	simm.s32 $0x5;
	s15 =	simm.s32 $0x14000  }
0x4: {  	s16 =	simm.s32 $0x15400;
	s17 =	simm.s32 $0x80;
	s18 =	simm.s32 $0x16800  }
0x5: {  	s19 =	simm.s32 $0x14080;
	s20 =	simm.s32 $0x1A800;
	s6 =	smul.u32 $0x14000, s7  }
0x6: {  	s21 =	simm.s32 $0x3;
	s22 =	simm.s32 $0x2;
	s24 =	smul.u32 $0x50000, s7  }
0x7: {  	s0 =	sand.u32 $0x1, s0;
	[smem:$0x7FF] =	sst s3;
	s26 =	smul.u32 $0x2800, s7  }
0x8: {  	s9 =	sadd.s32 $0x5EC00, s1;
	s10 =	sadd.s32 $0x63C00, s1;
	s4 =	smul.u32 $0xA0000, s0  }
0x9: {  	s28 =	sshll.u32 s7, $0x6;
	s5 =	smul.u32 $0x140000, s0;
	s0 =	ssub.s32 $0x2, s0  }
0xa: {  	_ =	strace $0x80000053;
	s25 =	sshrl.u32 s0, $0x1;
	s11 =	sshrl.u32 s26, $0x3  }
0xb: {  	s8 =	sadd.s32 s4, s1;
	s23 =	sadd.s32 s6, s5;
	s5 =	sshrl.u32 s24, $0x2  }
0xc: {  	s0 =	ssub.s32 s0, s25;
	s30 =	sadd.s32 s9, s11;
	s31 =	sadd.s32 s10, s11  }
0xd: {  	s11 =	sadd.s32 $0x280, s11;
	s24 =	simm.s32 $0x4;
	s25 =	simm.s32 $0x0  }
0xe: {  	s4 =	sshrl.u32 s23, $0x3;
	s13 =	sadd.s32 s5, s2;
	[dreg:$0x4] =	wrdreg s30  }
0xf: {  	s5 =	sor.u32 $0x1C05, s28;
	[dreg:$0x5] =	wrdreg s31;
	s8 =	sadd.s32 $0x68C00, s8  }
0x10: {  	s9 =	sadd.s32 s9, s11;
	s10 =	sadd.s32 s10, s11;
	s1 =	sadd.s32 s4, s1  }
0x11: {  	s12 =	smax.u32 s0, $0x1;
	s23 =	simm.s32 $0x16780;
	s29 =	sadd.s32 $0x8600, s1  }
0x12: {  	s13 =	sshrl.u32 s13, $0x3;
	s11 =	sadd.s32 $0x1A8C00, s1;
	[dreg:$0x3] =	wrdreg s29  }
.LBB2_1:
0x13: {  	s0 =	rddreg [dreg:$0x3]  }
0x14: {  	[spmem:s13], [sflag:s5] =	dma.local [hbm:s0], $0x2800  }
0x15: {  	_ =	swait.ge [sflag:s14], $0x2800  }
0x16: {  	[sflag:s14] =	ssyncset.done $0x0  }
0x17: {  	[sflag:s14] =	ssyncadd.s32 $0xFFFFD800  }
0x18: {  	[bflag:$0x0] =	sbarrier.arrive $0xFFFF  }
0x19: {  	s1 =	rddreg [dreg:$0x4]  }
0x1a: {  	[tilespmem:s15], [sflag:$0x5] =	stream.linear.gather [hbm4b:s1+s3], $0x1400, $0x38;
	[tilespmem:$0x1E800] =	vst v63  }
0x1b: {  	_ =	swait.ge [sflag:s14], $0x1400  }
0x1c: {  	[sflag:s14] =	ssyncset.done $0x0  }
0x1d: {  	s4 =	rddreg [dreg:$0x5];
	[sflag:s14] =	ssyncadd.s32 $0xFFFFEC00  }
0x1e: {  	[tilespmem:s16], [sflag:$0x5] =	stream.linear.gather [hbm4b:s4+s3], $0x1400, $0x38;
	[tilespmem:$0x1E800] =	vst v63  }
0x1f: {  	_ =	swait.ge [sflag:s14], $0x1400  }
0x20: {  	[sflag:s14] =	ssyncset.done $0x0  }
0x21: {  	[sflag:s14] =	ssyncadd.s32 $0xFFFFEC00  }
0x22: {  	[tilespmem:s18], [sflag:$0x1] =	stream.indirect.gather [hbm4b:s8+s17], $0x80, s15, s17, $0xb8;
	[tilespmem:$0x1E800] =	vst v63  }
0x23: {  	s6 =	simm.s32 $0x1  }
0x24: {  	[tilespmem:s20], [sflag:$0x2] =	stream.indirect.gather [hbm4b:s8+s17], $0x80, s19, s17, $0xb8;
	[tilespmem:$0x1E800] =	vst v63  }
0x25: {  	s0 =	sand.u32 $0x1, s6;
	_ =	swait.ge [sflag:s6], $0x4000  }
0x26: {  	p0 =	seq.s32 s0, $0x1;
	[sflag:s6] =	ssyncset.done $0x0  }
0x27: {  	s0 =	simm.s32 @p0 $0x3;
	[sflag:s6] =	ssyncadd.s32 $0xFFFFC000  }
0x28: {  	[spmem:s2] =	stream.indirect.scatter.add.f32 [tilespmem:s18], [sflag:$0x3], $0x80, s16, s17, $0xb8;
	[tilespmem:$0x1E800] =	vst v63  }
0x29: {  	s26 =	simm.s32 @p0 $0x2;
	_ =	swait.ge @p0 [sflag:s0], $0x4000  }
0x2a: {  	s1 =	simm.s32 $0x14100;
	[sflag:s0] =	ssyncset.done @p0 $0x0;
	p0 =	por p0, p0  }
0x2b: {  	[sflag:s0] =	ssyncadd.s32 @p0 $0xFFFFC000;
	s0 =	simm.s32 @p0 $0x80;
	s28 =	simm.s32 @p0 $0x16800  }
0x2c: {  	[tilespmem:s28], [sflag:$0x1] =	stream.indirect.gather @p0 [hbm4b:s8+s0], $0x80, s1, s0, $0xb8;
	[tilespmem:$0x1E800] =	vst v63  }
0x2d: {  	_ =	swait.ge @p0 [sflag:s26], $0x4000  }
0x2e: {  	s29 =	simm.s32 $0x15480;
	[sflag:s26] =	ssyncset.done @p0 $0x0  }
0x2f: {  	s28 =	simm.s32 @!p0 $0x4;
	[sflag:s26] =	ssyncadd.s32 @p0 $0xFFFFC000;
	s26 =	simm.s32 @p0 $0x1A800  }
0x30: {  	[spmem:s2] =	stream.indirect.scatter.add.f32 @p0 [tilespmem:s26], [sflag:$0x4], $0x80, s29, s0, $0xb8;
	[tilespmem:$0x1E800] =	vst v63  }
0x31: {  	s30 =	simm.s32 $0x3;
	s4 =	simm.s32 $0x2;
	_ =	swait.ge @!p0 [sflag:s28], $0x4000  }
0x32: {  	s7 =	sand.u32 $0x1, s4;
	s31 =	simm.s32 @!p0 $0x80;
	[sflag:s28] =	ssyncset.done @!p0 $0x0  }
0x33: {  	s0 =	simm.s32 @!p0 $0x1;
	[sflag:s28] =	ssyncadd.s32 @!p0 $0xFFFFC000;
	s28 =	simm.s32 @!p0 $0x1A800  }
0x34: {  	[tilespmem:s28], [sflag:$0x2] =	stream.indirect.gather @!p0 [hbm4b:s8+s31], $0x80, s1, s31, $0xb8;
	[tilespmem:$0x1E800] =	vst v63  }
0x35: {  	p2 =	seq.s32 s7, $0x1;
	s26 =	simm.s32 $0x14180;
	_ =	swait.ge @!p0 [sflag:s0], $0x4000  }
0x36: {  	s28 =	simm.s32 $0x15500;
	s1 =	simm.s32 @!p0 $0x16800;
	[sflag:s0] =	ssyncset.done @!p0 $0x0  }
.LBB2_2:
0x37: {  	s4 =	simm.s32 @p2 $0x3;
	[sflag:s0] =	ssyncadd.s32 @!p0 $0xFFFFC000  }
0x38: {  	s6 =	smov.u32 s30;
	s30 =	sadd.s32 $0x1, s30;
	s7 =	smov.u32 s26  }
0x39: {  	[spmem:s2] =	stream.indirect.scatter.add.f32 @!p0 [tilespmem:s1], [sflag:$0x3], $0x80, s29, s31, $0xb8;
	[tilespmem:$0x1E800] =	vst v63  }
0x3a: {  	p1 =	sne.s32 s30, $0x27;
	s29 =	smov.u32 s28;
	_ =	swait.ge @p2 [sflag:s4], $0x4000  }
0x3b: {  	s0 =	simm.s32 @p2 $0x2;
	p0 =	por p2, p2;
	[sflag:s4] =	ssyncset.done @p2 $0x0  }
0x3c: {  	s1 =	simm.s32 @p0 $0x80;
	[sflag:s4] =	ssyncadd.s32 @p0 $0xFFFFC000;
	s4 =	simm.s32 @p0 $0x16800  }
0x3d: {  	[tilespmem:s4], [sflag:$0x1] =	stream.indirect.gather @p0 [hbm4b:s8+s1], $0x80, s26, s1, $0xb8;
	[tilespmem:$0x1E800] =	vst v63  }
0x3e: {  	_ =	swait.ge @p0 [sflag:s0], $0x4000  }
0x3f: {  	[sflag:s0] =	ssyncset.done @p0 $0x0  }
0x40: {  	s4 =	simm.s32 @!p0 $0x4;
	[sflag:s0] =	ssyncadd.s32 @p0 $0xFFFFC000;
	s0 =	simm.s32 @p0 $0x1A800  }
0x41: {  	[spmem:s2] =	stream.indirect.scatter.add.f32 @p0 [tilespmem:s0], [sflag:$0x4], $0x80, s28, s1, $0xb8;
	[tilespmem:$0x1E800] =	vst v63  }
0x42: {  	s26 =	sadd.s32 $0x80, s26;
	_ =	swait.ge @!p0 [sflag:s4], $0x4000  }
.Ltmp0:
0x43: {  	s0 =	simm.s32 @!p0 $0x1;
	[sflag:s4] =	ssyncset.done @!p0 $0x0;
	(pc) =	sbr.rel @p1 .LBB2_2-.Ltmp0, $4  }
0x44: {  	s31 =	simm.s32 @!p0 $0x80;
	s1 =	simm.s32 @!p0 $0x1A800;
	[sflag:s4] =	ssyncadd.s32 @!p0 $0xFFFFC000  }
0x45: {  	[tilespmem:s1], [sflag:$0x2] =	stream.indirect.gather @!p0 [hbm4b:s8+s31], $0x80, s7, s31, $0xb8;
	[tilespmem:$0x1E800] =	vst v63  }
0x46: {  	s28 =	sadd.s32 $0x80, s28;
	s1 =	sand.u32 $0x1, s6;
	_ =	swait.ge @!p0 [sflag:s0], $0x4000  }
0x47: {  	p2 =	seq.s32 s1, $0x1;
	s1 =	simm.s32 @!p0 $0x16800;
	[sflag:s0] =	ssyncset.done @!p0 $0x0  }
0x48: {  	s4 =	simm.s32 @p2 $0x3;
	[sflag:s0] =	ssyncadd.s32 @!p0 $0xFFFFC000  }
0x49: {  	[spmem:s2] =	stream.indirect.scatter.add.f32 @!p0 [tilespmem:s1], [sflag:$0x3], $0x80, s29, s31, $0xb8;
	[tilespmem:$0x1E800] =	vst v63  }
0x4a: {  	_ =	swait.ge @p2 [sflag:s4], $0x4000  }
0x4b: {  	s0 =	simm.s32 @p2 $0x2;
	p0 =	por p2, p2;
	[sflag:s4] =	ssyncset.done @p2 $0x0  }
0x4c: {  	s1 =	simm.s32 @p0 $0x80;
	[sflag:s4] =	ssyncadd.s32 @p0 $0xFFFFC000;
	s4 =	simm.s32 @p0 $0x16800  }
0x4d: {  	[tilespmem:s4], [sflag:$0x1] =	stream.indirect.gather @p0 [hbm4b:s8+s1], $0x80, s26, s1, $0xb8;
	[tilespmem:$0x1E800] =	vst v63  }
0x4e: {  	_ =	swait.ge @p0 [sflag:s0], $0x4000  }
0x4f: {  	[sflag:s0] =	ssyncset.done @p0 $0x0  }
0x50: {  	s4 =	simm.s32 @!p0 $0x4;
	[sflag:s0] =	ssyncadd.s32 @p0 $0xFFFFC000;
	s0 =	simm.s32 @p0 $0x1A800  }
0x51: {  	[spmem:s2] =	stream.indirect.scatter.add.f32 @p0 [tilespmem:s0], [sflag:$0x4], $0x80, s28, s1, $0xb8;
	[tilespmem:$0x1E800] =	vst v63  }
0x52: {  	_ =	swait.ge @!p0 [sflag:s4], $0x4000  }
0x53: {  	s0 =	simm.s32 @!p0 $0x1;
	[sflag:s4] =	ssyncset.done @!p0 $0x0  }
0x54: {  	s1 =	simm.s32 @!p0 $0x80;
	[sflag:s4] =	ssyncadd.s32 @!p0 $0xFFFFC000;
	s4 =	simm.s32 @!p0 $0x1A800  }
0x55: {  	[tilespmem:s4], [sflag:$0x2] =	stream.indirect.gather @!p0 [hbm4b:s8+s1], $0x80, s26, s1, $0xb8;
	[tilespmem:$0x1E800] =	vst v63  }
0x56: {  	_ =	swait.ge @!p0 [sflag:s0], $0x4000  }
0x57: {  	[sflag:s0] =	ssyncset.done @!p0 $0x0  }
0x58: {  	s4 =	simm.s32 @!p0 $0x16800;
	[sflag:s0] =	ssyncadd.s32 @!p0 $0xFFFFC000  }
0x59: {  	[spmem:s2] =	stream.indirect.scatter.add.f32 @!p0 [tilespmem:s4], [sflag:$0x3], $0x80, s28, s1, $0xb8;
	[tilespmem:$0x1E800] =	vst v63  }
0x5a: {  	_ =	swait.ge [sflag:s21], $0x4000  }
0x5b: {  	[sflag:s21] =	ssyncset.done $0x0  }
0x5c: {  	[sflag:s21] =	ssyncadd.s32 $0xFFFFC000  }
0x5d: {  	_ =	swait.ge [sflag:s22], $0x4000  }
0x5e: {  	[sflag:s22] =	ssyncset.done $0x0  }
0x5f: {  	[sflag:s22] =	ssyncadd.s32 $0xFFFFC000  }
0x60: {  	[spmem:s2] =	stream.indirect.scatter.add.f32 [tilespmem:s20], [sflag:$0x4], $0x80, s23, s17, $0xb8;
	[tilespmem:$0x1E800] =	vst v63  }
0x61: {  	_ =	swait.ge [sflag:s24], $0x4000  }
0x62: {  	[sflag:s24] =	ssyncset.done $0x0  }
0x63: {  	[sflag:s24] =	ssyncadd.s32 $0xFFFFC000  }
0x64: {  	[tilespmem:s15], [sflag:$0x5] =	stream.linear.gather [hbm4b:s9+s3], $0x1400, $0x38;
	[tilespmem:$0x1E800] =	vst v63  }
0x65: {  	_ =	swait.ge [sflag:s14], $0x1400  }
0x66: {  	[sflag:s14] =	ssyncset.done $0x0  }
0x67: {  	[sflag:s14] =	ssyncadd.s32 $0xFFFFEC00  }
0x68: {  	[tilespmem:s16], [sflag:$0x5] =	stream.linear.gather [hbm4b:s10+s3], $0x1400, $0x38;
	[tilespmem:$0x1E800] =	vst v63  }
0x69: {  	_ =	swait.ge [sflag:s14], $0x1400  }
0x6a: {  	[sflag:s14] =	ssyncset.done $0x0  }
0x6b: {  	[sflag:s14] =	ssyncadd.s32 $0xFFFFEC00  }
0x6c: {  	[tilespmem:s18], [sflag:$0x1] =	stream.indirect.gather [hbm4b:s8+s17], $0x80, s15, s17, $0xb8;
	[tilespmem:$0x1E800] =	vst v63  }
0x6d: {  	s6 =	simm.s32 $0x1  }
0x6e: {  	[tilespmem:s20], [sflag:$0x2] =	stream.indirect.gather [hbm4b:s8+s17], $0x80, s19, s17, $0xb8;
	[tilespmem:$0x1E800] =	vst v63  }
0x6f: {  	s0 =	sand.u32 $0x1, s6;
	_ =	swait.ge [sflag:s6], $0x4000  }
0x70: {  	p0 =	seq.s32 s0, $0x1;
	[sflag:s6] =	ssyncset.done $0x0  }
0x71: {  	s0 =	simm.s32 @p0 $0x3;
	[sflag:s6] =	ssyncadd.s32 $0xFFFFC000  }
0x72: {  	[spmem:s2] =	stream.indirect.scatter.add.f32 [tilespmem:s18], [sflag:$0x3], $0x80, s16, s17, $0xb8;
	[tilespmem:$0x1E800] =	vst v63  }
0x73: {  	s1 =	simm.s32 $0x14100;
	_ =	swait.ge @p0 [sflag:s0], $0x4000  }
0x74: {  	s4 =	simm.s32 @p0 $0x2;
	[sflag:s0] =	ssyncset.done @p0 $0x0;
	p0 =	por p0, p0  }
0x75: {  	[sflag:s0] =	ssyncadd.s32 @p0 $0xFFFFC000;
	s0 =	simm.s32 @p0 $0x80;
	s6 =	simm.s32 @p0 $0x16800  }
0x76: {  	[tilespmem:s6], [sflag:$0x1] =	stream.indirect.gather @p0 [hbm4b:s8+s0], $0x80, s1, s0, $0xb8;
	[tilespmem:$0x1E800] =	vst v63  }
0x77: {  	_ =	swait.ge @p0 [sflag:s4], $0x4000  }
0x78: {  	s29 =	simm.s32 $0x15480;
	[sflag:s4] =	ssyncset.done @p0 $0x0  }
0x79: {  	s6 =	simm.s32 @!p0 $0x4;
	[sflag:s4] =	ssyncadd.s32 @p0 $0xFFFFC000;
	s4 =	simm.s32 @p0 $0x1A800  }
0x7a: {  	[spmem:s2] =	stream.indirect.scatter.add.f32 @p0 [tilespmem:s4], [sflag:$0x4], $0x80, s29, s0, $0xb8;
	[tilespmem:$0x1E800] =	vst v63  }
0x7b: {  	s7 =	simm.s32 $0x2;
	s30 =	simm.s32 $0x3;
	_ =	swait.ge @!p0 [sflag:s6], $0x4000  }
0x7c: {  	s7 =	sand.u32 $0x1, s7;
	s31 =	simm.s32 @!p0 $0x80;
	[sflag:s6] =	ssyncset.done @!p0 $0x0  }
0x7d: {  	s0 =	simm.s32 @!p0 $0x1;
	[sflag:s6] =	ssyncadd.s32 @!p0 $0xFFFFC000;
	s6 =	simm.s32 @!p0 $0x1A800  }
0x7e: {  	[tilespmem:s6], [sflag:$0x2] =	stream.indirect.gather @!p0 [hbm4b:s8+s31], $0x80, s1, s31, $0xb8;
	[tilespmem:$0x1E800] =	vst v63  }
0x7f: {  	p2 =	seq.s32 s7, $0x1;
	s26 =	simm.s32 $0x14180;
	_ =	swait.ge @!p0 [sflag:s0], $0x4000  }
0x80: {  	s28 =	simm.s32 $0x15500;
	s1 =	simm.s32 @!p0 $0x16800;
	[sflag:s0] =	ssyncset.done @!p0 $0x0  }
.LBB2_4:
0x81: {  	s4 =	simm.s32 @p2 $0x3;
	[sflag:s0] =	ssyncadd.s32 @!p0 $0xFFFFC000  }
0x82: {  	s6 =	smov.u32 s30;
	s30 =	sadd.s32 $0x1, s30;
	s7 =	smov.u32 s26  }
0x83: {  	[spmem:s2] =	stream.indirect.scatter.add.f32 @!p0 [tilespmem:s1], [sflag:$0x3], $0x80, s29, s31, $0xb8;
	[tilespmem:$0x1E800] =	vst v63  }
0x84: {  	p1 =	sne.s32 s30, $0x27;
	s29 =	smov.u32 s28;
	_ =	swait.ge @p2 [sflag:s4], $0x4000  }
0x85: {  	s0 =	simm.s32 @p2 $0x2;
	p0 =	por p2, p2;
	[sflag:s4] =	ssyncset.done @p2 $0x0  }
0x86: {  	s1 =	simm.s32 @p0 $0x80;
	[sflag:s4] =	ssyncadd.s32 @p0 $0xFFFFC000;
	s4 =	simm.s32 @p0 $0x16800  }
0x87: {  	[tilespmem:s4], [sflag:$0x1] =	stream.indirect.gather @p0 [hbm4b:s8+s1], $0x80, s26, s1, $0xb8;
	[tilespmem:$0x1E800] =	vst v63  }
0x88: {  	_ =	swait.ge @p0 [sflag:s0], $0x4000  }
0x89: {  	[sflag:s0] =	ssyncset.done @p0 $0x0  }
0x8a: {  	s4 =	simm.s32 @!p0 $0x4;
	[sflag:s0] =	ssyncadd.s32 @p0 $0xFFFFC000;
	s0 =	simm.s32 @p0 $0x1A800  }
0x8b: {  	[spmem:s2] =	stream.indirect.scatter.add.f32 @p0 [tilespmem:s0], [sflag:$0x4], $0x80, s28, s1, $0xb8;
	[tilespmem:$0x1E800] =	vst v63  }
0x8c: {  	s26 =	sadd.s32 $0x80, s26;
	_ =	swait.ge @!p0 [sflag:s4], $0x4000  }
.Ltmp1:
0x8d: {  	s0 =	simm.s32 @!p0 $0x1;
	[sflag:s4] =	ssyncset.done @!p0 $0x0;
	(pc) =	sbr.rel @p1 .LBB2_4-.Ltmp1, $4  }
0x8e: {  	s31 =	simm.s32 @!p0 $0x80;
	s1 =	simm.s32 @!p0 $0x1A800;
	[sflag:s4] =	ssyncadd.s32 @!p0 $0xFFFFC000  }
0x8f: {  	[tilespmem:s1], [sflag:$0x2] =	stream.indirect.gather @!p0 [hbm4b:s8+s31], $0x80, s7, s31, $0xb8;
	[tilespmem:$0x1E800] =	vst v63  }
0x90: {  	s28 =	sadd.s32 $0x80, s28;
	s1 =	sand.u32 $0x1, s6;
	_ =	swait.ge @!p0 [sflag:s0], $0x4000  }
0x91: {  	p2 =	seq.s32 s1, $0x1;
	s1 =	simm.s32 @!p0 $0x16800;
	[sflag:s0] =	ssyncset.done @!p0 $0x0  }
0x92: {  	s4 =	simm.s32 @p2 $0x3;
	[sflag:s0] =	ssyncadd.s32 @!p0 $0xFFFFC000  }
0x93: {  	[spmem:s2] =	stream.indirect.scatter.add.f32 @!p0 [tilespmem:s1], [sflag:$0x3], $0x80, s29, s31, $0xb8;
	[tilespmem:$0x1E800] =	vst v63  }
0x94: {  	_ =	swait.ge @p2 [sflag:s4], $0x4000  }
0x95: {  	s0 =	simm.s32 @p2 $0x2;
	p0 =	por p2, p2;
	[sflag:s4] =	ssyncset.done @p2 $0x0  }
0x96: {  	s1 =	simm.s32 @p0 $0x80;
	[sflag:s4] =	ssyncadd.s32 @p0 $0xFFFFC000;
	s4 =	simm.s32 @p0 $0x16800  }
0x97: {  	[tilespmem:s4], [sflag:$0x1] =	stream.indirect.gather @p0 [hbm4b:s8+s1], $0x80, s26, s1, $0xb8;
	[tilespmem:$0x1E800] =	vst v63  }
0x98: {  	_ =	swait.ge @p0 [sflag:s0], $0x4000  }
0x99: {  	[sflag:s0] =	ssyncset.done @p0 $0x0  }
0x9a: {  	s4 =	simm.s32 @!p0 $0x4;
	[sflag:s0] =	ssyncadd.s32 @p0 $0xFFFFC000;
	s0 =	simm.s32 @p0 $0x1A800  }
0x9b: {  	[spmem:s2] =	stream.indirect.scatter.add.f32 @p0 [tilespmem:s0], [sflag:$0x4], $0x80, s28, s1, $0xb8;
	[tilespmem:$0x1E800] =	vst v63  }
0x9c: {  	_ =	swait.ge @!p0 [sflag:s4], $0x4000  }
0x9d: {  	s0 =	simm.s32 @!p0 $0x1;
	[sflag:s4] =	ssyncset.done @!p0 $0x0  }
0x9e: {  	s1 =	simm.s32 @!p0 $0x80;
	[sflag:s4] =	ssyncadd.s32 @!p0 $0xFFFFC000;
	s4 =	simm.s32 @!p0 $0x1A800  }
0x9f: {  	[tilespmem:s4], [sflag:$0x2] =	stream.indirect.gather @!p0 [hbm4b:s8+s1], $0x80, s26, s1, $0xb8;
	[tilespmem:$0x1E800] =	vst v63  }
0xa0: {  	_ =	swait.ge @!p0 [sflag:s0], $0x4000  }
0xa1: {  	[sflag:s0] =	ssyncset.done @!p0 $0x0  }
0xa2: {  	s4 =	simm.s32 @!p0 $0x16800;
	[sflag:s0] =	ssyncadd.s32 @!p0 $0xFFFFC000  }
0xa3: {  	[spmem:s2] =	stream.indirect.scatter.add.f32 @!p0 [tilespmem:s4], [sflag:$0x3], $0x80, s28, s1, $0xb8;
	[tilespmem:$0x1E800] =	vst v63  }
0xa4: {  	_ =	swait.ge [sflag:s21], $0x4000  }
0xa5: {  	[sflag:s21] =	ssyncset.done $0x0  }
0xa6: {  	[sflag:s21] =	ssyncadd.s32 $0xFFFFC000  }
0xa7: {  	_ =	swait.ge [sflag:s22], $0x4000  }
0xa8: {  	[sflag:s22] =	ssyncset.done $0x0  }
0xa9: {  	[sflag:s22] =	ssyncadd.s32 $0xFFFFC000  }
0xaa: {  	[spmem:s2] =	stream.indirect.scatter.add.f32 [tilespmem:s20], [sflag:$0x4], $0x80, s23, s17, $0xb8;
	[tilespmem:$0x1E800] =	vst v63  }
0xab: {  	_ =	swait.ge [sflag:s24], $0x4000  }
0xac: {  	s25 =	sadd.s32 $0x1, s25;
	[sflag:s24] =	ssyncset.done $0x0  }
0xad: {  	p0 =	sne.s32 s25, s12;
	[sflag:s24] =	ssyncadd.s32 $0xFFFFC000  }
.Ltmp2:
0xae: {  	[bflag:$0x0] =	sbarrier.arrive $0xFFFF;
	(pc) =	sbr.rel @p0 .LBB2_1-.Ltmp2, $4  }
0xaf: {  	[hbm:s11], [sflag:s5] =	dma.local [spmem:s13], $0x2800  }
0xb0: {  	_ =	swait.ge [sflag:s14], $0x2800  }
0xb1: {  	[sflag:s14] =	ssyncset.done $0x0  }
0xb2: {  	[sflag:s14] =	ssyncadd.s32 $0xFFFFD800  }
0xb3: {  	_ =	sfence.sel $0x180000  }
0xb4: {  	[bflag:$0x0] =	sbarrier.arrive $0xFFFF  }
0xb5: {  	_ =	strace $0x90000053  }
0xb6: {  	s0 =	stileid.u32;
	[bflag:$0x2] =	sbarrier.arrive $0xFFFF  }
0xb7: {  	p0 =	sne.s32 s0, $0x0;
	s0 =	rddreg [dreg:$0x2]  }
0xb8: {  	s0 =	sadd.s32 @!p0 $0x100000, s0  }
0xb9: {  	[sflag:s0] =	ssyncadd.tile.s32 @!p0 $0x1;
	_ =	shalt  }
.Lfunc_end2:
_tile_overlayer_lowered:
.L_overlay_start_2:
0xba: {  	(tag) =	ssettag $0x2  }
0xbb: {  	s0 =	rddreg [dreg:$0x0];
	s2 =	stileid.u32  }
0xbc: {  	s1 =	rddreg [dreg:$0x1];
	p0 =	sne.s32 s2, $0x0  }
0xbd: {  	s3 =	rddreg [dreg:$0x2];
	[bflag:$0x3] =	sbarrier.arrive $0xFFFF;
	s2 =	simm.s32 @!p0 $0x1C05  }
0xbe: {  	[timem:s3], [sflag:s2] =	dma.local @!p0 [hbm:s0], s1  }
0xbf: {  	s0 =	simm.s32 @!p0 $0x5  }
0xc0: {  	_ =	swait.ge @!p0 [sflag:s0], s1  }
0xc1: {  	s1 =	ssub.s32 @!p0 $0x0, s1;
	[sflag:s0] =	ssyncset.done @!p0 $0x0  }
0xc2: {  	[sflag:s0] =	ssyncadd.s32 @!p0 s1  }
0xc3: {  	[bflag:$0x3] =	sbarrier.arrive $0xFFFF  }
0xc4: {  	_ =	shalt  }

// kernel: kernel.29.cloned.1.call-start
scs
__scs_entry_jumppad:
0x0: {  	(pc) =	sbr.rel $0x88, $3  }
0x1: {  	(tag) =	ssettag $0x0;
	lr =	simm.s32 $0x1  }
0x2: {  	[smem:$0x3F97] =	sst lr;
	_ =	strace $0xD0000000  }
0x3: {  	_ = 	snop  }
0x4: {  	_ = 	snop  }
0x5: {  	_ = 	snop  }
0x6: {  	_ = 	snop  }
0x7: {  	_ = 	snop  }
__scs_overlays_trampoline_lowered:
0x8: {  	[smem:$0x3FA6] =	sst s0  }
0x9: {  	[smem:$0x3FA7] =	sst s1  }
0xa: {  	[smem:$0x3FA8] =	sst s2  }
0xb: {  	[smem:$0x3FA9] =	sst s3  }
0xc: {  	[smem:$0x3FAA] =	sst s4  }
0xd: {  	[smem:$0x3FAB] =	sst s5  }
0xe: {  	[smem:$0x3FAC] =	sst s6  }
0xf: {  	[smem:$0x3FAD] =	sst s7  }
0x10: {  	[smem:$0x3FAE] =	sst s8  }
0x11: {  	[smem:$0x3FAF] =	sst s9;
	s0 =	simm.s32 @!p0 $0x0  }
0x12: {  	s1 =	sld [smem:$0x3F95];
	s0 =	simm.s32 @p0 $0x1  }
0x13: {  	[smem:$0x3FB0] =	sst s0;
	s0 =	simm.s32 @!p1 $0x0  }
0x14: {  	s2 =	sld [smem:$0x3F94];
	s0 =	simm.s32 @p1 $0x1  }
0x15: {  	[smem:$0x3FB1] =	sst s0;
	s0 =	simm.s32 @!p2 $0x0  }
0x16: {  	s3 =	sld [smem:$0x3FDB];
	s0 =	simm.s32 @p2 $0x1  }
0x17: {  	s4 =	simm.s32 $0x1BF5;
	[smem:$0x3FB3] =	sst s0  }
0x18: {  	s0 =	sld [smem:$0x3F96];
	_ =	swait.ge [sflag:s4], $0x0  }
0x19: {  	s7 =	sld [smem:$0x3F97]  }
0x1a: {  	s8 =	sadd.s32 $0xFFFFE003, lr  }
0x1b: {  	s9 =	sadd.s32 $0xFFFFFEF7, lr;
	s5 =	simm.s32 $0xFFFFFFFF;
	p2 =	slt.u32 s8, $0xFFFFF086  }
0x1c: {  	p1 =	slt.u32 s9, $0xF7A;
	s5 =	simm.s32 @!p2 $0x0  }
0x1d: {  	s5 =	simm.s32 @p1 $0x1;
	p0 =	seq.s32 s7, s2  }
0x1e: {  	s7 =	smul.u32 @!p0 $0xF7A, s2;
	p2 =	seq.s32 @!p0 s5, $0x0  }
0x1f: {  	s9 =	smul.u32 $0xF7A, s1;
	s8 =	simm.s32 @!p0 $0x1BF5;
	p2 =	por !p2, p0  }
0x20: {  	[sflag:s8] =	ssyncset.s32 @!p0 $0xFFFFF086;
	s6 =	sadd.s32 @!p0 s3, s7;
	s7 =	simm.s32 @!p0 $0x108  }
0x21: {  	s3 =	sadd.s32 s3, s9;
	s6 =	sadd.s32 @!p0 $0x88, s6;
	s7 =	simm.s32 @p2 $0x1082  }
0x22: {  	[simem:s7], [sflag:s8] =	dma.local @!p0 [hbm:s6], $0xF7A  }
0x23: {  	s9 =	sor.u32 $0xD0000000, s2;
	s6 =	simm.s32 $0x108;
	_ =	swait.ge @!p0 [sflag:s8], $0x0  }
0x24: {  	s3 =	sadd.s32 $0x88, s3;
	s6 =	simm.s32 @!p1 $0x1082;
	[sflag:s4] =	ssyncset.s32 $0xFFFFF086  }
0x25: {  	[simem:s6], [sflag:s4] =	dma.local [hbm:s3], $0xF7A  }
0x26: {  	[smem:$0x3F97] =	sst s1;
	(tag) =	ssettag s2;
	_ =	strace s9  }
0x27: {  	s1 =	sld [smem:$0x3FA7]  }
0x28: {  	s2 =	sld [smem:$0x3FA8]  }
0x29: {  	s4 =	sld [smem:$0x3FAA]  }
0x2a: {  	p0 =	seq.s32 s5, $0x0;
	s5 =	sld [smem:$0x3FAB]  }
0x2b: {  	s6 =	sld [smem:$0x3FAC]  }
0x2c: {  	s7 =	sld [smem:$0x3FAD]  }
0x2d: {  	s3 =	simm.s32 $0x108;
	s8 =	sld [smem:$0x3FAE]  }
0x2e: {  	s3 =	simm.s32 @!p0 $0x1082;
	s9 =	sld [smem:$0x3FAF]  }
0x2f: {  	lr =	sadd.s32 s0, s3;
	s0 =	sld [smem:$0x3FA6]  }
0x30: {  	s3 =	sld [smem:$0x3FA9]  }
0x31: {  	[smem:$0x3FB2] =	sst s10  }
0x32: {  	s10 =	sld [smem:$0x3FB0];
	_ =	sdelay $0x3  }
0x33: {  	p0 =	seq.s32 s10, $0x1;
	s10 =	sld [smem:$0x3FB2];
	_ =	sdelay $0x3  }
0x34: {  	[smem:$0x3FB2] =	sst s10  }
0x35: {  	s10 =	sld [smem:$0x3FB1];
	_ =	sdelay $0x3  }
0x36: {  	p1 =	seq.s32 s10, $0x1;
	s10 =	sld [smem:$0x3FB2];
	_ =	sdelay $0x3  }
0x37: {  	[smem:$0x3FB2] =	sst s10  }
0x38: {  	s10 =	sld [smem:$0x3FB3]  }
0x39: {  	_ = 	snop;
	(pc) =	sbr.ind lr, $3  }
0x3a: {  	_ = 	snop  }
0x3b: {  	_ = 	snop  }
0x3c: {  	p2 =	seq.s32 s10, $0x1;
	s10 =	sld [smem:$0x3FB2]  }
0x3d: {  	_ =	shalt  }
0x3e: {  	_ =	shalt  }
0x3f: {  	_ =	shalt  }
0x40: {  	_ =	shalt  }
0x41: {  	_ =	shalt  }
0x42: {  	_ =	shalt  }
0x43: {  	_ =	shalt  }
0x44: {  	_ =	shalt  }
0x45: {  	_ =	shalt  }
0x46: {  	_ =	shalt  }
0x47: {  	_ =	shalt  }
0x48: {  	_ =	shalt  }
0x49: {  	_ =	shalt  }
0x4a: {  	_ =	shalt  }
0x4b: {  	_ =	shalt  }
0x4c: {  	_ =	shalt  }
0x4d: {  	_ =	shalt  }
0x4e: {  	_ =	shalt  }
0x4f: {  	_ =	shalt  }
0x50: {  	_ =	shalt  }
0x51: {  	_ =	shalt  }
0x52: {  	_ =	shalt  }
0x53: {  	_ =	shalt  }
0x54: {  	_ =	shalt  }
0x55: {  	_ =	shalt  }
0x56: {  	_ =	shalt  }
0x57: {  	_ =	shalt  }
0x58: {  	_ =	shalt  }
0x59: {  	_ =	shalt  }
0x5a: {  	_ =	shalt  }
0x5b: {  	_ =	shalt  }
0x5c: {  	_ =	shalt  }
0x5d: {  	_ =	shalt  }
0x5e: {  	_ =	shalt  }
0x5f: {  	_ =	shalt  }
0x60: {  	_ =	shalt  }
0x61: {  	_ =	shalt  }
0x62: {  	_ =	shalt  }
0x63: {  	_ =	shalt  }
0x64: {  	_ =	shalt  }
0x65: {  	_ =	shalt  }
0x66: {  	_ =	shalt  }
0x67: {  	_ =	shalt  }
0x68: {  	_ =	shalt  }
0x69: {  	_ =	shalt  }
0x6a: {  	_ =	shalt  }
0x6b: {  	_ =	shalt  }
0x6c: {  	_ =	shalt  }
0x6d: {  	_ =	shalt  }
0x6e: {  	_ =	shalt  }
0x6f: {  	_ =	shalt  }
0x70: {  	_ =	shalt  }
0x71: {  	_ =	shalt  }
0x72: {  	_ =	shalt  }
0x73: {  	_ =	shalt  }
0x74: {  	_ =	shalt  }
0x75: {  	_ =	shalt  }
0x76: {  	_ =	shalt  }
0x77: {  	_ =	shalt  }
0x78: {  	_ =	shalt  }
0x79: {  	_ =	shalt  }
0x7a: {  	_ =	shalt  }
0x7b: {  	_ =	shalt  }
0x7c: {  	_ =	shalt  }
0x7d: {  	_ =	shalt  }
0x7e: {  	_ =	shalt  }
0x7f: {  	_ =	shalt  }
0x80: {  	_ =	shalt  }
0x81: {  	_ =	shalt  }
0x82: {  	_ =	shalt  }
0x83: {  	_ =	shalt  }
0x84: {  	_ =	shalt  }
0x85: {  	_ =	shalt  }
0x86: {  	_ =	shalt  }
0x87: {  	_ =	shalt  }
.Lfunc_end0:
.L_simem_size_0:
called_computation.5_lowered:
.L_overlay_start_0:
0x88: {  	s2 =	sld [smem:$0x3FD9]  }
0x89: {  	s3 =	sld [smem:$0x3FFE];
	_ =	sdelay $0x1  }
0x8a: {  	s1 =	srdreg.scid  }
0x8b: {  	s0 =	sand.u32 $0x1, s1  }
0x8c: {  	s16 =	sshll.u32 s0, $0xA;
	s2 =	sadd.s32 s3, s2  }
0x8d: {  	s2 =	sadd.s32 s2, s16  }
0x8e: {  	[smem:$0x3FBE] =	sst s2  }
0x8f: {  	_ = 	snop  }
0x90: {  	(tm) =	ssettm $0x1  }
0x91: {  	s17 =	sld [smem:$0x3FFB];
	_ =	sdelay $0x3  }
0x92: {  	_ =	strace s17  }
0x93: {  	s2 =	sld [smem:$0x3FFC];
	_ =	sdelay $0x3  }
0x94: {  	_ =	strace s2  }
0x95: {  	s2 =	sld [smem:$0x3FFD];
	_ =	sdelay $0x3  }
0x96: {  	_ =	strace s2  }
0x97: {  	_ =	strace $0x8FFFFFFF  }
0x98: {  	s18 =	sld [smem:$0x3FDB];
	_ =	sdelay $0x1  }
0x99: {  	s19 =	simm.s32 $_scs_section_size  }
0x9a: {  	s4 =	simm.s32 $_size__tile_overlayer_lowered;
	s5 =	simm.s32 $_tile_overlayer_lowered  }
0x9b: {  	s22 =	simm.s32 $0x1BFF;
	s21 =	sshll.u32 s5, $0x1;
	s2 =	sadd.s32 s19, s18  }
0x9c: {  	s6 =	simm.s32 $0x0;
	s20 =	sshll.u32 s4, $0x1;
	s4 =	sadd.s32 s21, s2  }
0x9d: {  	[timem:s6], [sflag:s22] =	dma.local [hbm:s4], s20  }
0x9e: {  	_ =	swait.ge [sflag:s22], s20  }
0x9f: {  	s3 =	ssub.s32 $0x0, s20;
	[sflag:s22] =	ssyncset.done $0x0  }
0xa0: {  	[sflag:s22] =	ssyncadd.s32 s3;
	_ =	sdelay $0x1  }
0xa1: {  	s23 =	simm.s32 $0x1B8B  }
0xa2: {  	_ =	swait.ge [sflag:s23], $0x1  }
0xa3: {  	[sflag:s23] =	ssyncset.done $0x0  }
0xa4: {  	s25 =	simm.s32 $0x1B8E;
	s24 =	sld [smem:$0x3FFE];
	[sflag:s23] =	ssyncadd.s32 $0xFFFFFFFF  }
0xa5: {  	s26 =	simm.s32 $execute0_lowered;
	[smem:$0x3FD2] =	sst s25  }
0xa6: {  	s4 =	sshll.u32 s26, $0x1;
	_ =	strace $0x80000055;
	[dreg:$0x1] =	wrdreg $0xFFFFFFFF  }
0xa7: {  	s28 =	simm.s32 $_size_execute0_lowered;
	s2 =	sadd.s32 s2, s4;
	[dreg:$0x0] =	wrdreg $0x0  }
0xa8: {  	s4 =	sshll.u32 s28, $0x1;
	[dreg:$0x2] =	wrdreg s2  }
0xa9: {  	[dreg:$0x3] =	wrdreg s4  }
0xaa: {  	[dreg:$0x4] =	wrdreg $0xC0  }
0xab: {  	_ =	task [dreg:s6], $0x5FFFF  }
0xac: {  	[dreg:$0x1] =	wrdreg $0xFFFFFFFF  }
0xad: {  	[dreg:$0x0] =	wrdreg $0x60  }
0xae: {  	[dreg:$0x2] =	wrdreg s24  }
0xaf: {  	[dreg:$0x3] =	wrdreg $0x0  }
0xb0: {  	[dreg:$0x4] =	wrdreg $0x9  }
0xb1: {  	_ =	task.clear_ibuf [dreg:s6], $0x5FFFF;
	_ =	strace $0x90000055  }
0xb2: {  	s29 =	simm.s32 $0x9;
	_ =	strace $0x80000057  }
0xb3: {  	_ =	swait.ge [sflag:s29], $0x1  }
0xb4: {  	[sflag:s29] =	ssyncadd.s32 $0xFFFFFFFF  }
0xb5: {  	_ =	strace $0x90000057  }
0xb6: {  	_ =	sfence  }
0xb7: {  	s30 =	sld [smem:$0x0];
	_ =	sdelay $0x2  }
0xb8: {  	s31 =	sshll.u32 s1, $0xD;
	s1 =	sshrl.u32 s1, $0x2  }
0xb9: {  	s3 =	sand.u32 $0x4000, s31;
	s1 =	sadd.s32 s1, s30  }
0xba: {  	s0 =	sor.u32 s3, s0;
	s1 =	sshll.u32 s1, $0x11  }
0xbb: {  	s0 =	sor.u32 s1, s0  }
0xbc: {  	s0 =	sadd.s32 $0x8F2B, s0  }
0xbd: {  	[sflag:s0] =	ssyncadd.remote.s32 $0x1  }
0xbe: {  	_ =	sfence.sel $0xFFFF  }
0xbf: {  	[dreg:$0x0] =	wrdreg $0xFFFFFFFF;
	(pc) =	sbr.abs _section_cstart, $3  }
0xc0: {  	[dreg:$0x1] =	wrdreg $0xFFFFFFFF  }
0xc1: {  	_ =	task.clear_ibuf [dreg:s6], $0x2FFFF;
	_ =	strace $0x9FFFFFFF  }
0xc2: {  	(tm) =	ssettm $0x7FFFFFFF  }
0xc3: {  	_ =	shalt  }
tec
execute0_lowered:
.L_overlay_start_1:
0x0: {  	(tag) =	ssettag $0x1  }
0x1: {  	s0 =	srdreg.scid;
	s1 =	rddreg [dreg:$0x0]  }
0x2: {  	s2 =	rddreg [dreg:$0x1];
	s7 =	stileid.u32  }
0x3: {  	s3 =	simm.s32 $0x0;
	s14 =	simm.s32 $0x5;
	s15 =	simm.s32 $0x14000  }
0x4: {  	s16 =	simm.s32 $0x15400;
	s17 =	simm.s32 $0x80;
	s18 =	simm.s32 $0x16800  }
0x5: {  	s19 =	simm.s32 $0x14080;
	s20 =	simm.s32 $0x1A800;
	s6 =	smul.u32 $0x14000, s7  }
0x6: {  	s21 =	simm.s32 $0x3;
	s22 =	simm.s32 $0x2;
	s24 =	smul.u32 $0x50000, s7  }
0x7: {  	s0 =	sand.u32 $0x1, s0;
	[smem:$0x7FF] =	sst s3;
	s26 =	smul.u32 $0x2800, s7  }
0x8: {  	s9 =	sadd.s32 $0x5EC00, s1;
	s10 =	sadd.s32 $0x63C00, s1;
	s4 =	smul.u32 $0xA0000, s0  }
0x9: {  	s28 =	sshll.u32 s7, $0x6;
	s5 =	smul.u32 $0x140000, s0;
	s0 =	ssub.s32 $0x2, s0  }
0xa: {  	_ =	strace $0x80000056;
	s25 =	sshrl.u32 s0, $0x1;
	s11 =	sshrl.u32 s26, $0x3  }
0xb: {  	s8 =	sadd.s32 s4, s1;
	s23 =	sadd.s32 s6, s5;
	s5 =	sshrl.u32 s24, $0x2  }
0xc: {  	s0 =	ssub.s32 s0, s25;
	s30 =	sadd.s32 s9, s11;
	s31 =	sadd.s32 s10, s11  }
0xd: {  	s11 =	sadd.s32 $0x280, s11;
	s24 =	simm.s32 $0x4;
	s25 =	simm.s32 $0x0  }
0xe: {  	s4 =	sshrl.u32 s23, $0x3;
	s13 =	sadd.s32 s5, s2;
	[dreg:$0x4] =	wrdreg s30  }
0xf: {  	s5 =	sor.u32 $0x1C05, s28;
	[dreg:$0x5] =	wrdreg s31;
	s8 =	sadd.s32 $0x68C00, s8  }
0x10: {  	s9 =	sadd.s32 s9, s11;
	s10 =	sadd.s32 s10, s11;
	s1 =	sadd.s32 s4, s1  }
0x11: {  	s12 =	smax.u32 s0, $0x1;
	s23 =	simm.s32 $0x16780;
	s29 =	sadd.s32 $0x8600, s1  }
0x12: {  	s13 =	sshrl.u32 s13, $0x3;
	s11 =	sadd.s32 $0x1A8C00, s1;
	[dreg:$0x3] =	wrdreg s29  }
.LBB2_1:
0x13: {  	s0 =	rddreg [dreg:$0x3]  }
0x14: {  	[spmem:s13], [sflag:s5] =	dma.local [hbm:s0], $0x2800  }
0x15: {  	_ =	swait.ge [sflag:s14], $0x2800  }
0x16: {  	[sflag:s14] =	ssyncset.done $0x0  }
0x17: {  	[sflag:s14] =	ssyncadd.s32 $0xFFFFD800  }
0x18: {  	[bflag:$0x0] =	sbarrier.arrive $0xFFFF  }
0x19: {  	s1 =	rddreg [dreg:$0x4]  }
0x1a: {  	[tilespmem:s15], [sflag:$0x5] =	stream.linear.gather [hbm4b:s1+s3], $0x1400, $0x38;
	[tilespmem:$0x1E800] =	vst v63  }
0x1b: {  	_ =	swait.ge [sflag:s14], $0x1400  }
0x1c: {  	[sflag:s14] =	ssyncset.done $0x0  }
0x1d: {  	s4 =	rddreg [dreg:$0x5];
	[sflag:s14] =	ssyncadd.s32 $0xFFFFEC00  }
0x1e: {  	[tilespmem:s16], [sflag:$0x5] =	stream.linear.gather [hbm4b:s4+s3], $0x1400, $0x38;
	[tilespmem:$0x1E800] =	vst v63  }
0x1f: {  	_ =	swait.ge [sflag:s14], $0x1400  }
0x20: {  	[sflag:s14] =	ssyncset.done $0x0  }
0x21: {  	[sflag:s14] =	ssyncadd.s32 $0xFFFFEC00  }
0x22: {  	[tilespmem:s18], [sflag:$0x1] =	stream.indirect.gather [hbm4b:s8+s17], $0x80, s15, s17, $0xb8;
	[tilespmem:$0x1E800] =	vst v63  }
0x23: {  	s6 =	simm.s32 $0x1  }
0x24: {  	[tilespmem:s20], [sflag:$0x2] =	stream.indirect.gather [hbm4b:s8+s17], $0x80, s19, s17, $0xb8;
	[tilespmem:$0x1E800] =	vst v63  }
0x25: {  	s0 =	sand.u32 $0x1, s6;
	_ =	swait.ge [sflag:s6], $0x4000  }
0x26: {  	p0 =	seq.s32 s0, $0x1;
	[sflag:s6] =	ssyncset.done $0x0  }
0x27: {  	s0 =	simm.s32 @p0 $0x3;
	[sflag:s6] =	ssyncadd.s32 $0xFFFFC000  }
0x28: {  	[spmem:s2] =	stream.indirect.scatter.add.f32 [tilespmem:s18], [sflag:$0x3], $0x80, s16, s17, $0xb8;
	[tilespmem:$0x1E800] =	vst v63  }
0x29: {  	s26 =	simm.s32 @p0 $0x2;
	_ =	swait.ge @p0 [sflag:s0], $0x4000  }
0x2a: {  	s1 =	simm.s32 $0x14100;
	[sflag:s0] =	ssyncset.done @p0 $0x0;
	p0 =	por p0, p0  }
0x2b: {  	[sflag:s0] =	ssyncadd.s32 @p0 $0xFFFFC000;
	s0 =	simm.s32 @p0 $0x80;
	s28 =	simm.s32 @p0 $0x16800  }
0x2c: {  	[tilespmem:s28], [sflag:$0x1] =	stream.indirect.gather @p0 [hbm4b:s8+s0], $0x80, s1, s0, $0xb8;
	[tilespmem:$0x1E800] =	vst v63  }
0x2d: {  	_ =	swait.ge @p0 [sflag:s26], $0x4000  }
0x2e: {  	s29 =	simm.s32 $0x15480;
	[sflag:s26] =	ssyncset.done @p0 $0x0  }
0x2f: {  	s28 =	simm.s32 @!p0 $0x4;
	[sflag:s26] =	ssyncadd.s32 @p0 $0xFFFFC000;
	s26 =	simm.s32 @p0 $0x1A800  }
0x30: {  	[spmem:s2] =	stream.indirect.scatter.add.f32 @p0 [tilespmem:s26], [sflag:$0x4], $0x80, s29, s0, $0xb8;
	[tilespmem:$0x1E800] =	vst v63  }
0x31: {  	s30 =	simm.s32 $0x3;
	s4 =	simm.s32 $0x2;
	_ =	swait.ge @!p0 [sflag:s28], $0x4000  }
0x32: {  	s7 =	sand.u32 $0x1, s4;
	s31 =	simm.s32 @!p0 $0x80;
	[sflag:s28] =	ssyncset.done @!p0 $0x0  }
0x33: {  	s0 =	simm.s32 @!p0 $0x1;
	[sflag:s28] =	ssyncadd.s32 @!p0 $0xFFFFC000;
	s28 =	simm.s32 @!p0 $0x1A800  }
0x34: {  	[tilespmem:s28], [sflag:$0x2] =	stream.indirect.gather @!p0 [hbm4b:s8+s31], $0x80, s1, s31, $0xb8;
	[tilespmem:$0x1E800] =	vst v63  }
0x35: {  	p2 =	seq.s32 s7, $0x1;
	s26 =	simm.s32 $0x14180;
	_ =	swait.ge @!p0 [sflag:s0], $0x4000  }
0x36: {  	s28 =	simm.s32 $0x15500;
	s1 =	simm.s32 @!p0 $0x16800;
	[sflag:s0] =	ssyncset.done @!p0 $0x0  }
.LBB2_2:
0x37: {  	s4 =	simm.s32 @p2 $0x3;
	[sflag:s0] =	ssyncadd.s32 @!p0 $0xFFFFC000  }
0x38: {  	s6 =	smov.u32 s30;
	s30 =	sadd.s32 $0x1, s30;
	s7 =	smov.u32 s26  }
0x39: {  	[spmem:s2] =	stream.indirect.scatter.add.f32 @!p0 [tilespmem:s1], [sflag:$0x3], $0x80, s29, s31, $0xb8;
	[tilespmem:$0x1E800] =	vst v63  }
0x3a: {  	p1 =	sne.s32 s30, $0x27;
	s29 =	smov.u32 s28;
	_ =	swait.ge @p2 [sflag:s4], $0x4000  }
0x3b: {  	s0 =	simm.s32 @p2 $0x2;
	p0 =	por p2, p2;
	[sflag:s4] =	ssyncset.done @p2 $0x0  }
0x3c: {  	s1 =	simm.s32 @p0 $0x80;
	[sflag:s4] =	ssyncadd.s32 @p0 $0xFFFFC000;
	s4 =	simm.s32 @p0 $0x16800  }
0x3d: {  	[tilespmem:s4], [sflag:$0x1] =	stream.indirect.gather @p0 [hbm4b:s8+s1], $0x80, s26, s1, $0xb8;
	[tilespmem:$0x1E800] =	vst v63  }
0x3e: {  	_ =	swait.ge @p0 [sflag:s0], $0x4000  }
0x3f: {  	[sflag:s0] =	ssyncset.done @p0 $0x0  }
0x40: {  	s4 =	simm.s32 @!p0 $0x4;
	[sflag:s0] =	ssyncadd.s32 @p0 $0xFFFFC000;
	s0 =	simm.s32 @p0 $0x1A800  }
0x41: {  	[spmem:s2] =	stream.indirect.scatter.add.f32 @p0 [tilespmem:s0], [sflag:$0x4], $0x80, s28, s1, $0xb8;
	[tilespmem:$0x1E800] =	vst v63  }
0x42: {  	s26 =	sadd.s32 $0x80, s26;
	_ =	swait.ge @!p0 [sflag:s4], $0x4000  }
.Ltmp0:
0x43: {  	s0 =	simm.s32 @!p0 $0x1;
	[sflag:s4] =	ssyncset.done @!p0 $0x0;
	(pc) =	sbr.rel @p1 .LBB2_2-.Ltmp0, $4  }
0x44: {  	s31 =	simm.s32 @!p0 $0x80;
	s1 =	simm.s32 @!p0 $0x1A800;
	[sflag:s4] =	ssyncadd.s32 @!p0 $0xFFFFC000  }
0x45: {  	[tilespmem:s1], [sflag:$0x2] =	stream.indirect.gather @!p0 [hbm4b:s8+s31], $0x80, s7, s31, $0xb8;
	[tilespmem:$0x1E800] =	vst v63  }
0x46: {  	s28 =	sadd.s32 $0x80, s28;
	s1 =	sand.u32 $0x1, s6;
	_ =	swait.ge @!p0 [sflag:s0], $0x4000  }
0x47: {  	p2 =	seq.s32 s1, $0x1;
	s1 =	simm.s32 @!p0 $0x16800;
	[sflag:s0] =	ssyncset.done @!p0 $0x0  }
0x48: {  	s4 =	simm.s32 @p2 $0x3;
	[sflag:s0] =	ssyncadd.s32 @!p0 $0xFFFFC000  }
0x49: {  	[spmem:s2] =	stream.indirect.scatter.add.f32 @!p0 [tilespmem:s1], [sflag:$0x3], $0x80, s29, s31, $0xb8;
	[tilespmem:$0x1E800] =	vst v63  }
0x4a: {  	_ =	swait.ge @p2 [sflag:s4], $0x4000  }
0x4b: {  	s0 =	simm.s32 @p2 $0x2;
	p0 =	por p2, p2;
	[sflag:s4] =	ssyncset.done @p2 $0x0  }
0x4c: {  	s1 =	simm.s32 @p0 $0x80;
	[sflag:s4] =	ssyncadd.s32 @p0 $0xFFFFC000;
	s4 =	simm.s32 @p0 $0x16800  }
0x4d: {  	[tilespmem:s4], [sflag:$0x1] =	stream.indirect.gather @p0 [hbm4b:s8+s1], $0x80, s26, s1, $0xb8;
	[tilespmem:$0x1E800] =	vst v63  }
0x4e: {  	_ =	swait.ge @p0 [sflag:s0], $0x4000  }
0x4f: {  	[sflag:s0] =	ssyncset.done @p0 $0x0  }
0x50: {  	s4 =	simm.s32 @!p0 $0x4;
	[sflag:s0] =	ssyncadd.s32 @p0 $0xFFFFC000;
	s0 =	simm.s32 @p0 $0x1A800  }
0x51: {  	[spmem:s2] =	stream.indirect.scatter.add.f32 @p0 [tilespmem:s0], [sflag:$0x4], $0x80, s28, s1, $0xb8;
	[tilespmem:$0x1E800] =	vst v63  }
0x52: {  	_ =	swait.ge @!p0 [sflag:s4], $0x4000  }
0x53: {  	s0 =	simm.s32 @!p0 $0x1;
	[sflag:s4] =	ssyncset.done @!p0 $0x0  }
0x54: {  	s1 =	simm.s32 @!p0 $0x80;
	[sflag:s4] =	ssyncadd.s32 @!p0 $0xFFFFC000;
	s4 =	simm.s32 @!p0 $0x1A800  }
0x55: {  	[tilespmem:s4], [sflag:$0x2] =	stream.indirect.gather @!p0 [hbm4b:s8+s1], $0x80, s26, s1, $0xb8;
	[tilespmem:$0x1E800] =	vst v63  }
0x56: {  	_ =	swait.ge @!p0 [sflag:s0], $0x4000  }
0x57: {  	[sflag:s0] =	ssyncset.done @!p0 $0x0  }
0x58: {  	s4 =	simm.s32 @!p0 $0x16800;
	[sflag:s0] =	ssyncadd.s32 @!p0 $0xFFFFC000  }
0x59: {  	[spmem:s2] =	stream.indirect.scatter.add.f32 @!p0 [tilespmem:s4], [sflag:$0x3], $0x80, s28, s1, $0xb8;
	[tilespmem:$0x1E800] =	vst v63  }
0x5a: {  	_ =	swait.ge [sflag:s21], $0x4000  }
0x5b: {  	[sflag:s21] =	ssyncset.done $0x0  }
0x5c: {  	[sflag:s21] =	ssyncadd.s32 $0xFFFFC000  }
0x5d: {  	_ =	swait.ge [sflag:s22], $0x4000  }
0x5e: {  	[sflag:s22] =	ssyncset.done $0x0  }
0x5f: {  	[sflag:s22] =	ssyncadd.s32 $0xFFFFC000  }
0x60: {  	[spmem:s2] =	stream.indirect.scatter.add.f32 [tilespmem:s20], [sflag:$0x4], $0x80, s23, s17, $0xb8;
	[tilespmem:$0x1E800] =	vst v63  }
0x61: {  	_ =	swait.ge [sflag:s24], $0x4000  }
0x62: {  	[sflag:s24] =	ssyncset.done $0x0  }
0x63: {  	[sflag:s24] =	ssyncadd.s32 $0xFFFFC000  }
0x64: {  	[tilespmem:s15], [sflag:$0x5] =	stream.linear.gather [hbm4b:s9+s3], $0x1400, $0x38;
	[tilespmem:$0x1E800] =	vst v63  }
0x65: {  	_ =	swait.ge [sflag:s14], $0x1400  }
0x66: {  	[sflag:s14] =	ssyncset.done $0x0  }
0x67: {  	[sflag:s14] =	ssyncadd.s32 $0xFFFFEC00  }
0x68: {  	[tilespmem:s16], [sflag:$0x5] =	stream.linear.gather [hbm4b:s10+s3], $0x1400, $0x38;
	[tilespmem:$0x1E800] =	vst v63  }
0x69: {  	_ =	swait.ge [sflag:s14], $0x1400  }
0x6a: {  	[sflag:s14] =	ssyncset.done $0x0  }
0x6b: {  	[sflag:s14] =	ssyncadd.s32 $0xFFFFEC00  }
0x6c: {  	[tilespmem:s18], [sflag:$0x1] =	stream.indirect.gather [hbm4b:s8+s17], $0x80, s15, s17, $0xb8;
	[tilespmem:$0x1E800] =	vst v63  }
0x6d: {  	s6 =	simm.s32 $0x1  }
0x6e: {  	[tilespmem:s20], [sflag:$0x2] =	stream.indirect.gather [hbm4b:s8+s17], $0x80, s19, s17, $0xb8;
	[tilespmem:$0x1E800] =	vst v63  }
0x6f: {  	s0 =	sand.u32 $0x1, s6;
	_ =	swait.ge [sflag:s6], $0x4000  }
0x70: {  	p0 =	seq.s32 s0, $0x1;
	[sflag:s6] =	ssyncset.done $0x0  }
0x71: {  	s0 =	simm.s32 @p0 $0x3;
	[sflag:s6] =	ssyncadd.s32 $0xFFFFC000  }
0x72: {  	[spmem:s2] =	stream.indirect.scatter.add.f32 [tilespmem:s18], [sflag:$0x3], $0x80, s16, s17, $0xb8;
	[tilespmem:$0x1E800] =	vst v63  }
0x73: {  	s1 =	simm.s32 $0x14100;
	_ =	swait.ge @p0 [sflag:s0], $0x4000  }
0x74: {  	s4 =	simm.s32 @p0 $0x2;
	[sflag:s0] =	ssyncset.done @p0 $0x0;
	p0 =	por p0, p0  }
0x75: {  	[sflag:s0] =	ssyncadd.s32 @p0 $0xFFFFC000;
	s0 =	simm.s32 @p0 $0x80;
	s6 =	simm.s32 @p0 $0x16800  }
0x76: {  	[tilespmem:s6], [sflag:$0x1] =	stream.indirect.gather @p0 [hbm4b:s8+s0], $0x80, s1, s0, $0xb8;
	[tilespmem:$0x1E800] =	vst v63  }
0x77: {  	_ =	swait.ge @p0 [sflag:s4], $0x4000  }
0x78: {  	s29 =	simm.s32 $0x15480;
	[sflag:s4] =	ssyncset.done @p0 $0x0  }
0x79: {  	s6 =	simm.s32 @!p0 $0x4;
	[sflag:s4] =	ssyncadd.s32 @p0 $0xFFFFC000;
	s4 =	simm.s32 @p0 $0x1A800  }
0x7a: {  	[spmem:s2] =	stream.indirect.scatter.add.f32 @p0 [tilespmem:s4], [sflag:$0x4], $0x80, s29, s0, $0xb8;
	[tilespmem:$0x1E800] =	vst v63  }
0x7b: {  	s7 =	simm.s32 $0x2;
	s30 =	simm.s32 $0x3;
	_ =	swait.ge @!p0 [sflag:s6], $0x4000  }
0x7c: {  	s7 =	sand.u32 $0x1, s7;
	s31 =	simm.s32 @!p0 $0x80;
	[sflag:s6] =	ssyncset.done @!p0 $0x0  }
0x7d: {  	s0 =	simm.s32 @!p0 $0x1;
	[sflag:s6] =	ssyncadd.s32 @!p0 $0xFFFFC000;
	s6 =	simm.s32 @!p0 $0x1A800  }
0x7e: {  	[tilespmem:s6], [sflag:$0x2] =	stream.indirect.gather @!p0 [hbm4b:s8+s31], $0x80, s1, s31, $0xb8;
	[tilespmem:$0x1E800] =	vst v63  }
0x7f: {  	p2 =	seq.s32 s7, $0x1;
	s26 =	simm.s32 $0x14180;
	_ =	swait.ge @!p0 [sflag:s0], $0x4000  }
0x80: {  	s28 =	simm.s32 $0x15500;
	s1 =	simm.s32 @!p0 $0x16800;
	[sflag:s0] =	ssyncset.done @!p0 $0x0  }
.LBB2_4:
0x81: {  	s4 =	simm.s32 @p2 $0x3;
	[sflag:s0] =	ssyncadd.s32 @!p0 $0xFFFFC000  }
0x82: {  	s6 =	smov.u32 s30;
	s30 =	sadd.s32 $0x1, s30;
	s7 =	smov.u32 s26  }
0x83: {  	[spmem:s2] =	stream.indirect.scatter.add.f32 @!p0 [tilespmem:s1], [sflag:$0x3], $0x80, s29, s31, $0xb8;
	[tilespmem:$0x1E800] =	vst v63  }
0x84: {  	p1 =	sne.s32 s30, $0x27;
	s29 =	smov.u32 s28;
	_ =	swait.ge @p2 [sflag:s4], $0x4000  }
0x85: {  	s0 =	simm.s32 @p2 $0x2;
	p0 =	por p2, p2;
	[sflag:s4] =	ssyncset.done @p2 $0x0  }
0x86: {  	s1 =	simm.s32 @p0 $0x80;
	[sflag:s4] =	ssyncadd.s32 @p0 $0xFFFFC000;
	s4 =	simm.s32 @p0 $0x16800  }
0x87: {  	[tilespmem:s4], [sflag:$0x1] =	stream.indirect.gather @p0 [hbm4b:s8+s1], $0x80, s26, s1, $0xb8;
	[tilespmem:$0x1E800] =	vst v63  }
0x88: {  	_ =	swait.ge @p0 [sflag:s0], $0x4000  }
0x89: {  	[sflag:s0] =	ssyncset.done @p0 $0x0  }
0x8a: {  	s4 =	simm.s32 @!p0 $0x4;
	[sflag:s0] =	ssyncadd.s32 @p0 $0xFFFFC000;
	s0 =	simm.s32 @p0 $0x1A800  }
0x8b: {  	[spmem:s2] =	stream.indirect.scatter.add.f32 @p0 [tilespmem:s0], [sflag:$0x4], $0x80, s28, s1, $0xb8;
	[tilespmem:$0x1E800] =	vst v63  }
0x8c: {  	s26 =	sadd.s32 $0x80, s26;
	_ =	swait.ge @!p0 [sflag:s4], $0x4000  }
.Ltmp1:
0x8d: {  	s0 =	simm.s32 @!p0 $0x1;
	[sflag:s4] =	ssyncset.done @!p0 $0x0;
	(pc) =	sbr.rel @p1 .LBB2_4-.Ltmp1, $4  }
0x8e: {  	s31 =	simm.s32 @!p0 $0x80;
	s1 =	simm.s32 @!p0 $0x1A800;
	[sflag:s4] =	ssyncadd.s32 @!p0 $0xFFFFC000  }
0x8f: {  	[tilespmem:s1], [sflag:$0x2] =	stream.indirect.gather @!p0 [hbm4b:s8+s31], $0x80, s7, s31, $0xb8;
	[tilespmem:$0x1E800] =	vst v63  }
0x90: {  	s28 =	sadd.s32 $0x80, s28;
	s1 =	sand.u32 $0x1, s6;
	_ =	swait.ge @!p0 [sflag:s0], $0x4000  }
0x91: {  	p2 =	seq.s32 s1, $0x1;
	s1 =	simm.s32 @!p0 $0x16800;
	[sflag:s0] =	ssyncset.done @!p0 $0x0  }
0x92: {  	s4 =	simm.s32 @p2 $0x3;
	[sflag:s0] =	ssyncadd.s32 @!p0 $0xFFFFC000  }
0x93: {  	[spmem:s2] =	stream.indirect.scatter.add.f32 @!p0 [tilespmem:s1], [sflag:$0x3], $0x80, s29, s31, $0xb8;
	[tilespmem:$0x1E800] =	vst v63  }
0x94: {  	_ =	swait.ge @p2 [sflag:s4], $0x4000  }
0x95: {  	s0 =	simm.s32 @p2 $0x2;
	p0 =	por p2, p2;
	[sflag:s4] =	ssyncset.done @p2 $0x0  }
0x96: {  	s1 =	simm.s32 @p0 $0x80;
	[sflag:s4] =	ssyncadd.s32 @p0 $0xFFFFC000;
	s4 =	simm.s32 @p0 $0x16800  }
0x97: {  	[tilespmem:s4], [sflag:$0x1] =	stream.indirect.gather @p0 [hbm4b:s8+s1], $0x80, s26, s1, $0xb8;
	[tilespmem:$0x1E800] =	vst v63  }
0x98: {  	_ =	swait.ge @p0 [sflag:s0], $0x4000  }
0x99: {  	[sflag:s0] =	ssyncset.done @p0 $0x0  }
0x9a: {  	s4 =	simm.s32 @!p0 $0x4;
	[sflag:s0] =	ssyncadd.s32 @p0 $0xFFFFC000;
	s0 =	simm.s32 @p0 $0x1A800  }
0x9b: {  	[spmem:s2] =	stream.indirect.scatter.add.f32 @p0 [tilespmem:s0], [sflag:$0x4], $0x80, s28, s1, $0xb8;
	[tilespmem:$0x1E800] =	vst v63  }
0x9c: {  	_ =	swait.ge @!p0 [sflag:s4], $0x4000  }
0x9d: {  	s0 =	simm.s32 @!p0 $0x1;
	[sflag:s4] =	ssyncset.done @!p0 $0x0  }
0x9e: {  	s1 =	simm.s32 @!p0 $0x80;
	[sflag:s4] =	ssyncadd.s32 @!p0 $0xFFFFC000;
	s4 =	simm.s32 @!p0 $0x1A800  }
0x9f: {  	[tilespmem:s4], [sflag:$0x2] =	stream.indirect.gather @!p0 [hbm4b:s8+s1], $0x80, s26, s1, $0xb8;
	[tilespmem:$0x1E800] =	vst v63  }
0xa0: {  	_ =	swait.ge @!p0 [sflag:s0], $0x4000  }
0xa1: {  	[sflag:s0] =	ssyncset.done @!p0 $0x0  }
0xa2: {  	s4 =	simm.s32 @!p0 $0x16800;
	[sflag:s0] =	ssyncadd.s32 @!p0 $0xFFFFC000  }
0xa3: {  	[spmem:s2] =	stream.indirect.scatter.add.f32 @!p0 [tilespmem:s4], [sflag:$0x3], $0x80, s28, s1, $0xb8;
	[tilespmem:$0x1E800] =	vst v63  }
0xa4: {  	_ =	swait.ge [sflag:s21], $0x4000  }
0xa5: {  	[sflag:s21] =	ssyncset.done $0x0  }
0xa6: {  	[sflag:s21] =	ssyncadd.s32 $0xFFFFC000  }
0xa7: {  	_ =	swait.ge [sflag:s22], $0x4000  }
0xa8: {  	[sflag:s22] =	ssyncset.done $0x0  }
0xa9: {  	[sflag:s22] =	ssyncadd.s32 $0xFFFFC000  }
0xaa: {  	[spmem:s2] =	stream.indirect.scatter.add.f32 [tilespmem:s20], [sflag:$0x4], $0x80, s23, s17, $0xb8;
	[tilespmem:$0x1E800] =	vst v63  }
0xab: {  	_ =	swait.ge [sflag:s24], $0x4000  }
0xac: {  	s25 =	sadd.s32 $0x1, s25;
	[sflag:s24] =	ssyncset.done $0x0  }
0xad: {  	p0 =	sne.s32 s25, s12;
	[sflag:s24] =	ssyncadd.s32 $0xFFFFC000  }
.Ltmp2:
0xae: {  	[bflag:$0x0] =	sbarrier.arrive $0xFFFF;
	(pc) =	sbr.rel @p0 .LBB2_1-.Ltmp2, $4  }
0xaf: {  	[hbm:s11], [sflag:s5] =	dma.local [spmem:s13], $0x2800  }
0xb0: {  	_ =	swait.ge [sflag:s14], $0x2800  }
0xb1: {  	[sflag:s14] =	ssyncset.done $0x0  }
0xb2: {  	[sflag:s14] =	ssyncadd.s32 $0xFFFFD800  }
0xb3: {  	_ =	sfence.sel $0x180000  }
0xb4: {  	[bflag:$0x0] =	sbarrier.arrive $0xFFFF  }
0xb5: {  	_ =	strace $0x90000056  }
0xb6: {  	s0 =	stileid.u32;
	[bflag:$0x2] =	sbarrier.arrive $0xFFFF  }
0xb7: {  	p0 =	sne.s32 s0, $0x0;
	s0 =	rddreg [dreg:$0x2]  }
0xb8: {  	s0 =	sadd.s32 @!p0 $0x100000, s0  }
0xb9: {  	[sflag:s0] =	ssyncadd.tile.s32 @!p0 $0x1;
	_ =	shalt  }
.Lfunc_end2:
_tile_overlayer_lowered:
.L_overlay_start_2:
0xba: {  	(tag) =	ssettag $0x2  }
0xbb: {  	s0 =	rddreg [dreg:$0x0];
	s2 =	stileid.u32  }
0xbc: {  	s1 =	rddreg [dreg:$0x1];
	p0 =	sne.s32 s2, $0x0  }
0xbd: {  	s3 =	rddreg [dreg:$0x2];
	[bflag:$0x3] =	sbarrier.arrive $0xFFFF;
	s2 =	simm.s32 @!p0 $0x1C05  }
0xbe: {  	[timem:s3], [sflag:s2] =	dma.local @!p0 [hbm:s0], s1  }
0xbf: {  	s0 =	simm.s32 @!p0 $0x5  }
0xc0: {  	_ =	swait.ge @!p0 [sflag:s0], s1  }
0xc1: {  	s1 =	ssub.s32 @!p0 $0x0, s1;
	[sflag:s0] =	ssyncset.done @!p0 $0x0  }
0xc2: {  	[sflag:s0] =	ssyncadd.s32 @!p0 s1  }
0xc3: {  	[bflag:$0x3] =	sbarrier.arrive $0xFFFF  }
0xc4: {  	_ =	shalt  }

</sc_bundles>
